<compile_context>
chip_gen: v7x
topology: tpu7x:2x2x1
jax: 0.10.2.dev20260603
libtpu: 0.0.44.dev20260713+nightly
codegen_flags: <defaults>
</compile_context>

<pallas_src>
import functools
import jax
import jax.numpy as jnp
from jax import lax
from jax.experimental import pallas as pl
from jax.experimental.pallas import tpu as pltpu
from jax.experimental.pallas import tpu_sc as plsc

_NC = 2
_NS = 16
_NW = _NC * _NS
_CH = 112


def _round_up(v, m):
    return (v + m - 1) // m * m


def _sc_mesh():
    return plsc.VectorSubcoreMesh(core_axis_name="c", subcore_axis_name="s")


def _fill_2d(ref, nrows, ncols, val):
    npc = ncols // 16

    def zr(i, _):
        r = i // npc
        col = (i % npc) * 16
        ref[r, pl.ds(col, 16)] = jnp.full((16,), val, jnp.float32)
        return 0

    lax.fori_loop(0, nrows * npc, zr, 0)


def _make_embed_kernel(NP, EPAD, NACC, DV, DP):
    n_chunks = NP // _CH // _NW
    e_per_w = EPAD // _NW
    e_chunks = e_per_w // _CH
    rows_per_tile = NACC // _NS
    n_slabs = rows_per_tile // _CH

    @functools.partial(
        pl.kernel,
        out_type=(
            jax.ShapeDtypeStruct((NP, DV), jnp.float32),
            jax.ShapeDtypeStruct((NP, DP), jnp.float32),
            jax.ShapeDtypeStruct((_NC, NACC, 128), jnp.float32),
        ),
        mesh=_sc_mesh(),
        scratch_types=[
            pltpu.VMEM((_CH,), jnp.int32),
            pltpu.VMEM((_CH, DV), jnp.float32),
            pltpu.VMEM((_CH, DP), jnp.float32),
            [pltpu.VMEM((_CH,), jnp.int32) for _ in range(3)],
            pltpu.VMEM_SHARED((NACC, 128), jnp.float32),
            pltpu.SemaphoreType.DMA,
            [pltpu.SemaphoreType.DMA for _ in range(3)],
            [pltpu.SemaphoreType.DMA for _ in range(3)],
        ],
    )
    def embed_kernel(tok_tab, prev_tab, tok_ids, prev_ids, dst_hbm,
                     tok_out, prev_out, deg_out,
                     idx, trows, prows, didx, dacc, sem, isem, ssem):
        c = lax.axis_index("c")
        s = lax.axis_index("s")
        wid = s * _NC + c

        _fill_2d(trows, _CH, DV, 0.0)

        base_r = s * rows_per_tile
        zdescs = [
            pltpu.async_copy(trows, dacc.at[pl.ds(base_r + z * _CH, _CH)],
                             sem)
            for z in range(n_slabs)]
        for d in zdescs:
            d.wait()
        plsc.subcore_barrier()

        def emb_step(t, _):
            base = (wid * n_chunks + t) * _CH
            pltpu.sync_copy(tok_ids.at[pl.ds(base, _CH)], idx)
            pltpu.async_copy(tok_tab.at[idx], trows, sem).wait()
            pltpu.sync_copy(trows, tok_out.at[pl.ds(base, _CH)])
            pltpu.sync_copy(prev_ids.at[pl.ds(base, _CH)], idx)
            pltpu.async_copy(prev_tab.at[idx], prows, sem).wait()
            pltpu.sync_copy(prows, prev_out.at[pl.ds(base, _CH)])
            return 0

        lax.fori_loop(0, n_chunks, emb_step, 0)

        _fill_2d(prows, _CH, 128, 1.0)

        def deg_group(t, _):
            j0 = wid * e_per_w + t * 3 * _CH
            idescs = [
                pltpu.async_copy(dst_hbm.at[pl.ds(j0 + b * _CH, _CH)],
                                 didx[b], isem[b])
                for b in range(3)]
            sdescs = []
            for b in range(3):
                idescs[b].wait()
                sdescs.append(pltpu.async_copy(
                    prows, dacc.at[didx[b]], ssem[b], add=True))
            for b in range(3):
                sdescs[b].wait()
            return 0

        lax.fori_loop(0, e_chunks // 3, deg_group, 0)
        plsc.subcore_barrier()

        wdescs = [
            pltpu.async_copy(dacc.at[pl.ds(base_r + z * _CH, _CH)],
                             deg_out.at[c, pl.ds(base_r + z * _CH, _CH)],
                             sem)
            for z in range(n_slabs)]
        for d in wdescs:
            d.wait()

    return embed_kernel


_NB = 3


def _make_scatter_kernel(NACC, EPAD, H):
    e_per_w = EPAD // _NW
    e_chunks = e_per_w // _CH
    assert e_chunks % _NB == 0
    rows_per_tile = NACC // _NS
    n_slabs = rows_per_tile // _CH

    @functools.partial(
        pl.kernel,
        out_type=jax.ShapeDtypeStruct((_NC, NACC, H), jnp.float32),
        mesh=_sc_mesh(),
        scratch_types=[
            [pltpu.VMEM((_CH,), jnp.int32) for _ in range(_NB)],
            [pltpu.VMEM((_CH,), jnp.int32) for _ in range(_NB)],
            [pltpu.VMEM((_CH, H), jnp.float32) for _ in range(_NB)],
            pltpu.VMEM_SHARED((NACC, H), jnp.float32),
            [pltpu.SemaphoreType.DMA for _ in range(_NB)],
            [pltpu.SemaphoreType.DMA for _ in range(_NB)],
            [pltpu.SemaphoreType.DMA for _ in range(_NB)],
            [pltpu.SemaphoreType.DMA for _ in range(_NB)],
        ],
    )
    def scatter_kernel(g_hbm, src_hbm, dst_hbm, out_hbm,
                       sidx, didx, rows, acc, isem, idsem, gsem, ssem):
        c = lax.axis_index("c")
        s = lax.axis_index("s")
        wid = s * _NC + c
        e0 = wid * e_per_w

        _fill_2d(rows[0], _CH, H, 0.0)
        base_r = s * rows_per_tile
        zdescs = [
            pltpu.async_copy(rows[0], acc.at[pl.ds(base_r + z * _CH, _CH)],
                             gsem[0])
            for z in range(n_slabs)]
        for d in zdescs:
            d.wait()
        plsc.subcore_barrier()

        def group(t, _):
            j0 = e0 + t * _NB * _CH
            idescs = []
            for b in range(_NB):
                idescs.append(pltpu.async_copy(
                    src_hbm.at[pl.ds(j0 + b * _CH, _CH)], sidx[b], isem[b]))
                idescs.append(pltpu.async_copy(
                    dst_hbm.at[pl.ds(j0 + b * _CH, _CH)], didx[b], idsem[b]))
            descs = []
            for b in range(_NB):
                idescs[2 * b].wait()
                idescs[2 * b + 1].wait()
                descs.append(pltpu.async_copy(
                    g_hbm.at[sidx[b]], rows[b], gsem[b]))
            sdescs = []
            for b in range(_NB):
                descs[b].wait()
                sdescs.append(pltpu.async_copy(
                    rows[b], acc.at[didx[b]], ssem[b], add=True))
            for b in range(_NB):
                sdescs[b].wait()
            return 0

        lax.fori_loop(0, e_chunks // _NB, group, 0)
        plsc.subcore_barrier()

        wdescs = [
            pltpu.async_copy(acc.at[pl.ds(base_r + z * _CH, _CH)],
                             out_hbm.at[c, pl.ds(base_r + z * _CH, _CH)],
                             gsem[0])
            for z in range(n_slabs)]
        for d in wdescs:
            d.wait()

    return scatter_kernel


def _gelu(x):
    return 0.5 * x * (1.0 + lax.erf(x * 0.7071067811865476))


def _tc_input_body(it_ref, tok_ref, prev_ref, pos_ref, degp_ref, iter_ref,
                   wpos_ref, bpos_ref, wa_ref, wb_ref, wc_ref, wd_ref,
                   bin_ref, wenc_ref, g_ref, dinv_ref):
    it = it_ref[0]
    B = tok_ref.shape[0]
    p = jnp.dot(pos_ref[...], wpos_ref[...],
                preferred_element_type=jnp.float32) + bpos_ref[...]
    itrow = jnp.broadcast_to(iter_ref[pl.ds(it, 1), :], (B, iter_ref.shape[1]))
    h = (jnp.dot(tok_ref[...], wa_ref[...], preferred_element_type=jnp.float32)
         + jnp.dot(prev_ref[...], wb_ref[...], preferred_element_type=jnp.float32)
         + jnp.dot(p, wc_ref[...], preferred_element_type=jnp.float32)
         + jnp.dot(itrow, wd_ref[...], preferred_element_type=jnp.float32)
         + bin_ref[...])
    h = _gelu(h)
    deg = degp_ref[0, :, 0:1] + degp_ref[1, :, 0:1] + 1.0
    dinv = lax.rsqrt(deg)
    dinv_ref[...] = dinv
    g_ref[...] = jnp.dot(h, wenc_ref[...],
                         preferred_element_type=jnp.float32) * dinv


def _tc_mid_body(acc_ref, g_ref, dinv_ref, b_ref, w_ref, gout_ref):
    dinv = dinv_ref[...]
    t = _gelu(dinv * (acc_ref[0] + acc_ref[1] + g_ref[...]) + b_ref[...])
    gout_ref[...] = jnp.dot(t, w_ref[...],
                            preferred_element_type=jnp.float32) * dinv


def _tc_head_body(acc_ref, g_ref, dinv_ref, b_ref, wpred_ref, bpred_ref,
                  wconf_ref, bconf_ref, logits_ref, conf_ref):
    dinv = dinv_ref[...]
    h = _gelu(dinv * (acc_ref[0] + acc_ref[1] + g_ref[...]) + b_ref[...])
    logits_ref[...] = jnp.dot(h, wpred_ref[...],
                              preferred_element_type=jnp.float32) + bpred_ref[...]
    conf_ref[...] = jax.nn.sigmoid(
        jnp.dot(h, wconf_ref[...], preferred_element_type=jnp.float32)
        + bconf_ref[...])


def kernel(x, edge_index, iteration, tok_emb, prev_emb, iter_emb, W_pos,
           b_pos, W_in, b_in, W_enc0, b_enc0, W_bn0, b_bn0, W_bn1, b_bn1,
           W_dec0, b_dec0, W_pred, b_pred, W_conf, b_conf):
    N = x.shape[0]
    E = edge_index.shape[1]
    H = W_in.shape[1]
    DV = tok_emb.shape[1]
    DP = prev_emb.shape[1]
    V = W_pred.shape[1]

    NP = _round_up(N + 1, _CH * _NW)
    EPAD = _round_up(E, _CH * _NW * _NB)

    DPP = _round_up(DP, 128)

    tok_ids = jnp.pad(x[:, 0], (0, NP - N))
    prev_ids = jnp.pad(x[:, 1], (0, NP - N))
    pos = jnp.pad(x[:, 2:4].astype(jnp.float32), ((0, NP - N), (0, 0)))
    src_p = jnp.pad(edge_index[0], (0, EPAD - E), constant_values=N)
    dst_p = jnp.pad(edge_index[1], (0, EPAD - E), constant_values=N)
    it_arr = jnp.asarray([iteration], dtype=jnp.int32)
    prev_emb_p = jnp.pad(prev_emb, ((0, 0), (0, DPP - DP)))

    Wa = W_in[:DV]
    Wb = jnp.pad(W_in[DV:DV + DP], ((0, DPP - DP), (0, 0)))
    Wc = W_in[DV + DP:DV + 2 * DP]
    Wd = W_in[DV + 2 * DP:]

    tok_rows, prev_rows, degp = _make_embed_kernel(NP, EPAD, NP, DV, DPP)(
        tok_emb, prev_emb_p, tok_ids, prev_ids, dst_p)

    B = next(d for d in (1024, 896, 768, 640, 512, 448, 384, 256, 128)
             if NP % d == 0)
    grid = NP // B
    row_spec = lambda w: pl.BlockSpec((B, w), lambda i: (i, 0))
    full_spec = lambda a, b: pl.BlockSpec((a, b), lambda i: (0, 0))
    acc_spec = pl.BlockSpec((_NC, B, H), lambda i: (0, i, 0))
    vec_spec = lambda w: pl.BlockSpec((w,), lambda i: (0,))

    g1, dinv = pl.pallas_call(
        _tc_input_body,
        grid=(grid,),
        in_specs=[
            pl.BlockSpec(memory_space=pltpu.SMEM),
            row_spec(DV), row_spec(DPP), row_spec(2),
            pl.BlockSpec((_NC, B, 128), lambda i: (0, i, 0)),
            full_spec(*iter_emb.shape),
            full_spec(2, DP), vec_spec(DP),
            full_spec(DV, H), full_spec(DPP, H), full_spec(DP, H),
            full_spec(DP, H), vec_spec(H), full_spec(H, H),
        ],
        out_specs=[row_spec(H), row_spec(1)],
        out_shape=[
            jax.ShapeDtypeStruct((NP, H), jnp.float32),
            jax.ShapeDtypeStruct((NP, 1), jnp.float32),
        ],
    )(it_arr, tok_rows, prev_rows, pos, degp, iter_emb,
      W_pos, b_pos, Wa, Wb, Wc, Wd, b_in, W_enc0)

    scatter = _make_scatter_kernel(NP, EPAD, H)

    mid = pl.pallas_call(
        _tc_mid_body,
        grid=(grid,),
        in_specs=[acc_spec, row_spec(H), row_spec(1), vec_spec(H),
                  full_spec(H, H)],
        out_specs=row_spec(H),
        out_shape=jax.ShapeDtypeStruct((NP, H), jnp.float32),
    )

    g = g1
    for b_cur, W_next in ((b_enc0, W_bn0), (b_bn0, W_bn1), (b_bn1, W_dec0)):
        acc = scatter(g, src_p, dst_p)
        g = mid(acc, g, dinv, b_cur, W_next)

    acc = scatter(g, src_p, dst_p)
    logits, conf = pl.pallas_call(
        _tc_head_body,
        grid=(grid,),
        in_specs=[acc_spec, row_spec(H), row_spec(1), vec_spec(H),
                  full_spec(H, V), vec_spec(V), full_spec(H, 1), vec_spec(1)],
        out_specs=[row_spec(V), row_spec(1)],
        out_shape=[
            jax.ShapeDtypeStruct((NP, V), jnp.float32),
            jax.ShapeDtypeStruct((NP, 1), jnp.float32),
        ],
    )(acc, g, dinv, b_dec0, W_pred, b_pred, W_conf, b_conf)

    return (logits[:N], conf[:N])

# --- scband reference (transcript-rebuilt; emitter-appended) ---
"""Pipeline reference for scband-guided-iterative-graph-unet-63479616635387 (READ-ONLY COPY).

The authoritative reference and input builder live on the scoring server;
editing this copy changes nothing except your own understanding.
"""

import jax, jax.numpy as jnp
import numpy as np

N = 10000
E = 320000
VOCAB = 1000
H = 128

def gcn_conv(h, src, dst, W, b):
    n = h.shape[0]
    hw = h @ W
    loop = jnp.arange(n, dtype=src.dtype)
    s = jnp.concatenate([src, loop])
    d = jnp.concatenate([dst, loop])
    deg = jnp.zeros((n,), jnp.float32).at[d].add(1.0)
    dinv = jax.lax.rsqrt(jnp.maximum(deg, 1.0))
    coef = dinv[s] * dinv[d]
    out = jnp.zeros_like(hw).at[d].add(hw[s] * coef[:, None])
    return out + b

def setup_inputs(seed: int = 0):
    key = jax.random.key(seed)
    ks = jax.random.split(key, 16)
    s = 0.05
    inp = {}
    inp["x"] = jax.random.randint(ks[0], (N, 5), 0, VOCAB, dtype=jnp.int32)
    inp["edge_index"] = jax.random.randint(ks[1], (2, E), 0, N, dtype=jnp.int32)
    inp["iteration"] = 1
    inp["tok_emb"] = jax.random.normal(ks[2], (VOCAB, 128), jnp.float32) * s
    inp["prev_emb"] = jax.random.normal(ks[3], (VOCAB, 32), jnp.float32) * s
    inp["iter_emb"] = jax.random.normal(ks[4], (5, 32), jnp.float32) * s
    inp["W_pos"] = jax.random.normal(ks[5], (2, 32), jnp.float32) * s
    inp["b_pos"] = jnp.zeros((32,), jnp.float32)
    inp["W_in"] = jax.random.normal(ks[6], (224, H), jnp.float32) * s
    inp["b_in"] = jnp.zeros((H,), jnp.float32)
    inp["W_enc0"] = jax.random.normal(ks[7], (H, H), jnp.float32) * s
    inp["b_enc0"] = jnp.zeros((H,), jnp.float32)
    inp["W_bn0"] = jax.random.normal(ks[8], (H, H), jnp.float32) * s
    inp["b_bn0"] = jnp.zeros((H,), jnp.float32)
    inp["W_bn1"] = jax.random.normal(ks[9], (H, H), jnp.float32) * s
    inp["b_bn1"] = jnp.zeros((H,), jnp.float32)
    inp["W_dec0"] = jax.random.normal(ks[10], (H, H), jnp.float32) * s
    inp["b_dec0"] = jnp.zeros((H,), jnp.float32)
    inp["W_pred"] = jax.random.normal(ks[11], (H, VOCAB), jnp.float32) * s
    inp["b_pred"] = jnp.zeros((VOCAB,), jnp.float32)
    inp["W_conf"] = jax.random.normal(ks[12], (H, 1), jnp.float32) * s
    inp["b_conf"] = jnp.zeros((1,), jnp.float32)
    return inp

def reference(x, edge_index, iteration, tok_emb, prev_emb, iter_emb, W_pos, b_pos, W_in, b_in, W_enc0, b_enc0, W_bn0, b_bn0, W_bn1, b_bn1, W_dec0, b_dec0, W_pred, b_pred, W_conf, b_conf):
    token_ids = x[:, 0]
    prev_ids = x[:, 1]
    pos = x[:, 2:4].astype(jnp.float32)
    it_ids = jnp.full((x.shape[0],), iteration, dtype=jnp.int32)
    h = jnp.concatenate([tok_emb[token_ids], prev_emb[prev_ids], pos @ W_pos + b_pos, iter_emb[it_ids]], axis=-1)
    h = jax.nn.gelu(h @ W_in + b_in, approximate=False)
    src = edge_index[0]
    dst = edge_index[1]
    h = jax.nn.gelu(gcn_conv(h, src, dst, W_enc0, b_enc0), approximate=False)
    h = jax.nn.gelu(gcn_conv(h, src, dst, W_bn0, b_bn0), approximate=False)
    h = jax.nn.gelu(gcn_conv(h, src, dst, W_bn1, b_bn1), approximate=False)
    h = jax.nn.gelu(gcn_conv(h, src, dst, W_dec0, b_dec0), approximate=False)
    logits = h @ W_pred + b_pred
    confidence = jax.nn.sigmoid(h @ W_conf + b_conf)
    return (logits, confidence)

if __name__ == "__main__":
    import jax
    _d = setup_inputs()
    print(jax.jit(kernel)(*tuple(_d.values())))

</pallas_src>

<mosaic_0001>
#map = affine_map<(d0, d1) -> (0, 0)>
#map1 = affine_map<(d0, d1) -> (0)>
#map2 = affine_map<(d0, d1) -> (0, 0, 0)>
module attributes {stable_mosaic.version = 14 : i64} {
  func.func @scatter_kernel(%arg0: i32, %arg1: i32, %arg2: memref<10752x128xf32, #tpu.memory_space<hbm>>, %arg3: memref<322560xi32, #tpu.memory_space<hbm>>, %arg4: memref<322560xi32, #tpu.memory_space<hbm>>, %arg5: memref<2x10752x128xf32, #tpu.memory_space<hbm>>, %arg6: memref<112xi32, #tpu.memory_space<vmem>>, %arg7: memref<112xi32, #tpu.memory_space<vmem>>, %arg8: memref<112xi32, #tpu.memory_space<vmem>>, %arg9: memref<112xi32, #tpu.memory_space<vmem>>, %arg10: memref<112xi32, #tpu.memory_space<vmem>>, %arg11: memref<112xi32, #tpu.memory_space<vmem>>, %arg12: memref<112x128xf32, #tpu.memory_space<vmem>>, %arg13: memref<112x128xf32, #tpu.memory_space<vmem>>, %arg14: memref<112x128xf32, #tpu.memory_space<vmem>>, %arg15: memref<10752x128xf32, #tpu.memory_space<vmem_shared>>, %arg16: memref<!tpu.dma_semaphore, #tpu.memory_space<semaphore_mem>>, %arg17: memref<!tpu.dma_semaphore, #tpu.memory_space<semaphore_mem>>, %arg18: memref<!tpu.dma_semaphore, #tpu.memory_space<semaphore_mem>>, %arg19: memref<!tpu.dma_semaphore, #tpu.memory_space<semaphore_mem>>, %arg20: memref<!tpu.dma_semaphore, #tpu.memory_space<semaphore_mem>>, %arg21: memref<!tpu.dma_semaphore, #tpu.memory_space<semaphore_mem>>, %arg22: memref<!tpu.dma_semaphore, #tpu.memory_space<semaphore_mem>>, %arg23: memref<!tpu.dma_semaphore, #tpu.memory_space<semaphore_mem>>, %arg24: memref<!tpu.dma_semaphore, #tpu.memory_space<semaphore_mem>>, %arg25: memref<!tpu.dma_semaphore, #tpu.memory_space<semaphore_mem>>, %arg26: memref<!tpu.dma_semaphore, #tpu.memory_space<semaphore_mem>>, %arg27: memref<!tpu.dma_semaphore, #tpu.memory_space<semaphore_mem>>) attributes {dimension_semantics = [#tpu.dimension_semantics<core_parallel>, #tpu.dimension_semantics<subcore_parallel>], iteration_bounds = array<i64: 2, 16>, scalar_prefetch = 0 : i64, scratch_operands = 22 : i64, tpu.core_type = #tpu.core_type<sc_vector_subcore>, window_params = [{transform_indices = #map}, {transform_indices = #map1}, {transform_indices = #map1}, {transform_indices = #map2}]} {
    %mul3A = arith.constant 2 : i32
    %mul3A_0 = arith.muli %arg1, %mul3A : i32
    %add3A = arith.addi %mul3A_0, %arg0 : i32
    %mul3A_1 = arith.constant 10080 : i32
    %mul3A_2 = arith.muli %add3A, %mul3A_1 : i32
    %scan3A = arith.constant 0 : i32
    %scan3A_3 = arith.constant 0 : i32
    %scan3A_4 = arith.constant 896 : i32
    %scan3A_5 = arith.addi %scan3A_3, %scan3A_4 : i32
    %scan3A_6 = arith.constant 1 : i32
    %scan3A_7 = scf.for %scan3A_161 = %scan3A_3 to %scan3A_5 step %scan3A_6 iter_args(%scan3A_162 = %scan3A) -> (i32)  : i32 {
      %jit3A = arith.constant 8 : i32
      %div3A = arith.divsi %scan3A_161, %jit3A : i32
      %sign3A = arith.constant 0 : i32
      %sign3A_163 = arith.cmpi sgt, %scan3A_161, %sign3A : i32
      %sign3A_164 = arith.extui %sign3A_163 : i1 to i32
      %sign3A_165 = arith.constant 0 : i32
      %sign3A_166 = arith.cmpi slt, %scan3A_161, %sign3A_165 : i32
      %sign3A_167 = arith.extui %sign3A_166 : i1 to i32
      %sign3A_168 = arith.subi %sign3A_164, %sign3A_167 : i32
      %sign3A_169 = arith.constant 0 : i32
      %sign3A_170 = arith.cmpi sgt, %jit3A, %sign3A_169 : i32
      %sign3A_171 = arith.extui %sign3A_170 : i1 to i32
      %sign3A_172 = arith.constant 0 : i32
      %sign3A_173 = arith.cmpi slt, %jit3A, %sign3A_172 : i32
      %sign3A_174 = arith.extui %sign3A_173 : i1 to i32
      %sign3A_175 = arith.subi %sign3A_171, %sign3A_174 : i32
      %ne3A = arith.cmpi ne, %sign3A_168, %sign3A_175 : i32
      %rem3A = arith.remsi %scan3A_161, %jit3A : i32
      %ne3A_176 = arith.constant 0 : i32
      %ne3A_177 = arith.cmpi ne, %rem3A, %ne3A_176 : i32
      %and3A = arith.andi %ne3A, %ne3A_177 : i1
      %sub3A = arith.constant 1 : i32
      %sub3A_178 = arith.subi %div3A, %sub3A : i32
      %select_n3A = arith.select %and3A, %sub3A_178, %div3A : i32
      %jit3A_179 = arith.constant 8 : i32
      %eq3A = arith.constant 0 : i32
      %eq3A_180 = arith.cmpi eq, %jit3A_179, %eq3A : i32
      %jit3A_181 = arith.constant 1 : i32
      %select_n3A_182 = arith.select %eq3A_180, %jit3A_181, %jit3A_179 : i32
      %rem3A_183 = arith.remsi %scan3A_161, %select_n3A_182 : i32
      %ne3A_184 = arith.constant 0 : i32
      %ne3A_185 = arith.cmpi ne, %rem3A_183, %ne3A_184 : i32
      %lt3A = arith.constant 0 : i32
      %lt3A_186 = arith.cmpi slt, %rem3A_183, %lt3A : i32
      %lt3A_187 = arith.constant 0 : i32
      %lt3A_188 = arith.cmpi slt, %select_n3A_182, %lt3A_187 : i32
      %ne3A_189 = arith.xori %lt3A_186, %lt3A_188 : i1
      %and3A_190 = arith.andi %ne3A_189, %ne3A_185 : i1
      %add3A_191 = arith.addi %rem3A_183, %select_n3A_182 : i32
      %select_n3A_192 = arith.select %and3A_190, %add3A_191, %rem3A_183 : i32
      %mul3A_193 = arith.constant 16 : i32
      %mul3A_194 = arith.muli %select_n3A_192, %mul3A_193 : i32
      %broadcast_in_dim3A = arith.constant 0.000000e+00 : f32
      %broadcast_in_dim3A_195 = vector.broadcast %broadcast_in_dim3A : f32 to vector<16xf32>
      %swap3A = arith.index_cast %select_n3A : i32 to index
      %swap3A_196 = arith.index_cast %mul3A_194 : i32 to index
      %swap3A_197 = tpu.vector_load %arg12[%swap3A, %swap3A_196] {strides = array<i32>} : memref<112x128xf32, #tpu.memory_space<vmem>>, vector<1x16xf32>,
      %swap3A_198 = vector.shape_cast %swap3A_197 : vector<1x16xf32> to vector<16xf32>
      %swap3A_199 = vector.shape_cast %broadcast_in_dim3A_195 : vector<16xf32> to vector<1x16xf32>
      tpu.vector_store %arg12[%swap3A, %swap3A_196], %swap3A_199 {strides = array<i32>} : memref<112x128xf32, #tpu.memory_space<vmem>>, vector<1x16xf32>,
      %scan3A_200 = arith.constant 0 : i32
      scf.yield %scan3A_200 : i32
    }
    %scan3A_8 = arith.constant 896 : i32
    %mul3A_9 = arith.constant 672 : i32
    %mul3A_10 = arith.muli %arg1, %mul3A_9 : i32
    %add3A_11 = arith.constant 0 : i32
    %add3A_12 = arith.addi %mul3A_10, %add3A_11 : i32
    %dma_start3A = arith.constant 0 : i32
    %dma_start3A_13 = tpu.memref_slice %arg15[%add3A_12, %dma_start3A] : memref<10752x128xf32, #tpu.memory_space<vmem_shared>> -> memref<112x128xf32, #tpu.memory_space<vmem_shared>>
    %dma_start3A_14 = arith.constant 0 : i32
    %dma_start3A_15 = tpu.memref_slice %arg15[%add3A_12, %dma_start3A_14] : memref<10752x128xf32, #tpu.memory_space<vmem_shared>> -> memref<112x128xf32, #tpu.memory_space<vmem_shared>>
    tpu.enqueue_dma source(%arg12 : memref<112x128xf32, #tpu.memory_space<vmem>>) target(%dma_start3A_15 : memref<112x128xf32, #tpu.memory_space<vmem_shared>>) target_semaphore(%arg22 : memref<!tpu.dma_semaphore, #tpu.memory_space<semaphore_mem>>)
    %add3A_16 = arith.constant 112 : i32
    %add3A_17 = arith.addi %mul3A_10, %add3A_16 : i32
    %dma_start3A_18 = arith.constant 0 : i32
    %dma_start3A_19 = tpu.memref_slice %arg15[%add3A_17, %dma_start3A_18] : memref<10752x128xf32, #tpu.memory_space<vmem_shared>> -> memref<112x128xf32, #tpu.memory_space<vmem_shared>>
    %dma_start3A_20 = arith.constant 0 : i32
    %dma_start3A_21 = tpu.memref_slice %arg15[%add3A_17, %dma_start3A_20] : memref<10752x128xf32, #tpu.memory_space<vmem_shared>> -> memref<112x128xf32, #tpu.memory_space<vmem_shared>>
    tpu.enqueue_dma source(%arg12 : memref<112x128xf32, #tpu.memory_space<vmem>>) target(%dma_start3A_21 : memref<112x128xf32, #tpu.memory_space<vmem_shared>>) target_semaphore(%arg22 : memref<!tpu.dma_semaphore, #tpu.memory_space<semaphore_mem>>)
    %add3A_22 = arith.constant 224 : i32
    %add3A_23 = arith.addi %mul3A_10, %add3A_22 : i32
    %dma_start3A_24 = arith.constant 0 : i32
    %dma_start3A_25 = tpu.memref_slice %arg15[%add3A_23, %dma_start3A_24] : memref<10752x128xf32, #tpu.memory_space<vmem_shared>> -> memref<112x128xf32, #tpu.memory_space<vmem_shared>>
    %dma_start3A_26 = arith.constant 0 : i32
    %dma_start3A_27 = tpu.memref_slice %arg15[%add3A_23, %dma_start3A_26] : memref<10752x128xf32, #tpu.memory_space<vmem_shared>> -> memref<112x128xf32, #tpu.memory_space<vmem_shared>>
    tpu.enqueue_dma source(%arg12 : memref<112x128xf32, #tpu.memory_space<vmem>>) target(%dma_start3A_27 : memref<112x128xf32, #tpu.memory_space<vmem_shared>>) target_semaphore(%arg22 : memref<!tpu.dma_semaphore, #tpu.memory_space<semaphore_mem>>)
    %add3A_28 = arith.constant 336 : i32
    %add3A_29 = arith.addi %mul3A_10, %add3A_28 : i32
    %dma_start3A_30 = arith.constant 0 : i32
    %dma_start3A_31 = tpu.memref_slice %arg15[%add3A_29, %dma_start3A_30] : memref<10752x128xf32, #tpu.memory_space<vmem_shared>> -> memref<112x128xf32, #tpu.memory_space<vmem_shared>>
    %dma_start3A_32 = arith.constant 0 : i32
    %dma_start3A_33 = tpu.memref_slice %arg15[%add3A_29, %dma_start3A_32] : memref<10752x128xf32, #tpu.memory_space<vmem_shared>> -> memref<112x128xf32, #tpu.memory_space<vmem_shared>>
    tpu.enqueue_dma source(%arg12 : memref<112x128xf32, #tpu.memory_space<vmem>>) target(%dma_start3A_33 : memref<112x128xf32, #tpu.memory_space<vmem_shared>>) target_semaphore(%arg22 : memref<!tpu.dma_semaphore, #tpu.memory_space<semaphore_mem>>)
    %add3A_34 = arith.constant 448 : i32
    %add3A_35 = arith.addi %mul3A_10, %add3A_34 : i32
    %dma_start3A_36 = arith.constant 0 : i32
    %dma_start3A_37 = tpu.memref_slice %arg15[%add3A_35, %dma_start3A_36] : memref<10752x128xf32, #tpu.memory_space<vmem_shared>> -> memref<112x128xf32, #tpu.memory_space<vmem_shared>>
    %dma_start3A_38 = arith.constant 0 : i32
    %dma_start3A_39 = tpu.memref_slice %arg15[%add3A_35, %dma_start3A_38] : memref<10752x128xf32, #tpu.memory_space<vmem_shared>> -> memref<112x128xf32, #tpu.memory_space<vmem_shared>>
    tpu.enqueue_dma source(%arg12 : memref<112x128xf32, #tpu.memory_space<vmem>>) target(%dma_start3A_39 : memref<112x128xf32, #tpu.memory_space<vmem_shared>>) target_semaphore(%arg22 : memref<!tpu.dma_semaphore, #tpu.memory_space<semaphore_mem>>)
    %add3A_40 = arith.constant 560 : i32
    %add3A_41 = arith.addi %mul3A_10, %add3A_40 : i32
    %dma_start3A_42 = arith.constant 0 : i32
    %dma_start3A_43 = tpu.memref_slice %arg15[%add3A_41, %dma_start3A_42] : memref<10752x128xf32, #tpu.memory_space<vmem_shared>> -> memref<112x128xf32, #tpu.memory_space<vmem_shared>>
    %dma_start3A_44 = arith.constant 0 : i32
    %dma_start3A_45 = tpu.memref_slice %arg15[%add3A_41, %dma_start3A_44] : memref<10752x128xf32, #tpu.memory_space<vmem_shared>> -> memref<112x128xf32, #tpu.memory_space<vmem_shared>>
    tpu.enqueue_dma source(%arg12 : memref<112x128xf32, #tpu.memory_space<vmem>>) target(%dma_start3A_45 : memref<112x128xf32, #tpu.memory_space<vmem_shared>>) target_semaphore(%arg22 : memref<!tpu.dma_semaphore, #tpu.memory_space<semaphore_mem>>)
    %dma_wait3A = arith.constant 0 : i32
    %dma_wait3A_46 = tpu.memref_slice %arg15[%add3A_12, %dma_wait3A] : memref<10752x128xf32, #tpu.memory_space<vmem_shared>> -> memref<112x128xf32, #tpu.memory_space<vmem_shared>>
    %dma_wait3A_47 = arith.constant 0 : i32
    %dma_wait3A_48 = tpu.memref_slice %arg15[%add3A_12, %dma_wait3A_47] : memref<10752x128xf32, #tpu.memory_space<vmem_shared>> -> memref<112x128xf32, #tpu.memory_space<vmem_shared>>
    tpu.wait_dma2 semaphore(%arg22 : memref<!tpu.dma_semaphore, #tpu.memory_space<semaphore_mem>>) src(%arg12 : memref<112x128xf32, #tpu.memory_space<vmem>>) dst(%dma_wait3A_48 : memref<112x128xf32, #tpu.memory_space<vmem_shared>>)
    %dma_wait3A_49 = arith.constant 0 : i32
    %dma_wait3A_50 = tpu.memref_slice %arg15[%add3A_17, %dma_wait3A_49] : memref<10752x128xf32, #tpu.memory_space<vmem_shared>> -> memref<112x128xf32, #tpu.memory_space<vmem_shared>>
    %dma_wait3A_51 = arith.constant 0 : i32
    %dma_wait3A_52 = tpu.memref_slice %arg15[%add3A_17, %dma_wait3A_51] : memref<10752x128xf32, #tpu.memory_space<vmem_shared>> -> memref<112x128xf32, #tpu.memory_space<vmem_shared>>
    tpu.wait_dma2 semaphore(%arg22 : memref<!tpu.dma_semaphore, #tpu.memory_space<semaphore_mem>>) src(%arg12 : memref<112x128xf32, #tpu.memory_space<vmem>>) dst(%dma_wait3A_52 : memref<112x128xf32, #tpu.memory_space<vmem_shared>>)
    %dma_wait3A_53 = arith.constant 0 : i32
    %dma_wait3A_54 = tpu.memref_slice %arg15[%add3A_23, %dma_wait3A_53] : memref<10752x128xf32, #tpu.memory_space<vmem_shared>> -> memref<112x128xf32, #tpu.memory_space<vmem_shared>>
    %dma_wait3A_55 = arith.constant 0 : i32
    %dma_wait3A_56 = tpu.memref_slice %arg15[%add3A_23, %dma_wait3A_55] : memref<10752x128xf32, #tpu.memory_space<vmem_shared>> -> memref<112x128xf32, #tpu.memory_space<vmem_shared>>
    tpu.wait_dma2 semaphore(%arg22 : memref<!tpu.dma_semaphore, #tpu.memory_space<semaphore_mem>>) src(%arg12 : memref<112x128xf32, #tpu.memory_space<vmem>>) dst(%dma_wait3A_56 : memref<112x128xf32, #tpu.memory_space<vmem_shared>>)
    %dma_wait3A_57 = arith.constant 0 : i32
    %dma_wait3A_58 = tpu.memref_slice %arg15[%add3A_29, %dma_wait3A_57] : memref<10752x128xf32, #tpu.memory_space<vmem_shared>> -> memref<112x128xf32, #tpu.memory_space<vmem_shared>>
    %dma_wait3A_59 = arith.constant 0 : i32
    %dma_wait3A_60 = tpu.memref_slice %arg15[%add3A_29, %dma_wait3A_59] : memref<10752x128xf32, #tpu.memory_space<vmem_shared>> -> memref<112x128xf32, #tpu.memory_space<vmem_shared>>
    tpu.wait_dma2 semaphore(%arg22 : memref<!tpu.dma_semaphore, #tpu.memory_space<semaphore_mem>>) src(%arg12 : memref<112x128xf32, #tpu.memory_space<vmem>>) dst(%dma_wait3A_60 : memref<112x128xf32, #tpu.memory_space<vmem_shared>>)
    %dma_wait3A_61 = arith.constant 0 : i32
    %dma_wait3A_62 = tpu.memref_slice %arg15[%add3A_35, %dma_wait3A_61] : memref<10752x128xf32, #tpu.memory_space<vmem_shared>> -> memref<112x128xf32, #tpu.memory_space<vmem_shared>>
    %dma_wait3A_63 = arith.constant 0 : i32
    %dma_wait3A_64 = tpu.memref_slice %arg15[%add3A_35, %dma_wait3A_63] : memref<10752x128xf32, #tpu.memory_space<vmem_shared>> -> memref<112x128xf32, #tpu.memory_space<vmem_shared>>
    tpu.wait_dma2 semaphore(%arg22 : memref<!tpu.dma_semaphore, #tpu.memory_space<semaphore_mem>>) src(%arg12 : memref<112x128xf32, #tpu.memory_space<vmem>>) dst(%dma_wait3A_64 : memref<112x128xf32, #tpu.memory_space<vmem_shared>>)
    %dma_wait3A_65 = arith.constant 0 : i32
    %dma_wait3A_66 = tpu.memref_slice %arg15[%add3A_41, %dma_wait3A_65] : memref<10752x128xf32, #tpu.memory_space<vmem_shared>> -> memref<112x128xf32, #tpu.memory_space<vmem_shared>>
    %dma_wait3A_67 = arith.constant 0 : i32
    %dma_wait3A_68 = tpu.memref_slice %arg15[%add3A_41, %dma_wait3A_67] : memref<10752x128xf32, #tpu.memory_space<vmem_shared>> -> memref<112x128xf32, #tpu.memory_space<vmem_shared>>
    tpu.wait_dma2 semaphore(%arg22 : memref<!tpu.dma_semaphore, #tpu.memory_space<semaphore_mem>>) src(%arg12 : memref<112x128xf32, #tpu.memory_space<vmem>>) dst(%dma_wait3A_68 : memref<112x128xf32, #tpu.memory_space<vmem_shared>>)
    %barrier3A = arith.constant 0 : index
    tpu.barrier barrier_id(%barrier3A)
    %scan3A_69 = arith.constant 0 : i32
    %scan3A_70 = arith.constant 0 : i32
    %scan3A_71 = arith.constant 30 : i32
    %scan3A_72 = arith.addi %scan3A_70, %scan3A_71 : i32
    %scan3A_73 = arith.constant 1 : i32
    %scan3A_74 = scf.for %scan3A_161 = %scan3A_70 to %scan3A_72 step %scan3A_73 iter_args(%scan3A_162 = %scan3A_69) -> (i32)  : i32 {
      %mul3A_163 = arith.constant 3 : i32
      %mul3A_164 = arith.muli %scan3A_161, %mul3A_163 : i32
      %mul3A_165 = arith.constant 112 : i32
      %mul3A_166 = arith.muli %mul3A_164, %mul3A_165 : i32
      %add3A_167 = arith.addi %mul3A_2, %mul3A_166 : i32
      %add3A_168 = arith.constant 0 : i32
      %add3A_169 = arith.addi %add3A_167, %add3A_168 : i32
      %dma_start3A_170 = tpu.memref_slice %arg3[%add3A_169] : memref<322560xi32, #tpu.memory_space<hbm>> -> memref<112xi32, #tpu.memory_space<hbm>>
      %dma_start3A_171 = tpu.memref_slice %arg3[%add3A_169] : memref<322560xi32, #tpu.memory_space<hbm>> -> memref<112xi32, #tpu.memory_space<hbm>>
      tpu.enqueue_dma source(%dma_start3A_171 : memref<112xi32, #tpu.memory_space<hbm>>) target(%arg6 : memref<112xi32, #tpu.memory_space<vmem>>) target_semaphore(%arg16 : memref<!tpu.dma_semaphore, #tpu.memory_space<semaphore_mem>>)
      %add3A_172 = arith.constant 0 : i32
      %add3A_173 = arith.addi %add3A_167, %add3A_172 : i32
      %dma_start3A_174 = tpu.memref_slice %arg4[%add3A_173] : memref<322560xi32, #tpu.memory_space<hbm>> -> memref<112xi32, #tpu.memory_space<hbm>>
      %dma_start3A_175 = tpu.memref_slice %arg4[%add3A_173] : memref<322560xi32, #tpu.memory_space<hbm>> -> memref<112xi32, #tpu.memory_space<hbm>>
      tpu.enqueue_dma source(%dma_start3A_175 : memref<112xi32, #tpu.memory_space<hbm>>) target(%arg9 : memref<112xi32, #tpu.memory_space<vmem>>) target_semaphore(%arg19 : memref<!tpu.dma_semaphore, #tpu.memory_space<semaphore_mem>>)
      %add3A_176 = arith.constant 112 : i32
      %add3A_177 = arith.addi %add3A_167, %add3A_176 : i32
      %dma_start3A_178 = tpu.memref_slice %arg3[%add3A_177] : memref<322560xi32, #tpu.memory_space<hbm>> -> memref<112xi32, #tpu.memory_space<hbm>>
      %dma_start3A_179 = tpu.memref_slice %arg3[%add3A_177] : memref<322560xi32, #tpu.memory_space<hbm>> -> memref<112xi32, #tpu.memory_space<hbm>>
      tpu.enqueue_dma source(%dma_start3A_179 : memref<112xi32, #tpu.memory_space<hbm>>) target(%arg7 : memref<112xi32, #tpu.memory_space<vmem>>) target_semaphore(%arg17 : memref<!tpu.dma_semaphore, #tpu.memory_space<semaphore_mem>>)
      %add3A_180 = arith.constant 112 : i32
      %add3A_181 = arith.addi %add3A_167, %add3A_180 : i32
      %dma_start3A_182 = tpu.memref_slice %arg4[%add3A_181] : memref<322560xi32, #tpu.memory_space<hbm>> -> memref<112xi32, #tpu.memory_space<hbm>>
      %dma_start3A_183 = tpu.memref_slice %arg4[%add3A_181] : memref<322560xi32, #tpu.memory_space<hbm>> -> memref<112xi32, #tpu.memory_space<hbm>>
      tpu.enqueue_dma source(%dma_start3A_183 : memref<112xi32, #tpu.memory_space<hbm>>) target(%arg10 : memref<112xi32, #tpu.memory_space<vmem>>) target_semaphore(%arg20 : memref<!tpu.dma_semaphore, #tpu.memory_space<semaphore_mem>>)
      %add3A_184 = arith.constant 224 : i32
      %add3A_185 = arith.addi %add3A_167, %add3A_184 : i32
      %dma_start3A_186 = tpu.memref_slice %arg3[%add3A_185] : memref<322560xi32, #tpu.memory_space<hbm>> -> memref<112xi32, #tpu.memory_space<hbm>>
      %dma_start3A_187 = tpu.memref_slice %arg3[%add3A_185] : memref<322560xi32, #tpu.memory_space<hbm>> -> memref<112xi32, #tpu.memory_space<hbm>>
      tpu.enqueue_dma source(%dma_start3A_187 : memref<112xi32, #tpu.memory_space<hbm>>) target(%arg8 : memref<112xi32, #tpu.memory_space<vmem>>) target_semaphore(%arg18 : memref<!tpu.dma_semaphore, #tpu.memory_space<semaphore_mem>>)
      %add3A_188 = arith.constant 224 : i32
      %add3A_189 = arith.addi %add3A_167, %add3A_188 : i32
      %dma_start3A_190 = tpu.memref_slice %arg4[%add3A_189] : memref<322560xi32, #tpu.memory_space<hbm>> -> memref<112xi32, #tpu.memory_space<hbm>>
      %dma_start3A_191 = tpu.memref_slice %arg4[%add3A_189] : memref<322560xi32, #tpu.memory_space<hbm>> -> memref<112xi32, #tpu.memory_space<hbm>>
      tpu.enqueue_dma source(%dma_start3A_191 : memref<112xi32, #tpu.memory_space<hbm>>) target(%arg11 : memref<112xi32, #tpu.memory_space<vmem>>) target_semaphore(%arg21 : memref<!tpu.dma_semaphore, #tpu.memory_space<semaphore_mem>>)
      %dma_wait3A_192 = tpu.memref_slice %arg3[%add3A_169] : memref<322560xi32, #tpu.memory_space<hbm>> -> memref<112xi32, #tpu.memory_space<hbm>>
      %dma_wait3A_193 = tpu.memref_slice %arg3[%add3A_169] : memref<322560xi32, #tpu.memory_space<hbm>> -> memref<112xi32, #tpu.memory_space<hbm>>
      tpu.wait_dma2 semaphore(%arg16 : memref<!tpu.dma_semaphore, #tpu.memory_space<semaphore_mem>>) src(%dma_wait3A_193 : memref<112xi32, #tpu.memory_space<hbm>>) dst(%arg6 : memref<112xi32, #tpu.memory_space<vmem>>)
      %dma_wait3A_194 = tpu.memref_slice %arg4[%add3A_173] : memref<322560xi32, #tpu.memory_space<hbm>> -> memref<112xi32, #tpu.memory_space<hbm>>
      %dma_wait3A_195 = tpu.memref_slice %arg4[%add3A_173] : memref<322560xi32, #tpu.memory_space<hbm>> -> memref<112xi32, #tpu.memory_space<hbm>>
      tpu.wait_dma2 semaphore(%arg19 : memref<!tpu.dma_semaphore, #tpu.memory_space<semaphore_mem>>) src(%dma_wait3A_195 : memref<112xi32, #tpu.memory_space<hbm>>) dst(%arg9 : memref<112xi32, #tpu.memory_space<vmem>>)
      %dma_start3A_196 = arith.constant 0 : i32
      %dma_start3A_197 = arith.constant 0 : i32
      %dma_start3A_198 = tpu.memref_slice %arg2[%dma_start3A_196, %dma_start3A_197] : memref<10752x128xf32, #tpu.memory_space<hbm>> -> memref<10752x128xf32, #tpu.memory_space<hbm>>
      tpu.enqueue_indirect_dma source(%dma_start3A_198 : memref<10752x128xf32, #tpu.memory_space<hbm>>) target(%arg12 : memref<112x128xf32, #tpu.memory_space<vmem>>) offsets(%arg6 : memref<112xi32, #tpu.memory_space<vmem>>) semaphore(%arg22 : memref<!tpu.dma_semaphore, #tpu.memory_space<semaphore_mem>>)
      %dma_wait3A_199 = tpu.memref_slice %arg3[%add3A_177] : memref<322560xi32, #tpu.memory_space<hbm>> -> memref<112xi32, #tpu.memory_space<hbm>>
      %dma_wait3A_200 = tpu.memref_slice %arg3[%add3A_177] : memref<322560xi32, #tpu.memory_space<hbm>> -> memref<112xi32, #tpu.memory_space<hbm>>
      tpu.wait_dma2 semaphore(%arg17 : memref<!tpu.dma_semaphore, #tpu.memory_space<semaphore_mem>>) src(%dma_wait3A_200 : memref<112xi32, #tpu.memory_space<hbm>>) dst(%arg7 : memref<112xi32, #tpu.memory_space<vmem>>)
      %dma_wait3A_201 = tpu.memref_slice %arg4[%add3A_181] : memref<322560xi32, #tpu.memory_space<hbm>> -> memref<112xi32, #tpu.memory_space<hbm>>
      %dma_wait3A_202 = tpu.memref_slice %arg4[%add3A_181] : memref<322560xi32, #tpu.memory_space<hbm>> -> memref<112xi32, #tpu.memory_space<hbm>>
      tpu.wait_dma2 semaphore(%arg20 : memref<!tpu.dma_semaphore, #tpu.memory_space<semaphore_mem>>) src(%dma_wait3A_202 : memref<112xi32, #tpu.memory_space<hbm>>) dst(%arg10 : memref<112xi32, #tpu.memory_space<vmem>>)
      %dma_start3A_203 = arith.constant 0 : i32
      %dma_start3A_204 = arith.constant 0 : i32
      %dma_start3A_205 = tpu.memref_slice %arg2[%dma_start3A_203, %dma_start3A_204] : memref<10752x128xf32, #tpu.memory_space<hbm>> -> memref<10752x128xf32, #tpu.memory_space<hbm>>
      tpu.enqueue_indirect_dma source(%dma_start3A_205 : memref<10752x128xf32, #tpu.memory_space<hbm>>) target(%arg13 : memref<112x128xf32, #tpu.memory_space<vmem>>) offsets(%arg7 : memref<112xi32, #tpu.memory_space<vmem>>) semaphore(%arg23 : memref<!tpu.dma_semaphore, #tpu.memory_space<semaphore_mem>>)
      %dma_wait3A_206 = tpu.memref_slice %arg3[%add3A_185] : memref<322560xi32, #tpu.memory_space<hbm>> -> memref<112xi32, #tpu.memory_space<hbm>>
      %dma_wait3A_207 = tpu.memref_slice %arg3[%add3A_185] : memref<322560xi32, #tpu.memory_space<hbm>> -> memref<112xi32, #tpu.memory_space<hbm>>
      tpu.wait_dma2 semaphore(%arg18 : memref<!tpu.dma_semaphore, #tpu.memory_space<semaphore_mem>>) src(%dma_wait3A_207 : memref<112xi32, #tpu.memory_space<hbm>>) dst(%arg8 : memref<112xi32, #tpu.memory_space<vmem>>)
      %dma_wait3A_208 = tpu.memref_slice %arg4[%add3A_189] : memref<322560xi32, #tpu.memory_space<hbm>> -> memref<112xi32, #tpu.memory_space<hbm>>
      %dma_wait3A_209 = tpu.memref_slice %arg4[%add3A_189] : memref<322560xi32, #tpu.memory_space<hbm>> -> memref<112xi32, #tpu.memory_space<hbm>>
      tpu.wait_dma2 semaphore(%arg21 : memref<!tpu.dma_semaphore, #tpu.memory_space<semaphore_mem>>) src(%dma_wait3A_209 : memref<112xi32, #tpu.memory_space<hbm>>) dst(%arg11 : memref<112xi32, #tpu.memory_space<vmem>>)
      %dma_start3A_210 = arith.constant 0 : i32
      %dma_start3A_211 = arith.constant 0 : i32
      %dma_start3A_212 = tpu.memref_slice %arg2[%dma_start3A_210, %dma_start3A_211] : memref<10752x128xf32, #tpu.memory_space<hbm>> -> memref<10752x128xf32, #tpu.memory_space<hbm>>
      tpu.enqueue_indirect_dma source(%dma_start3A_212 : memref<10752x128xf32, #tpu.memory_space<hbm>>) target(%arg14 : memref<112x128xf32, #tpu.memory_space<vmem>>) offsets(%arg8 : memref<112xi32, #tpu.memory_space<vmem>>) semaphore(%arg24 : memref<!tpu.dma_semaphore, #tpu.memory_space<semaphore_mem>>)
      %dma_wait3A_213 = arith.constant 0 : i32
      %dma_wait3A_214 = arith.constant 0 : i32
      %dma_wait3A_215 = tpu.memref_slice %arg2[%dma_wait3A_213, %dma_wait3A_214] : memref<10752x128xf32, #tpu.memory_space<hbm>> -> memref<10752x128xf32, #tpu.memory_space<hbm>>
      tpu.wait_indirect_dma semaphore(%arg22 : memref<!tpu.dma_semaphore, #tpu.memory_space<semaphore_mem>>) src(%dma_wait3A_215 : memref<10752x128xf32, #tpu.memory_space<hbm>>) dst(%arg12 : memref<112x128xf32, #tpu.memory_space<vmem>>)
      %dma_start3A_216 = arith.constant 0 : i32
      %dma_start3A_217 = arith.constant 0 : i32
      %dma_start3A_218 = tpu.memref_slice %arg15[%dma_start3A_216, %dma_start3A_217] : memref<10752x128xf32, #tpu.memory_space<vmem_shared>> -> memref<10752x128xf32, #tpu.memory_space<vmem_shared>>
      tpu.enqueue_indirect_dma source(%arg12 : memref<112x128xf32, #tpu.memory_space<vmem>>) target(%dma_start3A_218 : memref<10752x128xf32, #tpu.memory_space<vmem_shared>>) offsets(%arg9 : memref<112xi32, #tpu.memory_space<vmem>>) semaphore(%arg25 : memref<!tpu.dma_semaphore, #tpu.memory_space<semaphore_mem>>) {add = true}
      %dma_wait3A_219 = arith.constant 0 : i32
      %dma_wait3A_220 = arith.constant 0 : i32
      %dma_wait3A_221 = tpu.memref_slice %arg2[%dma_wait3A_219, %dma_wait3A_220] : memref<10752x128xf32, #tpu.memory_space<hbm>> -> memref<10752x128xf32, #tpu.memory_space<hbm>>
      tpu.wait_indirect_dma semaphore(%arg23 : memref<!tpu.dma_semaphore, #tpu.memory_space<semaphore_mem>>) src(%dma_wait3A_221 : memref<10752x128xf32, #tpu.memory_space<hbm>>) dst(%arg13 : memref<112x128xf32, #tpu.memory_space<vmem>>)
      %dma_start3A_222 = arith.constant 0 : i32
      %dma_start3A_223 = arith.constant 0 : i32
      %dma_start3A_224 = tpu.memref_slice %arg15[%dma_start3A_222, %dma_start3A_223] : memref<10752x128xf32, #tpu.memory_space<vmem_shared>> -> memref<10752x128xf32, #tpu.memory_space<vmem_shared>>
      tpu.enqueue_indirect_dma source(%arg13 : memref<112x128xf32, #tpu.memory_space<vmem>>) target(%dma_start3A_224 : memref<10752x128xf32, #tpu.memory_space<vmem_shared>>) offsets(%arg10 : memref<112xi32, #tpu.memory_space<vmem>>) semaphore(%arg26 : memref<!tpu.dma_semaphore, #tpu.memory_space<semaphore_mem>>) {add = true}
      %dma_wait3A_225 = arith.constant 0 : i32
      %dma_wait3A_226 = arith.constant 0 : i32
      %dma_wait3A_227 = tpu.memref_slice %arg2[%dma_wait3A_225, %dma_wait3A_226] : memref<10752x128xf32, #tpu.memory_space<hbm>> -> memref<10752x128xf32, #tpu.memory_space<hbm>>
      tpu.wait_indirect_dma semaphore(%arg24 : memref<!tpu.dma_semaphore, #tpu.memory_space<semaphore_mem>>) src(%dma_wait3A_227 : memref<10752x128xf32, #tpu.memory_space<hbm>>) dst(%arg14 : memref<112x128xf32, #tpu.memory_space<vmem>>)
      %dma_start3A_228 = arith.constant 0 : i32
      %dma_start3A_229 = arith.constant 0 : i32
      %dma_start3A_230 = tpu.memref_slice %arg15[%dma_start3A_228, %dma_start3A_229] : memref<10752x128xf32, #tpu.memory_space<vmem_shared>> -> memref<10752x128xf32, #tpu.memory_space<vmem_shared>>
      tpu.enqueue_indirect_dma source(%arg14 : memref<112x128xf32, #tpu.memory_space<vmem>>) target(%dma_start3A_230 : memref<10752x128xf32, #tpu.memory_space<vmem_shared>>) offsets(%arg11 : memref<112xi32, #tpu.memory_space<vmem>>) semaphore(%arg27 : memref<!tpu.dma_semaphore, #tpu.memory_space<semaphore_mem>>) {add = true}
      %dma_wait3A_231 = arith.constant 0 : i32
      %dma_wait3A_232 = arith.constant 0 : i32
      %dma_wait3A_233 = tpu.memref_slice %arg15[%dma_wait3A_231, %dma_wait3A_232] : memref<10752x128xf32, #tpu.memory_space<vmem_shared>> -> memref<10752x128xf32, #tpu.memory_space<vmem_shared>>
      tpu.wait_indirect_dma semaphore(%arg25 : memref<!tpu.dma_semaphore, #tpu.memory_space<semaphore_mem>>) src(%arg12 : memref<112x128xf32, #tpu.memory_space<vmem>>) dst(%dma_wait3A_233 : memref<10752x128xf32, #tpu.memory_space<vmem_shared>>)
      %dma_wait3A_234 = arith.constant 0 : i32
      %dma_wait3A_235 = arith.constant 0 : i32
      %dma_wait3A_236 = tpu.memref_slice %arg15[%dma_wait3A_234, %dma_wait3A_235] : memref<10752x128xf32, #tpu.memory_space<vmem_shared>> -> memref<10752x128xf32, #tpu.memory_space<vmem_shared>>
      tpu.wait_indirect_dma semaphore(%arg26 : memref<!tpu.dma_semaphore, #tpu.memory_space<semaphore_mem>>) src(%arg13 : memref<112x128xf32, #tpu.memory_space<vmem>>) dst(%dma_wait3A_236 : memref<10752x128xf32, #tpu.memory_space<vmem_shared>>)
      %dma_wait3A_237 = arith.constant 0 : i32
      %dma_wait3A_238 = arith.constant 0 : i32
      %dma_wait3A_239 = tpu.memref_slice %arg15[%dma_wait3A_237, %dma_wait3A_238] : memref<10752x128xf32, #tpu.memory_space<vmem_shared>> -> memref<10752x128xf32, #tpu.memory_space<vmem_shared>>
      tpu.wait_indirect_dma semaphore(%arg27 : memref<!tpu.dma_semaphore, #tpu.memory_space<semaphore_mem>>) src(%arg14 : memref<112x128xf32, #tpu.memory_space<vmem>>) dst(%dma_wait3A_239 : memref<10752x128xf32, #tpu.memory_space<vmem_shared>>)
      %scan3A_240 = arith.constant 0 : i32
      scf.yield %scan3A_240 : i32
    }
    %scan3A_75 = arith.constant 30 : i32
    %barrier3A_76 = arith.constant 0 : index
    tpu.barrier barrier_id(%barrier3A_76)
    %add3A_77 = arith.constant 0 : i32
    %add3A_78 = arith.addi %mul3A_10, %add3A_77 : i32
    %add3A_79 = arith.constant 0 : i32
    %add3A_80 = arith.addi %mul3A_10, %add3A_79 : i32
    %dma_start3A_81 = arith.constant 0 : i32
    %dma_start3A_82 = tpu.memref_slice %arg5[%arg0, %add3A_80, %dma_start3A_81] : memref<2x10752x128xf32, #tpu.memory_space<hbm>> -> memref<1x112x128xf32, #tpu.memory_space<hbm>>
    %dma_start3A_83 = tpu.memref_squeeze %dma_start3A_82 : memref<1x112x128xf32, #tpu.memory_space<hbm>> -> memref<112x128xf32, #tpu.memory_space<hbm>>
    %dma_start3A_84 = arith.constant 0 : i32
    %dma_start3A_85 = tpu.memref_slice %arg15[%add3A_78, %dma_start3A_84] : memref<10752x128xf32, #tpu.memory_space<vmem_shared>> -> memref<112x128xf32, #tpu.memory_space<vmem_shared>>
    tpu.enqueue_dma source(%dma_start3A_85 : memref<112x128xf32, #tpu.memory_space<vmem_shared>>) target(%dma_start3A_83 : memref<112x128xf32, #tpu.memory_space<hbm>>) target_semaphore(%arg22 : memref<!tpu.dma_semaphore, #tpu.memory_space<semaphore_mem>>)
    %add3A_86 = arith.constant 112 : i32
    %add3A_87 = arith.addi %mul3A_10, %add3A_86 : i32
    %add3A_88 = arith.constant 112 : i32
    %add3A_89 = arith.addi %mul3A_10, %add3A_88 : i32
    %dma_start3A_90 = arith.constant 0 : i32
    %dma_start3A_91 = tpu.memref_slice %arg5[%arg0, %add3A_89, %dma_start3A_90] : memref<2x10752x128xf32, #tpu.memory_space<hbm>> -> memref<1x112x128xf32, #tpu.memory_space<hbm>>
    %dma_start3A_92 = tpu.memref_squeeze %dma_start3A_91 : memref<1x112x128xf32, #tpu.memory_space<hbm>> -> memref<112x128xf32, #tpu.memory_space<hbm>>
    %dma_start3A_93 = arith.constant 0 : i32
    %dma_start3A_94 = tpu.memref_slice %arg15[%add3A_87, %dma_start3A_93] : memref<10752x128xf32, #tpu.memory_space<vmem_shared>> -> memref<112x128xf32, #tpu.memory_space<vmem_shared>>
    tpu.enqueue_dma source(%dma_start3A_94 : memref<112x128xf32, #tpu.memory_space<vmem_shared>>) target(%dma_start3A_92 : memref<112x128xf32, #tpu.memory_space<hbm>>) target_semaphore(%arg22 : memref<!tpu.dma_semaphore, #tpu.memory_space<semaphore_mem>>)
    %add3A_95 = arith.constant 224 : i32
    %add3A_96 = arith.addi %mul3A_10, %add3A_95 : i32
    %add3A_97 = arith.constant 224 : i32
    %add3A_98 = arith.addi %mul3A_10, %add3A_97 : i32
    %dma_start3A_99 = arith.constant 0 : i32
    %dma_start3A_100 = tpu.memref_slice %arg5[%arg0, %add3A_98, %dma_start3A_99] : memref<2x10752x128xf32, #tpu.memory_space<hbm>> -> memref<1x112x128xf32, #tpu.memory_space<hbm>>
    %dma_start3A_101 = tpu.memref_squeeze %dma_start3A_100 : memref<1x112x128xf32, #tpu.memory_space<hbm>> -> memref<112x128xf32, #tpu.memory_space<hbm>>
    %dma_start3A_102 = arith.constant 0 : i32
    %dma_start3A_103 = tpu.memref_slice %arg15[%add3A_96, %dma_start3A_102] : memref<10752x128xf32, #tpu.memory_space<vmem_shared>> -> memref<112x128xf32, #tpu.memory_space<vmem_shared>>
    tpu.enqueue_dma source(%dma_start3A_103 : memref<112x128xf32, #tpu.memory_space<vmem_shared>>) target(%dma_start3A_101 : memref<112x128xf32, #tpu.memory_space<hbm>>) target_semaphore(%arg22 : memref<!tpu.dma_semaphore, #tpu.memory_space<semaphore_mem>>)
    %add3A_104 = arith.constant 336 : i32
    %add3A_105 = arith.addi %mul3A_10, %add3A_104 : i32
    %add3A_106 = arith.constant 336 : i32
    %add3A_107 = arith.addi %mul3A_10, %add3A_106 : i32
    %dma_start3A_108 = arith.constant 0 : i32
    %dma_start3A_109 = tpu.memref_slice %arg5[%arg0, %add3A_107, %dma_start3A_108] : memref<2x10752x128xf32, #tpu.memory_space<hbm>> -> memref<1x112x128xf32, #tpu.memory_space<hbm>>
    %dma_start3A_110 = tpu.memref_squeeze %dma_start3A_109 : memref<1x112x128xf32, #tpu.memory_space<hbm>> -> memref<112x128xf32, #tpu.memory_space<hbm>>
    %dma_start3A_111 = arith.constant 0 : i32
    %dma_start3A_112 = tpu.memref_slice %arg15[%add3A_105, %dma_start3A_111] : memref<10752x128xf32, #tpu.memory_space<vmem_shared>> -> memref<112x128xf32, #tpu.memory_space<vmem_shared>>
    tpu.enqueue_dma source(%dma_start3A_112 : memref<112x128xf32, #tpu.memory_space<vmem_shared>>) target(%dma_start3A_110 : memref<112x128xf32, #tpu.memory_space<hbm>>) target_semaphore(%arg22 : memref<!tpu.dma_semaphore, #tpu.memory_space<semaphore_mem>>)
    %add3A_113 = arith.constant 448 : i32
    %add3A_114 = arith.addi %mul3A_10, %add3A_113 : i32
    %add3A_115 = arith.constant 448 : i32
    %add3A_116 = arith.addi %mul3A_10, %add3A_115 : i32
    %dma_start3A_117 = arith.constant 0 : i32
    %dma_start3A_118 = tpu.memref_slice %arg5[%arg0, %add3A_116, %dma_start3A_117] : memref<2x10752x128xf32, #tpu.memory_space<hbm>> -> memref<1x112x128xf32, #tpu.memory_space<hbm>>
    %dma_start3A_119 = tpu.memref_squeeze %dma_start3A_118 : memref<1x112x128xf32, #tpu.memory_space<hbm>> -> memref<112x128xf32, #tpu.memory_space<hbm>>
    %dma_start3A_120 = arith.constant 0 : i32
    %dma_start3A_121 = tpu.memref_slice %arg15[%add3A_114, %dma_start3A_120] : memref<10752x128xf32, #tpu.memory_space<vmem_shared>> -> memref<112x128xf32, #tpu.memory_space<vmem_shared>>
    tpu.enqueue_dma source(%dma_start3A_121 : memref<112x128xf32, #tpu.memory_space<vmem_shared>>) target(%dma_start3A_119 : memref<112x128xf32, #tpu.memory_space<hbm>>) target_semaphore(%arg22 : memref<!tpu.dma_semaphore, #tpu.memory_space<semaphore_mem>>)
    %add3A_122 = arith.constant 560 : i32
    %add3A_123 = arith.addi %mul3A_10, %add3A_122 : i32
    %add3A_124 = arith.constant 560 : i32
    %add3A_125 = arith.addi %mul3A_10, %add3A_124 : i32
    %dma_start3A_126 = arith.constant 0 : i32
    %dma_start3A_127 = tpu.memref_slice %arg5[%arg0, %add3A_125, %dma_start3A_126] : memref<2x10752x128xf32, #tpu.memory_space<hbm>> -> memref<1x112x128xf32, #tpu.memory_space<hbm>>
    %dma_start3A_128 = tpu.memref_squeeze %dma_start3A_127 : memref<1x112x128xf32, #tpu.memory_space<hbm>> -> memref<112x128xf32, #tpu.memory_space<hbm>>
    %dma_start3A_129 = arith.constant 0 : i32
    %dma_start3A_130 = tpu.memref_slice %arg15[%add3A_123, %dma_start3A_129] : memref<10752x128xf32, #tpu.memory_space<vmem_shared>> -> memref<112x128xf32, #tpu.memory_space<vmem_shared>>
    tpu.enqueue_dma source(%dma_start3A_130 : memref<112x128xf32, #tpu.memory_space<vmem_shared>>) target(%dma_start3A_128 : memref<112x128xf32, #tpu.memory_space<hbm>>) target_semaphore(%arg22 : memref<!tpu.dma_semaphore, #tpu.memory_space<semaphore_mem>>)
    %dma_wait3A_131 = arith.constant 0 : i32
    %dma_wait3A_132 = tpu.memref_slice %arg5[%arg0, %add3A_80, %dma_wait3A_131] : memref<2x10752x128xf32, #tpu.memory_space<hbm>> -> memref<1x112x128xf32, #tpu.memory_space<hbm>>
    %dma_wait3A_133 = tpu.memref_squeeze %dma_wait3A_132 : memref<1x112x128xf32, #tpu.memory_space<hbm>> -> memref<112x128xf32, #tpu.memory_space<hbm>>
    %dma_wait3A_134 = arith.constant 0 : i32
    %dma_wait3A_135 = tpu.memref_slice %arg15[%add3A_78, %dma_wait3A_134] : memref<10752x128xf32, #tpu.memory_space<vmem_shared>> -> memref<112x128xf32, #tpu.memory_space<vmem_shared>>
    tpu.wait_dma2 semaphore(%arg22 : memref<!tpu.dma_semaphore, #tpu.memory_space<semaphore_mem>>) src(%dma_wait3A_135 : memref<112x128xf32, #tpu.memory_space<vmem_shared>>) dst(%dma_wait3A_133 : memref<112x128xf32, #tpu.memory_space<hbm>>)
    %dma_wait3A_136 = arith.constant 0 : i32
    %dma_wait3A_137 = tpu.memref_slice %arg5[%arg0, %add3A_89, %dma_wait3A_136] : memref<2x10752x128xf32, #tpu.memory_space<hbm>> -> memref<1x112x128xf32, #tpu.memory_space<hbm>>
    %dma_wait3A_138 = tpu.memref_squeeze %dma_wait3A_137 : memref<1x112x128xf32, #tpu.memory_space<hbm>> -> memref<112x128xf32, #tpu.memory_space<hbm>>
    %dma_wait3A_139 = arith.constant 0 : i32
    %dma_wait3A_140 = tpu.memref_slice %arg15[%add3A_87, %dma_wait3A_139] : memref<10752x128xf32, #tpu.memory_space<vmem_shared>> -> memref<112x128xf32, #tpu.memory_space<vmem_shared>>
    tpu.wait_dma2 semaphore(%arg22 : memref<!tpu.dma_semaphore, #tpu.memory_space<semaphore_mem>>) src(%dma_wait3A_140 : memref<112x128xf32, #tpu.memory_space<vmem_shared>>) dst(%dma_wait3A_138 : memref<112x128xf32, #tpu.memory_space<hbm>>)
    %dma_wait3A_141 = arith.constant 0 : i32
    %dma_wait3A_142 = tpu.memref_slice %arg5[%arg0, %add3A_98, %dma_wait3A_141] : memref<2x10752x128xf32, #tpu.memory_space<hbm>> -> memref<1x112x128xf32, #tpu.memory_space<hbm>>
    %dma_wait3A_143 = tpu.memref_squeeze %dma_wait3A_142 : memref<1x112x128xf32, #tpu.memory_space<hbm>> -> memref<112x128xf32, #tpu.memory_space<hbm>>
    %dma_wait3A_144 = arith.constant 0 : i32
    %dma_wait3A_145 = tpu.memref_slice %arg15[%add3A_96, %dma_wait3A_144] : memref<10752x128xf32, #tpu.memory_space<vmem_shared>> -> memref<112x128xf32, #tpu.memory_space<vmem_shared>>
    tpu.wait_dma2 semaphore(%arg22 : memref<!tpu.dma_semaphore, #tpu.memory_space<semaphore_mem>>) src(%dma_wait3A_145 : memref<112x128xf32, #tpu.memory_space<vmem_shared>>) dst(%dma_wait3A_143 : memref<112x128xf32, #tpu.memory_space<hbm>>)
    %dma_wait3A_146 = arith.constant 0 : i32
    %dma_wait3A_147 = tpu.memref_slice %arg5[%arg0, %add3A_107, %dma_wait3A_146] : memref<2x10752x128xf32, #tpu.memory_space<hbm>> -> memref<1x112x128xf32, #tpu.memory_space<hbm>>
    %dma_wait3A_148 = tpu.memref_squeeze %dma_wait3A_147 : memref<1x112x128xf32, #tpu.memory_space<hbm>> -> memref<112x128xf32, #tpu.memory_space<hbm>>
    %dma_wait3A_149 = arith.constant 0 : i32
    %dma_wait3A_150 = tpu.memref_slice %arg15[%add3A_105, %dma_wait3A_149] : memref<10752x128xf32, #tpu.memory_space<vmem_shared>> -> memref<112x128xf32, #tpu.memory_space<vmem_shared>>
    tpu.wait_dma2 semaphore(%arg22 : memref<!tpu.dma_semaphore, #tpu.memory_space<semaphore_mem>>) src(%dma_wait3A_150 : memref<112x128xf32, #tpu.memory_space<vmem_shared>>) dst(%dma_wait3A_148 : memref<112x128xf32, #tpu.memory_space<hbm>>)
    %dma_wait3A_151 = arith.constant 0 : i32
    %dma_wait3A_152 = tpu.memref_slice %arg5[%arg0, %add3A_116, %dma_wait3A_151] : memref<2x10752x128xf32, #tpu.memory_space<hbm>> -> memref<1x112x128xf32, #tpu.memory_space<hbm>>
    %dma_wait3A_153 = tpu.memref_squeeze %dma_wait3A_152 : memref<1x112x128xf32, #tpu.memory_space<hbm>> -> memref<112x128xf32, #tpu.memory_space<hbm>>
    %dma_wait3A_154 = arith.constant 0 : i32
    %dma_wait3A_155 = tpu.memref_slice %arg15[%add3A_114, %dma_wait3A_154] : memref<10752x128xf32, #tpu.memory_space<vmem_shared>> -> memref<112x128xf32, #tpu.memory_space<vmem_shared>>
    tpu.wait_dma2 semaphore(%arg22 : memref<!tpu.dma_semaphore, #tpu.memory_space<semaphore_mem>>) src(%dma_wait3A_155 : memref<112x128xf32, #tpu.memory_space<vmem_shared>>) dst(%dma_wait3A_153 : memref<112x128xf32, #tpu.memory_space<hbm>>)
    %dma_wait3A_156 = arith.constant 0 : i32
    %dma_wait3A_157 = tpu.memref_slice %arg5[%arg0, %add3A_125, %dma_wait3A_156] : memref<2x10752x128xf32, #tpu.memory_space<hbm>> -> memref<1x112x128xf32, #tpu.memory_space<hbm>>
    %dma_wait3A_158 = tpu.memref_squeeze %dma_wait3A_157 : memref<1x112x128xf32, #tpu.memory_space<hbm>> -> memref<112x128xf32, #tpu.memory_space<hbm>>
    %dma_wait3A_159 = arith.constant 0 : i32
    %dma_wait3A_160 = tpu.memref_slice %arg15[%add3A_123, %dma_wait3A_159] : memref<10752x128xf32, #tpu.memory_space<vmem_shared>> -> memref<112x128xf32, #tpu.memory_space<vmem_shared>>
    tpu.wait_dma2 semaphore(%arg22 : memref<!tpu.dma_semaphore, #tpu.memory_space<semaphore_mem>>) src(%dma_wait3A_160 : memref<112x128xf32, #tpu.memory_space<vmem_shared>>) dst(%dma_wait3A_158 : memref<112x128xf32, #tpu.memory_space<hbm>>)
    return
  }
}

#map = affine_map<(d0, d1) -> (0, 0)>
#map1 = affine_map<(d0, d1) -> (0)>
#map2 = affine_map<(d0, d1) -> (0, 0, 0)>
module attributes {stable_mosaic.version = 14 : i64} {
  func.func @embed_kernel(%arg0: i32, %arg1: i32, %arg2: memref<1000x128xf32, #tpu.memory_space<hbm>>, %arg3: memref<1000x128xf32, #tpu.memory_space<hbm>>, %arg4: memref<10752xi32, #tpu.memory_space<hbm>>, %arg5: memref<10752xi32, #tpu.memory_space<hbm>>, %arg6: memref<322560xi32, #tpu.memory_space<hbm>>, %arg7: memref<10752x128xf32, #tpu.memory_space<hbm>>, %arg8: memref<10752x128xf32, #tpu.memory_space<hbm>>, %arg9: memref<2x10752x128xf32, #tpu.memory_space<hbm>>, %arg10: memref<112xi32, #tpu.memory_space<vmem>>, %arg11: memref<112x128xf32, #tpu.memory_space<vmem>>, %arg12: memref<112x128xf32, #tpu.memory_space<vmem>>, %arg13: memref<112xi32, #tpu.memory_space<vmem>>, %arg14: memref<112xi32, #tpu.memory_space<vmem>>, %arg15: memref<112xi32, #tpu.memory_space<vmem>>, %arg16: memref<10752x128xf32, #tpu.memory_space<vmem_shared>>, %arg17: memref<!tpu.dma_semaphore, #tpu.memory_space<semaphore_mem>>, %arg18: memref<!tpu.dma_semaphore, #tpu.memory_space<semaphore_mem>>, %arg19: memref<!tpu.dma_semaphore, #tpu.memory_space<semaphore_mem>>, %arg20: memref<!tpu.dma_semaphore, #tpu.memory_space<semaphore_mem>>, %arg21: memref<!tpu.dma_semaphore, #tpu.memory_space<semaphore_mem>>, %arg22: memref<!tpu.dma_semaphore, #tpu.memory_space<semaphore_mem>>, %arg23: memref<!tpu.dma_semaphore, #tpu.memory_space<semaphore_mem>>) attributes {dimension_semantics = [#tpu.dimension_semantics<core_parallel>, #tpu.dimension_semantics<subcore_parallel>], iteration_bounds = array<i64: 2, 16>, scalar_prefetch = 0 : i64, scratch_operands = 14 : i64, tpu.core_type = #tpu.core_type<sc_vector_subcore>, window_params = [{transform_indices = #map}, {transform_indices = #map}, {transform_indices = #map1}, {transform_indices = #map1}, {transform_indices = #map1}, {transform_indices = #map}, {transform_indices = #map}, {transform_indices = #map2}]} {
    %mul3A = arith.constant 2 : i32
    %mul3A_0 = arith.muli %arg1, %mul3A : i32
    %add3A = arith.addi %mul3A_0, %arg0 : i32
    %scan3A = arith.constant 0 : i32
    %scan3A_1 = arith.constant 0 : i32
    %scan3A_2 = arith.constant 896 : i32
    %scan3A_3 = arith.addi %scan3A_1, %scan3A_2 : i32
    %scan3A_4 = arith.constant 1 : i32
    %scan3A_5 = scf.for %scan3A_173 = %scan3A_1 to %scan3A_3 step %scan3A_4 iter_args(%scan3A_174 = %scan3A) -> (i32)  : i32 {
      %jit3A = arith.constant 8 : i32
      %div3A = arith.divsi %scan3A_173, %jit3A : i32
      %sign3A = arith.constant 0 : i32
      %sign3A_175 = arith.cmpi sgt, %scan3A_173, %sign3A : i32
      %sign3A_176 = arith.extui %sign3A_175 : i1 to i32
      %sign3A_177 = arith.constant 0 : i32
      %sign3A_178 = arith.cmpi slt, %scan3A_173, %sign3A_177 : i32
      %sign3A_179 = arith.extui %sign3A_178 : i1 to i32
      %sign3A_180 = arith.subi %sign3A_176, %sign3A_179 : i32
      %sign3A_181 = arith.constant 0 : i32
      %sign3A_182 = arith.cmpi sgt, %jit3A, %sign3A_181 : i32
      %sign3A_183 = arith.extui %sign3A_182 : i1 to i32
      %sign3A_184 = arith.constant 0 : i32
      %sign3A_185 = arith.cmpi slt, %jit3A, %sign3A_184 : i32
      %sign3A_186 = arith.extui %sign3A_185 : i1 to i32
      %sign3A_187 = arith.subi %sign3A_183, %sign3A_186 : i32
      %ne3A = arith.cmpi ne, %sign3A_180, %sign3A_187 : i32
      %rem3A = arith.remsi %scan3A_173, %jit3A : i32
      %ne3A_188 = arith.constant 0 : i32
      %ne3A_189 = arith.cmpi ne, %rem3A, %ne3A_188 : i32
      %and3A = arith.andi %ne3A, %ne3A_189 : i1
      %sub3A = arith.constant 1 : i32
      %sub3A_190 = arith.subi %div3A, %sub3A : i32
      %select_n3A = arith.select %and3A, %sub3A_190, %div3A : i32
      %jit3A_191 = arith.constant 8 : i32
      %eq3A = arith.constant 0 : i32
      %eq3A_192 = arith.cmpi eq, %jit3A_191, %eq3A : i32
      %jit3A_193 = arith.constant 1 : i32
      %select_n3A_194 = arith.select %eq3A_192, %jit3A_193, %jit3A_191 : i32
      %rem3A_195 = arith.remsi %scan3A_173, %select_n3A_194 : i32
      %ne3A_196 = arith.constant 0 : i32
      %ne3A_197 = arith.cmpi ne, %rem3A_195, %ne3A_196 : i32
      %lt3A = arith.constant 0 : i32
      %lt3A_198 = arith.cmpi slt, %rem3A_195, %lt3A : i32
      %lt3A_199 = arith.constant 0 : i32
      %lt3A_200 = arith.cmpi slt, %select_n3A_194, %lt3A_199 : i32
      %ne3A_201 = arith.xori %lt3A_198, %lt3A_200 : i1
      %and3A_202 = arith.andi %ne3A_201, %ne3A_197 : i1
      %add3A_203 = arith.addi %rem3A_195, %select_n3A_194 : i32
      %select_n3A_204 = arith.select %and3A_202, %add3A_203, %rem3A_195 : i32
      %mul3A_205 = arith.constant 16 : i32
      %mul3A_206 = arith.muli %select_n3A_204, %mul3A_205 : i32
      %broadcast_in_dim3A = arith.constant 0.000000e+00 : f32
      %broadcast_in_dim3A_207 = vector.broadcast %broadcast_in_dim3A : f32 to vector<16xf32>
      %swap3A = arith.index_cast %select_n3A : i32 to index
      %swap3A_208 = arith.index_cast %mul3A_206 : i32 to index
      %swap3A_209 = tpu.vector_load %arg11[%swap3A, %swap3A_208] {strides = array<i32>} : memref<112x128xf32, #tpu.memory_space<vmem>>, vector<1x16xf32>,
      %swap3A_210 = vector.shape_cast %swap3A_209 : vector<1x16xf32> to vector<16xf32>
      %swap3A_211 = vector.shape_cast %broadcast_in_dim3A_207 : vector<16xf32> to vector<1x16xf32>
      tpu.vector_store %arg11[%swap3A, %swap3A_208], %swap3A_211 {strides = array<i32>} : memref<112x128xf32, #tpu.memory_space<vmem>>, vector<1x16xf32>,
      %scan3A_212 = arith.constant 0 : i32
      scf.yield %scan3A_212 : i32
    }
    %scan3A_6 = arith.constant 896 : i32
    %mul3A_7 = arith.constant 672 : i32
    %mul3A_8 = arith.muli %arg1, %mul3A_7 : i32
    %add3A_9 = arith.constant 0 : i32
    %add3A_10 = arith.addi %mul3A_8, %add3A_9 : i32
    %dma_start3A = arith.constant 0 : i32
    %dma_start3A_11 = tpu.memref_slice %arg16[%add3A_10, %dma_start3A] : memref<10752x128xf32, #tpu.memory_space<vmem_shared>> -> memref<112x128xf32, #tpu.memory_space<vmem_shared>>
    %dma_start3A_12 = arith.constant 0 : i32
    %dma_start3A_13 = tpu.memref_slice %arg16[%add3A_10, %dma_start3A_12] : memref<10752x128xf32, #tpu.memory_space<vmem_shared>> -> memref<112x128xf32, #tpu.memory_space<vmem_shared>>
    tpu.enqueue_dma source(%arg11 : memref<112x128xf32, #tpu.memory_space<vmem>>) target(%dma_start3A_13 : memref<112x128xf32, #tpu.memory_space<vmem_shared>>) target_semaphore(%arg17 : memref<!tpu.dma_semaphore, #tpu.memory_space<semaphore_mem>>)
    %add3A_14 = arith.constant 112 : i32
    %add3A_15 = arith.addi %mul3A_8, %add3A_14 : i32
    %dma_start3A_16 = arith.constant 0 : i32
    %dma_start3A_17 = tpu.memref_slice %arg16[%add3A_15, %dma_start3A_16] : memref<10752x128xf32, #tpu.memory_space<vmem_shared>> -> memref<112x128xf32, #tpu.memory_space<vmem_shared>>
    %dma_start3A_18 = arith.constant 0 : i32
    %dma_start3A_19 = tpu.memref_slice %arg16[%add3A_15, %dma_start3A_18] : memref<10752x128xf32, #tpu.memory_space<vmem_shared>> -> memref<112x128xf32, #tpu.memory_space<vmem_shared>>
    tpu.enqueue_dma source(%arg11 : memref<112x128xf32, #tpu.memory_space<vmem>>) target(%dma_start3A_19 : memref<112x128xf32, #tpu.memory_space<vmem_shared>>) target_semaphore(%arg17 : memref<!tpu.dma_semaphore, #tpu.memory_space<semaphore_mem>>)
    %add3A_20 = arith.constant 224 : i32
    %add3A_21 = arith.addi %mul3A_8, %add3A_20 : i32
    %dma_start3A_22 = arith.constant 0 : i32
    %dma_start3A_23 = tpu.memref_slice %arg16[%add3A_21, %dma_start3A_22] : memref<10752x128xf32, #tpu.memory_space<vmem_shared>> -> memref<112x128xf32, #tpu.memory_space<vmem_shared>>
    %dma_start3A_24 = arith.constant 0 : i32
    %dma_start3A_25 = tpu.memref_slice %arg16[%add3A_21, %dma_start3A_24] : memref<10752x128xf32, #tpu.memory_space<vmem_shared>> -> memref<112x128xf32, #tpu.memory_space<vmem_shared>>
    tpu.enqueue_dma source(%arg11 : memref<112x128xf32, #tpu.memory_space<vmem>>) target(%dma_start3A_25 : memref<112x128xf32, #tpu.memory_space<vmem_shared>>) target_semaphore(%arg17 : memref<!tpu.dma_semaphore, #tpu.memory_space<semaphore_mem>>)
    %add3A_26 = arith.constant 336 : i32
    %add3A_27 = arith.addi %mul3A_8, %add3A_26 : i32
    %dma_start3A_28 = arith.constant 0 : i32
    %dma_start3A_29 = tpu.memref_slice %arg16[%add3A_27, %dma_start3A_28] : memref<10752x128xf32, #tpu.memory_space<vmem_shared>> -> memref<112x128xf32, #tpu.memory_space<vmem_shared>>
    %dma_start3A_30 = arith.constant 0 : i32
    %dma_start3A_31 = tpu.memref_slice %arg16[%add3A_27, %dma_start3A_30] : memref<10752x128xf32, #tpu.memory_space<vmem_shared>> -> memref<112x128xf32, #tpu.memory_space<vmem_shared>>
    tpu.enqueue_dma source(%arg11 : memref<112x128xf32, #tpu.memory_space<vmem>>) target(%dma_start3A_31 : memref<112x128xf32, #tpu.memory_space<vmem_shared>>) target_semaphore(%arg17 : memref<!tpu.dma_semaphore, #tpu.memory_space<semaphore_mem>>)
    %add3A_32 = arith.constant 448 : i32
    %add3A_33 = arith.addi %mul3A_8, %add3A_32 : i32
    %dma_start3A_34 = arith.constant 0 : i32
    %dma_start3A_35 = tpu.memref_slice %arg16[%add3A_33, %dma_start3A_34] : memref<10752x128xf32, #tpu.memory_space<vmem_shared>> -> memref<112x128xf32, #tpu.memory_space<vmem_shared>>
    %dma_start3A_36 = arith.constant 0 : i32
    %dma_start3A_37 = tpu.memref_slice %arg16[%add3A_33, %dma_start3A_36] : memref<10752x128xf32, #tpu.memory_space<vmem_shared>> -> memref<112x128xf32, #tpu.memory_space<vmem_shared>>
    tpu.enqueue_dma source(%arg11 : memref<112x128xf32, #tpu.memory_space<vmem>>) target(%dma_start3A_37 : memref<112x128xf32, #tpu.memory_space<vmem_shared>>) target_semaphore(%arg17 : memref<!tpu.dma_semaphore, #tpu.memory_space<semaphore_mem>>)
    %add3A_38 = arith.constant 560 : i32
    %add3A_39 = arith.addi %mul3A_8, %add3A_38 : i32
    %dma_start3A_40 = arith.constant 0 : i32
    %dma_start3A_41 = tpu.memref_slice %arg16[%add3A_39, %dma_start3A_40] : memref<10752x128xf32, #tpu.memory_space<vmem_shared>> -> memref<112x128xf32, #tpu.memory_space<vmem_shared>>
    %dma_start3A_42 = arith.constant 0 : i32
    %dma_start3A_43 = tpu.memref_slice %arg16[%add3A_39, %dma_start3A_42] : memref<10752x128xf32, #tpu.memory_space<vmem_shared>> -> memref<112x128xf32, #tpu.memory_space<vmem_shared>>
    tpu.enqueue_dma source(%arg11 : memref<112x128xf32, #tpu.memory_space<vmem>>) target(%dma_start3A_43 : memref<112x128xf32, #tpu.memory_space<vmem_shared>>) target_semaphore(%arg17 : memref<!tpu.dma_semaphore, #tpu.memory_space<semaphore_mem>>)
    %dma_wait3A = arith.constant 0 : i32
    %dma_wait3A_44 = tpu.memref_slice %arg16[%add3A_10, %dma_wait3A] : memref<10752x128xf32, #tpu.memory_space<vmem_shared>> -> memref<112x128xf32, #tpu.memory_space<vmem_shared>>
    %dma_wait3A_45 = arith.constant 0 : i32
    %dma_wait3A_46 = tpu.memref_slice %arg16[%add3A_10, %dma_wait3A_45] : memref<10752x128xf32, #tpu.memory_space<vmem_shared>> -> memref<112x128xf32, #tpu.memory_space<vmem_shared>>
    tpu.wait_dma2 semaphore(%arg17 : memref<!tpu.dma_semaphore, #tpu.memory_space<semaphore_mem>>) src(%arg11 : memref<112x128xf32, #tpu.memory_space<vmem>>) dst(%dma_wait3A_46 : memref<112x128xf32, #tpu.memory_space<vmem_shared>>)
    %dma_wait3A_47 = arith.constant 0 : i32
    %dma_wait3A_48 = tpu.memref_slice %arg16[%add3A_15, %dma_wait3A_47] : memref<10752x128xf32, #tpu.memory_space<vmem_shared>> -> memref<112x128xf32, #tpu.memory_space<vmem_shared>>
    %dma_wait3A_49 = arith.constant 0 : i32
    %dma_wait3A_50 = tpu.memref_slice %arg16[%add3A_15, %dma_wait3A_49] : memref<10752x128xf32, #tpu.memory_space<vmem_shared>> -> memref<112x128xf32, #tpu.memory_space<vmem_shared>>
    tpu.wait_dma2 semaphore(%arg17 : memref<!tpu.dma_semaphore, #tpu.memory_space<semaphore_mem>>) src(%arg11 : memref<112x128xf32, #tpu.memory_space<vmem>>) dst(%dma_wait3A_50 : memref<112x128xf32, #tpu.memory_space<vmem_shared>>)
    %dma_wait3A_51 = arith.constant 0 : i32
    %dma_wait3A_52 = tpu.memref_slice %arg16[%add3A_21, %dma_wait3A_51] : memref<10752x128xf32, #tpu.memory_space<vmem_shared>> -> memref<112x128xf32, #tpu.memory_space<vmem_shared>>
    %dma_wait3A_53 = arith.constant 0 : i32
    %dma_wait3A_54 = tpu.memref_slice %arg16[%add3A_21, %dma_wait3A_53] : memref<10752x128xf32, #tpu.memory_space<vmem_shared>> -> memref<112x128xf32, #tpu.memory_space<vmem_shared>>
    tpu.wait_dma2 semaphore(%arg17 : memref<!tpu.dma_semaphore, #tpu.memory_space<semaphore_mem>>) src(%arg11 : memref<112x128xf32, #tpu.memory_space<vmem>>) dst(%dma_wait3A_54 : memref<112x128xf32, #tpu.memory_space<vmem_shared>>)
    %dma_wait3A_55 = arith.constant 0 : i32
    %dma_wait3A_56 = tpu.memref_slice %arg16[%add3A_27, %dma_wait3A_55] : memref<10752x128xf32, #tpu.memory_space<vmem_shared>> -> memref<112x128xf32, #tpu.memory_space<vmem_shared>>
    %dma_wait3A_57 = arith.constant 0 : i32
    %dma_wait3A_58 = tpu.memref_slice %arg16[%add3A_27, %dma_wait3A_57] : memref<10752x128xf32, #tpu.memory_space<vmem_shared>> -> memref<112x128xf32, #tpu.memory_space<vmem_shared>>
    tpu.wait_dma2 semaphore(%arg17 : memref<!tpu.dma_semaphore, #tpu.memory_space<semaphore_mem>>) src(%arg11 : memref<112x128xf32, #tpu.memory_space<vmem>>) dst(%dma_wait3A_58 : memref<112x128xf32, #tpu.memory_space<vmem_shared>>)
    %dma_wait3A_59 = arith.constant 0 : i32
    %dma_wait3A_60 = tpu.memref_slice %arg16[%add3A_33, %dma_wait3A_59] : memref<10752x128xf32, #tpu.memory_space<vmem_shared>> -> memref<112x128xf32, #tpu.memory_space<vmem_shared>>
    %dma_wait3A_61 = arith.constant 0 : i32
    %dma_wait3A_62 = tpu.memref_slice %arg16[%add3A_33, %dma_wait3A_61] : memref<10752x128xf32, #tpu.memory_space<vmem_shared>> -> memref<112x128xf32, #tpu.memory_space<vmem_shared>>
    tpu.wait_dma2 semaphore(%arg17 : memref<!tpu.dma_semaphore, #tpu.memory_space<semaphore_mem>>) src(%arg11 : memref<112x128xf32, #tpu.memory_space<vmem>>) dst(%dma_wait3A_62 : memref<112x128xf32, #tpu.memory_space<vmem_shared>>)
    %dma_wait3A_63 = arith.constant 0 : i32
    %dma_wait3A_64 = tpu.memref_slice %arg16[%add3A_39, %dma_wait3A_63] : memref<10752x128xf32, #tpu.memory_space<vmem_shared>> -> memref<112x128xf32, #tpu.memory_space<vmem_shared>>
    %dma_wait3A_65 = arith.constant 0 : i32
    %dma_wait3A_66 = tpu.memref_slice %arg16[%add3A_39, %dma_wait3A_65] : memref<10752x128xf32, #tpu.memory_space<vmem_shared>> -> memref<112x128xf32, #tpu.memory_space<vmem_shared>>
    tpu.wait_dma2 semaphore(%arg17 : memref<!tpu.dma_semaphore, #tpu.memory_space<semaphore_mem>>) src(%arg11 : memref<112x128xf32, #tpu.memory_space<vmem>>) dst(%dma_wait3A_66 : memref<112x128xf32, #tpu.memory_space<vmem_shared>>)
    %barrier3A = arith.constant 0 : index
    tpu.barrier barrier_id(%barrier3A)
    %scan3A_67 = arith.constant 0 : i32
    %scan3A_68 = arith.constant 0 : i32
    %scan3A_69 = arith.constant 3 : i32
    %scan3A_70 = arith.addi %scan3A_68, %scan3A_69 : i32
    %scan3A_71 = arith.constant 1 : i32
    %scan3A_72 = scf.for %scan3A_173 = %scan3A_68 to %scan3A_70 step %scan3A_71 iter_args(%scan3A_174 = %scan3A_67) -> (i32)  : i32 {
      %mul3A_175 = arith.constant 3 : i32
      %mul3A_176 = arith.muli %add3A, %mul3A_175 : i32
      %add3A_177 = arith.addi %mul3A_176, %scan3A_173 : i32
      %mul3A_178 = arith.constant 112 : i32
      %mul3A_179 = arith.muli %add3A_177, %mul3A_178 : i32
      "tpu.region"() ({
        %run_scoped3A = tpu.sem_alloc : memref<!tpu.dma_semaphore, #tpu.memory_space<semaphore_mem>>
        %dma_start3A_193 = tpu.memref_slice %arg4[%mul3A_179] : memref<10752xi32, #tpu.memory_space<hbm>> -> memref<112xi32, #tpu.memory_space<hbm>>
        %dma_start3A_194 = tpu.memref_slice %arg4[%mul3A_179] : memref<10752xi32, #tpu.memory_space<hbm>> -> memref<112xi32, #tpu.memory_space<hbm>>
        tpu.enqueue_dma source(%dma_start3A_194 : memref<112xi32, #tpu.memory_space<hbm>>) target(%arg10 : memref<112xi32, #tpu.memory_space<vmem>>) target_semaphore(%run_scoped3A : memref<!tpu.dma_semaphore, #tpu.memory_space<semaphore_mem>>)
        %dma_wait3A_195 = tpu.memref_slice %arg4[%mul3A_179] : memref<10752xi32, #tpu.memory_space<hbm>> -> memref<112xi32, #tpu.memory_space<hbm>>
        %dma_wait3A_196 = tpu.memref_slice %arg4[%mul3A_179] : memref<10752xi32, #tpu.memory_space<hbm>> -> memref<112xi32, #tpu.memory_space<hbm>>
        tpu.wait_dma2 semaphore(%run_scoped3A : memref<!tpu.dma_semaphore, #tpu.memory_space<semaphore_mem>>) src(%dma_wait3A_196 : memref<112xi32, #tpu.memory_space<hbm>>) dst(%arg10 : memref<112xi32, #tpu.memory_space<vmem>>)
        tpu.yield
      }) : () -> ()
      %dma_start3A_180 = arith.constant 0 : i32
      %dma_start3A_181 = arith.constant 0 : i32
      %dma_start3A_182 = tpu.memref_slice %arg2[%dma_start3A_180, %dma_start3A_181] : memref<1000x128xf32, #tpu.memory_space<hbm>> -> memref<1000x128xf32, #tpu.memory_space<hbm>>
      tpu.enqueue_indirect_dma source(%dma_start3A_182 : memref<1000x128xf32, #tpu.memory_space<hbm>>) target(%arg11 : memref<112x128xf32, #tpu.memory_space<vmem>>) offsets(%arg10 : memref<112xi32, #tpu.memory_space<vmem>>) semaphore(%arg17 : memref<!tpu.dma_semaphore, #tpu.memory_space<semaphore_mem>>)
      %dma_wait3A_183 = arith.constant 0 : i32
      %dma_wait3A_184 = arith.constant 0 : i32
      %dma_wait3A_185 = tpu.memref_slice %arg2[%dma_wait3A_183, %dma_wait3A_184] : memref<1000x128xf32, #tpu.memory_space<hbm>> -> memref<1000x128xf32, #tpu.memory_space<hbm>>
      tpu.wait_indirect_dma semaphore(%arg17 : memref<!tpu.dma_semaphore, #tpu.memory_space<semaphore_mem>>) src(%dma_wait3A_185 : memref<1000x128xf32, #tpu.memory_space<hbm>>) dst(%arg11 : memref<112x128xf32, #tpu.memory_space<vmem>>)
      "tpu.region"() ({
        %run_scoped3A = tpu.sem_alloc : memref<!tpu.dma_semaphore, #tpu.memory_space<semaphore_mem>>
        %dma_start3A_193 = arith.constant 0 : i32
        %dma_start3A_194 = tpu.memref_slice %arg7[%mul3A_179, %dma_start3A_193] : memref<10752x128xf32, #tpu.memory_space<hbm>> -> memref<112x128xf32, #tpu.memory_space<hbm>>
        %dma_start3A_195 = arith.constant 0 : i32
        %dma_start3A_196 = tpu.memref_slice %arg7[%mul3A_179, %dma_start3A_195] : memref<10752x128xf32, #tpu.memory_space<hbm>> -> memref<112x128xf32, #tpu.memory_space<hbm>>
        tpu.enqueue_dma source(%arg11 : memref<112x128xf32, #tpu.memory_space<vmem>>) target(%dma_start3A_196 : memref<112x128xf32, #tpu.memory_space<hbm>>) target_semaphore(%run_scoped3A : memref<!tpu.dma_semaphore, #tpu.memory_space<semaphore_mem>>)
        %dma_wait3A_197 = arith.constant 0 : i32
        %dma_wait3A_198 = tpu.memref_slice %arg7[%mul3A_179, %dma_wait3A_197] : memref<10752x128xf32, #tpu.memory_space<hbm>> -> memref<112x128xf32, #tpu.memory_space<hbm>>
        %dma_wait3A_199 = arith.constant 0 : i32
        %dma_wait3A_200 = tpu.memref_slice %arg7[%mul3A_179, %dma_wait3A_199] : memref<10752x128xf32, #tpu.memory_space<hbm>> -> memref<112x128xf32, #tpu.memory_space<hbm>>
        tpu.wait_dma2 semaphore(%run_scoped3A : memref<!tpu.dma_semaphore, #tpu.memory_space<semaphore_mem>>) src(%arg11 : memref<112x128xf32, #tpu.memory_space<vmem>>) dst(%dma_wait3A_200 : memref<112x128xf32, #tpu.memory_space<hbm>>)
        tpu.yield
      }) : () -> ()
      "tpu.region"() ({
        %run_scoped3A = tpu.sem_alloc : memref<!tpu.dma_semaphore, #tpu.memory_space<semaphore_mem>>
        %dma_start3A_193 = tpu.memref_slice %arg5[%mul3A_179] : memref<10752xi32, #tpu.memory_space<hbm>> -> memref<112xi32, #tpu.memory_space<hbm>>
        %dma_start3A_194 = tpu.memref_slice %arg5[%mul3A_179] : memref<10752xi32, #tpu.memory_space<hbm>> -> memref<112xi32, #tpu.memory_space<hbm>>
        tpu.enqueue_dma source(%dma_start3A_194 : memref<112xi32, #tpu.memory_space<hbm>>) target(%arg10 : memref<112xi32, #tpu.memory_space<vmem>>) target_semaphore(%run_scoped3A : memref<!tpu.dma_semaphore, #tpu.memory_space<semaphore_mem>>)
        %dma_wait3A_195 = tpu.memref_slice %arg5[%mul3A_179] : memref<10752xi32, #tpu.memory_space<hbm>> -> memref<112xi32, #tpu.memory_space<hbm>>
        %dma_wait3A_196 = tpu.memref_slice %arg5[%mul3A_179] : memref<10752xi32, #tpu.memory_space<hbm>> -> memref<112xi32, #tpu.memory_space<hbm>>
        tpu.wait_dma2 semaphore(%run_scoped3A : memref<!tpu.dma_semaphore, #tpu.memory_space<semaphore_mem>>) src(%dma_wait3A_196 : memref<112xi32, #tpu.memory_space<hbm>>) dst(%arg10 : memref<112xi32, #tpu.memory_space<vmem>>)
        tpu.yield
      }) : () -> ()
      %dma_start3A_186 = arith.constant 0 : i32
      %dma_start3A_187 = arith.constant 0 : i32
      %dma_start3A_188 = tpu.memref_slice %arg3[%dma_start3A_186, %dma_start3A_187] : memref<1000x128xf32, #tpu.memory_space<hbm>> -> memref<1000x128xf32, #tpu.memory_space<hbm>>
      tpu.enqueue_indirect_dma source(%dma_start3A_188 : memref<1000x128xf32, #tpu.memory_space<hbm>>) target(%arg12 : memref<112x128xf32, #tpu.memory_space<vmem>>) offsets(%arg10 : memref<112xi32, #tpu.memory_space<vmem>>) semaphore(%arg17 : memref<!tpu.dma_semaphore, #tpu.memory_space<semaphore_mem>>)
      %dma_wait3A_189 = arith.constant 0 : i32
      %dma_wait3A_190 = arith.constant 0 : i32
      %dma_wait3A_191 = tpu.memref_slice %arg3[%dma_wait3A_189, %dma_wait3A_190] : memref<1000x128xf32, #tpu.memory_space<hbm>> -> memref<1000x128xf32, #tpu.memory_space<hbm>>
      tpu.wait_indirect_dma semaphore(%arg17 : memref<!tpu.dma_semaphore, #tpu.memory_space<semaphore_mem>>) src(%dma_wait3A_191 : memref<1000x128xf32, #tpu.memory_space<hbm>>) dst(%arg12 : memref<112x128xf32, #tpu.memory_space<vmem>>)
      "tpu.region"() ({
        %run_scoped3A = tpu.sem_alloc : memref<!tpu.dma_semaphore, #tpu.memory_space<semaphore_mem>>
        %dma_start3A_193 = arith.constant 0 : i32
        %dma_start3A_194 = tpu.memref_slice %arg8[%mul3A_179, %dma_start3A_193] : memref<10752x128xf32, #tpu.memory_space<hbm>> -> memref<112x128xf32, #tpu.memory_space<hbm>>
        %dma_start3A_195 = arith.constant 0 : i32
        %dma_start3A_196 = tpu.memref_slice %arg8[%mul3A_179, %dma_start3A_195] : memref<10752x128xf32, #tpu.memory_space<hbm>> -> memref<112x128xf32, #tpu.memory_space<hbm>>
        tpu.enqueue_dma source(%arg12 : memref<112x128xf32, #tpu.memory_space<vmem>>) target(%dma_start3A_196 : memref<112x128xf32, #tpu.memory_space<hbm>>) target_semaphore(%run_scoped3A : memref<!tpu.dma_semaphore, #tpu.memory_space<semaphore_mem>>)
        %dma_wait3A_197 = arith.constant 0 : i32
        %dma_wait3A_198 = tpu.memref_slice %arg8[%mul3A_179, %dma_wait3A_197] : memref<10752x128xf32, #tpu.memory_space<hbm>> -> memref<112x128xf32, #tpu.memory_space<hbm>>
        %dma_wait3A_199 = arith.constant 0 : i32
        %dma_wait3A_200 = tpu.memref_slice %arg8[%mul3A_179, %dma_wait3A_199] : memref<10752x128xf32, #tpu.memory_space<hbm>> -> memref<112x128xf32, #tpu.memory_space<hbm>>
        tpu.wait_dma2 semaphore(%run_scoped3A : memref<!tpu.dma_semaphore, #tpu.memory_space<semaphore_mem>>) src(%arg12 : memref<112x128xf32, #tpu.memory_space<vmem>>) dst(%dma_wait3A_200 : memref<112x128xf32, #tpu.memory_space<hbm>>)
        tpu.yield
      }) : () -> ()
      %scan3A_192 = arith.constant 0 : i32
      scf.yield %scan3A_192 : i32
    }
    %scan3A_73 = arith.constant 3 : i32
    %scan3A_74 = arith.constant 0 : i32
    %scan3A_75 = arith.constant 0 : i32
    %scan3A_76 = arith.constant 896 : i32
    %scan3A_77 = arith.addi %scan3A_75, %scan3A_76 : i32
    %scan3A_78 = arith.constant 1 : i32
    %scan3A_79 = scf.for %scan3A_173 = %scan3A_75 to %scan3A_77 step %scan3A_78 iter_args(%scan3A_174 = %scan3A_74) -> (i32)  : i32 {
      %jit3A = arith.constant 8 : i32
      %div3A = arith.divsi %scan3A_173, %jit3A : i32
      %sign3A = arith.constant 0 : i32
      %sign3A_175 = arith.cmpi sgt, %scan3A_173, %sign3A : i32
      %sign3A_176 = arith.extui %sign3A_175 : i1 to i32
      %sign3A_177 = arith.constant 0 : i32
      %sign3A_178 = arith.cmpi slt, %scan3A_173, %sign3A_177 : i32
      %sign3A_179 = arith.extui %sign3A_178 : i1 to i32
      %sign3A_180 = arith.subi %sign3A_176, %sign3A_179 : i32
      %sign3A_181 = arith.constant 0 : i32
      %sign3A_182 = arith.cmpi sgt, %jit3A, %sign3A_181 : i32
      %sign3A_183 = arith.extui %sign3A_182 : i1 to i32
      %sign3A_184 = arith.constant 0 : i32
      %sign3A_185 = arith.cmpi slt, %jit3A, %sign3A_184 : i32
      %sign3A_186 = arith.extui %sign3A_185 : i1 to i32
      %sign3A_187 = arith.subi %sign3A_183, %sign3A_186 : i32
      %ne3A = arith.cmpi ne, %sign3A_180, %sign3A_187 : i32
      %rem3A = arith.remsi %scan3A_173, %jit3A : i32
      %ne3A_188 = arith.constant 0 : i32
      %ne3A_189 = arith.cmpi ne, %rem3A, %ne3A_188 : i32
      %and3A = arith.andi %ne3A, %ne3A_189 : i1
      %sub3A = arith.constant 1 : i32
      %sub3A_190 = arith.subi %div3A, %sub3A : i32
      %select_n3A = arith.select %and3A, %sub3A_190, %div3A : i32
      %jit3A_191 = arith.constant 8 : i32
      %eq3A = arith.constant 0 : i32
      %eq3A_192 = arith.cmpi eq, %jit3A_191, %eq3A : i32
      %jit3A_193 = arith.constant 1 : i32
      %select_n3A_194 = arith.select %eq3A_192, %jit3A_193, %jit3A_191 : i32
      %rem3A_195 = arith.remsi %scan3A_173, %select_n3A_194 : i32
      %ne3A_196 = arith.constant 0 : i32
      %ne3A_197 = arith.cmpi ne, %rem3A_195, %ne3A_196 : i32
      %lt3A = arith.constant 0 : i32
      %lt3A_198 = arith.cmpi slt, %rem3A_195, %lt3A : i32
      %lt3A_199 = arith.constant 0 : i32
      %lt3A_200 = arith.cmpi slt, %select_n3A_194, %lt3A_199 : i32
      %ne3A_201 = arith.xori %lt3A_198, %lt3A_200 : i1
      %and3A_202 = arith.andi %ne3A_201, %ne3A_197 : i1
      %add3A_203 = arith.addi %rem3A_195, %select_n3A_194 : i32
      %select_n3A_204 = arith.select %and3A_202, %add3A_203, %rem3A_195 : i32
      %mul3A_205 = arith.constant 16 : i32
      %mul3A_206 = arith.muli %select_n3A_204, %mul3A_205 : i32
      %broadcast_in_dim3A = arith.constant 1.000000e+00 : f32
      %broadcast_in_dim3A_207 = vector.broadcast %broadcast_in_dim3A : f32 to vector<16xf32>
      %swap3A = arith.index_cast %select_n3A : i32 to index
      %swap3A_208 = arith.index_cast %mul3A_206 : i32 to index
      %swap3A_209 = tpu.vector_load %arg12[%swap3A, %swap3A_208] {strides = array<i32>} : memref<112x128xf32, #tpu.memory_space<vmem>>, vector<1x16xf32>,
      %swap3A_210 = vector.shape_cast %swap3A_209 : vector<1x16xf32> to vector<16xf32>
      %swap3A_211 = vector.shape_cast %broadcast_in_dim3A_207 : vector<16xf32> to vector<1x16xf32>
      tpu.vector_store %arg12[%swap3A, %swap3A_208], %swap3A_211 {strides = array<i32>} : memref<112x128xf32, #tpu.memory_space<vmem>>, vector<1x16xf32>,
      %scan3A_212 = arith.constant 0 : i32
      scf.yield %scan3A_212 : i32
    }
    %scan3A_80 = arith.constant 896 : i32
    %scan3A_81 = arith.constant 0 : i32
    %scan3A_82 = arith.constant 0 : i32
    %scan3A_83 = arith.constant 30 : i32
    %scan3A_84 = arith.addi %scan3A_82, %scan3A_83 : i32
    %scan3A_85 = arith.constant 1 : i32
    %scan3A_86 = scf.for %scan3A_173 = %scan3A_82 to %scan3A_84 step %scan3A_85 iter_args(%scan3A_174 = %scan3A_81) -> (i32)  : i32 {
      %mul3A_175 = arith.constant 10080 : i32
      %mul3A_176 = arith.muli %add3A, %mul3A_175 : i32
      %mul3A_177 = arith.constant 3 : i32
      %mul3A_178 = arith.muli %scan3A_173, %mul3A_177 : i32
      %mul3A_179 = arith.constant 112 : i32
      %mul3A_180 = arith.muli %mul3A_178, %mul3A_179 : i32
      %add3A_181 = arith.addi %mul3A_176, %mul3A_180 : i32
      %add3A_182 = arith.constant 0 : i32
      %add3A_183 = arith.addi %add3A_181, %add3A_182 : i32
      %dma_start3A_184 = tpu.memref_slice %arg6[%add3A_183] : memref<322560xi32, #tpu.memory_space<hbm>> -> memref<112xi32, #tpu.memory_space<hbm>>
      %dma_start3A_185 = tpu.memref_slice %arg6[%add3A_183] : memref<322560xi32, #tpu.memory_space<hbm>> -> memref<112xi32, #tpu.memory_space<hbm>>
      tpu.enqueue_dma source(%dma_start3A_185 : memref<112xi32, #tpu.memory_space<hbm>>) target(%arg13 : memref<112xi32, #tpu.memory_space<vmem>>) target_semaphore(%arg18 : memref<!tpu.dma_semaphore, #tpu.memory_space<semaphore_mem>>)
      %add3A_186 = arith.constant 112 : i32
      %add3A_187 = arith.addi %add3A_181, %add3A_186 : i32
      %dma_start3A_188 = tpu.memref_slice %arg6[%add3A_187] : memref<322560xi32, #tpu.memory_space<hbm>> -> memref<112xi32, #tpu.memory_space<hbm>>
      %dma_start3A_189 = tpu.memref_slice %arg6[%add3A_187] : memref<322560xi32, #tpu.memory_space<hbm>> -> memref<112xi32, #tpu.memory_space<hbm>>
      tpu.enqueue_dma source(%dma_start3A_189 : memref<112xi32, #tpu.memory_space<hbm>>) target(%arg14 : memref<112xi32, #tpu.memory_space<vmem>>) target_semaphore(%arg19 : memref<!tpu.dma_semaphore, #tpu.memory_space<semaphore_mem>>)
      %add3A_190 = arith.constant 224 : i32
      %add3A_191 = arith.addi %add3A_181, %add3A_190 : i32
      %dma_start3A_192 = tpu.memref_slice %arg6[%add3A_191] : memref<322560xi32, #tpu.memory_space<hbm>> -> memref<112xi32, #tpu.memory_space<hbm>>
      %dma_start3A_193 = tpu.memref_slice %arg6[%add3A_191] : memref<322560xi32, #tpu.memory_space<hbm>> -> memref<112xi32, #tpu.memory_space<hbm>>
      tpu.enqueue_dma source(%dma_start3A_193 : memref<112xi32, #tpu.memory_space<hbm>>) target(%arg15 : memref<112xi32, #tpu.memory_space<vmem>>) target_semaphore(%arg20 : memref<!tpu.dma_semaphore, #tpu.memory_space<semaphore_mem>>)
      %dma_wait3A_194 = tpu.memref_slice %arg6[%add3A_183] : memref<322560xi32, #tpu.memory_space<hbm>> -> memref<112xi32, #tpu.memory_space<hbm>>
      %dma_wait3A_195 = tpu.memref_slice %arg6[%add3A_183] : memref<322560xi32, #tpu.memory_space<hbm>> -> memref<112xi32, #tpu.memory_space<hbm>>
      tpu.wait_dma2 semaphore(%arg18 : memref<!tpu.dma_semaphore, #tpu.memory_space<semaphore_mem>>) src(%dma_wait3A_195 : memref<112xi32, #tpu.memory_space<hbm>>) dst(%arg13 : memref<112xi32, #tpu.memory_space<vmem>>)
      %dma_start3A_196 = arith.constant 0 : i32
      %dma_start3A_197 = arith.constant 0 : i32
      %dma_start3A_198 = tpu.memref_slice %arg16[%dma_start3A_196, %dma_start3A_197] : memref<10752x128xf32, #tpu.memory_space<vmem_shared>> -> memref<10752x128xf32, #tpu.memory_space<vmem_shared>>
      tpu.enqueue_indirect_dma source(%arg12 : memref<112x128xf32, #tpu.memory_space<vmem>>) target(%dma_start3A_198 : memref<10752x128xf32, #tpu.memory_space<vmem_shared>>) offsets(%arg13 : memref<112xi32, #tpu.memory_space<vmem>>) semaphore(%arg21 : memref<!tpu.dma_semaphore, #tpu.memory_space<semaphore_mem>>) {add = true}
      %dma_wait3A_199 = tpu.memref_slice %arg6[%add3A_187] : memref<322560xi32, #tpu.memory_space<hbm>> -> memref<112xi32, #tpu.memory_space<hbm>>
      %dma_wait3A_200 = tpu.memref_slice %arg6[%add3A_187] : memref<322560xi32, #tpu.memory_space<hbm>> -> memref<112xi32, #tpu.memory_space<hbm>>
      tpu.wait_dma2 semaphore(%arg19 : memref<!tpu.dma_semaphore, #tpu.memory_space<semaphore_mem>>) src(%dma_wait3A_200 : memref<112xi32, #tpu.memory_space<hbm>>) dst(%arg14 : memref<112xi32, #tpu.memory_space<vmem>>)
      %dma_start3A_201 = arith.constant 0 : i32
      %dma_start3A_202 = arith.constant 0 : i32
      %dma_start3A_203 = tpu.memref_slice %arg16[%dma_start3A_201, %dma_start3A_202] : memref<10752x128xf32, #tpu.memory_space<vmem_shared>> -> memref<10752x128xf32, #tpu.memory_space<vmem_shared>>
      tpu.enqueue_indirect_dma source(%arg12 : memref<112x128xf32, #tpu.memory_space<vmem>>) target(%dma_start3A_203 : memref<10752x128xf32, #tpu.memory_space<vmem_shared>>) offsets(%arg14 : memref<112xi32, #tpu.memory_space<vmem>>) semaphore(%arg22 : memref<!tpu.dma_semaphore, #tpu.memory_space<semaphore_mem>>) {add = true}
      %dma_wait3A_204 = tpu.memref_slice %arg6[%add3A_191] : memref<322560xi32, #tpu.memory_space<hbm>> -> memref<112xi32, #tpu.memory_space<hbm>>
      %dma_wait3A_205 = tpu.memref_slice %arg6[%add3A_191] : memref<322560xi32, #tpu.memory_space<hbm>> -> memref<112xi32, #tpu.memory_space<hbm>>
      tpu.wait_dma2 semaphore(%arg20 : memref<!tpu.dma_semaphore, #tpu.memory_space<semaphore_mem>>) src(%dma_wait3A_205 : memref<112xi32, #tpu.memory_space<hbm>>) dst(%arg15 : memref<112xi32, #tpu.memory_space<vmem>>)
      %dma_start3A_206 = arith.constant 0 : i32
      %dma_start3A_207 = arith.constant 0 : i32
      %dma_start3A_208 = tpu.memref_slice %arg16[%dma_start3A_206, %dma_start3A_207] : memref<10752x128xf32, #tpu.memory_space<vmem_shared>> -> memref<10752x128xf32, #tpu.memory_space<vmem_shared>>
      tpu.enqueue_indirect_dma source(%arg12 : memref<112x128xf32, #tpu.memory_space<vmem>>) target(%dma_start3A_208 : memref<10752x128xf32, #tpu.memory_space<vmem_shared>>) offsets(%arg15 : memref<112xi32, #tpu.memory_space<vmem>>) semaphore(%arg23 : memref<!tpu.dma_semaphore, #tpu.memory_space<semaphore_mem>>) {add = true}
      %dma_wait3A_209 = arith.constant 0 : i32
      %dma_wait3A_210 = arith.constant 0 : i32
      %dma_wait3A_211 = tpu.memref_slice %arg16[%dma_wait3A_209, %dma_wait3A_210] : memref<10752x128xf32, #tpu.memory_space<vmem_shared>> -> memref<10752x128xf32, #tpu.memory_space<vmem_shared>>
      tpu.wait_indirect_dma semaphore(%arg21 : memref<!tpu.dma_semaphore, #tpu.memory_space<semaphore_mem>>) src(%arg12 : memref<112x128xf32, #tpu.memory_space<vmem>>) dst(%dma_wait3A_211 : memref<10752x128xf32, #tpu.memory_space<vmem_shared>>)
      %dma_wait3A_212 = arith.constant 0 : i32
      %dma_wait3A_213 = arith.constant 0 : i32
      %dma_wait3A_214 = tpu.memref_slice %arg16[%dma_wait3A_212, %dma_wait3A_213] : memref<10752x128xf32, #tpu.memory_space<vmem_shared>> -> memref<10752x128xf32, #tpu.memory_space<vmem_shared>>
      tpu.wait_indirect_dma semaphore(%arg22 : memref<!tpu.dma_semaphore, #tpu.memory_space<semaphore_mem>>) src(%arg12 : memref<112x128xf32, #tpu.memory_space<vmem>>) dst(%dma_wait3A_214 : memref<10752x128xf32, #tpu.memory_space<vmem_shared>>)
      %dma_wait3A_215 = arith.constant 0 : i32
      %dma_wait3A_216 = arith.constant 0 : i32
      %dma_wait3A_217 = tpu.memref_slice %arg16[%dma_wait3A_215, %dma_wait3A_216] : memref<10752x128xf32, #tpu.memory_space<vmem_shared>> -> memref<10752x128xf32, #tpu.memory_space<vmem_shared>>
      tpu.wait_indirect_dma semaphore(%arg23 : memref<!tpu.dma_semaphore, #tpu.memory_space<semaphore_mem>>) src(%arg12 : memref<112x128xf32, #tpu.memory_space<vmem>>) dst(%dma_wait3A_217 : memref<10752x128xf32, #tpu.memory_space<vmem_shared>>)
      %scan3A_218 = arith.constant 0 : i32
      scf.yield %scan3A_218 : i32
    }
    %scan3A_87 = arith.constant 30 : i32
    %barrier3A_88 = arith.constant 0 : index
    tpu.barrier barrier_id(%barrier3A_88)
    %add3A_89 = arith.constant 0 : i32
    %add3A_90 = arith.addi %mul3A_8, %add3A_89 : i32
    %add3A_91 = arith.constant 0 : i32
    %add3A_92 = arith.addi %mul3A_8, %add3A_91 : i32
    %dma_start3A_93 = arith.constant 0 : i32
    %dma_start3A_94 = tpu.memref_slice %arg9[%arg0, %add3A_92, %dma_start3A_93] : memref<2x10752x128xf32, #tpu.memory_space<hbm>> -> memref<1x112x128xf32, #tpu.memory_space<hbm>>
    %dma_start3A_95 = tpu.memref_squeeze %dma_start3A_94 : memref<1x112x128xf32, #tpu.memory_space<hbm>> -> memref<112x128xf32, #tpu.memory_space<hbm>>
    %dma_start3A_96 = arith.constant 0 : i32
    %dma_start3A_97 = tpu.memref_slice %arg16[%add3A_90, %dma_start3A_96] : memref<10752x128xf32, #tpu.memory_space<vmem_shared>> -> memref<112x128xf32, #tpu.memory_space<vmem_shared>>
    tpu.enqueue_dma source(%dma_start3A_97 : memref<112x128xf32, #tpu.memory_space<vmem_shared>>) target(%dma_start3A_95 : memref<112x128xf32, #tpu.memory_space<hbm>>) target_semaphore(%arg17 : memref<!tpu.dma_semaphore, #tpu.memory_space<semaphore_mem>>)
    %add3A_98 = arith.constant 112 : i32
    %add3A_99 = arith.addi %mul3A_8, %add3A_98 : i32
    %add3A_100 = arith.constant 112 : i32
    %add3A_101 = arith.addi %mul3A_8, %add3A_100 : i32
    %dma_start3A_102 = arith.constant 0 : i32
    %dma_start3A_103 = tpu.memref_slice %arg9[%arg0, %add3A_101, %dma_start3A_102] : memref<2x10752x128xf32, #tpu.memory_space<hbm>> -> memref<1x112x128xf32, #tpu.memory_space<hbm>>
    %dma_start3A_104 = tpu.memref_squeeze %dma_start3A_103 : memref<1x112x128xf32, #tpu.memory_space<hbm>> -> memref<112x128xf32, #tpu.memory_space<hbm>>
    %dma_start3A_105 = arith.constant 0 : i32
    %dma_start3A_106 = tpu.memref_slice %arg16[%add3A_99, %dma_start3A_105] : memref<10752x128xf32, #tpu.memory_space<vmem_shared>> -> memref<112x128xf32, #tpu.memory_space<vmem_shared>>
    tpu.enqueue_dma source(%dma_start3A_106 : memref<112x128xf32, #tpu.memory_space<vmem_shared>>) target(%dma_start3A_104 : memref<112x128xf32, #tpu.memory_space<hbm>>) target_semaphore(%arg17 : memref<!tpu.dma_semaphore, #tpu.memory_space<semaphore_mem>>)
    %add3A_107 = arith.constant 224 : i32
    %add3A_108 = arith.addi %mul3A_8, %add3A_107 : i32
    %add3A_109 = arith.constant 224 : i32
    %add3A_110 = arith.addi %mul3A_8, %add3A_109 : i32
    %dma_start3A_111 = arith.constant 0 : i32
    %dma_start3A_112 = tpu.memref_slice %arg9[%arg0, %add3A_110, %dma_start3A_111] : memref<2x10752x128xf32, #tpu.memory_space<hbm>> -> memref<1x112x128xf32, #tpu.memory_space<hbm>>
    %dma_start3A_113 = tpu.memref_squeeze %dma_start3A_112 : memref<1x112x128xf32, #tpu.memory_space<hbm>> -> memref<112x128xf32, #tpu.memory_space<hbm>>
    %dma_start3A_114 = arith.constant 0 : i32
    %dma_start3A_115 = tpu.memref_slice %arg16[%add3A_108, %dma_start3A_114] : memref<10752x128xf32, #tpu.memory_space<vmem_shared>> -> memref<112x128xf32, #tpu.memory_space<vmem_shared>>
    tpu.enqueue_dma source(%dma_start3A_115 : memref<112x128xf32, #tpu.memory_space<vmem_shared>>) target(%dma_start3A_113 : memref<112x128xf32, #tpu.memory_space<hbm>>) target_semaphore(%arg17 : memref<!tpu.dma_semaphore, #tpu.memory_space<semaphore_mem>>)
    %add3A_116 = arith.constant 336 : i32
    %add3A_117 = arith.addi %mul3A_8, %add3A_116 : i32
    %add3A_118 = arith.constant 336 : i32
    %add3A_119 = arith.addi %mul3A_8, %add3A_118 : i32
    %dma_start3A_120 = arith.constant 0 : i32
    %dma_start3A_121 = tpu.memref_slice %arg9[%arg0, %add3A_119, %dma_start3A_120] : memref<2x10752x128xf32, #tpu.memory_space<hbm>> -> memref<1x112x128xf32, #tpu.memory_space<hbm>>
    %dma_start3A_122 = tpu.memref_squeeze %dma_start3A_121 : memref<1x112x128xf32, #tpu.memory_space<hbm>> -> memref<112x128xf32, #tpu.memory_space<hbm>>
    %dma_start3A_123 = arith.constant 0 : i32
    %dma_start3A_124 = tpu.memref_slice %arg16[%add3A_117, %dma_start3A_123] : memref<10752x128xf32, #tpu.memory_space<vmem_shared>> -> memref<112x128xf32, #tpu.memory_space<vmem_shared>>
    tpu.enqueue_dma source(%dma_start3A_124 : memref<112x128xf32, #tpu.memory_space<vmem_shared>>) target(%dma_start3A_122 : memref<112x128xf32, #tpu.memory_space<hbm>>) target_semaphore(%arg17 : memref<!tpu.dma_semaphore, #tpu.memory_space<semaphore_mem>>)
    %add3A_125 = arith.constant 448 : i32
    %add3A_126 = arith.addi %mul3A_8, %add3A_125 : i32
    %add3A_127 = arith.constant 448 : i32
    %add3A_128 = arith.addi %mul3A_8, %add3A_127 : i32
    %dma_start3A_129 = arith.constant 0 : i32
    %dma_start3A_130 = tpu.memref_slice %arg9[%arg0, %add3A_128, %dma_start3A_129] : memref<2x10752x128xf32, #tpu.memory_space<hbm>> -> memref<1x112x128xf32, #tpu.memory_space<hbm>>
    %dma_start3A_131 = tpu.memref_squeeze %dma_start3A_130 : memref<1x112x128xf32, #tpu.memory_space<hbm>> -> memref<112x128xf32, #tpu.memory_space<hbm>>
    %dma_start3A_132 = arith.constant 0 : i32
    %dma_start3A_133 = tpu.memref_slice %arg16[%add3A_126, %dma_start3A_132] : memref<10752x128xf32, #tpu.memory_space<vmem_shared>> -> memref<112x128xf32, #tpu.memory_space<vmem_shared>>
    tpu.enqueue_dma source(%dma_start3A_133 : memref<112x128xf32, #tpu.memory_space<vmem_shared>>) target(%dma_start3A_131 : memref<112x128xf32, #tpu.memory_space<hbm>>) target_semaphore(%arg17 : memref<!tpu.dma_semaphore, #tpu.memory_space<semaphore_mem>>)
    %add3A_134 = arith.constant 560 : i32
    %add3A_135 = arith.addi %mul3A_8, %add3A_134 : i32
    %add3A_136 = arith.constant 560 : i32
    %add3A_137 = arith.addi %mul3A_8, %add3A_136 : i32
    %dma_start3A_138 = arith.constant 0 : i32
    %dma_start3A_139 = tpu.memref_slice %arg9[%arg0, %add3A_137, %dma_start3A_138] : memref<2x10752x128xf32, #tpu.memory_space<hbm>> -> memref<1x112x128xf32, #tpu.memory_space<hbm>>
    %dma_start3A_140 = tpu.memref_squeeze %dma_start3A_139 : memref<1x112x128xf32, #tpu.memory_space<hbm>> -> memref<112x128xf32, #tpu.memory_space<hbm>>
    %dma_start3A_141 = arith.constant 0 : i32
    %dma_start3A_142 = tpu.memref_slice %arg16[%add3A_135, %dma_start3A_141] : memref<10752x128xf32, #tpu.memory_space<vmem_shared>> -> memref<112x128xf32, #tpu.memory_space<vmem_shared>>
    tpu.enqueue_dma source(%dma_start3A_142 : memref<112x128xf32, #tpu.memory_space<vmem_shared>>) target(%dma_start3A_140 : memref<112x128xf32, #tpu.memory_space<hbm>>) target_semaphore(%arg17 : memref<!tpu.dma_semaphore, #tpu.memory_space<semaphore_mem>>)
    %dma_wait3A_143 = arith.constant 0 : i32
    %dma_wait3A_144 = tpu.memref_slice %arg9[%arg0, %add3A_92, %dma_wait3A_143] : memref<2x10752x128xf32, #tpu.memory_space<hbm>> -> memref<1x112x128xf32, #tpu.memory_space<hbm>>
    %dma_wait3A_145 = tpu.memref_squeeze %dma_wait3A_144 : memref<1x112x128xf32, #tpu.memory_space<hbm>> -> memref<112x128xf32, #tpu.memory_space<hbm>>
    %dma_wait3A_146 = arith.constant 0 : i32
    %dma_wait3A_147 = tpu.memref_slice %arg16[%add3A_90, %dma_wait3A_146] : memref<10752x128xf32, #tpu.memory_space<vmem_shared>> -> memref<112x128xf32, #tpu.memory_space<vmem_shared>>
    tpu.wait_dma2 semaphore(%arg17 : memref<!tpu.dma_semaphore, #tpu.memory_space<semaphore_mem>>) src(%dma_wait3A_147 : memref<112x128xf32, #tpu.memory_space<vmem_shared>>) dst(%dma_wait3A_145 : memref<112x128xf32, #tpu.memory_space<hbm>>)
    %dma_wait3A_148 = arith.constant 0 : i32
    %dma_wait3A_149 = tpu.memref_slice %arg9[%arg0, %add3A_101, %dma_wait3A_148] : memref<2x10752x128xf32, #tpu.memory_space<hbm>> -> memref<1x112x128xf32, #tpu.memory_space<hbm>>
    %dma_wait3A_150 = tpu.memref_squeeze %dma_wait3A_149 : memref<1x112x128xf32, #tpu.memory_space<hbm>> -> memref<112x128xf32, #tpu.memory_space<hbm>>
    %dma_wait3A_151 = arith.constant 0 : i32
    %dma_wait3A_152 = tpu.memref_slice %arg16[%add3A_99, %dma_wait3A_151] : memref<10752x128xf32, #tpu.memory_space<vmem_shared>> -> memref<112x128xf32, #tpu.memory_space<vmem_shared>>
    tpu.wait_dma2 semaphore(%arg17 : memref<!tpu.dma_semaphore, #tpu.memory_space<semaphore_mem>>) src(%dma_wait3A_152 : memref<112x128xf32, #tpu.memory_space<vmem_shared>>) dst(%dma_wait3A_150 : memref<112x128xf32, #tpu.memory_space<hbm>>)
    %dma_wait3A_153 = arith.constant 0 : i32
    %dma_wait3A_154 = tpu.memref_slice %arg9[%arg0, %add3A_110, %dma_wait3A_153] : memref<2x10752x128xf32, #tpu.memory_space<hbm>> -> memref<1x112x128xf32, #tpu.memory_space<hbm>>
    %dma_wait3A_155 = tpu.memref_squeeze %dma_wait3A_154 : memref<1x112x128xf32, #tpu.memory_space<hbm>> -> memref<112x128xf32, #tpu.memory_space<hbm>>
    %dma_wait3A_156 = arith.constant 0 : i32
    %dma_wait3A_157 = tpu.memref_slice %arg16[%add3A_108, %dma_wait3A_156] : memref<10752x128xf32, #tpu.memory_space<vmem_shared>> -> memref<112x128xf32, #tpu.memory_space<vmem_shared>>
    tpu.wait_dma2 semaphore(%arg17 : memref<!tpu.dma_semaphore, #tpu.memory_space<semaphore_mem>>) src(%dma_wait3A_157 : memref<112x128xf32, #tpu.memory_space<vmem_shared>>) dst(%dma_wait3A_155 : memref<112x128xf32, #tpu.memory_space<hbm>>)
    %dma_wait3A_158 = arith.constant 0 : i32
    %dma_wait3A_159 = tpu.memref_slice %arg9[%arg0, %add3A_119, %dma_wait3A_158] : memref<2x10752x128xf32, #tpu.memory_space<hbm>> -> memref<1x112x128xf32, #tpu.memory_space<hbm>>
    %dma_wait3A_160 = tpu.memref_squeeze %dma_wait3A_159 : memref<1x112x128xf32, #tpu.memory_space<hbm>> -> memref<112x128xf32, #tpu.memory_space<hbm>>
    %dma_wait3A_161 = arith.constant 0 : i32
    %dma_wait3A_162 = tpu.memref_slice %arg16[%add3A_117, %dma_wait3A_161] : memref<10752x128xf32, #tpu.memory_space<vmem_shared>> -> memref<112x128xf32, #tpu.memory_space<vmem_shared>>
    tpu.wait_dma2 semaphore(%arg17 : memref<!tpu.dma_semaphore, #tpu.memory_space<semaphore_mem>>) src(%dma_wait3A_162 : memref<112x128xf32, #tpu.memory_space<vmem_shared>>) dst(%dma_wait3A_160 : memref<112x128xf32, #tpu.memory_space<hbm>>)
    %dma_wait3A_163 = arith.constant 0 : i32
    %dma_wait3A_164 = tpu.memref_slice %arg9[%arg0, %add3A_128, %dma_wait3A_163] : memref<2x10752x128xf32, #tpu.memory_space<hbm>> -> memref<1x112x128xf32, #tpu.memory_space<hbm>>
    %dma_wait3A_165 = tpu.memref_squeeze %dma_wait3A_164 : memref<1x112x128xf32, #tpu.memory_space<hbm>> -> memref<112x128xf32, #tpu.memory_space<hbm>>
    %dma_wait3A_166 = arith.constant 0 : i32
    %dma_wait3A_167 = tpu.memref_slice %arg16[%add3A_126, %dma_wait3A_166] : memref<10752x128xf32, #tpu.memory_space<vmem_shared>> -> memref<112x128xf32, #tpu.memory_space<vmem_shared>>
    tpu.wait_dma2 semaphore(%arg17 : memref<!tpu.dma_semaphore, #tpu.memory_space<semaphore_mem>>) src(%dma_wait3A_167 : memref<112x128xf32, #tpu.memory_space<vmem_shared>>) dst(%dma_wait3A_165 : memref<112x128xf32, #tpu.memory_space<hbm>>)
    %dma_wait3A_168 = arith.constant 0 : i32
    %dma_wait3A_169 = tpu.memref_slice %arg9[%arg0, %add3A_137, %dma_wait3A_168] : memref<2x10752x128xf32, #tpu.memory_space<hbm>> -> memref<1x112x128xf32, #tpu.memory_space<hbm>>
    %dma_wait3A_170 = tpu.memref_squeeze %dma_wait3A_169 : memref<1x112x128xf32, #tpu.memory_space<hbm>> -> memref<112x128xf32, #tpu.memory_space<hbm>>
    %dma_wait3A_171 = arith.constant 0 : i32
    %dma_wait3A_172 = tpu.memref_slice %arg16[%add3A_135, %dma_wait3A_171] : memref<10752x128xf32, #tpu.memory_space<vmem_shared>> -> memref<112x128xf32, #tpu.memory_space<vmem_shared>>
    tpu.wait_dma2 semaphore(%arg17 : memref<!tpu.dma_semaphore, #tpu.memory_space<semaphore_mem>>) src(%dma_wait3A_172 : memref<112x128xf32, #tpu.memory_space<vmem_shared>>) dst(%dma_wait3A_170 : memref<112x128xf32, #tpu.memory_space<hbm>>)
    return
  }
}

#map = affine_map<(d0, d1) -> (0, 0)>
#map1 = affine_map<(d0, d1) -> (0)>
#map2 = affine_map<(d0, d1) -> (0, 0, 0)>
module attributes {stable_mosaic.version = 14 : i64} {
  func.func @scatter_kernel(%arg0: i32, %arg1: i32, %arg2: memref<10752x128xf32, #tpu.memory_space<hbm>>, %arg3: memref<322560xi32, #tpu.memory_space<hbm>>, %arg4: memref<322560xi32, #tpu.memory_space<hbm>>, %arg5: memref<2x10752x128xf32, #tpu.memory_space<hbm>>, %arg6: memref<112xi32, #tpu.memory_space<vmem>>, %arg7: memref<112xi32, #tpu.memory_space<vmem>>, %arg8: memref<112xi32, #tpu.memory_space<vmem>>, %arg9: memref<112xi32, #tpu.memory_space<vmem>>, %arg10: memref<112xi32, #tpu.memory_space<vmem>>, %arg11: memref<112xi32, #tpu.memory_space<vmem>>, %arg12: memref<112x128xf32, #tpu.memory_space<vmem>>, %arg13: memref<112x128xf32, #tpu.memory_space<vmem>>, %arg14: memref<112x128xf32, #tpu.memory_space<vmem>>, %arg15: memref<10752x128xf32, #tpu.memory_space<vmem_shared>>, %arg16: memref<!tpu.dma_semaphore, #tpu.memory_space<semaphore_mem>>, %arg17: memref<!tpu.dma_semaphore, #tpu.memory_space<semaphore_mem>>, %arg18: memref<!tpu.dma_semaphore, #tpu.memory_space<semaphore_mem>>, %arg19: memref<!tpu.dma_semaphore, #tpu.memory_space<semaphore_mem>>, %arg20: memref<!tpu.dma_semaphore, #tpu.memory_space<semaphore_mem>>, %arg21: memref<!tpu.dma_semaphore, #tpu.memory_space<semaphore_mem>>, %arg22: memref<!tpu.dma_semaphore, #tpu.memory_space<semaphore_mem>>, %arg23: memref<!tpu.dma_semaphore, #tpu.memory_space<semaphore_mem>>, %arg24: memref<!tpu.dma_semaphore, #tpu.memory_space<semaphore_mem>>, %arg25: memref<!tpu.dma_semaphore, #tpu.memory_space<semaphore_mem>>, %arg26: memref<!tpu.dma_semaphore, #tpu.memory_space<semaphore_mem>>, %arg27: memref<!tpu.dma_semaphore, #tpu.memory_space<semaphore_mem>>) attributes {dimension_semantics = [#tpu.dimension_semantics<core_parallel>, #tpu.dimension_semantics<subcore_parallel>], iteration_bounds = array<i64: 2, 16>, scalar_prefetch = 0 : i64, scratch_operands = 22 : i64, tpu.core_type = #tpu.core_type<sc_vector_subcore>, window_params = [{transform_indices = #map}, {transform_indices = #map1}, {transform_indices = #map1}, {transform_indices = #map2}]} {
    %mul3A = arith.constant 2 : i32
    %mul3A_0 = arith.muli %arg1, %mul3A : i32
    %add3A = arith.addi %mul3A_0, %arg0 : i32
    %mul3A_1 = arith.constant 10080 : i32
    %mul3A_2 = arith.muli %add3A, %mul3A_1 : i32
    %scan3A = arith.constant 0 : i32
    %scan3A_3 = arith.constant 0 : i32
    %scan3A_4 = arith.constant 896 : i32
    %scan3A_5 = arith.addi %scan3A_3, %scan3A_4 : i32
    %scan3A_6 = arith.constant 1 : i32
    %scan3A_7 = scf.for %scan3A_161 = %scan3A_3 to %scan3A_5 step %scan3A_6 iter_args(%scan3A_162 = %scan3A) -> (i32)  : i32 {
      %jit3A = arith.constant 8 : i32
      %div3A = arith.divsi %scan3A_161, %jit3A : i32
      %sign3A = arith.constant 0 : i32
      %sign3A_163 = arith.cmpi sgt, %scan3A_161, %sign3A : i32
      %sign3A_164 = arith.extui %sign3A_163 : i1 to i32
      %sign3A_165 = arith.constant 0 : i32
      %sign3A_166 = arith.cmpi slt, %scan3A_161, %sign3A_165 : i32
      %sign3A_167 = arith.extui %sign3A_166 : i1 to i32
      %sign3A_168 = arith.subi %sign3A_164, %sign3A_167 : i32
      %sign3A_169 = arith.constant 0 : i32
      %sign3A_170 = arith.cmpi sgt, %jit3A, %sign3A_169 : i32
      %sign3A_171 = arith.extui %sign3A_170 : i1 to i32
      %sign3A_172 = arith.constant 0 : i32
      %sign3A_173 = arith.cmpi slt, %jit3A, %sign3A_172 : i32
      %sign3A_174 = arith.extui %sign3A_173 : i1 to i32
      %sign3A_175 = arith.subi %sign3A_171, %sign3A_174 : i32
      %ne3A = arith.cmpi ne, %sign3A_168, %sign3A_175 : i32
      %rem3A = arith.remsi %scan3A_161, %jit3A : i32
      %ne3A_176 = arith.constant 0 : i32
      %ne3A_177 = arith.cmpi ne, %rem3A, %ne3A_176 : i32
      %and3A = arith.andi %ne3A, %ne3A_177 : i1
      %sub3A = arith.constant 1 : i32
      %sub3A_178 = arith.subi %div3A, %sub3A : i32
      %select_n3A = arith.select %and3A, %sub3A_178, %div3A : i32
      %jit3A_179 = arith.constant 8 : i32
      %eq3A = arith.constant 0 : i32
      %eq3A_180 = arith.cmpi eq, %jit3A_179, %eq3A : i32
      %jit3A_181 = arith.constant 1 : i32
      %select_n3A_182 = arith.select %eq3A_180, %jit3A_181, %jit3A_179 : i32
      %rem3A_183 = arith.remsi %scan3A_161, %select_n3A_182 : i32
      %ne3A_184 = arith.constant 0 : i32
      %ne3A_185 = arith.cmpi ne, %rem3A_183, %ne3A_184 : i32
      %lt3A = arith.constant 0 : i32
      %lt3A_186 = arith.cmpi slt, %rem3A_183, %lt3A : i32
      %lt3A_187 = arith.constant 0 : i32
      %lt3A_188 = arith.cmpi slt, %select_n3A_182, %lt3A_187 : i32
      %ne3A_189 = arith.xori %lt3A_186, %lt3A_188 : i1
      %and3A_190 = arith.andi %ne3A_189, %ne3A_185 : i1
      %add3A_191 = arith.addi %rem3A_183, %select_n3A_182 : i32
      %select_n3A_192 = arith.select %and3A_190, %add3A_191, %rem3A_183 : i32
      %mul3A_193 = arith.constant 16 : i32
      %mul3A_194 = arith.muli %select_n3A_192, %mul3A_193 : i32
      %broadcast_in_dim3A = arith.constant 0.000000e+00 : f32
      %broadcast_in_dim3A_195 = vector.broadcast %broadcast_in_dim3A : f32 to vector<16xf32>
      %swap3A = arith.index_cast %select_n3A : i32 to index
      %swap3A_196 = arith.index_cast %mul3A_194 : i32 to index
      %swap3A_197 = tpu.vector_load %arg12[%swap3A, %swap3A_196] {strides = array<i32>} : memref<112x128xf32, #tpu.memory_space<vmem>>, vector<1x16xf32>,
      %swap3A_198 = vector.shape_cast %swap3A_197 : vector<1x16xf32> to vector<16xf32>
      %swap3A_199 = vector.shape_cast %broadcast_in_dim3A_195 : vector<16xf32> to vector<1x16xf32>
      tpu.vector_store %arg12[%swap3A, %swap3A_196], %swap3A_199 {strides = array<i32>} : memref<112x128xf32, #tpu.memory_space<vmem>>, vector<1x16xf32>,
      %scan3A_200 = arith.constant 0 : i32
      scf.yield %scan3A_200 : i32
    }
    %scan3A_8 = arith.constant 896 : i32
    %mul3A_9 = arith.constant 672 : i32
    %mul3A_10 = arith.muli %arg1, %mul3A_9 : i32
    %add3A_11 = arith.constant 0 : i32
    %add3A_12 = arith.addi %mul3A_10, %add3A_11 : i32
    %dma_start3A = arith.constant 0 : i32
    %dma_start3A_13 = tpu.memref_slice %arg15[%add3A_12, %dma_start3A] : memref<10752x128xf32, #tpu.memory_space<vmem_shared>> -> memref<112x128xf32, #tpu.memory_space<vmem_shared>>
    %dma_start3A_14 = arith.constant 0 : i32
    %dma_start3A_15 = tpu.memref_slice %arg15[%add3A_12, %dma_start3A_14] : memref<10752x128xf32, #tpu.memory_space<vmem_shared>> -> memref<112x128xf32, #tpu.memory_space<vmem_shared>>
    tpu.enqueue_dma source(%arg12 : memref<112x128xf32, #tpu.memory_space<vmem>>) target(%dma_start3A_15 : memref<112x128xf32, #tpu.memory_space<vmem_shared>>) target_semaphore(%arg22 : memref<!tpu.dma_semaphore, #tpu.memory_space<semaphore_mem>>)
    %add3A_16 = arith.constant 112 : i32
    %add3A_17 = arith.addi %mul3A_10, %add3A_16 : i32
    %dma_start3A_18 = arith.constant 0 : i32
    %dma_start3A_19 = tpu.memref_slice %arg15[%add3A_17, %dma_start3A_18] : memref<10752x128xf32, #tpu.memory_space<vmem_shared>> -> memref<112x128xf32, #tpu.memory_space<vmem_shared>>
    %dma_start3A_20 = arith.constant 0 : i32
    %dma_start3A_21 = tpu.memref_slice %arg15[%add3A_17, %dma_start3A_20] : memref<10752x128xf32, #tpu.memory_space<vmem_shared>> -> memref<112x128xf32, #tpu.memory_space<vmem_shared>>
    tpu.enqueue_dma source(%arg12 : memref<112x128xf32, #tpu.memory_space<vmem>>) target(%dma_start3A_21 : memref<112x128xf32, #tpu.memory_space<vmem_shared>>) target_semaphore(%arg22 : memref<!tpu.dma_semaphore, #tpu.memory_space<semaphore_mem>>)
    %add3A_22 = arith.constant 224 : i32
    %add3A_23 = arith.addi %mul3A_10, %add3A_22 : i32
    %dma_start3A_24 = arith.constant 0 : i32
    %dma_start3A_25 = tpu.memref_slice %arg15[%add3A_23, %dma_start3A_24] : memref<10752x128xf32, #tpu.memory_space<vmem_shared>> -> memref<112x128xf32, #tpu.memory_space<vmem_shared>>
    %dma_start3A_26 = arith.constant 0 : i32
    %dma_start3A_27 = tpu.memref_slice %arg15[%add3A_23, %dma_start3A_26] : memref<10752x128xf32, #tpu.memory_space<vmem_shared>> -> memref<112x128xf32, #tpu.memory_space<vmem_shared>>
    tpu.enqueue_dma source(%arg12 : memref<112x128xf32, #tpu.memory_space<vmem>>) target(%dma_start3A_27 : memref<112x128xf32, #tpu.memory_space<vmem_shared>>) target_semaphore(%arg22 : memref<!tpu.dma_semaphore, #tpu.memory_space<semaphore_mem>>)
    %add3A_28 = arith.constant 336 : i32
    %add3A_29 = arith.addi %mul3A_10, %add3A_28 : i32
    %dma_start3A_30 = arith.constant 0 : i32
    %dma_start3A_31 = tpu.memref_slice %arg15[%add3A_29, %dma_start3A_30] : memref<10752x128xf32, #tpu.memory_space<vmem_shared>> -> memref<112x128xf32, #tpu.memory_space<vmem_shared>>
    %dma_start3A_32 = arith.constant 0 : i32
    %dma_start3A_33 = tpu.memref_slice %arg15[%add3A_29, %dma_start3A_32] : memref<10752x128xf32, #tpu.memory_space<vmem_shared>> -> memref<112x128xf32, #tpu.memory_space<vmem_shared>>
    tpu.enqueue_dma source(%arg12 : memref<112x128xf32, #tpu.memory_space<vmem>>) target(%dma_start3A_33 : memref<112x128xf32, #tpu.memory_space<vmem_shared>>) target_semaphore(%arg22 : memref<!tpu.dma_semaphore, #tpu.memory_space<semaphore_mem>>)
    %add3A_34 = arith.constant 448 : i32
    %add3A_35 = arith.addi %mul3A_10, %add3A_34 : i32
    %dma_start3A_36 = arith.constant 0 : i32
    %dma_start3A_37 = tpu.memref_slice %arg15[%add3A_35, %dma_start3A_36] : memref<10752x128xf32, #tpu.memory_space<vmem_shared>> -> memref<112x128xf32, #tpu.memory_space<vmem_shared>>
    %dma_start3A_38 = arith.constant 0 : i32
    %dma_start3A_39 = tpu.memref_slice %arg15[%add3A_35, %dma_start3A_38] : memref<10752x128xf32, #tpu.memory_space<vmem_shared>> -> memref<112x128xf32, #tpu.memory_space<vmem_shared>>
    tpu.enqueue_dma source(%arg12 : memref<112x128xf32, #tpu.memory_space<vmem>>) target(%dma_start3A_39 : memref<112x128xf32, #tpu.memory_space<vmem_shared>>) target_semaphore(%arg22 : memref<!tpu.dma_semaphore, #tpu.memory_space<semaphore_mem>>)
    %add3A_40 = arith.constant 560 : i32
    %add3A_41 = arith.addi %mul3A_10, %add3A_40 : i32
    %dma_start3A_42 = arith.constant 0 : i32
    %dma_start3A_43 = tpu.memref_slice %arg15[%add3A_41, %dma_start3A_42] : memref<10752x128xf32, #tpu.memory_space<vmem_shared>> -> memref<112x128xf32, #tpu.memory_space<vmem_shared>>
    %dma_start3A_44 = arith.constant 0 : i32
    %dma_start3A_45 = tpu.memref_slice %arg15[%add3A_41, %dma_start3A_44] : memref<10752x128xf32, #tpu.memory_space<vmem_shared>> -> memref<112x128xf32, #tpu.memory_space<vmem_shared>>
    tpu.enqueue_dma source(%arg12 : memref<112x128xf32, #tpu.memory_space<vmem>>) target(%dma_start3A_45 : memref<112x128xf32, #tpu.memory_space<vmem_shared>>) target_semaphore(%arg22 : memref<!tpu.dma_semaphore, #tpu.memory_space<semaphore_mem>>)
    %dma_wait3A = arith.constant 0 : i32
    %dma_wait3A_46 = tpu.memref_slice %arg15[%add3A_12, %dma_wait3A] : memref<10752x128xf32, #tpu.memory_space<vmem_shared>> -> memref<112x128xf32, #tpu.memory_space<vmem_shared>>
    %dma_wait3A_47 = arith.constant 0 : i32
    %dma_wait3A_48 = tpu.memref_slice %arg15[%add3A_12, %dma_wait3A_47] : memref<10752x128xf32, #tpu.memory_space<vmem_shared>> -> memref<112x128xf32, #tpu.memory_space<vmem_shared>>
    tpu.wait_dma2 semaphore(%arg22 : memref<!tpu.dma_semaphore, #tpu.memory_space<semaphore_mem>>) src(%arg12 : memref<112x128xf32, #tpu.memory_space<vmem>>) dst(%dma_wait3A_48 : memref<112x128xf32, #tpu.memory_space<vmem_shared>>)
    %dma_wait3A_49 = arith.constant 0 : i32
    %dma_wait3A_50 = tpu.memref_slice %arg15[%add3A_17, %dma_wait3A_49] : memref<10752x128xf32, #tpu.memory_space<vmem_shared>> -> memref<112x128xf32, #tpu.memory_space<vmem_shared>>
    %dma_wait3A_51 = arith.constant 0 : i32
    %dma_wait3A_52 = tpu.memref_slice %arg15[%add3A_17, %dma_wait3A_51] : memref<10752x128xf32, #tpu.memory_space<vmem_shared>> -> memref<112x128xf32, #tpu.memory_space<vmem_shared>>
    tpu.wait_dma2 semaphore(%arg22 : memref<!tpu.dma_semaphore, #tpu.memory_space<semaphore_mem>>) src(%arg12 : memref<112x128xf32, #tpu.memory_space<vmem>>) dst(%dma_wait3A_52 : memref<112x128xf32, #tpu.memory_space<vmem_shared>>)
    %dma_wait3A_53 = arith.constant 0 : i32
    %dma_wait3A_54 = tpu.memref_slice %arg15[%add3A_23, %dma_wait3A_53] : memref<10752x128xf32, #tpu.memory_space<vmem_shared>> -> memref<112x128xf32, #tpu.memory_space<vmem_shared>>
    %dma_wait3A_55 = arith.constant 0 : i32
    %dma_wait3A_56 = tpu.memref_slice %arg15[%add3A_23, %dma_wait3A_55] : memref<10752x128xf32, #tpu.memory_space<vmem_shared>> -> memref<112x128xf32, #tpu.memory_space<vmem_shared>>
    tpu.wait_dma2 semaphore(%arg22 : memref<!tpu.dma_semaphore, #tpu.memory_space<semaphore_mem>>) src(%arg12 : memref<112x128xf32, #tpu.memory_space<vmem>>) dst(%dma_wait3A_56 : memref<112x128xf32, #tpu.memory_space<vmem_shared>>)
    %dma_wait3A_57 = arith.constant 0 : i32
    %dma_wait3A_58 = tpu.memref_slice %arg15[%add3A_29, %dma_wait3A_57] : memref<10752x128xf32, #tpu.memory_space<vmem_shared>> -> memref<112x128xf32, #tpu.memory_space<vmem_shared>>
    %dma_wait3A_59 = arith.constant 0 : i32
    %dma_wait3A_60 = tpu.memref_slice %arg15[%add3A_29, %dma_wait3A_59] : memref<10752x128xf32, #tpu.memory_space<vmem_shared>> -> memref<112x128xf32, #tpu.memory_space<vmem_shared>>
    tpu.wait_dma2 semaphore(%arg22 : memref<!tpu.dma_semaphore, #tpu.memory_space<semaphore_mem>>) src(%arg12 : memref<112x128xf32, #tpu.memory_space<vmem>>) dst(%dma_wait3A_60 : memref<112x128xf32, #tpu.memory_space<vmem_shared>>)
    %dma_wait3A_61 = arith.constant 0 : i32
    %dma_wait3A_62 = tpu.memref_slice %arg15[%add3A_35, %dma_wait3A_61] : memref<10752x128xf32, #tpu.memory_space<vmem_shared>> -> memref<112x128xf32, #tpu.memory_space<vmem_shared>>
    %dma_wait3A_63 = arith.constant 0 : i32
    %dma_wait3A_64 = tpu.memref_slice %arg15[%add3A_35, %dma_wait3A_63] : memref<10752x128xf32, #tpu.memory_space<vmem_shared>> -> memref<112x128xf32, #tpu.memory_space<vmem_shared>>
    tpu.wait_dma2 semaphore(%arg22 : memref<!tpu.dma_semaphore, #tpu.memory_space<semaphore_mem>>) src(%arg12 : memref<112x128xf32, #tpu.memory_space<vmem>>) dst(%dma_wait3A_64 : memref<112x128xf32, #tpu.memory_space<vmem_shared>>)
    %dma_wait3A_65 = arith.constant 0 : i32
    %dma_wait3A_66 = tpu.memref_slice %arg15[%add3A_41, %dma_wait3A_65] : memref<10752x128xf32, #tpu.memory_space<vmem_shared>> -> memref<112x128xf32, #tpu.memory_space<vmem_shared>>
    %dma_wait3A_67 = arith.constant 0 : i32
    %dma_wait3A_68 = tpu.memref_slice %arg15[%add3A_41, %dma_wait3A_67] : memref<10752x128xf32, #tpu.memory_space<vmem_shared>> -> memref<112x128xf32, #tpu.memory_space<vmem_shared>>
    tpu.wait_dma2 semaphore(%arg22 : memref<!tpu.dma_semaphore, #tpu.memory_space<semaphore_mem>>) src(%arg12 : memref<112x128xf32, #tpu.memory_space<vmem>>) dst(%dma_wait3A_68 : memref<112x128xf32, #tpu.memory_space<vmem_shared>>)
    %barrier3A = arith.constant 0 : index
    tpu.barrier barrier_id(%barrier3A)
    %scan3A_69 = arith.constant 0 : i32
    %scan3A_70 = arith.constant 0 : i32
    %scan3A_71 = arith.constant 30 : i32
    %scan3A_72 = arith.addi %scan3A_70, %scan3A_71 : i32
    %scan3A_73 = arith.constant 1 : i32
    %scan3A_74 = scf.for %scan3A_161 = %scan3A_70 to %scan3A_72 step %scan3A_73 iter_args(%scan3A_162 = %scan3A_69) -> (i32)  : i32 {
      %mul3A_163 = arith.constant 3 : i32
      %mul3A_164 = arith.muli %scan3A_161, %mul3A_163 : i32
      %mul3A_165 = arith.constant 112 : i32
      %mul3A_166 = arith.muli %mul3A_164, %mul3A_165 : i32
      %add3A_167 = arith.addi %mul3A_2, %mul3A_166 : i32
      %add3A_168 = arith.constant 0 : i32
      %add3A_169 = arith.addi %add3A_167, %add3A_168 : i32
      %dma_start3A_170 = tpu.memref_slice %arg3[%add3A_169] : memref<322560xi32, #tpu.memory_space<hbm>> -> memref<112xi32, #tpu.memory_space<hbm>>
      %dma_start3A_171 = tpu.memref_slice %arg3[%add3A_169] : memref<322560xi32, #tpu.memory_space<hbm>> -> memref<112xi32, #tpu.memory_space<hbm>>
      tpu.enqueue_dma source(%dma_start3A_171 : memref<112xi32, #tpu.memory_space<hbm>>) target(%arg6 : memref<112xi32, #tpu.memory_space<vmem>>) target_semaphore(%arg16 : memref<!tpu.dma_semaphore, #tpu.memory_space<semaphore_mem>>)
      %add3A_172 = arith.constant 0 : i32
      %add3A_173 = arith.addi %add3A_167, %add3A_172 : i32
      %dma_start3A_174 = tpu.memref_slice %arg4[%add3A_173] : memref<322560xi32, #tpu.memory_space<hbm>> -> memref<112xi32, #tpu.memory_space<hbm>>
      %dma_start3A_175 = tpu.memref_slice %arg4[%add3A_173] : memref<322560xi32, #tpu.memory_space<hbm>> -> memref<112xi32, #tpu.memory_space<hbm>>
      tpu.enqueue_dma source(%dma_start3A_175 : memref<112xi32, #tpu.memory_space<hbm>>) target(%arg9 : memref<112xi32, #tpu.memory_space<vmem>>) target_semaphore(%arg19 : memref<!tpu.dma_semaphore, #tpu.memory_space<semaphore_mem>>)
      %add3A_176 = arith.constant 112 : i32
      %add3A_177 = arith.addi %add3A_167, %add3A_176 : i32
      %dma_start3A_178 = tpu.memref_slice %arg3[%add3A_177] : memref<322560xi32, #tpu.memory_space<hbm>> -> memref<112xi32, #tpu.memory_space<hbm>>
      %dma_start3A_179 = tpu.memref_slice %arg3[%add3A_177] : memref<322560xi32, #tpu.memory_space<hbm>> -> memref<112xi32, #tpu.memory_space<hbm>>
      tpu.enqueue_dma source(%dma_start3A_179 : memref<112xi32, #tpu.memory_space<hbm>>) target(%arg7 : memref<112xi32, #tpu.memory_space<vmem>>) target_semaphore(%arg17 : memref<!tpu.dma_semaphore, #tpu.memory_space<semaphore_mem>>)
      %add3A_180 = arith.constant 112 : i32
      %add3A_181 = arith.addi %add3A_167, %add3A_180 : i32
      %dma_start3A_182 = tpu.memref_slice %arg4[%add3A_181] : memref<322560xi32, #tpu.memory_space<hbm>> -> memref<112xi32, #tpu.memory_space<hbm>>
      %dma_start3A_183 = tpu.memref_slice %arg4[%add3A_181] : memref<322560xi32, #tpu.memory_space<hbm>> -> memref<112xi32, #tpu.memory_space<hbm>>
      tpu.enqueue_dma source(%dma_start3A_183 : memref<112xi32, #tpu.memory_space<hbm>>) target(%arg10 : memref<112xi32, #tpu.memory_space<vmem>>) target_semaphore(%arg20 : memref<!tpu.dma_semaphore, #tpu.memory_space<semaphore_mem>>)
      %add3A_184 = arith.constant 224 : i32
      %add3A_185 = arith.addi %add3A_167, %add3A_184 : i32
      %dma_start3A_186 = tpu.memref_slice %arg3[%add3A_185] : memref<322560xi32, #tpu.memory_space<hbm>> -> memref<112xi32, #tpu.memory_space<hbm>>
      %dma_start3A_187 = tpu.memref_slice %arg3[%add3A_185] : memref<322560xi32, #tpu.memory_space<hbm>> -> memref<112xi32, #tpu.memory_space<hbm>>
      tpu.enqueue_dma source(%dma_start3A_187 : memref<112xi32, #tpu.memory_space<hbm>>) target(%arg8 : memref<112xi32, #tpu.memory_space<vmem>>) target_semaphore(%arg18 : memref<!tpu.dma_semaphore, #tpu.memory_space<semaphore_mem>>)
      %add3A_188 = arith.constant 224 : i32
      %add3A_189 = arith.addi %add3A_167, %add3A_188 : i32
      %dma_start3A_190 = tpu.memref_slice %arg4[%add3A_189] : memref<322560xi32, #tpu.memory_space<hbm>> -> memref<112xi32, #tpu.memory_space<hbm>>
      %dma_start3A_191 = tpu.memref_slice %arg4[%add3A_189] : memref<322560xi32, #tpu.memory_space<hbm>> -> memref<112xi32, #tpu.memory_space<hbm>>
      tpu.enqueue_dma source(%dma_start3A_191 : memref<112xi32, #tpu.memory_space<hbm>>) target(%arg11 : memref<112xi32, #tpu.memory_space<vmem>>) target_semaphore(%arg21 : memref<!tpu.dma_semaphore, #tpu.memory_space<semaphore_mem>>)
      %dma_wait3A_192 = tpu.memref_slice %arg3[%add3A_169] : memref<322560xi32, #tpu.memory_space<hbm>> -> memref<112xi32, #tpu.memory_space<hbm>>
      %dma_wait3A_193 = tpu.memref_slice %arg3[%add3A_169] : memref<322560xi32, #tpu.memory_space<hbm>> -> memref<112xi32, #tpu.memory_space<hbm>>
      tpu.wait_dma2 semaphore(%arg16 : memref<!tpu.dma_semaphore, #tpu.memory_space<semaphore_mem>>) src(%dma_wait3A_193 : memref<112xi32, #tpu.memory_space<hbm>>) dst(%arg6 : memref<112xi32, #tpu.memory_space<vmem>>)
      %dma_wait3A_194 = tpu.memref_slice %arg4[%add3A_173] : memref<322560xi32, #tpu.memory_space<hbm>> -> memref<112xi32, #tpu.memory_space<hbm>>
      %dma_wait3A_195 = tpu.memref_slice %arg4[%add3A_173] : memref<322560xi32, #tpu.memory_space<hbm>> -> memref<112xi32, #tpu.memory_space<hbm>>
      tpu.wait_dma2 semaphore(%arg19 : memref<!tpu.dma_semaphore, #tpu.memory_space<semaphore_mem>>) src(%dma_wait3A_195 : memref<112xi32, #tpu.memory_space<hbm>>) dst(%arg9 : memref<112xi32, #tpu.memory_space<vmem>>)
      %dma_start3A_196 = arith.constant 0 : i32
      %dma_start3A_197 = arith.constant 0 : i32
      %dma_start3A_198 = tpu.memref_slice %arg2[%dma_start3A_196, %dma_start3A_197] : memref<10752x128xf32, #tpu.memory_space<hbm>> -> memref<10752x128xf32, #tpu.memory_space<hbm>>
      tpu.enqueue_indirect_dma source(%dma_start3A_198 : memref<10752x128xf32, #tpu.memory_space<hbm>>) target(%arg12 : memref<112x128xf32, #tpu.memory_space<vmem>>) offsets(%arg6 : memref<112xi32, #tpu.memory_space<vmem>>) semaphore(%arg22 : memref<!tpu.dma_semaphore, #tpu.memory_space<semaphore_mem>>)
      %dma_wait3A_199 = tpu.memref_slice %arg3[%add3A_177] : memref<322560xi32, #tpu.memory_space<hbm>> -> memref<112xi32, #tpu.memory_space<hbm>>
      %dma_wait3A_200 = tpu.memref_slice %arg3[%add3A_177] : memref<322560xi32, #tpu.memory_space<hbm>> -> memref<112xi32, #tpu.memory_space<hbm>>
      tpu.wait_dma2 semaphore(%arg17 : memref<!tpu.dma_semaphore, #tpu.memory_space<semaphore_mem>>) src(%dma_wait3A_200 : memref<112xi32, #tpu.memory_space<hbm>>) dst(%arg7 : memref<112xi32, #tpu.memory_space<vmem>>)
      %dma_wait3A_201 = tpu.memref_slice %arg4[%add3A_181] : memref<322560xi32, #tpu.memory_space<hbm>> -> memref<112xi32, #tpu.memory_space<hbm>>
      %dma_wait3A_202 = tpu.memref_slice %arg4[%add3A_181] : memref<322560xi32, #tpu.memory_space<hbm>> -> memref<112xi32, #tpu.memory_space<hbm>>
      tpu.wait_dma2 semaphore(%arg20 : memref<!tpu.dma_semaphore, #tpu.memory_space<semaphore_mem>>) src(%dma_wait3A_202 : memref<112xi32, #tpu.memory_space<hbm>>) dst(%arg10 : memref<112xi32, #tpu.memory_space<vmem>>)
      %dma_start3A_203 = arith.constant 0 : i32
      %dma_start3A_204 = arith.constant 0 : i32
      %dma_start3A_205 = tpu.memref_slice %arg2[%dma_start3A_203, %dma_start3A_204] : memref<10752x128xf32, #tpu.memory_space<hbm>> -> memref<10752x128xf32, #tpu.memory_space<hbm>>
      tpu.enqueue_indirect_dma source(%dma_start3A_205 : memref<10752x128xf32, #tpu.memory_space<hbm>>) target(%arg13 : memref<112x128xf32, #tpu.memory_space<vmem>>) offsets(%arg7 : memref<112xi32, #tpu.memory_space<vmem>>) semaphore(%arg23 : memref<!tpu.dma_semaphore, #tpu.memory_space<semaphore_mem>>)
      %dma_wait3A_206 = tpu.memref_slice %arg3[%add3A_185] : memref<322560xi32, #tpu.memory_space<hbm>> -> memref<112xi32, #tpu.memory_space<hbm>>
      %dma_wait3A_207 = tpu.memref_slice %arg3[%add3A_185] : memref<322560xi32, #tpu.memory_space<hbm>> -> memref<112xi32, #tpu.memory_space<hbm>>
      tpu.wait_dma2 semaphore(%arg18 : memref<!tpu.dma_semaphore, #tpu.memory_space<semaphore_mem>>) src(%dma_wait3A_207 : memref<112xi32, #tpu.memory_space<hbm>>) dst(%arg8 : memref<112xi32, #tpu.memory_space<vmem>>)
      %dma_wait3A_208 = tpu.memref_slice %arg4[%add3A_189] : memref<322560xi32, #tpu.memory_space<hbm>> -> memref<112xi32, #tpu.memory_space<hbm>>
      %dma_wait3A_209 = tpu.memref_slice %arg4[%add3A_189] : memref<322560xi32, #tpu.memory_space<hbm>> -> memref<112xi32, #tpu.memory_space<hbm>>
      tpu.wait_dma2 semaphore(%arg21 : memref<!tpu.dma_semaphore, #tpu.memory_space<semaphore_mem>>) src(%dma_wait3A_209 : memref<112xi32, #tpu.memory_space<hbm>>) dst(%arg11 : memref<112xi32, #tpu.memory_space<vmem>>)
      %dma_start3A_210 = arith.constant 0 : i32
      %dma_start3A_211 = arith.constant 0 : i32
      %dma_start3A_212 = tpu.memref_slice %arg2[%dma_start3A_210, %dma_start3A_211] : memref<10752x128xf32, #tpu.memory_space<hbm>> -> memref<10752x128xf32, #tpu.memory_space<hbm>>
      tpu.enqueue_indirect_dma source(%dma_start3A_212 : memref<10752x128xf32, #tpu.memory_space<hbm>>) target(%arg14 : memref<112x128xf32, #tpu.memory_space<vmem>>) offsets(%arg8 : memref<112xi32, #tpu.memory_space<vmem>>) semaphore(%arg24 : memref<!tpu.dma_semaphore, #tpu.memory_space<semaphore_mem>>)
      %dma_wait3A_213 = arith.constant 0 : i32
      %dma_wait3A_214 = arith.constant 0 : i32
      %dma_wait3A_215 = tpu.memref_slice %arg2[%dma_wait3A_213, %dma_wait3A_214] : memref<10752x128xf32, #tpu.memory_space<hbm>> -> memref<10752x128xf32, #tpu.memory_space<hbm>>
      tpu.wait_indirect_dma semaphore(%arg22 : memref<!tpu.dma_semaphore, #tpu.memory_space<semaphore_mem>>) src(%dma_wait3A_215 : memref<10752x128xf32, #tpu.memory_space<hbm>>) dst(%arg12 : memref<112x128xf32, #tpu.memory_space<vmem>>)
      %dma_start3A_216 = arith.constant 0 : i32
      %dma_start3A_217 = arith.constant 0 : i32
      %dma_start3A_218 = tpu.memref_slice %arg15[%dma_start3A_216, %dma_start3A_217] : memref<10752x128xf32, #tpu.memory_space<vmem_shared>> -> memref<10752x128xf32, #tpu.memory_space<vmem_shared>>
      tpu.enqueue_indirect_dma source(%arg12 : memref<112x128xf32, #tpu.memory_space<vmem>>) target(%dma_start3A_218 : memref<10752x128xf32, #tpu.memory_space<vmem_shared>>) offsets(%arg9 : memref<112xi32, #tpu.memory_space<vmem>>) semaphore(%arg25 : memref<!tpu.dma_semaphore, #tpu.memory_space<semaphore_mem>>) {add = true}
      %dma_wait3A_219 = arith.constant 0 : i32
      %dma_wait3A_220 = arith.constant 0 : i32
      %dma_wait3A_221 = tpu.memref_slice %arg2[%dma_wait3A_219, %dma_wait3A_220] : memref<10752x128xf32, #tpu.memory_space<hbm>> -> memref<10752x128xf32, #tpu.memory_space<hbm>>
      tpu.wait_indirect_dma semaphore(%arg23 : memref<!tpu.dma_semaphore, #tpu.memory_space<semaphore_mem>>) src(%dma_wait3A_221 : memref<10752x128xf32, #tpu.memory_space<hbm>>) dst(%arg13 : memref<112x128xf32, #tpu.memory_space<vmem>>)
      %dma_start3A_222 = arith.constant 0 : i32
      %dma_start3A_223 = arith.constant 0 : i32
      %dma_start3A_224 = tpu.memref_slice %arg15[%dma_start3A_222, %dma_start3A_223] : memref<10752x128xf32, #tpu.memory_space<vmem_shared>> -> memref<10752x128xf32, #tpu.memory_space<vmem_shared>>
      tpu.enqueue_indirect_dma source(%arg13 : memref<112x128xf32, #tpu.memory_space<vmem>>) target(%dma_start3A_224 : memref<10752x128xf32, #tpu.memory_space<vmem_shared>>) offsets(%arg10 : memref<112xi32, #tpu.memory_space<vmem>>) semaphore(%arg26 : memref<!tpu.dma_semaphore, #tpu.memory_space<semaphore_mem>>) {add = true}
      %dma_wait3A_225 = arith.constant 0 : i32
      %dma_wait3A_226 = arith.constant 0 : i32
      %dma_wait3A_227 = tpu.memref_slice %arg2[%dma_wait3A_225, %dma_wait3A_226] : memref<10752x128xf32, #tpu.memory_space<hbm>> -> memref<10752x128xf32, #tpu.memory_space<hbm>>
      tpu.wait_indirect_dma semaphore(%arg24 : memref<!tpu.dma_semaphore, #tpu.memory_space<semaphore_mem>>) src(%dma_wait3A_227 : memref<10752x128xf32, #tpu.memory_space<hbm>>) dst(%arg14 : memref<112x128xf32, #tpu.memory_space<vmem>>)
      %dma_start3A_228 = arith.constant 0 : i32
      %dma_start3A_229 = arith.constant 0 : i32
      %dma_start3A_230 = tpu.memref_slice %arg15[%dma_start3A_228, %dma_start3A_229] : memref<10752x128xf32, #tpu.memory_space<vmem_shared>> -> memref<10752x128xf32, #tpu.memory_space<vmem_shared>>
      tpu.enqueue_indirect_dma source(%arg14 : memref<112x128xf32, #tpu.memory_space<vmem>>) target(%dma_start3A_230 : memref<10752x128xf32, #tpu.memory_space<vmem_shared>>) offsets(%arg11 : memref<112xi32, #tpu.memory_space<vmem>>) semaphore(%arg27 : memref<!tpu.dma_semaphore, #tpu.memory_space<semaphore_mem>>) {add = true}
      %dma_wait3A_231 = arith.constant 0 : i32
      %dma_wait3A_232 = arith.constant 0 : i32
      %dma_wait3A_233 = tpu.memref_slice %arg15[%dma_wait3A_231, %dma_wait3A_232] : memref<10752x128xf32, #tpu.memory_space<vmem_shared>> -> memref<10752x128xf32, #tpu.memory_space<vmem_shared>>
      tpu.wait_indirect_dma semaphore(%arg25 : memref<!tpu.dma_semaphore, #tpu.memory_space<semaphore_mem>>) src(%arg12 : memref<112x128xf32, #tpu.memory_space<vmem>>) dst(%dma_wait3A_233 : memref<10752x128xf32, #tpu.memory_space<vmem_shared>>)
      %dma_wait3A_234 = arith.constant 0 : i32
      %dma_wait3A_235 = arith.constant 0 : i32
      %dma_wait3A_236 = tpu.memref_slice %arg15[%dma_wait3A_234, %dma_wait3A_235] : memref<10752x128xf32, #tpu.memory_space<vmem_shared>> -> memref<10752x128xf32, #tpu.memory_space<vmem_shared>>
      tpu.wait_indirect_dma semaphore(%arg26 : memref<!tpu.dma_semaphore, #tpu.memory_space<semaphore_mem>>) src(%arg13 : memref<112x128xf32, #tpu.memory_space<vmem>>) dst(%dma_wait3A_236 : memref<10752x128xf32, #tpu.memory_space<vmem_shared>>)
      %dma_wait3A_237 = arith.constant 0 : i32
      %dma_wait3A_238 = arith.constant 0 : i32
      %dma_wait3A_239 = tpu.memref_slice %arg15[%dma_wait3A_237, %dma_wait3A_238] : memref<10752x128xf32, #tpu.memory_space<vmem_shared>> -> memref<10752x128xf32, #tpu.memory_space<vmem_shared>>
      tpu.wait_indirect_dma semaphore(%arg27 : memref<!tpu.dma_semaphore, #tpu.memory_space<semaphore_mem>>) src(%arg14 : memref<112x128xf32, #tpu.memory_space<vmem>>) dst(%dma_wait3A_239 : memref<10752x128xf32, #tpu.memory_space<vmem_shared>>)
      %scan3A_240 = arith.constant 0 : i32
      scf.yield %scan3A_240 : i32
    }
    %scan3A_75 = arith.constant 30 : i32
    %barrier3A_76 = arith.constant 0 : index
    tpu.barrier barrier_id(%barrier3A_76)
    %add3A_77 = arith.constant 0 : i32
    %add3A_78 = arith.addi %mul3A_10, %add3A_77 : i32
    %add3A_79 = arith.constant 0 : i32
    %add3A_80 = arith.addi %mul3A_10, %add3A_79 : i32
    %dma_start3A_81 = arith.constant 0 : i32
    %dma_start3A_82 = tpu.memref_slice %arg5[%arg0, %add3A_80, %dma_start3A_81] : memref<2x10752x128xf32, #tpu.memory_space<hbm>> -> memref<1x112x128xf32, #tpu.memory_space<hbm>>
    %dma_start3A_83 = tpu.memref_squeeze %dma_start3A_82 : memref<1x112x128xf32, #tpu.memory_space<hbm>> -> memref<112x128xf32, #tpu.memory_space<hbm>>
    %dma_start3A_84 = arith.constant 0 : i32
    %dma_start3A_85 = tpu.memref_slice %arg15[%add3A_78, %dma_start3A_84] : memref<10752x128xf32, #tpu.memory_space<vmem_shared>> -> memref<112x128xf32, #tpu.memory_space<vmem_shared>>
    tpu.enqueue_dma source(%dma_start3A_85 : memref<112x128xf32, #tpu.memory_space<vmem_shared>>) target(%dma_start3A_83 : memref<112x128xf32, #tpu.memory_space<hbm>>) target_semaphore(%arg22 : memref<!tpu.dma_semaphore, #tpu.memory_space<semaphore_mem>>)
    %add3A_86 = arith.constant 112 : i32
    %add3A_87 = arith.addi %mul3A_10, %add3A_86 : i32
    %add3A_88 = arith.constant 112 : i32
    %add3A_89 = arith.addi %mul3A_10, %add3A_88 : i32
    %dma_start3A_90 = arith.constant 0 : i32
    %dma_start3A_91 = tpu.memref_slice %arg5[%arg0, %add3A_89, %dma_start3A_90] : memref<2x10752x128xf32, #tpu.memory_space<hbm>> -> memref<1x112x128xf32, #tpu.memory_space<hbm>>
    %dma_start3A_92 = tpu.memref_squeeze %dma_start3A_91 : memref<1x112x128xf32, #tpu.memory_space<hbm>> -> memref<112x128xf32, #tpu.memory_space<hbm>>
    %dma_start3A_93 = arith.constant 0 : i32
    %dma_start3A_94 = tpu.memref_slice %arg15[%add3A_87, %dma_start3A_93] : memref<10752x128xf32, #tpu.memory_space<vmem_shared>> -> memref<112x128xf32, #tpu.memory_space<vmem_shared>>
    tpu.enqueue_dma source(%dma_start3A_94 : memref<112x128xf32, #tpu.memory_space<vmem_shared>>) target(%dma_start3A_92 : memref<112x128xf32, #tpu.memory_space<hbm>>) target_semaphore(%arg22 : memref<!tpu.dma_semaphore, #tpu.memory_space<semaphore_mem>>)
    %add3A_95 = arith.constant 224 : i32
    %add3A_96 = arith.addi %mul3A_10, %add3A_95 : i32
    %add3A_97 = arith.constant 224 : i32
    %add3A_98 = arith.addi %mul3A_10, %add3A_97 : i32
    %dma_start3A_99 = arith.constant 0 : i32
    %dma_start3A_100 = tpu.memref_slice %arg5[%arg0, %add3A_98, %dma_start3A_99] : memref<2x10752x128xf32, #tpu.memory_space<hbm>> -> memref<1x112x128xf32, #tpu.memory_space<hbm>>
    %dma_start3A_101 = tpu.memref_squeeze %dma_start3A_100 : memref<1x112x128xf32, #tpu.memory_space<hbm>> -> memref<112x128xf32, #tpu.memory_space<hbm>>
    %dma_start3A_102 = arith.constant 0 : i32
    %dma_start3A_103 = tpu.memref_slice %arg15[%add3A_96, %dma_start3A_102] : memref<10752x128xf32, #tpu.memory_space<vmem_shared>> -> memref<112x128xf32, #tpu.memory_space<vmem_shared>>
    tpu.enqueue_dma source(%dma_start3A_103 : memref<112x128xf32, #tpu.memory_space<vmem_shared>>) target(%dma_start3A_101 : memref<112x128xf32, #tpu.memory_space<hbm>>) target_semaphore(%arg22 : memref<!tpu.dma_semaphore, #tpu.memory_space<semaphore_mem>>)
    %add3A_104 = arith.constant 336 : i32
    %add3A_105 = arith.addi %mul3A_10, %add3A_104 : i32
    %add3A_106 = arith.constant 336 : i32
    %add3A_107 = arith.addi %mul3A_10, %add3A_106 : i32
    %dma_start3A_108 = arith.constant 0 : i32
    %dma_start3A_109 = tpu.memref_slice %arg5[%arg0, %add3A_107, %dma_start3A_108] : memref<2x10752x128xf32, #tpu.memory_space<hbm>> -> memref<1x112x128xf32, #tpu.memory_space<hbm>>
    %dma_start3A_110 = tpu.memref_squeeze %dma_start3A_109 : memref<1x112x128xf32, #tpu.memory_space<hbm>> -> memref<112x128xf32, #tpu.memory_space<hbm>>
    %dma_start3A_111 = arith.constant 0 : i32
    %dma_start3A_112 = tpu.memref_slice %arg15[%add3A_105, %dma_start3A_111] : memref<10752x128xf32, #tpu.memory_space<vmem_shared>> -> memref<112x128xf32, #tpu.memory_space<vmem_shared>>
    tpu.enqueue_dma source(%dma_start3A_112 : memref<112x128xf32, #tpu.memory_space<vmem_shared>>) target(%dma_start3A_110 : memref<112x128xf32, #tpu.memory_space<hbm>>) target_semaphore(%arg22 : memref<!tpu.dma_semaphore, #tpu.memory_space<semaphore_mem>>)
    %add3A_113 = arith.constant 448 : i32
    %add3A_114 = arith.addi %mul3A_10, %add3A_113 : i32
    %add3A_115 = arith.constant 448 : i32
    %add3A_116 = arith.addi %mul3A_10, %add3A_115 : i32
    %dma_start3A_117 = arith.constant 0 : i32
    %dma_start3A_118 = tpu.memref_slice %arg5[%arg0, %add3A_116, %dma_start3A_117] : memref<2x10752x128xf32, #tpu.memory_space<hbm>> -> memref<1x112x128xf32, #tpu.memory_space<hbm>>
    %dma_start3A_119 = tpu.memref_squeeze %dma_start3A_118 : memref<1x112x128xf32, #tpu.memory_space<hbm>> -> memref<112x128xf32, #tpu.memory_space<hbm>>
    %dma_start3A_120 = arith.constant 0 : i32
    %dma_start3A_121 = tpu.memref_slice %arg15[%add3A_114, %dma_start3A_120] : memref<10752x128xf32, #tpu.memory_space<vmem_shared>> -> memref<112x128xf32, #tpu.memory_space<vmem_shared>>
    tpu.enqueue_dma source(%dma_start3A_121 : memref<112x128xf32, #tpu.memory_space<vmem_shared>>) target(%dma_start3A_119 : memref<112x128xf32, #tpu.memory_space<hbm>>) target_semaphore(%arg22 : memref<!tpu.dma_semaphore, #tpu.memory_space<semaphore_mem>>)
    %add3A_122 = arith.constant 560 : i32
    %add3A_123 = arith.addi %mul3A_10, %add3A_122 : i32
    %add3A_124 = arith.constant 560 : i32
    %add3A_125 = arith.addi %mul3A_10, %add3A_124 : i32
    %dma_start3A_126 = arith.constant 0 : i32
    %dma_start3A_127 = tpu.memref_slice %arg5[%arg0, %add3A_125, %dma_start3A_126] : memref<2x10752x128xf32, #tpu.memory_space<hbm>> -> memref<1x112x128xf32, #tpu.memory_space<hbm>>
    %dma_start3A_128 = tpu.memref_squeeze %dma_start3A_127 : memref<1x112x128xf32, #tpu.memory_space<hbm>> -> memref<112x128xf32, #tpu.memory_space<hbm>>
    %dma_start3A_129 = arith.constant 0 : i32
    %dma_start3A_130 = tpu.memref_slice %arg15[%add3A_123, %dma_start3A_129] : memref<10752x128xf32, #tpu.memory_space<vmem_shared>> -> memref<112x128xf32, #tpu.memory_space<vmem_shared>>
    tpu.enqueue_dma source(%dma_start3A_130 : memref<112x128xf32, #tpu.memory_space<vmem_shared>>) target(%dma_start3A_128 : memref<112x128xf32, #tpu.memory_space<hbm>>) target_semaphore(%arg22 : memref<!tpu.dma_semaphore, #tpu.memory_space<semaphore_mem>>)
    %dma_wait3A_131 = arith.constant 0 : i32
    %dma_wait3A_132 = tpu.memref_slice %arg5[%arg0, %add3A_80, %dma_wait3A_131] : memref<2x10752x128xf32, #tpu.memory_space<hbm>> -> memref<1x112x128xf32, #tpu.memory_space<hbm>>
    %dma_wait3A_133 = tpu.memref_squeeze %dma_wait3A_132 : memref<1x112x128xf32, #tpu.memory_space<hbm>> -> memref<112x128xf32, #tpu.memory_space<hbm>>
    %dma_wait3A_134 = arith.constant 0 : i32
    %dma_wait3A_135 = tpu.memref_slice %arg15[%add3A_78, %dma_wait3A_134] : memref<10752x128xf32, #tpu.memory_space<vmem_shared>> -> memref<112x128xf32, #tpu.memory_space<vmem_shared>>
    tpu.wait_dma2 semaphore(%arg22 : memref<!tpu.dma_semaphore, #tpu.memory_space<semaphore_mem>>) src(%dma_wait3A_135 : memref<112x128xf32, #tpu.memory_space<vmem_shared>>) dst(%dma_wait3A_133 : memref<112x128xf32, #tpu.memory_space<hbm>>)
    %dma_wait3A_136 = arith.constant 0 : i32
    %dma_wait3A_137 = tpu.memref_slice %arg5[%arg0, %add3A_89, %dma_wait3A_136] : memref<2x10752x128xf32, #tpu.memory_space<hbm>> -> memref<1x112x128xf32, #tpu.memory_space<hbm>>
    %dma_wait3A_138 = tpu.memref_squeeze %dma_wait3A_137 : memref<1x112x128xf32, #tpu.memory_space<hbm>> -> memref<112x128xf32, #tpu.memory_space<hbm>>
    %dma_wait3A_139 = arith.constant 0 : i32
    %dma_wait3A_140 = tpu.memref_slice %arg15[%add3A_87, %dma_wait3A_139] : memref<10752x128xf32, #tpu.memory_space<vmem_shared>> -> memref<112x128xf32, #tpu.memory_space<vmem_shared>>
    tpu.wait_dma2 semaphore(%arg22 : memref<!tpu.dma_semaphore, #tpu.memory_space<semaphore_mem>>) src(%dma_wait3A_140 : memref<112x128xf32, #tpu.memory_space<vmem_shared>>) dst(%dma_wait3A_138 : memref<112x128xf32, #tpu.memory_space<hbm>>)
    %dma_wait3A_141 = arith.constant 0 : i32
    %dma_wait3A_142 = tpu.memref_slice %arg5[%arg0, %add3A_98, %dma_wait3A_141] : memref<2x10752x128xf32, #tpu.memory_space<hbm>> -> memref<1x112x128xf32, #tpu.memory_space<hbm>>
    %dma_wait3A_143 = tpu.memref_squeeze %dma_wait3A_142 : memref<1x112x128xf32, #tpu.memory_space<hbm>> -> memref<112x128xf32, #tpu.memory_space<hbm>>
    %dma_wait3A_144 = arith.constant 0 : i32
    %dma_wait3A_145 = tpu.memref_slice %arg15[%add3A_96, %dma_wait3A_144] : memref<10752x128xf32, #tpu.memory_space<vmem_shared>> -> memref<112x128xf32, #tpu.memory_space<vmem_shared>>
    tpu.wait_dma2 semaphore(%arg22 : memref<!tpu.dma_semaphore, #tpu.memory_space<semaphore_mem>>) src(%dma_wait3A_145 : memref<112x128xf32, #tpu.memory_space<vmem_shared>>) dst(%dma_wait3A_143 : memref<112x128xf32, #tpu.memory_space<hbm>>)
    %dma_wait3A_146 = arith.constant 0 : i32
    %dma_wait3A_147 = tpu.memref_slice %arg5[%arg0, %add3A_107, %dma_wait3A_146] : memref<2x10752x128xf32, #tpu.memory_space<hbm>> -> memref<1x112x128xf32, #tpu.memory_space<hbm>>
    %dma_wait3A_148 = tpu.memref_squeeze %dma_wait3A_147 : memref<1x112x128xf32, #tpu.memory_space<hbm>> -> memref<112x128xf32, #tpu.memory_space<hbm>>
    %dma_wait3A_149 = arith.constant 0 : i32
    %dma_wait3A_150 = tpu.memref_slice %arg15[%add3A_105, %dma_wait3A_149] : memref<10752x128xf32, #tpu.memory_space<vmem_shared>> -> memref<112x128xf32, #tpu.memory_space<vmem_shared>>
    tpu.wait_dma2 semaphore(%arg22 : memref<!tpu.dma_semaphore, #tpu.memory_space<semaphore_mem>>) src(%dma_wait3A_150 : memref<112x128xf32, #tpu.memory_space<vmem_shared>>) dst(%dma_wait3A_148 : memref<112x128xf32, #tpu.memory_space<hbm>>)
    %dma_wait3A_151 = arith.constant 0 : i32
    %dma_wait3A_152 = tpu.memref_slice %arg5[%arg0, %add3A_116, %dma_wait3A_151] : memref<2x10752x128xf32, #tpu.memory_space<hbm>> -> memref<1x112x128xf32, #tpu.memory_space<hbm>>
    %dma_wait3A_153 = tpu.memref_squeeze %dma_wait3A_152 : memref<1x112x128xf32, #tpu.memory_space<hbm>> -> memref<112x128xf32, #tpu.memory_space<hbm>>
    %dma_wait3A_154 = arith.constant 0 : i32
    %dma_wait3A_155 = tpu.memref_slice %arg15[%add3A_114, %dma_wait3A_154] : memref<10752x128xf32, #tpu.memory_space<vmem_shared>> -> memref<112x128xf32, #tpu.memory_space<vmem_shared>>
    tpu.wait_dma2 semaphore(%arg22 : memref<!tpu.dma_semaphore, #tpu.memory_space<semaphore_mem>>) src(%dma_wait3A_155 : memref<112x128xf32, #tpu.memory_space<vmem_shared>>) dst(%dma_wait3A_153 : memref<112x128xf32, #tpu.memory_space<hbm>>)
    %dma_wait3A_156 = arith.constant 0 : i32
    %dma_wait3A_157 = tpu.memref_slice %arg5[%arg0, %add3A_125, %dma_wait3A_156] : memref<2x10752x128xf32, #tpu.memory_space<hbm>> -> memref<1x112x128xf32, #tpu.memory_space<hbm>>
    %dma_wait3A_158 = tpu.memref_squeeze %dma_wait3A_157 : memref<1x112x128xf32, #tpu.memory_space<hbm>> -> memref<112x128xf32, #tpu.memory_space<hbm>>
    %dma_wait3A_159 = arith.constant 0 : i32
    %dma_wait3A_160 = tpu.memref_slice %arg15[%add3A_123, %dma_wait3A_159] : memref<10752x128xf32, #tpu.memory_space<vmem_shared>> -> memref<112x128xf32, #tpu.memory_space<vmem_shared>>
    tpu.wait_dma2 semaphore(%arg22 : memref<!tpu.dma_semaphore, #tpu.memory_space<semaphore_mem>>) src(%dma_wait3A_160 : memref<112x128xf32, #tpu.memory_space<vmem_shared>>) dst(%dma_wait3A_158 : memref<112x128xf32, #tpu.memory_space<hbm>>)
    return
  }
}

#map = affine_map<(d0, d1) -> (0, 0)>
#map1 = affine_map<(d0, d1) -> (0)>
#map2 = affine_map<(d0, d1) -> (0, 0, 0)>
module attributes {stable_mosaic.version = 14 : i64} {
  func.func @scatter_kernel(%arg0: i32, %arg1: i32, %arg2: memref<10752x128xf32, #tpu.memory_space<hbm>>, %arg3: memref<322560xi32, #tpu.memory_space<hbm>>, %arg4: memref<322560xi32, #tpu.memory_space<hbm>>, %arg5: memref<2x10752x128xf32, #tpu.memory_space<hbm>>, %arg6: memref<112xi32, #tpu.memory_space<vmem>>, %arg7: memref<112xi32, #tpu.memory_space<vmem>>, %arg8: memref<112xi32, #tpu.memory_space<vmem>>, %arg9: memref<112xi32, #tpu.memory_space<vmem>>, %arg10: memref<112xi32, #tpu.memory_space<vmem>>, %arg11: memref<112xi32, #tpu.memory_space<vmem>>, %arg12: memref<112x128xf32, #tpu.memory_space<vmem>>, %arg13: memref<112x128xf32, #tpu.memory_space<vmem>>, %arg14: memref<112x128xf32, #tpu.memory_space<vmem>>, %arg15: memref<10752x128xf32, #tpu.memory_space<vmem_shared>>, %arg16: memref<!tpu.dma_semaphore, #tpu.memory_space<semaphore_mem>>, %arg17: memref<!tpu.dma_semaphore, #tpu.memory_space<semaphore_mem>>, %arg18: memref<!tpu.dma_semaphore, #tpu.memory_space<semaphore_mem>>, %arg19: memref<!tpu.dma_semaphore, #tpu.memory_space<semaphore_mem>>, %arg20: memref<!tpu.dma_semaphore, #tpu.memory_space<semaphore_mem>>, %arg21: memref<!tpu.dma_semaphore, #tpu.memory_space<semaphore_mem>>, %arg22: memref<!tpu.dma_semaphore, #tpu.memory_space<semaphore_mem>>, %arg23: memref<!tpu.dma_semaphore, #tpu.memory_space<semaphore_mem>>, %arg24: memref<!tpu.dma_semaphore, #tpu.memory_space<semaphore_mem>>, %arg25: memref<!tpu.dma_semaphore, #tpu.memory_space<semaphore_mem>>, %arg26: memref<!tpu.dma_semaphore, #tpu.memory_space<semaphore_mem>>, %arg27: memref<!tpu.dma_semaphore, #tpu.memory_space<semaphore_mem>>) attributes {dimension_semantics = [#tpu.dimension_semantics<core_parallel>, #tpu.dimension_semantics<subcore_parallel>], iteration_bounds = array<i64: 2, 16>, scalar_prefetch = 0 : i64, scratch_operands = 22 : i64, tpu.core_type = #tpu.core_type<sc_vector_subcore>, window_params = [{transform_indices = #map}, {transform_indices = #map1}, {transform_indices = #map1}, {transform_indices = #map2}]} {
    %mul3A = arith.constant 2 : i32
    %mul3A_0 = arith.muli %arg1, %mul3A : i32
    %add3A = arith.addi %mul3A_0, %arg0 : i32
    %mul3A_1 = arith.constant 10080 : i32
    %mul3A_2 = arith.muli %add3A, %mul3A_1 : i32
    %scan3A = arith.constant 0 : i32
    %scan3A_3 = arith.constant 0 : i32
    %scan3A_4 = arith.constant 896 : i32
    %scan3A_5 = arith.addi %scan3A_3, %scan3A_4 : i32
    %scan3A_6 = arith.constant 1 : i32
    %scan3A_7 = scf.for %scan3A_161 = %scan3A_3 to %scan3A_5 step %scan3A_6 iter_args(%scan3A_162 = %scan3A) -> (i32)  : i32 {
      %jit3A = arith.constant 8 : i32
      %div3A = arith.divsi %scan3A_161, %jit3A : i32
      %sign3A = arith.constant 0 : i32
      %sign3A_163 = arith.cmpi sgt, %scan3A_161, %sign3A : i32
      %sign3A_164 = arith.extui %sign3A_163 : i1 to i32
      %sign3A_165 = arith.constant 0 : i32
      %sign3A_166 = arith.cmpi slt, %scan3A_161, %sign3A_165 : i32
      %sign3A_167 = arith.extui %sign3A_166 : i1 to i32
      %sign3A_168 = arith.subi %sign3A_164, %sign3A_167 : i32
      %sign3A_169 = arith.constant 0 : i32
      %sign3A_170 = arith.cmpi sgt, %jit3A, %sign3A_169 : i32
      %sign3A_171 = arith.extui %sign3A_170 : i1 to i32
      %sign3A_172 = arith.constant 0 : i32
      %sign3A_173 = arith.cmpi slt, %jit3A, %sign3A_172 : i32
      %sign3A_174 = arith.extui %sign3A_173 : i1 to i32
      %sign3A_175 = arith.subi %sign3A_171, %sign3A_174 : i32
      %ne3A = arith.cmpi ne, %sign3A_168, %sign3A_175 : i32
      %rem3A = arith.remsi %scan3A_161, %jit3A : i32
      %ne3A_176 = arith.constant 0 : i32
      %ne3A_177 = arith.cmpi ne, %rem3A, %ne3A_176 : i32
      %and3A = arith.andi %ne3A, %ne3A_177 : i1
      %sub3A = arith.constant 1 : i32
      %sub3A_178 = arith.subi %div3A, %sub3A : i32
      %select_n3A = arith.select %and3A, %sub3A_178, %div3A : i32
      %jit3A_179 = arith.constant 8 : i32
      %eq3A = arith.constant 0 : i32
      %eq3A_180 = arith.cmpi eq, %jit3A_179, %eq3A : i32
      %jit3A_181 = arith.constant 1 : i32
      %select_n3A_182 = arith.select %eq3A_180, %jit3A_181, %jit3A_179 : i32
      %rem3A_183 = arith.remsi %scan3A_161, %select_n3A_182 : i32
      %ne3A_184 = arith.constant 0 : i32
      %ne3A_185 = arith.cmpi ne, %rem3A_183, %ne3A_184 : i32
      %lt3A = arith.constant 0 : i32
      %lt3A_186 = arith.cmpi slt, %rem3A_183, %lt3A : i32
      %lt3A_187 = arith.constant 0 : i32
      %lt3A_188 = arith.cmpi slt, %select_n3A_182, %lt3A_187 : i32
      %ne3A_189 = arith.xori %lt3A_186, %lt3A_188 : i1
      %and3A_190 = arith.andi %ne3A_189, %ne3A_185 : i1
      %add3A_191 = arith.addi %rem3A_183, %select_n3A_182 : i32
      %select_n3A_192 = arith.select %and3A_190, %add3A_191, %rem3A_183 : i32
      %mul3A_193 = arith.constant 16 : i32
      %mul3A_194 = arith.muli %select_n3A_192, %mul3A_193 : i32
      %broadcast_in_dim3A = arith.constant 0.000000e+00 : f32
      %broadcast_in_dim3A_195 = vector.broadcast %broadcast_in_dim3A : f32 to vector<16xf32>
      %swap3A = arith.index_cast %select_n3A : i32 to index
      %swap3A_196 = arith.index_cast %mul3A_194 : i32 to index
      %swap3A_197 = tpu.vector_load %arg12[%swap3A, %swap3A_196] {strides = array<i32>} : memref<112x128xf32, #tpu.memory_space<vmem>>, vector<1x16xf32>,
      %swap3A_198 = vector.shape_cast %swap3A_197 : vector<1x16xf32> to vector<16xf32>
      %swap3A_199 = vector.shape_cast %broadcast_in_dim3A_195 : vector<16xf32> to vector<1x16xf32>
      tpu.vector_store %arg12[%swap3A, %swap3A_196], %swap3A_199 {strides = array<i32>} : memref<112x128xf32, #tpu.memory_space<vmem>>, vector<1x16xf32>,
      %scan3A_200 = arith.constant 0 : i32
      scf.yield %scan3A_200 : i32
    }
    %scan3A_8 = arith.constant 896 : i32
    %mul3A_9 = arith.constant 672 : i32
    %mul3A_10 = arith.muli %arg1, %mul3A_9 : i32
    %add3A_11 = arith.constant 0 : i32
    %add3A_12 = arith.addi %mul3A_10, %add3A_11 : i32
    %dma_start3A = arith.constant 0 : i32
    %dma_start3A_13 = tpu.memref_slice %arg15[%add3A_12, %dma_start3A] : memref<10752x128xf32, #tpu.memory_space<vmem_shared>> -> memref<112x128xf32, #tpu.memory_space<vmem_shared>>
    %dma_start3A_14 = arith.constant 0 : i32
    %dma_start3A_15 = tpu.memref_slice %arg15[%add3A_12, %dma_start3A_14] : memref<10752x128xf32, #tpu.memory_space<vmem_shared>> -> memref<112x128xf32, #tpu.memory_space<vmem_shared>>
    tpu.enqueue_dma source(%arg12 : memref<112x128xf32, #tpu.memory_space<vmem>>) target(%dma_start3A_15 : memref<112x128xf32, #tpu.memory_space<vmem_shared>>) target_semaphore(%arg22 : memref<!tpu.dma_semaphore, #tpu.memory_space<semaphore_mem>>)
    %add3A_16 = arith.constant 112 : i32
    %add3A_17 = arith.addi %mul3A_10, %add3A_16 : i32
    %dma_start3A_18 = arith.constant 0 : i32
    %dma_start3A_19 = tpu.memref_slice %arg15[%add3A_17, %dma_start3A_18] : memref<10752x128xf32, #tpu.memory_space<vmem_shared>> -> memref<112x128xf32, #tpu.memory_space<vmem_shared>>
    %dma_start3A_20 = arith.constant 0 : i32
    %dma_start3A_21 = tpu.memref_slice %arg15[%add3A_17, %dma_start3A_20] : memref<10752x128xf32, #tpu.memory_space<vmem_shared>> -> memref<112x128xf32, #tpu.memory_space<vmem_shared>>
    tpu.enqueue_dma source(%arg12 : memref<112x128xf32, #tpu.memory_space<vmem>>) target(%dma_start3A_21 : memref<112x128xf32, #tpu.memory_space<vmem_shared>>) target_semaphore(%arg22 : memref<!tpu.dma_semaphore, #tpu.memory_space<semaphore_mem>>)
    %add3A_22 = arith.constant 224 : i32
    %add3A_23 = arith.addi %mul3A_10, %add3A_22 : i32
    %dma_start3A_24 = arith.constant 0 : i32
    %dma_start3A_25 = tpu.memref_slice %arg15[%add3A_23, %dma_start3A_24] : memref<10752x128xf32, #tpu.memory_space<vmem_shared>> -> memref<112x128xf32, #tpu.memory_space<vmem_shared>>
    %dma_start3A_26 = arith.constant 0 : i32
    %dma_start3A_27 = tpu.memref_slice %arg15[%add3A_23, %dma_start3A_26] : memref<10752x128xf32, #tpu.memory_space<vmem_shared>> -> memref<112x128xf32, #tpu.memory_space<vmem_shared>>
    tpu.enqueue_dma source(%arg12 : memref<112x128xf32, #tpu.memory_space<vmem>>) target(%dma_start3A_27 : memref<112x128xf32, #tpu.memory_space<vmem_shared>>) target_semaphore(%arg22 : memref<!tpu.dma_semaphore, #tpu.memory_space<semaphore_mem>>)
    %add3A_28 = arith.constant 336 : i32
    %add3A_29 = arith.addi %mul3A_10, %add3A_28 : i32
    %dma_start3A_30 = arith.constant 0 : i32
    %dma_start3A_31 = tpu.memref_slice %arg15[%add3A_29, %dma_start3A_30] : memref<10752x128xf32, #tpu.memory_space<vmem_shared>> -> memref<112x128xf32, #tpu.memory_space<vmem_shared>>
    %dma_start3A_32 = arith.constant 0 : i32
    %dma_start3A_33 = tpu.memref_slice %arg15[%add3A_29, %dma_start3A_32] : memref<10752x128xf32, #tpu.memory_space<vmem_shared>> -> memref<112x128xf32, #tpu.memory_space<vmem_shared>>
    tpu.enqueue_dma source(%arg12 : memref<112x128xf32, #tpu.memory_space<vmem>>) target(%dma_start3A_33 : memref<112x128xf32, #tpu.memory_space<vmem_shared>>) target_semaphore(%arg22 : memref<!tpu.dma_semaphore, #tpu.memory_space<semaphore_mem>>)
    %add3A_34 = arith.constant 448 : i32
    %add3A_35 = arith.addi %mul3A_10, %add3A_34 : i32
    %dma_start3A_36 = arith.constant 0 : i32
    %dma_start3A_37 = tpu.memref_slice %arg15[%add3A_35, %dma_start3A_36] : memref<10752x128xf32, #tpu.memory_space<vmem_shared>> -> memref<112x128xf32, #tpu.memory_space<vmem_shared>>
    %dma_start3A_38 = arith.constant 0 : i32
    %dma_start3A_39 = tpu.memref_slice %arg15[%add3A_35, %dma_start3A_38] : memref<10752x128xf32, #tpu.memory_space<vmem_shared>> -> memref<112x128xf32, #tpu.memory_space<vmem_shared>>
    tpu.enqueue_dma source(%arg12 : memref<112x128xf32, #tpu.memory_space<vmem>>) target(%dma_start3A_39 : memref<112x128xf32, #tpu.memory_space<vmem_shared>>) target_semaphore(%arg22 : memref<!tpu.dma_semaphore, #tpu.memory_space<semaphore_mem>>)
    %add3A_40 = arith.constant 560 : i32
    %add3A_41 = arith.addi %mul3A_10, %add3A_40 : i32
    %dma_start3A_42 = arith.constant 0 : i32
    %dma_start3A_43 = tpu.memref_slice %arg15[%add3A_41, %dma_start3A_42] : memref<10752x128xf32, #tpu.memory_space<vmem_shared>> -> memref<112x128xf32, #tpu.memory_space<vmem_shared>>
    %dma_start3A_44 = arith.constant 0 : i32
    %dma_start3A_45 = tpu.memref_slice %arg15[%add3A_41, %dma_start3A_44] : memref<10752x128xf32, #tpu.memory_space<vmem_shared>> -> memref<112x128xf32, #tpu.memory_space<vmem_shared>>
    tpu.enqueue_dma source(%arg12 : memref<112x128xf32, #tpu.memory_space<vmem>>) target(%dma_start3A_45 : memref<112x128xf32, #tpu.memory_space<vmem_shared>>) target_semaphore(%arg22 : memref<!tpu.dma_semaphore, #tpu.memory_space<semaphore_mem>>)
    %dma_wait3A = arith.constant 0 : i32
    %dma_wait3A_46 = tpu.memref_slice %arg15[%add3A_12, %dma_wait3A] : memref<10752x128xf32, #tpu.memory_space<vmem_shared>> -> memref<112x128xf32, #tpu.memory_space<vmem_shared>>
    %dma_wait3A_47 = arith.constant 0 : i32
    %dma_wait3A_48 = tpu.memref_slice %arg15[%add3A_12, %dma_wait3A_47] : memref<10752x128xf32, #tpu.memory_space<vmem_shared>> -> memref<112x128xf32, #tpu.memory_space<vmem_shared>>
    tpu.wait_dma2 semaphore(%arg22 : memref<!tpu.dma_semaphore, #tpu.memory_space<semaphore_mem>>) src(%arg12 : memref<112x128xf32, #tpu.memory_space<vmem>>) dst(%dma_wait3A_48 : memref<112x128xf32, #tpu.memory_space<vmem_shared>>)
    %dma_wait3A_49 = arith.constant 0 : i32
    %dma_wait3A_50 = tpu.memref_slice %arg15[%add3A_17, %dma_wait3A_49] : memref<10752x128xf32, #tpu.memory_space<vmem_shared>> -> memref<112x128xf32, #tpu.memory_space<vmem_shared>>
    %dma_wait3A_51 = arith.constant 0 : i32
    %dma_wait3A_52 = tpu.memref_slice %arg15[%add3A_17, %dma_wait3A_51] : memref<10752x128xf32, #tpu.memory_space<vmem_shared>> -> memref<112x128xf32, #tpu.memory_space<vmem_shared>>
    tpu.wait_dma2 semaphore(%arg22 : memref<!tpu.dma_semaphore, #tpu.memory_space<semaphore_mem>>) src(%arg12 : memref<112x128xf32, #tpu.memory_space<vmem>>) dst(%dma_wait3A_52 : memref<112x128xf32, #tpu.memory_space<vmem_shared>>)
    %dma_wait3A_53 = arith.constant 0 : i32
    %dma_wait3A_54 = tpu.memref_slice %arg15[%add3A_23, %dma_wait3A_53] : memref<10752x128xf32, #tpu.memory_space<vmem_shared>> -> memref<112x128xf32, #tpu.memory_space<vmem_shared>>
    %dma_wait3A_55 = arith.constant 0 : i32
    %dma_wait3A_56 = tpu.memref_slice %arg15[%add3A_23, %dma_wait3A_55] : memref<10752x128xf32, #tpu.memory_space<vmem_shared>> -> memref<112x128xf32, #tpu.memory_space<vmem_shared>>
    tpu.wait_dma2 semaphore(%arg22 : memref<!tpu.dma_semaphore, #tpu.memory_space<semaphore_mem>>) src(%arg12 : memref<112x128xf32, #tpu.memory_space<vmem>>) dst(%dma_wait3A_56 : memref<112x128xf32, #tpu.memory_space<vmem_shared>>)
    %dma_wait3A_57 = arith.constant 0 : i32
    %dma_wait3A_58 = tpu.memref_slice %arg15[%add3A_29, %dma_wait3A_57] : memref<10752x128xf32, #tpu.memory_space<vmem_shared>> -> memref<112x128xf32, #tpu.memory_space<vmem_shared>>
    %dma_wait3A_59 = arith.constant 0 : i32
    %dma_wait3A_60 = tpu.memref_slice %arg15[%add3A_29, %dma_wait3A_59] : memref<10752x128xf32, #tpu.memory_space<vmem_shared>> -> memref<112x128xf32, #tpu.memory_space<vmem_shared>>
    tpu.wait_dma2 semaphore(%arg22 : memref<!tpu.dma_semaphore, #tpu.memory_space<semaphore_mem>>) src(%arg12 : memref<112x128xf32, #tpu.memory_space<vmem>>) dst(%dma_wait3A_60 : memref<112x128xf32, #tpu.memory_space<vmem_shared>>)
    %dma_wait3A_61 = arith.constant 0 : i32
    %dma_wait3A_62 = tpu.memref_slice %arg15[%add3A_35, %dma_wait3A_61] : memref<10752x128xf32, #tpu.memory_space<vmem_shared>> -> memref<112x128xf32, #tpu.memory_space<vmem_shared>>
    %dma_wait3A_63 = arith.constant 0 : i32
    %dma_wait3A_64 = tpu.memref_slice %arg15[%add3A_35, %dma_wait3A_63] : memref<10752x128xf32, #tpu.memory_space<vmem_shared>> -> memref<112x128xf32, #tpu.memory_space<vmem_shared>>
    tpu.wait_dma2 semaphore(%arg22 : memref<!tpu.dma_semaphore, #tpu.memory_space<semaphore_mem>>) src(%arg12 : memref<112x128xf32, #tpu.memory_space<vmem>>) dst(%dma_wait3A_64 : memref<112x128xf32, #tpu.memory_space<vmem_shared>>)
    %dma_wait3A_65 = arith.constant 0 : i32
    %dma_wait3A_66 = tpu.memref_slice %arg15[%add3A_41, %dma_wait3A_65] : memref<10752x128xf32, #tpu.memory_space<vmem_shared>> -> memref<112x128xf32, #tpu.memory_space<vmem_shared>>
    %dma_wait3A_67 = arith.constant 0 : i32
    %dma_wait3A_68 = tpu.memref_slice %arg15[%add3A_41, %dma_wait3A_67] : memref<10752x128xf32, #tpu.memory_space<vmem_shared>> -> memref<112x128xf32, #tpu.memory_space<vmem_shared>>
    tpu.wait_dma2 semaphore(%arg22 : memref<!tpu.dma_semaphore, #tpu.memory_space<semaphore_mem>>) src(%arg12 : memref<112x128xf32, #tpu.memory_space<vmem>>) dst(%dma_wait3A_68 : memref<112x128xf32, #tpu.memory_space<vmem_shared>>)
    %barrier3A = arith.constant 0 : index
    tpu.barrier barrier_id(%barrier3A)
    %scan3A_69 = arith.constant 0 : i32
    %scan3A_70 = arith.constant 0 : i32
    %scan3A_71 = arith.constant 30 : i32
    %scan3A_72 = arith.addi %scan3A_70, %scan3A_71 : i32
    %scan3A_73 = arith.constant 1 : i32
    %scan3A_74 = scf.for %scan3A_161 = %scan3A_70 to %scan3A_72 step %scan3A_73 iter_args(%scan3A_162 = %scan3A_69) -> (i32)  : i32 {
      %mul3A_163 = arith.constant 3 : i32
      %mul3A_164 = arith.muli %scan3A_161, %mul3A_163 : i32
      %mul3A_165 = arith.constant 112 : i32
      %mul3A_166 = arith.muli %mul3A_164, %mul3A_165 : i32
      %add3A_167 = arith.addi %mul3A_2, %mul3A_166 : i32
      %add3A_168 = arith.constant 0 : i32
      %add3A_169 = arith.addi %add3A_167, %add3A_168 : i32
      %dma_start3A_170 = tpu.memref_slice %arg3[%add3A_169] : memref<322560xi32, #tpu.memory_space<hbm>> -> memref<112xi32, #tpu.memory_space<hbm>>
      %dma_start3A_171 = tpu.memref_slice %arg3[%add3A_169] : memref<322560xi32, #tpu.memory_space<hbm>> -> memref<112xi32, #tpu.memory_space<hbm>>
      tpu.enqueue_dma source(%dma_start3A_171 : memref<112xi32, #tpu.memory_space<hbm>>) target(%arg6 : memref<112xi32, #tpu.memory_space<vmem>>) target_semaphore(%arg16 : memref<!tpu.dma_semaphore, #tpu.memory_space<semaphore_mem>>)
      %add3A_172 = arith.constant 0 : i32
      %add3A_173 = arith.addi %add3A_167, %add3A_172 : i32
      %dma_start3A_174 = tpu.memref_slice %arg4[%add3A_173] : memref<322560xi32, #tpu.memory_space<hbm>> -> memref<112xi32, #tpu.memory_space<hbm>>
      %dma_start3A_175 = tpu.memref_slice %arg4[%add3A_173] : memref<322560xi32, #tpu.memory_space<hbm>> -> memref<112xi32, #tpu.memory_space<hbm>>
      tpu.enqueue_dma source(%dma_start3A_175 : memref<112xi32, #tpu.memory_space<hbm>>) target(%arg9 : memref<112xi32, #tpu.memory_space<vmem>>) target_semaphore(%arg19 : memref<!tpu.dma_semaphore, #tpu.memory_space<semaphore_mem>>)
      %add3A_176 = arith.constant 112 : i32
      %add3A_177 = arith.addi %add3A_167, %add3A_176 : i32
      %dma_start3A_178 = tpu.memref_slice %arg3[%add3A_177] : memref<322560xi32, #tpu.memory_space<hbm>> -> memref<112xi32, #tpu.memory_space<hbm>>
      %dma_start3A_179 = tpu.memref_slice %arg3[%add3A_177] : memref<322560xi32, #tpu.memory_space<hbm>> -> memref<112xi32, #tpu.memory_space<hbm>>
      tpu.enqueue_dma source(%dma_start3A_179 : memref<112xi32, #tpu.memory_space<hbm>>) target(%arg7 : memref<112xi32, #tpu.memory_space<vmem>>) target_semaphore(%arg17 : memref<!tpu.dma_semaphore, #tpu.memory_space<semaphore_mem>>)
      %add3A_180 = arith.constant 112 : i32
      %add3A_181 = arith.addi %add3A_167, %add3A_180 : i32
      %dma_start3A_182 = tpu.memref_slice %arg4[%add3A_181] : memref<322560xi32, #tpu.memory_space<hbm>> -> memref<112xi32, #tpu.memory_space<hbm>>
      %dma_start3A_183 = tpu.memref_slice %arg4[%add3A_181] : memref<322560xi32, #tpu.memory_space<hbm>> -> memref<112xi32, #tpu.memory_space<hbm>>
      tpu.enqueue_dma source(%dma_start3A_183 : memref<112xi32, #tpu.memory_space<hbm>>) target(%arg10 : memref<112xi32, #tpu.memory_space<vmem>>) target_semaphore(%arg20 : memref<!tpu.dma_semaphore, #tpu.memory_space<semaphore_mem>>)
      %add3A_184 = arith.constant 224 : i32
      %add3A_185 = arith.addi %add3A_167, %add3A_184 : i32
      %dma_start3A_186 = tpu.memref_slice %arg3[%add3A_185] : memref<322560xi32, #tpu.memory_space<hbm>> -> memref<112xi32, #tpu.memory_space<hbm>>
      %dma_start3A_187 = tpu.memref_slice %arg3[%add3A_185] : memref<322560xi32, #tpu.memory_space<hbm>> -> memref<112xi32, #tpu.memory_space<hbm>>
      tpu.enqueue_dma source(%dma_start3A_187 : memref<112xi32, #tpu.memory_space<hbm>>) target(%arg8 : memref<112xi32, #tpu.memory_space<vmem>>) target_semaphore(%arg18 : memref<!tpu.dma_semaphore, #tpu.memory_space<semaphore_mem>>)
      %add3A_188 = arith.constant 224 : i32
      %add3A_189 = arith.addi %add3A_167, %add3A_188 : i32
      %dma_start3A_190 = tpu.memref_slice %arg4[%add3A_189] : memref<322560xi32, #tpu.memory_space<hbm>> -> memref<112xi32, #tpu.memory_space<hbm>>
      %dma_start3A_191 = tpu.memref_slice %arg4[%add3A_189] : memref<322560xi32, #tpu.memory_space<hbm>> -> memref<112xi32, #tpu.memory_space<hbm>>
      tpu.enqueue_dma source(%dma_start3A_191 : memref<112xi32, #tpu.memory_space<hbm>>) target(%arg11 : memref<112xi32, #tpu.memory_space<vmem>>) target_semaphore(%arg21 : memref<!tpu.dma_semaphore, #tpu.memory_space<semaphore_mem>>)
      %dma_wait3A_192 = tpu.memref_slice %arg3[%add3A_169] : memref<322560xi32, #tpu.memory_space<hbm>> -> memref<112xi32, #tpu.memory_space<hbm>>
      %dma_wait3A_193 = tpu.memref_slice %arg3[%add3A_169] : memref<322560xi32, #tpu.memory_space<hbm>> -> memref<112xi32, #tpu.memory_space<hbm>>
      tpu.wait_dma2 semaphore(%arg16 : memref<!tpu.dma_semaphore, #tpu.memory_space<semaphore_mem>>) src(%dma_wait3A_193 : memref<112xi32, #tpu.memory_space<hbm>>) dst(%arg6 : memref<112xi32, #tpu.memory_space<vmem>>)
      %dma_wait3A_194 = tpu.memref_slice %arg4[%add3A_173] : memref<322560xi32, #tpu.memory_space<hbm>> -> memref<112xi32, #tpu.memory_space<hbm>>
      %dma_wait3A_195 = tpu.memref_slice %arg4[%add3A_173] : memref<322560xi32, #tpu.memory_space<hbm>> -> memref<112xi32, #tpu.memory_space<hbm>>
      tpu.wait_dma2 semaphore(%arg19 : memref<!tpu.dma_semaphore, #tpu.memory_space<semaphore_mem>>) src(%dma_wait3A_195 : memref<112xi32, #tpu.memory_space<hbm>>) dst(%arg9 : memref<112xi32, #tpu.memory_space<vmem>>)
      %dma_start3A_196 = arith.constant 0 : i32
      %dma_start3A_197 = arith.constant 0 : i32
      %dma_start3A_198 = tpu.memref_slice %arg2[%dma_start3A_196, %dma_start3A_197] : memref<10752x128xf32, #tpu.memory_space<hbm>> -> memref<10752x128xf32, #tpu.memory_space<hbm>>
      tpu.enqueue_indirect_dma source(%dma_start3A_198 : memref<10752x128xf32, #tpu.memory_space<hbm>>) target(%arg12 : memref<112x128xf32, #tpu.memory_space<vmem>>) offsets(%arg6 : memref<112xi32, #tpu.memory_space<vmem>>) semaphore(%arg22 : memref<!tpu.dma_semaphore, #tpu.memory_space<semaphore_mem>>)
      %dma_wait3A_199 = tpu.memref_slice %arg3[%add3A_177] : memref<322560xi32, #tpu.memory_space<hbm>> -> memref<112xi32, #tpu.memory_space<hbm>>
      %dma_wait3A_200 = tpu.memref_slice %arg3[%add3A_177] : memref<322560xi32, #tpu.memory_space<hbm>> -> memref<112xi32, #tpu.memory_space<hbm>>
      tpu.wait_dma2 semaphore(%arg17 : memref<!tpu.dma_semaphore, #tpu.memory_space<semaphore_mem>>) src(%dma_wait3A_200 : memref<112xi32, #tpu.memory_space<hbm>>) dst(%arg7 : memref<112xi32, #tpu.memory_space<vmem>>)
      %dma_wait3A_201 = tpu.memref_slice %arg4[%add3A_181] : memref<322560xi32, #tpu.memory_space<hbm>> -> memref<112xi32, #tpu.memory_space<hbm>>
      %dma_wait3A_202 = tpu.memref_slice %arg4[%add3A_181] : memref<322560xi32, #tpu.memory_space<hbm>> -> memref<112xi32, #tpu.memory_space<hbm>>
      tpu.wait_dma2 semaphore(%arg20 : memref<!tpu.dma_semaphore, #tpu.memory_space<semaphore_mem>>) src(%dma_wait3A_202 : memref<112xi32, #tpu.memory_space<hbm>>) dst(%arg10 : memref<112xi32, #tpu.memory_space<vmem>>)
      %dma_start3A_203 = arith.constant 0 : i32
      %dma_start3A_204 = arith.constant 0 : i32
      %dma_start3A_205 = tpu.memref_slice %arg2[%dma_start3A_203, %dma_start3A_204] : memref<10752x128xf32, #tpu.memory_space<hbm>> -> memref<10752x128xf32, #tpu.memory_space<hbm>>
      tpu.enqueue_indirect_dma source(%dma_start3A_205 : memref<10752x128xf32, #tpu.memory_space<hbm>>) target(%arg13 : memref<112x128xf32, #tpu.memory_space<vmem>>) offsets(%arg7 : memref<112xi32, #tpu.memory_space<vmem>>) semaphore(%arg23 : memref<!tpu.dma_semaphore, #tpu.memory_space<semaphore_mem>>)
      %dma_wait3A_206 = tpu.memref_slice %arg3[%add3A_185] : memref<322560xi32, #tpu.memory_space<hbm>> -> memref<112xi32, #tpu.memory_space<hbm>>
      %dma_wait3A_207 = tpu.memref_slice %arg3[%add3A_185] : memref<322560xi32, #tpu.memory_space<hbm>> -> memref<112xi32, #tpu.memory_space<hbm>>
      tpu.wait_dma2 semaphore(%arg18 : memref<!tpu.dma_semaphore, #tpu.memory_space<semaphore_mem>>) src(%dma_wait3A_207 : memref<112xi32, #tpu.memory_space<hbm>>) dst(%arg8 : memref<112xi32, #tpu.memory_space<vmem>>)
      %dma_wait3A_208 = tpu.memref_slice %arg4[%add3A_189] : memref<322560xi32, #tpu.memory_space<hbm>> -> memref<112xi32, #tpu.memory_space<hbm>>
      %dma_wait3A_209 = tpu.memref_slice %arg4[%add3A_189] : memref<322560xi32, #tpu.memory_space<hbm>> -> memref<112xi32, #tpu.memory_space<hbm>>
      tpu.wait_dma2 semaphore(%arg21 : memref<!tpu.dma_semaphore, #tpu.memory_space<semaphore_mem>>) src(%dma_wait3A_209 : memref<112xi32, #tpu.memory_space<hbm>>) dst(%arg11 : memref<112xi32, #tpu.memory_space<vmem>>)
      %dma_start3A_210 = arith.constant 0 : i32
      %dma_start3A_211 = arith.constant 0 : i32
      %dma_start3A_212 = tpu.memref_slice %arg2[%dma_start3A_210, %dma_start3A_211] : memref<10752x128xf32, #tpu.memory_space<hbm>> -> memref<10752x128xf32, #tpu.memory_space<hbm>>
      tpu.enqueue_indirect_dma source(%dma_start3A_212 : memref<10752x128xf32, #tpu.memory_space<hbm>>) target(%arg14 : memref<112x128xf32, #tpu.memory_space<vmem>>) offsets(%arg8 : memref<112xi32, #tpu.memory_space<vmem>>) semaphore(%arg24 : memref<!tpu.dma_semaphore, #tpu.memory_space<semaphore_mem>>)
      %dma_wait3A_213 = arith.constant 0 : i32
      %dma_wait3A_214 = arith.constant 0 : i32
      %dma_wait3A_215 = tpu.memref_slice %arg2[%dma_wait3A_213, %dma_wait3A_214] : memref<10752x128xf32, #tpu.memory_space<hbm>> -> memref<10752x128xf32, #tpu.memory_space<hbm>>
      tpu.wait_indirect_dma semaphore(%arg22 : memref<!tpu.dma_semaphore, #tpu.memory_space<semaphore_mem>>) src(%dma_wait3A_215 : memref<10752x128xf32, #tpu.memory_space<hbm>>) dst(%arg12 : memref<112x128xf32, #tpu.memory_space<vmem>>)
      %dma_start3A_216 = arith.constant 0 : i32
      %dma_start3A_217 = arith.constant 0 : i32
      %dma_start3A_218 = tpu.memref_slice %arg15[%dma_start3A_216, %dma_start3A_217] : memref<10752x128xf32, #tpu.memory_space<vmem_shared>> -> memref<10752x128xf32, #tpu.memory_space<vmem_shared>>
      tpu.enqueue_indirect_dma source(%arg12 : memref<112x128xf32, #tpu.memory_space<vmem>>) target(%dma_start3A_218 : memref<10752x128xf32, #tpu.memory_space<vmem_shared>>) offsets(%arg9 : memref<112xi32, #tpu.memory_space<vmem>>) semaphore(%arg25 : memref<!tpu.dma_semaphore, #tpu.memory_space<semaphore_mem>>) {add = true}
      %dma_wait3A_219 = arith.constant 0 : i32
      %dma_wait3A_220 = arith.constant 0 : i32
      %dma_wait3A_221 = tpu.memref_slice %arg2[%dma_wait3A_219, %dma_wait3A_220] : memref<10752x128xf32, #tpu.memory_space<hbm>> -> memref<10752x128xf32, #tpu.memory_space<hbm>>
      tpu.wait_indirect_dma semaphore(%arg23 : memref<!tpu.dma_semaphore, #tpu.memory_space<semaphore_mem>>) src(%dma_wait3A_221 : memref<10752x128xf32, #tpu.memory_space<hbm>>) dst(%arg13 : memref<112x128xf32, #tpu.memory_space<vmem>>)
      %dma_start3A_222 = arith.constant 0 : i32
      %dma_start3A_223 = arith.constant 0 : i32
      %dma_start3A_224 = tpu.memref_slice %arg15[%dma_start3A_222, %dma_start3A_223] : memref<10752x128xf32, #tpu.memory_space<vmem_shared>> -> memref<10752x128xf32, #tpu.memory_space<vmem_shared>>
      tpu.enqueue_indirect_dma source(%arg13 : memref<112x128xf32, #tpu.memory_space<vmem>>) target(%dma_start3A_224 : memref<10752x128xf32, #tpu.memory_space<vmem_shared>>) offsets(%arg10 : memref<112xi32, #tpu.memory_space<vmem>>) semaphore(%arg26 : memref<!tpu.dma_semaphore, #tpu.memory_space<semaphore_mem>>) {add = true}
      %dma_wait3A_225 = arith.constant 0 : i32
      %dma_wait3A_226 = arith.constant 0 : i32
      %dma_wait3A_227 = tpu.memref_slice %arg2[%dma_wait3A_225, %dma_wait3A_226] : memref<10752x128xf32, #tpu.memory_space<hbm>> -> memref<10752x128xf32, #tpu.memory_space<hbm>>
      tpu.wait_indirect_dma semaphore(%arg24 : memref<!tpu.dma_semaphore, #tpu.memory_space<semaphore_mem>>) src(%dma_wait3A_227 : memref<10752x128xf32, #tpu.memory_space<hbm>>) dst(%arg14 : memref<112x128xf32, #tpu.memory_space<vmem>>)
      %dma_start3A_228 = arith.constant 0 : i32
      %dma_start3A_229 = arith.constant 0 : i32
      %dma_start3A_230 = tpu.memref_slice %arg15[%dma_start3A_228, %dma_start3A_229] : memref<10752x128xf32, #tpu.memory_space<vmem_shared>> -> memref<10752x128xf32, #tpu.memory_space<vmem_shared>>
      tpu.enqueue_indirect_dma source(%arg14 : memref<112x128xf32, #tpu.memory_space<vmem>>) target(%dma_start3A_230 : memref<10752x128xf32, #tpu.memory_space<vmem_shared>>) offsets(%arg11 : memref<112xi32, #tpu.memory_space<vmem>>) semaphore(%arg27 : memref<!tpu.dma_semaphore, #tpu.memory_space<semaphore_mem>>) {add = true}
      %dma_wait3A_231 = arith.constant 0 : i32
      %dma_wait3A_232 = arith.constant 0 : i32
      %dma_wait3A_233 = tpu.memref_slice %arg15[%dma_wait3A_231, %dma_wait3A_232] : memref<10752x128xf32, #tpu.memory_space<vmem_shared>> -> memref<10752x128xf32, #tpu.memory_space<vmem_shared>>
      tpu.wait_indirect_dma semaphore(%arg25 : memref<!tpu.dma_semaphore, #tpu.memory_space<semaphore_mem>>) src(%arg12 : memref<112x128xf32, #tpu.memory_space<vmem>>) dst(%dma_wait3A_233 : memref<10752x128xf32, #tpu.memory_space<vmem_shared>>)
      %dma_wait3A_234 = arith.constant 0 : i32
      %dma_wait3A_235 = arith.constant 0 : i32
      %dma_wait3A_236 = tpu.memref_slice %arg15[%dma_wait3A_234, %dma_wait3A_235] : memref<10752x128xf32, #tpu.memory_space<vmem_shared>> -> memref<10752x128xf32, #tpu.memory_space<vmem_shared>>
      tpu.wait_indirect_dma semaphore(%arg26 : memref<!tpu.dma_semaphore, #tpu.memory_space<semaphore_mem>>) src(%arg13 : memref<112x128xf32, #tpu.memory_space<vmem>>) dst(%dma_wait3A_236 : memref<10752x128xf32, #tpu.memory_space<vmem_shared>>)
      %dma_wait3A_237 = arith.constant 0 : i32
      %dma_wait3A_238 = arith.constant 0 : i32
      %dma_wait3A_239 = tpu.memref_slice %arg15[%dma_wait3A_237, %dma_wait3A_238] : memref<10752x128xf32, #tpu.memory_space<vmem_shared>> -> memref<10752x128xf32, #tpu.memory_space<vmem_shared>>
      tpu.wait_indirect_dma semaphore(%arg27 : memref<!tpu.dma_semaphore, #tpu.memory_space<semaphore_mem>>) src(%arg14 : memref<112x128xf32, #tpu.memory_space<vmem>>) dst(%dma_wait3A_239 : memref<10752x128xf32, #tpu.memory_space<vmem_shared>>)
      %scan3A_240 = arith.constant 0 : i32
      scf.yield %scan3A_240 : i32
    }
    %scan3A_75 = arith.constant 30 : i32
    %barrier3A_76 = arith.constant 0 : index
    tpu.barrier barrier_id(%barrier3A_76)
    %add3A_77 = arith.constant 0 : i32
    %add3A_78 = arith.addi %mul3A_10, %add3A_77 : i32
    %add3A_79 = arith.constant 0 : i32
    %add3A_80 = arith.addi %mul3A_10, %add3A_79 : i32
    %dma_start3A_81 = arith.constant 0 : i32
    %dma_start3A_82 = tpu.memref_slice %arg5[%arg0, %add3A_80, %dma_start3A_81] : memref<2x10752x128xf32, #tpu.memory_space<hbm>> -> memref<1x112x128xf32, #tpu.memory_space<hbm>>
    %dma_start3A_83 = tpu.memref_squeeze %dma_start3A_82 : memref<1x112x128xf32, #tpu.memory_space<hbm>> -> memref<112x128xf32, #tpu.memory_space<hbm>>
    %dma_start3A_84 = arith.constant 0 : i32
    %dma_start3A_85 = tpu.memref_slice %arg15[%add3A_78, %dma_start3A_84] : memref<10752x128xf32, #tpu.memory_space<vmem_shared>> -> memref<112x128xf32, #tpu.memory_space<vmem_shared>>
    tpu.enqueue_dma source(%dma_start3A_85 : memref<112x128xf32, #tpu.memory_space<vmem_shared>>) target(%dma_start3A_83 : memref<112x128xf32, #tpu.memory_space<hbm>>) target_semaphore(%arg22 : memref<!tpu.dma_semaphore, #tpu.memory_space<semaphore_mem>>)
    %add3A_86 = arith.constant 112 : i32
    %add3A_87 = arith.addi %mul3A_10, %add3A_86 : i32
    %add3A_88 = arith.constant 112 : i32
    %add3A_89 = arith.addi %mul3A_10, %add3A_88 : i32
    %dma_start3A_90 = arith.constant 0 : i32
    %dma_start3A_91 = tpu.memref_slice %arg5[%arg0, %add3A_89, %dma_start3A_90] : memref<2x10752x128xf32, #tpu.memory_space<hbm>> -> memref<1x112x128xf32, #tpu.memory_space<hbm>>
    %dma_start3A_92 = tpu.memref_squeeze %dma_start3A_91 : memref<1x112x128xf32, #tpu.memory_space<hbm>> -> memref<112x128xf32, #tpu.memory_space<hbm>>
    %dma_start3A_93 = arith.constant 0 : i32
    %dma_start3A_94 = tpu.memref_slice %arg15[%add3A_87, %dma_start3A_93] : memref<10752x128xf32, #tpu.memory_space<vmem_shared>> -> memref<112x128xf32, #tpu.memory_space<vmem_shared>>
    tpu.enqueue_dma source(%dma_start3A_94 : memref<112x128xf32, #tpu.memory_space<vmem_shared>>) target(%dma_start3A_92 : memref<112x128xf32, #tpu.memory_space<hbm>>) target_semaphore(%arg22 : memref<!tpu.dma_semaphore, #tpu.memory_space<semaphore_mem>>)
    %add3A_95 = arith.constant 224 : i32
    %add3A_96 = arith.addi %mul3A_10, %add3A_95 : i32
    %add3A_97 = arith.constant 224 : i32
    %add3A_98 = arith.addi %mul3A_10, %add3A_97 : i32
    %dma_start3A_99 = arith.constant 0 : i32
    %dma_start3A_100 = tpu.memref_slice %arg5[%arg0, %add3A_98, %dma_start3A_99] : memref<2x10752x128xf32, #tpu.memory_space<hbm>> -> memref<1x112x128xf32, #tpu.memory_space<hbm>>
    %dma_start3A_101 = tpu.memref_squeeze %dma_start3A_100 : memref<1x112x128xf32, #tpu.memory_space<hbm>> -> memref<112x128xf32, #tpu.memory_space<hbm>>
    %dma_start3A_102 = arith.constant 0 : i32
    %dma_start3A_103 = tpu.memref_slice %arg15[%add3A_96, %dma_start3A_102] : memref<10752x128xf32, #tpu.memory_space<vmem_shared>> -> memref<112x128xf32, #tpu.memory_space<vmem_shared>>
    tpu.enqueue_dma source(%dma_start3A_103 : memref<112x128xf32, #tpu.memory_space<vmem_shared>>) target(%dma_start3A_101 : memref<112x128xf32, #tpu.memory_space<hbm>>) target_semaphore(%arg22 : memref<!tpu.dma_semaphore, #tpu.memory_space<semaphore_mem>>)
    %add3A_104 = arith.constant 336 : i32
    %add3A_105 = arith.addi %mul3A_10, %add3A_104 : i32
    %add3A_106 = arith.constant 336 : i32
    %add3A_107 = arith.addi %mul3A_10, %add3A_106 : i32
    %dma_start3A_108 = arith.constant 0 : i32
    %dma_start3A_109 = tpu.memref_slice %arg5[%arg0, %add3A_107, %dma_start3A_108] : memref<2x10752x128xf32, #tpu.memory_space<hbm>> -> memref<1x112x128xf32, #tpu.memory_space<hbm>>
    %dma_start3A_110 = tpu.memref_squeeze %dma_start3A_109 : memref<1x112x128xf32, #tpu.memory_space<hbm>> -> memref<112x128xf32, #tpu.memory_space<hbm>>
    %dma_start3A_111 = arith.constant 0 : i32
    %dma_start3A_112 = tpu.memref_slice %arg15[%add3A_105, %dma_start3A_111] : memref<10752x128xf32, #tpu.memory_space<vmem_shared>> -> memref<112x128xf32, #tpu.memory_space<vmem_shared>>
    tpu.enqueue_dma source(%dma_start3A_112 : memref<112x128xf32, #tpu.memory_space<vmem_shared>>) target(%dma_start3A_110 : memref<112x128xf32, #tpu.memory_space<hbm>>) target_semaphore(%arg22 : memref<!tpu.dma_semaphore, #tpu.memory_space<semaphore_mem>>)
    %add3A_113 = arith.constant 448 : i32
    %add3A_114 = arith.addi %mul3A_10, %add3A_113 : i32
    %add3A_115 = arith.constant 448 : i32
    %add3A_116 = arith.addi %mul3A_10, %add3A_115 : i32
    %dma_start3A_117 = arith.constant 0 : i32
    %dma_start3A_118 = tpu.memref_slice %arg5[%arg0, %add3A_116, %dma_start3A_117] : memref<2x10752x128xf32, #tpu.memory_space<hbm>> -> memref<1x112x128xf32, #tpu.memory_space<hbm>>
    %dma_start3A_119 = tpu.memref_squeeze %dma_start3A_118 : memref<1x112x128xf32, #tpu.memory_space<hbm>> -> memref<112x128xf32, #tpu.memory_space<hbm>>
    %dma_start3A_120 = arith.constant 0 : i32
    %dma_start3A_121 = tpu.memref_slice %arg15[%add3A_114, %dma_start3A_120] : memref<10752x128xf32, #tpu.memory_space<vmem_shared>> -> memref<112x128xf32, #tpu.memory_space<vmem_shared>>
    tpu.enqueue_dma source(%dma_start3A_121 : memref<112x128xf32, #tpu.memory_space<vmem_shared>>) target(%dma_start3A_119 : memref<112x128xf32, #tpu.memory_space<hbm>>) target_semaphore(%arg22 : memref<!tpu.dma_semaphore, #tpu.memory_space<semaphore_mem>>)
    %add3A_122 = arith.constant 560 : i32
    %add3A_123 = arith.addi %mul3A_10, %add3A_122 : i32
    %add3A_124 = arith.constant 560 : i32
    %add3A_125 = arith.addi %mul3A_10, %add3A_124 : i32
    %dma_start3A_126 = arith.constant 0 : i32
    %dma_start3A_127 = tpu.memref_slice %arg5[%arg0, %add3A_125, %dma_start3A_126] : memref<2x10752x128xf32, #tpu.memory_space<hbm>> -> memref<1x112x128xf32, #tpu.memory_space<hbm>>
    %dma_start3A_128 = tpu.memref_squeeze %dma_start3A_127 : memref<1x112x128xf32, #tpu.memory_space<hbm>> -> memref<112x128xf32, #tpu.memory_space<hbm>>
    %dma_start3A_129 = arith.constant 0 : i32
    %dma_start3A_130 = tpu.memref_slice %arg15[%add3A_123, %dma_start3A_129] : memref<10752x128xf32, #tpu.memory_space<vmem_shared>> -> memref<112x128xf32, #tpu.memory_space<vmem_shared>>
    tpu.enqueue_dma source(%dma_start3A_130 : memref<112x128xf32, #tpu.memory_space<vmem_shared>>) target(%dma_start3A_128 : memref<112x128xf32, #tpu.memory_space<hbm>>) target_semaphore(%arg22 : memref<!tpu.dma_semaphore, #tpu.memory_space<semaphore_mem>>)
    %dma_wait3A_131 = arith.constant 0 : i32
    %dma_wait3A_132 = tpu.memref_slice %arg5[%arg0, %add3A_80, %dma_wait3A_131] : memref<2x10752x128xf32, #tpu.memory_space<hbm>> -> memref<1x112x128xf32, #tpu.memory_space<hbm>>
    %dma_wait3A_133 = tpu.memref_squeeze %dma_wait3A_132 : memref<1x112x128xf32, #tpu.memory_space<hbm>> -> memref<112x128xf32, #tpu.memory_space<hbm>>
    %dma_wait3A_134 = arith.constant 0 : i32
    %dma_wait3A_135 = tpu.memref_slice %arg15[%add3A_78, %dma_wait3A_134] : memref<10752x128xf32, #tpu.memory_space<vmem_shared>> -> memref<112x128xf32, #tpu.memory_space<vmem_shared>>
    tpu.wait_dma2 semaphore(%arg22 : memref<!tpu.dma_semaphore, #tpu.memory_space<semaphore_mem>>) src(%dma_wait3A_135 : memref<112x128xf32, #tpu.memory_space<vmem_shared>>) dst(%dma_wait3A_133 : memref<112x128xf32, #tpu.memory_space<hbm>>)
    %dma_wait3A_136 = arith.constant 0 : i32
    %dma_wait3A_137 = tpu.memref_slice %arg5[%arg0, %add3A_89, %dma_wait3A_136] : memref<2x10752x128xf32, #tpu.memory_space<hbm>> -> memref<1x112x128xf32, #tpu.memory_space<hbm>>
    %dma_wait3A_138 = tpu.memref_squeeze %dma_wait3A_137 : memref<1x112x128xf32, #tpu.memory_space<hbm>> -> memref<112x128xf32, #tpu.memory_space<hbm>>
    %dma_wait3A_139 = arith.constant 0 : i32
    %dma_wait3A_140 = tpu.memref_slice %arg15[%add3A_87, %dma_wait3A_139] : memref<10752x128xf32, #tpu.memory_space<vmem_shared>> -> memref<112x128xf32, #tpu.memory_space<vmem_shared>>
    tpu.wait_dma2 semaphore(%arg22 : memref<!tpu.dma_semaphore, #tpu.memory_space<semaphore_mem>>) src(%dma_wait3A_140 : memref<112x128xf32, #tpu.memory_space<vmem_shared>>) dst(%dma_wait3A_138 : memref<112x128xf32, #tpu.memory_space<hbm>>)
    %dma_wait3A_141 = arith.constant 0 : i32
    %dma_wait3A_142 = tpu.memref_slice %arg5[%arg0, %add3A_98, %dma_wait3A_141] : memref<2x10752x128xf32, #tpu.memory_space<hbm>> -> memref<1x112x128xf32, #tpu.memory_space<hbm>>
    %dma_wait3A_143 = tpu.memref_squeeze %dma_wait3A_142 : memref<1x112x128xf32, #tpu.memory_space<hbm>> -> memref<112x128xf32, #tpu.memory_space<hbm>>
    %dma_wait3A_144 = arith.constant 0 : i32
    %dma_wait3A_145 = tpu.memref_slice %arg15[%add3A_96, %dma_wait3A_144] : memref<10752x128xf32, #tpu.memory_space<vmem_shared>> -> memref<112x128xf32, #tpu.memory_space<vmem_shared>>
    tpu.wait_dma2 semaphore(%arg22 : memref<!tpu.dma_semaphore, #tpu.memory_space<semaphore_mem>>) src(%dma_wait3A_145 : memref<112x128xf32, #tpu.memory_space<vmem_shared>>) dst(%dma_wait3A_143 : memref<112x128xf32, #tpu.memory_space<hbm>>)
    %dma_wait3A_146 = arith.constant 0 : i32
    %dma_wait3A_147 = tpu.memref_slice %arg5[%arg0, %add3A_107, %dma_wait3A_146] : memref<2x10752x128xf32, #tpu.memory_space<hbm>> -> memref<1x112x128xf32, #tpu.memory_space<hbm>>
    %dma_wait3A_148 = tpu.memref_squeeze %dma_wait3A_147 : memref<1x112x128xf32, #tpu.memory_space<hbm>> -> memref<112x128xf32, #tpu.memory_space<hbm>>
    %dma_wait3A_149 = arith.constant 0 : i32
    %dma_wait3A_150 = tpu.memref_slice %arg15[%add3A_105, %dma_wait3A_149] : memref<10752x128xf32, #tpu.memory_space<vmem_shared>> -> memref<112x128xf32, #tpu.memory_space<vmem_shared>>
    tpu.wait_dma2 semaphore(%arg22 : memref<!tpu.dma_semaphore, #tpu.memory_space<semaphore_mem>>) src(%dma_wait3A_150 : memref<112x128xf32, #tpu.memory_space<vmem_shared>>) dst(%dma_wait3A_148 : memref<112x128xf32, #tpu.memory_space<hbm>>)
    %dma_wait3A_151 = arith.constant 0 : i32
    %dma_wait3A_152 = tpu.memref_slice %arg5[%arg0, %add3A_116, %dma_wait3A_151] : memref<2x10752x128xf32, #tpu.memory_space<hbm>> -> memref<1x112x128xf32, #tpu.memory_space<hbm>>
    %dma_wait3A_153 = tpu.memref_squeeze %dma_wait3A_152 : memref<1x112x128xf32, #tpu.memory_space<hbm>> -> memref<112x128xf32, #tpu.memory_space<hbm>>
    %dma_wait3A_154 = arith.constant 0 : i32
    %dma_wait3A_155 = tpu.memref_slice %arg15[%add3A_114, %dma_wait3A_154] : memref<10752x128xf32, #tpu.memory_space<vmem_shared>> -> memref<112x128xf32, #tpu.memory_space<vmem_shared>>
    tpu.wait_dma2 semaphore(%arg22 : memref<!tpu.dma_semaphore, #tpu.memory_space<semaphore_mem>>) src(%dma_wait3A_155 : memref<112x128xf32, #tpu.memory_space<vmem_shared>>) dst(%dma_wait3A_153 : memref<112x128xf32, #tpu.memory_space<hbm>>)
    %dma_wait3A_156 = arith.constant 0 : i32
    %dma_wait3A_157 = tpu.memref_slice %arg5[%arg0, %add3A_125, %dma_wait3A_156] : memref<2x10752x128xf32, #tpu.memory_space<hbm>> -> memref<1x112x128xf32, #tpu.memory_space<hbm>>
    %dma_wait3A_158 = tpu.memref_squeeze %dma_wait3A_157 : memref<1x112x128xf32, #tpu.memory_space<hbm>> -> memref<112x128xf32, #tpu.memory_space<hbm>>
    %dma_wait3A_159 = arith.constant 0 : i32
    %dma_wait3A_160 = tpu.memref_slice %arg15[%add3A_123, %dma_wait3A_159] : memref<10752x128xf32, #tpu.memory_space<vmem_shared>> -> memref<112x128xf32, #tpu.memory_space<vmem_shared>>
    tpu.wait_dma2 semaphore(%arg22 : memref<!tpu.dma_semaphore, #tpu.memory_space<semaphore_mem>>) src(%dma_wait3A_160 : memref<112x128xf32, #tpu.memory_space<vmem_shared>>) dst(%dma_wait3A_158 : memref<112x128xf32, #tpu.memory_space<hbm>>)
    return
  }
}

#map = affine_map<(d0, d1) -> (0, 0)>
#map1 = affine_map<(d0, d1) -> (0)>
#map2 = affine_map<(d0, d1) -> (0, 0, 0)>
module attributes {stable_mosaic.version = 14 : i64} {
  func.func @scatter_kernel(%arg0: i32, %arg1: i32, %arg2: memref<10752x128xf32, #tpu.memory_space<hbm>>, %arg3: memref<322560xi32, #tpu.memory_space<hbm>>, %arg4: memref<322560xi32, #tpu.memory_space<hbm>>, %arg5: memref<2x10752x128xf32, #tpu.memory_space<hbm>>, %arg6: memref<112xi32, #tpu.memory_space<vmem>>, %arg7: memref<112xi32, #tpu.memory_space<vmem>>, %arg8: memref<112xi32, #tpu.memory_space<vmem>>, %arg9: memref<112xi32, #tpu.memory_space<vmem>>, %arg10: memref<112xi32, #tpu.memory_space<vmem>>, %arg11: memref<112xi32, #tpu.memory_space<vmem>>, %arg12: memref<112x128xf32, #tpu.memory_space<vmem>>, %arg13: memref<112x128xf32, #tpu.memory_space<vmem>>, %arg14: memref<112x128xf32, #tpu.memory_space<vmem>>, %arg15: memref<10752x128xf32, #tpu.memory_space<vmem_shared>>, %arg16: memref<!tpu.dma_semaphore, #tpu.memory_space<semaphore_mem>>, %arg17: memref<!tpu.dma_semaphore, #tpu.memory_space<semaphore_mem>>, %arg18: memref<!tpu.dma_semaphore, #tpu.memory_space<semaphore_mem>>, %arg19: memref<!tpu.dma_semaphore, #tpu.memory_space<semaphore_mem>>, %arg20: memref<!tpu.dma_semaphore, #tpu.memory_space<semaphore_mem>>, %arg21: memref<!tpu.dma_semaphore, #tpu.memory_space<semaphore_mem>>, %arg22: memref<!tpu.dma_semaphore, #tpu.memory_space<semaphore_mem>>, %arg23: memref<!tpu.dma_semaphore, #tpu.memory_space<semaphore_mem>>, %arg24: memref<!tpu.dma_semaphore, #tpu.memory_space<semaphore_mem>>, %arg25: memref<!tpu.dma_semaphore, #tpu.memory_space<semaphore_mem>>, %arg26: memref<!tpu.dma_semaphore, #tpu.memory_space<semaphore_mem>>, %arg27: memref<!tpu.dma_semaphore, #tpu.memory_space<semaphore_mem>>) attributes {dimension_semantics = [#tpu.dimension_semantics<core_parallel>, #tpu.dimension_semantics<subcore_parallel>], iteration_bounds = array<i64: 2, 16>, scalar_prefetch = 0 : i64, scratch_operands = 22 : i64, tpu.core_type = #tpu.core_type<sc_vector_subcore>, window_params = [{transform_indices = #map}, {transform_indices = #map1}, {transform_indices = #map1}, {transform_indices = #map2}]} {
    %mul3A = arith.constant 2 : i32
    %mul3A_0 = arith.muli %arg1, %mul3A : i32
    %add3A = arith.addi %mul3A_0, %arg0 : i32
    %mul3A_1 = arith.constant 10080 : i32
    %mul3A_2 = arith.muli %add3A, %mul3A_1 : i32
    %scan3A = arith.constant 0 : i32
    %scan3A_3 = arith.constant 0 : i32
    %scan3A_4 = arith.constant 896 : i32
    %scan3A_5 = arith.addi %scan3A_3, %scan3A_4 : i32
    %scan3A_6 = arith.constant 1 : i32
    %scan3A_7 = scf.for %scan3A_161 = %scan3A_3 to %scan3A_5 step %scan3A_6 iter_args(%scan3A_162 = %scan3A) -> (i32)  : i32 {
      %jit3A = arith.constant 8 : i32
      %div3A = arith.divsi %scan3A_161, %jit3A : i32
      %sign3A = arith.constant 0 : i32
      %sign3A_163 = arith.cmpi sgt, %scan3A_161, %sign3A : i32
      %sign3A_164 = arith.extui %sign3A_163 : i1 to i32
      %sign3A_165 = arith.constant 0 : i32
      %sign3A_166 = arith.cmpi slt, %scan3A_161, %sign3A_165 : i32
      %sign3A_167 = arith.extui %sign3A_166 : i1 to i32
      %sign3A_168 = arith.subi %sign3A_164, %sign3A_167 : i32
      %sign3A_169 = arith.constant 0 : i32
      %sign3A_170 = arith.cmpi sgt, %jit3A, %sign3A_169 : i32
      %sign3A_171 = arith.extui %sign3A_170 : i1 to i32
      %sign3A_172 = arith.constant 0 : i32
      %sign3A_173 = arith.cmpi slt, %jit3A, %sign3A_172 : i32
      %sign3A_174 = arith.extui %sign3A_173 : i1 to i32
      %sign3A_175 = arith.subi %sign3A_171, %sign3A_174 : i32
      %ne3A = arith.cmpi ne, %sign3A_168, %sign3A_175 : i32
      %rem3A = arith.remsi %scan3A_161, %jit3A : i32
      %ne3A_176 = arith.constant 0 : i32
      %ne3A_177 = arith.cmpi ne, %rem3A, %ne3A_176 : i32
      %and3A = arith.andi %ne3A, %ne3A_177 : i1
      %sub3A = arith.constant 1 : i32
      %sub3A_178 = arith.subi %div3A, %sub3A : i32
      %select_n3A = arith.select %and3A, %sub3A_178, %div3A : i32
      %jit3A_179 = arith.constant 8 : i32
      %eq3A = arith.constant 0 : i32
      %eq3A_180 = arith.cmpi eq, %jit3A_179, %eq3A : i32
      %jit3A_181 = arith.constant 1 : i32
      %select_n3A_182 = arith.select %eq3A_180, %jit3A_181, %jit3A_179 : i32
      %rem3A_183 = arith.remsi %scan3A_161, %select_n3A_182 : i32
      %ne3A_184 = arith.constant 0 : i32
      %ne3A_185 = arith.cmpi ne, %rem3A_183, %ne3A_184 : i32
      %lt3A = arith.constant 0 : i32
      %lt3A_186 = arith.cmpi slt, %rem3A_183, %lt3A : i32
      %lt3A_187 = arith.constant 0 : i32
      %lt3A_188 = arith.cmpi slt, %select_n3A_182, %lt3A_187 : i32
      %ne3A_189 = arith.xori %lt3A_186, %lt3A_188 : i1
      %and3A_190 = arith.andi %ne3A_189, %ne3A_185 : i1
      %add3A_191 = arith.addi %rem3A_183, %select_n3A_182 : i32
      %select_n3A_192 = arith.select %and3A_190, %add3A_191, %rem3A_183 : i32
      %mul3A_193 = arith.constant 16 : i32
      %mul3A_194 = arith.muli %select_n3A_192, %mul3A_193 : i32
      %broadcast_in_dim3A = arith.constant 0.000000e+00 : f32
      %broadcast_in_dim3A_195 = vector.broadcast %broadcast_in_dim3A : f32 to vector<16xf32>
      %swap3A = arith.index_cast %select_n3A : i32 to index
      %swap3A_196 = arith.index_cast %mul3A_194 : i32 to index
      %swap3A_197 = tpu.vector_load %arg12[%swap3A, %swap3A_196] {strides = array<i32>} : memref<112x128xf32, #tpu.memory_space<vmem>>, vector<1x16xf32>,
      %swap3A_198 = vector.shape_cast %swap3A_197 : vector<1x16xf32> to vector<16xf32>
      %swap3A_199 = vector.shape_cast %broadcast_in_dim3A_195 : vector<16xf32> to vector<1x16xf32>
      tpu.vector_store %arg12[%swap3A, %swap3A_196], %swap3A_199 {strides = array<i32>} : memref<112x128xf32, #tpu.memory_space<vmem>>, vector<1x16xf32>,
      %scan3A_200 = arith.constant 0 : i32
      scf.yield %scan3A_200 : i32
    }
    %scan3A_8 = arith.constant 896 : i32
    %mul3A_9 = arith.constant 672 : i32
    %mul3A_10 = arith.muli %arg1, %mul3A_9 : i32
    %add3A_11 = arith.constant 0 : i32
    %add3A_12 = arith.addi %mul3A_10, %add3A_11 : i32
    %dma_start3A = arith.constant 0 : i32
    %dma_start3A_13 = tpu.memref_slice %arg15[%add3A_12, %dma_start3A] : memref<10752x128xf32, #tpu.memory_space<vmem_shared>> -> memref<112x128xf32, #tpu.memory_space<vmem_shared>>
    %dma_start3A_14 = arith.constant 0 : i32
    %dma_start3A_15 = tpu.memref_slice %arg15[%add3A_12, %dma_start3A_14] : memref<10752x128xf32, #tpu.memory_space<vmem_shared>> -> memref<112x128xf32, #tpu.memory_space<vmem_shared>>
    tpu.enqueue_dma source(%arg12 : memref<112x128xf32, #tpu.memory_space<vmem>>) target(%dma_start3A_15 : memref<112x128xf32, #tpu.memory_space<vmem_shared>>) target_semaphore(%arg22 : memref<!tpu.dma_semaphore, #tpu.memory_space<semaphore_mem>>)
    %add3A_16 = arith.constant 112 : i32
    %add3A_17 = arith.addi %mul3A_10, %add3A_16 : i32
    %dma_start3A_18 = arith.constant 0 : i32
    %dma_start3A_19 = tpu.memref_slice %arg15[%add3A_17, %dma_start3A_18] : memref<10752x128xf32, #tpu.memory_space<vmem_shared>> -> memref<112x128xf32, #tpu.memory_space<vmem_shared>>
    %dma_start3A_20 = arith.constant 0 : i32
    %dma_start3A_21 = tpu.memref_slice %arg15[%add3A_17, %dma_start3A_20] : memref<10752x128xf32, #tpu.memory_space<vmem_shared>> -> memref<112x128xf32, #tpu.memory_space<vmem_shared>>
    tpu.enqueue_dma source(%arg12 : memref<112x128xf32, #tpu.memory_space<vmem>>) target(%dma_start3A_21 : memref<112x128xf32, #tpu.memory_space<vmem_shared>>) target_semaphore(%arg22 : memref<!tpu.dma_semaphore, #tpu.memory_space<semaphore_mem>>)
    %add3A_22 = arith.constant 224 : i32
    %add3A_23 = arith.addi %mul3A_10, %add3A_22 : i32
    %dma_start3A_24 = arith.constant 0 : i32
    %dma_start3A_25 = tpu.memref_slice %arg15[%add3A_23, %dma_start3A_24] : memref<10752x128xf32, #tpu.memory_space<vmem_shared>> -> memref<112x128xf32, #tpu.memory_space<vmem_shared>>
    %dma_start3A_26 = arith.constant 0 : i32
    %dma_start3A_27 = tpu.memref_slice %arg15[%add3A_23, %dma_start3A_26] : memref<10752x128xf32, #tpu.memory_space<vmem_shared>> -> memref<112x128xf32, #tpu.memory_space<vmem_shared>>
    tpu.enqueue_dma source(%arg12 : memref<112x128xf32, #tpu.memory_space<vmem>>) target(%dma_start3A_27 : memref<112x128xf32, #tpu.memory_space<vmem_shared>>) target_semaphore(%arg22 : memref<!tpu.dma_semaphore, #tpu.memory_space<semaphore_mem>>)
    %add3A_28 = arith.constant 336 : i32
    %add3A_29 = arith.addi %mul3A_10, %add3A_28 : i32
    %dma_start3A_30 = arith.constant 0 : i32
    %dma_start3A_31 = tpu.memref_slice %arg15[%add3A_29, %dma_start3A_30] : memref<10752x128xf32, #tpu.memory_space<vmem_shared>> -> memref<112x128xf32, #tpu.memory_space<vmem_shared>>
    %dma_start3A_32 = arith.constant 0 : i32
    %dma_start3A_33 = tpu.memref_slice %arg15[%add3A_29, %dma_start3A_32] : memref<10752x128xf32, #tpu.memory_space<vmem_shared>> -> memref<112x128xf32, #tpu.memory_space<vmem_shared>>
    tpu.enqueue_dma source(%arg12 : memref<112x128xf32, #tpu.memory_space<vmem>>) target(%dma_start3A_33 : memref<112x128xf32, #tpu.memory_space<vmem_shared>>) target_semaphore(%arg22 : memref<!tpu.dma_semaphore, #tpu.memory_space<semaphore_mem>>)
    %add3A_34 = arith.constant 448 : i32
    %add3A_35 = arith.addi %mul3A_10, %add3A_34 : i32
    %dma_start3A_36 = arith.constant 0 : i32
    %dma_start3A_37 = tpu.memref_slice %arg15[%add3A_35, %dma_start3A_36] : memref<10752x128xf32, #tpu.memory_space<vmem_shared>> -> memref<112x128xf32, #tpu.memory_space<vmem_shared>>
    %dma_start3A_38 = arith.constant 0 : i32
    %dma_start3A_39 = tpu.memref_slice %arg15[%add3A_35, %dma_start3A_38] : memref<10752x128xf32, #tpu.memory_space<vmem_shared>> -> memref<112x128xf32, #tpu.memory_space<vmem_shared>>
    tpu.enqueue_dma source(%arg12 : memref<112x128xf32, #tpu.memory_space<vmem>>) target(%dma_start3A_39 : memref<112x128xf32, #tpu.memory_space<vmem_shared>>) target_semaphore(%arg22 : memref<!tpu.dma_semaphore, #tpu.memory_space<semaphore_mem>>)
    %add3A_40 = arith.constant 560 : i32
    %add3A_41 = arith.addi %mul3A_10, %add3A_40 : i32
    %dma_start3A_42 = arith.constant 0 : i32
    %dma_start3A_43 = tpu.memref_slice %arg15[%add3A_41, %dma_start3A_42] : memref<10752x128xf32, #tpu.memory_space<vmem_shared>> -> memref<112x128xf32, #tpu.memory_space<vmem_shared>>
    %dma_start3A_44 = arith.constant 0 : i32
    %dma_start3A_45 = tpu.memref_slice %arg15[%add3A_41, %dma_start3A_44] : memref<10752x128xf32, #tpu.memory_space<vmem_shared>> -> memref<112x128xf32, #tpu.memory_space<vmem_shared>>
    tpu.enqueue_dma source(%arg12 : memref<112x128xf32, #tpu.memory_space<vmem>>) target(%dma_start3A_45 : memref<112x128xf32, #tpu.memory_space<vmem_shared>>) target_semaphore(%arg22 : memref<!tpu.dma_semaphore, #tpu.memory_space<semaphore_mem>>)
    %dma_wait3A = arith.constant 0 : i32
    %dma_wait3A_46 = tpu.memref_slice %arg15[%add3A_12, %dma_wait3A] : memref<10752x128xf32, #tpu.memory_space<vmem_shared>> -> memref<112x128xf32, #tpu.memory_space<vmem_shared>>
    %dma_wait3A_47 = arith.constant 0 : i32
    %dma_wait3A_48 = tpu.memref_slice %arg15[%add3A_12, %dma_wait3A_47] : memref<10752x128xf32, #tpu.memory_space<vmem_shared>> -> memref<112x128xf32, #tpu.memory_space<vmem_shared>>
    tpu.wait_dma2 semaphore(%arg22 : memref<!tpu.dma_semaphore, #tpu.memory_space<semaphore_mem>>) src(%arg12 : memref<112x128xf32, #tpu.memory_space<vmem>>) dst(%dma_wait3A_48 : memref<112x128xf32, #tpu.memory_space<vmem_shared>>)
    %dma_wait3A_49 = arith.constant 0 : i32
    %dma_wait3A_50 = tpu.memref_slice %arg15[%add3A_17, %dma_wait3A_49] : memref<10752x128xf32, #tpu.memory_space<vmem_shared>> -> memref<112x128xf32, #tpu.memory_space<vmem_shared>>
    %dma_wait3A_51 = arith.constant 0 : i32
    %dma_wait3A_52 = tpu.memref_slice %arg15[%add3A_17, %dma_wait3A_51] : memref<10752x128xf32, #tpu.memory_space<vmem_shared>> -> memref<112x128xf32, #tpu.memory_space<vmem_shared>>
    tpu.wait_dma2 semaphore(%arg22 : memref<!tpu.dma_semaphore, #tpu.memory_space<semaphore_mem>>) src(%arg12 : memref<112x128xf32, #tpu.memory_space<vmem>>) dst(%dma_wait3A_52 : memref<112x128xf32, #tpu.memory_space<vmem_shared>>)
    %dma_wait3A_53 = arith.constant 0 : i32
    %dma_wait3A_54 = tpu.memref_slice %arg15[%add3A_23, %dma_wait3A_53] : memref<10752x128xf32, #tpu.memory_space<vmem_shared>> -> memref<112x128xf32, #tpu.memory_space<vmem_shared>>
    %dma_wait3A_55 = arith.constant 0 : i32
    %dma_wait3A_56 = tpu.memref_slice %arg15[%add3A_23, %dma_wait3A_55] : memref<10752x128xf32, #tpu.memory_space<vmem_shared>> -> memref<112x128xf32, #tpu.memory_space<vmem_shared>>
    tpu.wait_dma2 semaphore(%arg22 : memref<!tpu.dma_semaphore, #tpu.memory_space<semaphore_mem>>) src(%arg12 : memref<112x128xf32, #tpu.memory_space<vmem>>) dst(%dma_wait3A_56 : memref<112x128xf32, #tpu.memory_space<vmem_shared>>)
    %dma_wait3A_57 = arith.constant 0 : i32
    %dma_wait3A_58 = tpu.memref_slice %arg15[%add3A_29, %dma_wait3A_57] : memref<10752x128xf32, #tpu.memory_space<vmem_shared>> -> memref<112x128xf32, #tpu.memory_space<vmem_shared>>
    %dma_wait3A_59 = arith.constant 0 : i32
    %dma_wait3A_60 = tpu.memref_slice %arg15[%add3A_29, %dma_wait3A_59] : memref<10752x128xf32, #tpu.memory_space<vmem_shared>> -> memref<112x128xf32, #tpu.memory_space<vmem_shared>>
    tpu.wait_dma2 semaphore(%arg22 : memref<!tpu.dma_semaphore, #tpu.memory_space<semaphore_mem>>) src(%arg12 : memref<112x128xf32, #tpu.memory_space<vmem>>) dst(%dma_wait3A_60 : memref<112x128xf32, #tpu.memory_space<vmem_shared>>)
    %dma_wait3A_61 = arith.constant 0 : i32
    %dma_wait3A_62 = tpu.memref_slice %arg15[%add3A_35, %dma_wait3A_61] : memref<10752x128xf32, #tpu.memory_space<vmem_shared>> -> memref<112x128xf32, #tpu.memory_space<vmem_shared>>
    %dma_wait3A_63 = arith.constant 0 : i32
    %dma_wait3A_64 = tpu.memref_slice %arg15[%add3A_35, %dma_wait3A_63] : memref<10752x128xf32, #tpu.memory_space<vmem_shared>> -> memref<112x128xf32, #tpu.memory_space<vmem_shared>>
    tpu.wait_dma2 semaphore(%arg22 : memref<!tpu.dma_semaphore, #tpu.memory_space<semaphore_mem>>) src(%arg12 : memref<112x128xf32, #tpu.memory_space<vmem>>) dst(%dma_wait3A_64 : memref<112x128xf32, #tpu.memory_space<vmem_shared>>)
    %dma_wait3A_65 = arith.constant 0 : i32
    %dma_wait3A_66 = tpu.memref_slice %arg15[%add3A_41, %dma_wait3A_65] : memref<10752x128xf32, #tpu.memory_space<vmem_shared>> -> memref<112x128xf32, #tpu.memory_space<vmem_shared>>
    %dma_wait3A_67 = arith.constant 0 : i32
    %dma_wait3A_68 = tpu.memref_slice %arg15[%add3A_41, %dma_wait3A_67] : memref<10752x128xf32, #tpu.memory_space<vmem_shared>> -> memref<112x128xf32, #tpu.memory_space<vmem_shared>>
    tpu.wait_dma2 semaphore(%arg22 : memref<!tpu.dma_semaphore, #tpu.memory_space<semaphore_mem>>) src(%arg12 : memref<112x128xf32, #tpu.memory_space<vmem>>) dst(%dma_wait3A_68 : memref<112x128xf32, #tpu.memory_space<vmem_shared>>)
    %barrier3A = arith.constant 0 : index
    tpu.barrier barrier_id(%barrier3A)
    %scan3A_69 = arith.constant 0 : i32
    %scan3A_70 = arith.constant 0 : i32
    %scan3A_71 = arith.constant 30 : i32
    %scan3A_72 = arith.addi %scan3A_70, %scan3A_71 : i32
    %scan3A_73 = arith.constant 1 : i32
    %scan3A_74 = scf.for %scan3A_161 = %scan3A_70 to %scan3A_72 step %scan3A_73 iter_args(%scan3A_162 = %scan3A_69) -> (i32)  : i32 {
      %mul3A_163 = arith.constant 3 : i32
      %mul3A_164 = arith.muli %scan3A_161, %mul3A_163 : i32
      %mul3A_165 = arith.constant 112 : i32
      %mul3A_166 = arith.muli %mul3A_164, %mul3A_165 : i32
      %add3A_167 = arith.addi %mul3A_2, %mul3A_166 : i32
      %add3A_168 = arith.constant 0 : i32
      %add3A_169 = arith.addi %add3A_167, %add3A_168 : i32
      %dma_start3A_170 = tpu.memref_slice %arg3[%add3A_169] : memref<322560xi32, #tpu.memory_space<hbm>> -> memref<112xi32, #tpu.memory_space<hbm>>
      %dma_start3A_171 = tpu.memref_slice %arg3[%add3A_169] : memref<322560xi32, #tpu.memory_space<hbm>> -> memref<112xi32, #tpu.memory_space<hbm>>
      tpu.enqueue_dma source(%dma_start3A_171 : memref<112xi32, #tpu.memory_space<hbm>>) target(%arg6 : memref<112xi32, #tpu.memory_space<vmem>>) target_semaphore(%arg16 : memref<!tpu.dma_semaphore, #tpu.memory_space<semaphore_mem>>)
      %add3A_172 = arith.constant 0 : i32
      %add3A_173 = arith.addi %add3A_167, %add3A_172 : i32
      %dma_start3A_174 = tpu.memref_slice %arg4[%add3A_173] : memref<322560xi32, #tpu.memory_space<hbm>> -> memref<112xi32, #tpu.memory_space<hbm>>
      %dma_start3A_175 = tpu.memref_slice %arg4[%add3A_173] : memref<322560xi32, #tpu.memory_space<hbm>> -> memref<112xi32, #tpu.memory_space<hbm>>
      tpu.enqueue_dma source(%dma_start3A_175 : memref<112xi32, #tpu.memory_space<hbm>>) target(%arg9 : memref<112xi32, #tpu.memory_space<vmem>>) target_semaphore(%arg19 : memref<!tpu.dma_semaphore, #tpu.memory_space<semaphore_mem>>)
      %add3A_176 = arith.constant 112 : i32
      %add3A_177 = arith.addi %add3A_167, %add3A_176 : i32
      %dma_start3A_178 = tpu.memref_slice %arg3[%add3A_177] : memref<322560xi32, #tpu.memory_space<hbm>> -> memref<112xi32, #tpu.memory_space<hbm>>
      %dma_start3A_179 = tpu.memref_slice %arg3[%add3A_177] : memref<322560xi32, #tpu.memory_space<hbm>> -> memref<112xi32, #tpu.memory_space<hbm>>
      tpu.enqueue_dma source(%dma_start3A_179 : memref<112xi32, #tpu.memory_space<hbm>>) target(%arg7 : memref<112xi32, #tpu.memory_space<vmem>>) target_semaphore(%arg17 : memref<!tpu.dma_semaphore, #tpu.memory_space<semaphore_mem>>)
      %add3A_180 = arith.constant 112 : i32
      %add3A_181 = arith.addi %add3A_167, %add3A_180 : i32
      %dma_start3A_182 = tpu.memref_slice %arg4[%add3A_181] : memref<322560xi32, #tpu.memory_space<hbm>> -> memref<112xi32, #tpu.memory_space<hbm>>
      %dma_start3A_183 = tpu.memref_slice %arg4[%add3A_181] : memref<322560xi32, #tpu.memory_space<hbm>> -> memref<112xi32, #tpu.memory_space<hbm>>
      tpu.enqueue_dma source(%dma_start3A_183 : memref<112xi32, #tpu.memory_space<hbm>>) target(%arg10 : memref<112xi32, #tpu.memory_space<vmem>>) target_semaphore(%arg20 : memref<!tpu.dma_semaphore, #tpu.memory_space<semaphore_mem>>)
      %add3A_184 = arith.constant 224 : i32
      %add3A_185 = arith.addi %add3A_167, %add3A_184 : i32
      %dma_start3A_186 = tpu.memref_slice %arg3[%add3A_185] : memref<322560xi32, #tpu.memory_space<hbm>> -> memref<112xi32, #tpu.memory_space<hbm>>
      %dma_start3A_187 = tpu.memref_slice %arg3[%add3A_185] : memref<322560xi32, #tpu.memory_space<hbm>> -> memref<112xi32, #tpu.memory_space<hbm>>
      tpu.enqueue_dma source(%dma_start3A_187 : memref<112xi32, #tpu.memory_space<hbm>>) target(%arg8 : memref<112xi32, #tpu.memory_space<vmem>>) target_semaphore(%arg18 : memref<!tpu.dma_semaphore, #tpu.memory_space<semaphore_mem>>)
      %add3A_188 = arith.constant 224 : i32
      %add3A_189 = arith.addi %add3A_167, %add3A_188 : i32
      %dma_start3A_190 = tpu.memref_slice %arg4[%add3A_189] : memref<322560xi32, #tpu.memory_space<hbm>> -> memref<112xi32, #tpu.memory_space<hbm>>
      %dma_start3A_191 = tpu.memref_slice %arg4[%add3A_189] : memref<322560xi32, #tpu.memory_space<hbm>> -> memref<112xi32, #tpu.memory_space<hbm>>
      tpu.enqueue_dma source(%dma_start3A_191 : memref<112xi32, #tpu.memory_space<hbm>>) target(%arg11 : memref<112xi32, #tpu.memory_space<vmem>>) target_semaphore(%arg21 : memref<!tpu.dma_semaphore, #tpu.memory_space<semaphore_mem>>)
      %dma_wait3A_192 = tpu.memref_slice %arg3[%add3A_169] : memref<322560xi32, #tpu.memory_space<hbm>> -> memref<112xi32, #tpu.memory_space<hbm>>
      %dma_wait3A_193 = tpu.memref_slice %arg3[%add3A_169] : memref<322560xi32, #tpu.memory_space<hbm>> -> memref<112xi32, #tpu.memory_space<hbm>>
      tpu.wait_dma2 semaphore(%arg16 : memref<!tpu.dma_semaphore, #tpu.memory_space<semaphore_mem>>) src(%dma_wait3A_193 : memref<112xi32, #tpu.memory_space<hbm>>) dst(%arg6 : memref<112xi32, #tpu.memory_space<vmem>>)
      %dma_wait3A_194 = tpu.memref_slice %arg4[%add3A_173] : memref<322560xi32, #tpu.memory_space<hbm>> -> memref<112xi32, #tpu.memory_space<hbm>>
      %dma_wait3A_195 = tpu.memref_slice %arg4[%add3A_173] : memref<322560xi32, #tpu.memory_space<hbm>> -> memref<112xi32, #tpu.memory_space<hbm>>
      tpu.wait_dma2 semaphore(%arg19 : memref<!tpu.dma_semaphore, #tpu.memory_space<semaphore_mem>>) src(%dma_wait3A_195 : memref<112xi32, #tpu.memory_space<hbm>>) dst(%arg9 : memref<112xi32, #tpu.memory_space<vmem>>)
      %dma_start3A_196 = arith.constant 0 : i32
      %dma_start3A_197 = arith.constant 0 : i32
      %dma_start3A_198 = tpu.memref_slice %arg2[%dma_start3A_196, %dma_start3A_197] : memref<10752x128xf32, #tpu.memory_space<hbm>> -> memref<10752x128xf32, #tpu.memory_space<hbm>>
      tpu.enqueue_indirect_dma source(%dma_start3A_198 : memref<10752x128xf32, #tpu.memory_space<hbm>>) target(%arg12 : memref<112x128xf32, #tpu.memory_space<vmem>>) offsets(%arg6 : memref<112xi32, #tpu.memory_space<vmem>>) semaphore(%arg22 : memref<!tpu.dma_semaphore, #tpu.memory_space<semaphore_mem>>)
      %dma_wait3A_199 = tpu.memref_slice %arg3[%add3A_177] : memref<322560xi32, #tpu.memory_space<hbm>> -> memref<112xi32, #tpu.memory_space<hbm>>
      %dma_wait3A_200 = tpu.memref_slice %arg3[%add3A_177] : memref<322560xi32, #tpu.memory_space<hbm>> -> memref<112xi32, #tpu.memory_space<hbm>>
      tpu.wait_dma2 semaphore(%arg17 : memref<!tpu.dma_semaphore, #tpu.memory_space<semaphore_mem>>) src(%dma_wait3A_200 : memref<112xi32, #tpu.memory_space<hbm>>) dst(%arg7 : memref<112xi32, #tpu.memory_space<vmem>>)
      %dma_wait3A_201 = tpu.memref_slice %arg4[%add3A_181] : memref<322560xi32, #tpu.memory_space<hbm>> -> memref<112xi32, #tpu.memory_space<hbm>>
      %dma_wait3A_202 = tpu.memref_slice %arg4[%add3A_181] : memref<322560xi32, #tpu.memory_space<hbm>> -> memref<112xi32, #tpu.memory_space<hbm>>
      tpu.wait_dma2 semaphore(%arg20 : memref<!tpu.dma_semaphore, #tpu.memory_space<semaphore_mem>>) src(%dma_wait3A_202 : memref<112xi32, #tpu.memory_space<hbm>>) dst(%arg10 : memref<112xi32, #tpu.memory_space<vmem>>)
      %dma_start3A_203 = arith.constant 0 : i32
      %dma_start3A_204 = arith.constant 0 : i32
      %dma_start3A_205 = tpu.memref_slice %arg2[%dma_start3A_203, %dma_start3A_204] : memref<10752x128xf32, #tpu.memory_space<hbm>> -> memref<10752x128xf32, #tpu.memory_space<hbm>>
      tpu.enqueue_indirect_dma source(%dma_start3A_205 : memref<10752x128xf32, #tpu.memory_space<hbm>>) target(%arg13 : memref<112x128xf32, #tpu.memory_space<vmem>>) offsets(%arg7 : memref<112xi32, #tpu.memory_space<vmem>>) semaphore(%arg23 : memref<!tpu.dma_semaphore, #tpu.memory_space<semaphore_mem>>)
      %dma_wait3A_206 = tpu.memref_slice %arg3[%add3A_185] : memref<322560xi32, #tpu.memory_space<hbm>> -> memref<112xi32, #tpu.memory_space<hbm>>
      %dma_wait3A_207 = tpu.memref_slice %arg3[%add3A_185] : memref<322560xi32, #tpu.memory_space<hbm>> -> memref<112xi32, #tpu.memory_space<hbm>>
      tpu.wait_dma2 semaphore(%arg18 : memref<!tpu.dma_semaphore, #tpu.memory_space<semaphore_mem>>) src(%dma_wait3A_207 : memref<112xi32, #tpu.memory_space<hbm>>) dst(%arg8 : memref<112xi32, #tpu.memory_space<vmem>>)
      %dma_wait3A_208 = tpu.memref_slice %arg4[%add3A_189] : memref<322560xi32, #tpu.memory_space<hbm>> -> memref<112xi32, #tpu.memory_space<hbm>>
      %dma_wait3A_209 = tpu.memref_slice %arg4[%add3A_189] : memref<322560xi32, #tpu.memory_space<hbm>> -> memref<112xi32, #tpu.memory_space<hbm>>
      tpu.wait_dma2 semaphore(%arg21 : memref<!tpu.dma_semaphore, #tpu.memory_space<semaphore_mem>>) src(%dma_wait3A_209 : memref<112xi32, #tpu.memory_space<hbm>>) dst(%arg11 : memref<112xi32, #tpu.memory_space<vmem>>)
      %dma_start3A_210 = arith.constant 0 : i32
      %dma_start3A_211 = arith.constant 0 : i32
      %dma_start3A_212 = tpu.memref_slice %arg2[%dma_start3A_210, %dma_start3A_211] : memref<10752x128xf32, #tpu.memory_space<hbm>> -> memref<10752x128xf32, #tpu.memory_space<hbm>>
      tpu.enqueue_indirect_dma source(%dma_start3A_212 : memref<10752x128xf32, #tpu.memory_space<hbm>>) target(%arg14 : memref<112x128xf32, #tpu.memory_space<vmem>>) offsets(%arg8 : memref<112xi32, #tpu.memory_space<vmem>>) semaphore(%arg24 : memref<!tpu.dma_semaphore, #tpu.memory_space<semaphore_mem>>)
      %dma_wait3A_213 = arith.constant 0 : i32
      %dma_wait3A_214 = arith.constant 0 : i32
      %dma_wait3A_215 = tpu.memref_slice %arg2[%dma_wait3A_213, %dma_wait3A_214] : memref<10752x128xf32, #tpu.memory_space<hbm>> -> memref<10752x128xf32, #tpu.memory_space<hbm>>
      tpu.wait_indirect_dma semaphore(%arg22 : memref<!tpu.dma_semaphore, #tpu.memory_space<semaphore_mem>>) src(%dma_wait3A_215 : memref<10752x128xf32, #tpu.memory_space<hbm>>) dst(%arg12 : memref<112x128xf32, #tpu.memory_space<vmem>>)
      %dma_start3A_216 = arith.constant 0 : i32
      %dma_start3A_217 = arith.constant 0 : i32
      %dma_start3A_218 = tpu.memref_slice %arg15[%dma_start3A_216, %dma_start3A_217] : memref<10752x128xf32, #tpu.memory_space<vmem_shared>> -> memref<10752x128xf32, #tpu.memory_space<vmem_shared>>
      tpu.enqueue_indirect_dma source(%arg12 : memref<112x128xf32, #tpu.memory_space<vmem>>) target(%dma_start3A_218 : memref<10752x128xf32, #tpu.memory_space<vmem_shared>>) offsets(%arg9 : memref<112xi32, #tpu.memory_space<vmem>>) semaphore(%arg25 : memref<!tpu.dma_semaphore, #tpu.memory_space<semaphore_mem>>) {add = true}
      %dma_wait3A_219 = arith.constant 0 : i32
      %dma_wait3A_220 = arith.constant 0 : i32
      %dma_wait3A_221 = tpu.memref_slice %arg2[%dma_wait3A_219, %dma_wait3A_220] : memref<10752x128xf32, #tpu.memory_space<hbm>> -> memref<10752x128xf32, #tpu.memory_space<hbm>>
      tpu.wait_indirect_dma semaphore(%arg23 : memref<!tpu.dma_semaphore, #tpu.memory_space<semaphore_mem>>) src(%dma_wait3A_221 : memref<10752x128xf32, #tpu.memory_space<hbm>>) dst(%arg13 : memref<112x128xf32, #tpu.memory_space<vmem>>)
      %dma_start3A_222 = arith.constant 0 : i32
      %dma_start3A_223 = arith.constant 0 : i32
      %dma_start3A_224 = tpu.memref_slice %arg15[%dma_start3A_222, %dma_start3A_223] : memref<10752x128xf32, #tpu.memory_space<vmem_shared>> -> memref<10752x128xf32, #tpu.memory_space<vmem_shared>>
      tpu.enqueue_indirect_dma source(%arg13 : memref<112x128xf32, #tpu.memory_space<vmem>>) target(%dma_start3A_224 : memref<10752x128xf32, #tpu.memory_space<vmem_shared>>) offsets(%arg10 : memref<112xi32, #tpu.memory_space<vmem>>) semaphore(%arg26 : memref<!tpu.dma_semaphore, #tpu.memory_space<semaphore_mem>>) {add = true}
      %dma_wait3A_225 = arith.constant 0 : i32
      %dma_wait3A_226 = arith.constant 0 : i32
      %dma_wait3A_227 = tpu.memref_slice %arg2[%dma_wait3A_225, %dma_wait3A_226] : memref<10752x128xf32, #tpu.memory_space<hbm>> -> memref<10752x128xf32, #tpu.memory_space<hbm>>
      tpu.wait_indirect_dma semaphore(%arg24 : memref<!tpu.dma_semaphore, #tpu.memory_space<semaphore_mem>>) src(%dma_wait3A_227 : memref<10752x128xf32, #tpu.memory_space<hbm>>) dst(%arg14 : memref<112x128xf32, #tpu.memory_space<vmem>>)
      %dma_start3A_228 = arith.constant 0 : i32
      %dma_start3A_229 = arith.constant 0 : i32
      %dma_start3A_230 = tpu.memref_slice %arg15[%dma_start3A_228, %dma_start3A_229] : memref<10752x128xf32, #tpu.memory_space<vmem_shared>> -> memref<10752x128xf32, #tpu.memory_space<vmem_shared>>
      tpu.enqueue_indirect_dma source(%arg14 : memref<112x128xf32, #tpu.memory_space<vmem>>) target(%dma_start3A_230 : memref<10752x128xf32, #tpu.memory_space<vmem_shared>>) offsets(%arg11 : memref<112xi32, #tpu.memory_space<vmem>>) semaphore(%arg27 : memref<!tpu.dma_semaphore, #tpu.memory_space<semaphore_mem>>) {add = true}
      %dma_wait3A_231 = arith.constant 0 : i32
      %dma_wait3A_232 = arith.constant 0 : i32
      %dma_wait3A_233 = tpu.memref_slice %arg15[%dma_wait3A_231, %dma_wait3A_232] : memref<10752x128xf32, #tpu.memory_space<vmem_shared>> -> memref<10752x128xf32, #tpu.memory_space<vmem_shared>>
      tpu.wait_indirect_dma semaphore(%arg25 : memref<!tpu.dma_semaphore, #tpu.memory_space<semaphore_mem>>) src(%arg12 : memref<112x128xf32, #tpu.memory_space<vmem>>) dst(%dma_wait3A_233 : memref<10752x128xf32, #tpu.memory_space<vmem_shared>>)
      %dma_wait3A_234 = arith.constant 0 : i32
      %dma_wait3A_235 = arith.constant 0 : i32
      %dma_wait3A_236 = tpu.memref_slice %arg15[%dma_wait3A_234, %dma_wait3A_235] : memref<10752x128xf32, #tpu.memory_space<vmem_shared>> -> memref<10752x128xf32, #tpu.memory_space<vmem_shared>>
      tpu.wait_indirect_dma semaphore(%arg26 : memref<!tpu.dma_semaphore, #tpu.memory_space<semaphore_mem>>) src(%arg13 : memref<112x128xf32, #tpu.memory_space<vmem>>) dst(%dma_wait3A_236 : memref<10752x128xf32, #tpu.memory_space<vmem_shared>>)
      %dma_wait3A_237 = arith.constant 0 : i32
      %dma_wait3A_238 = arith.constant 0 : i32
      %dma_wait3A_239 = tpu.memref_slice %arg15[%dma_wait3A_237, %dma_wait3A_238] : memref<10752x128xf32, #tpu.memory_space<vmem_shared>> -> memref<10752x128xf32, #tpu.memory_space<vmem_shared>>
      tpu.wait_indirect_dma semaphore(%arg27 : memref<!tpu.dma_semaphore, #tpu.memory_space<semaphore_mem>>) src(%arg14 : memref<112x128xf32, #tpu.memory_space<vmem>>) dst(%dma_wait3A_239 : memref<10752x128xf32, #tpu.memory_space<vmem_shared>>)
      %scan3A_240 = arith.constant 0 : i32
      scf.yield %scan3A_240 : i32
    }
    %scan3A_75 = arith.constant 30 : i32
    %barrier3A_76 = arith.constant 0 : index
    tpu.barrier barrier_id(%barrier3A_76)
    %add3A_77 = arith.constant 0 : i32
    %add3A_78 = arith.addi %mul3A_10, %add3A_77 : i32
    %add3A_79 = arith.constant 0 : i32
    %add3A_80 = arith.addi %mul3A_10, %add3A_79 : i32
    %dma_start3A_81 = arith.constant 0 : i32
    %dma_start3A_82 = tpu.memref_slice %arg5[%arg0, %add3A_80, %dma_start3A_81] : memref<2x10752x128xf32, #tpu.memory_space<hbm>> -> memref<1x112x128xf32, #tpu.memory_space<hbm>>
    %dma_start3A_83 = tpu.memref_squeeze %dma_start3A_82 : memref<1x112x128xf32, #tpu.memory_space<hbm>> -> memref<112x128xf32, #tpu.memory_space<hbm>>
    %dma_start3A_84 = arith.constant 0 : i32
    %dma_start3A_85 = tpu.memref_slice %arg15[%add3A_78, %dma_start3A_84] : memref<10752x128xf32, #tpu.memory_space<vmem_shared>> -> memref<112x128xf32, #tpu.memory_space<vmem_shared>>
    tpu.enqueue_dma source(%dma_start3A_85 : memref<112x128xf32, #tpu.memory_space<vmem_shared>>) target(%dma_start3A_83 : memref<112x128xf32, #tpu.memory_space<hbm>>) target_semaphore(%arg22 : memref<!tpu.dma_semaphore, #tpu.memory_space<semaphore_mem>>)
    %add3A_86 = arith.constant 112 : i32
    %add3A_87 = arith.addi %mul3A_10, %add3A_86 : i32
    %add3A_88 = arith.constant 112 : i32
    %add3A_89 = arith.addi %mul3A_10, %add3A_88 : i32
    %dma_start3A_90 = arith.constant 0 : i32
    %dma_start3A_91 = tpu.memref_slice %arg5[%arg0, %add3A_89, %dma_start3A_90] : memref<2x10752x128xf32, #tpu.memory_space<hbm>> -> memref<1x112x128xf32, #tpu.memory_space<hbm>>
    %dma_start3A_92 = tpu.memref_squeeze %dma_start3A_91 : memref<1x112x128xf32, #tpu.memory_space<hbm>> -> memref<112x128xf32, #tpu.memory_space<hbm>>
    %dma_start3A_93 = arith.constant 0 : i32
    %dma_start3A_94 = tpu.memref_slice %arg15[%add3A_87, %dma_start3A_93] : memref<10752x128xf32, #tpu.memory_space<vmem_shared>> -> memref<112x128xf32, #tpu.memory_space<vmem_shared>>
    tpu.enqueue_dma source(%dma_start3A_94 : memref<112x128xf32, #tpu.memory_space<vmem_shared>>) target(%dma_start3A_92 : memref<112x128xf32, #tpu.memory_space<hbm>>) target_semaphore(%arg22 : memref<!tpu.dma_semaphore, #tpu.memory_space<semaphore_mem>>)
    %add3A_95 = arith.constant 224 : i32
    %add3A_96 = arith.addi %mul3A_10, %add3A_95 : i32
    %add3A_97 = arith.constant 224 : i32
    %add3A_98 = arith.addi %mul3A_10, %add3A_97 : i32
    %dma_start3A_99 = arith.constant 0 : i32
    %dma_start3A_100 = tpu.memref_slice %arg5[%arg0, %add3A_98, %dma_start3A_99] : memref<2x10752x128xf32, #tpu.memory_space<hbm>> -> memref<1x112x128xf32, #tpu.memory_space<hbm>>
    %dma_start3A_101 = tpu.memref_squeeze %dma_start3A_100 : memref<1x112x128xf32, #tpu.memory_space<hbm>> -> memref<112x128xf32, #tpu.memory_space<hbm>>
    %dma_start3A_102 = arith.constant 0 : i32
    %dma_start3A_103 = tpu.memref_slice %arg15[%add3A_96, %dma_start3A_102] : memref<10752x128xf32, #tpu.memory_space<vmem_shared>> -> memref<112x128xf32, #tpu.memory_space<vmem_shared>>
    tpu.enqueue_dma source(%dma_start3A_103 : memref<112x128xf32, #tpu.memory_space<vmem_shared>>) target(%dma_start3A_101 : memref<112x128xf32, #tpu.memory_space<hbm>>) target_semaphore(%arg22 : memref<!tpu.dma_semaphore, #tpu.memory_space<semaphore_mem>>)
    %add3A_104 = arith.constant 336 : i32
    %add3A_105 = arith.addi %mul3A_10, %add3A_104 : i32
    %add3A_106 = arith.constant 336 : i32
    %add3A_107 = arith.addi %mul3A_10, %add3A_106 : i32
    %dma_start3A_108 = arith.constant 0 : i32
    %dma_start3A_109 = tpu.memref_slice %arg5[%arg0, %add3A_107, %dma_start3A_108] : memref<2x10752x128xf32, #tpu.memory_space<hbm>> -> memref<1x112x128xf32, #tpu.memory_space<hbm>>
    %dma_start3A_110 = tpu.memref_squeeze %dma_start3A_109 : memref<1x112x128xf32, #tpu.memory_space<hbm>> -> memref<112x128xf32, #tpu.memory_space<hbm>>
    %dma_start3A_111 = arith.constant 0 : i32
    %dma_start3A_112 = tpu.memref_slice %arg15[%add3A_105, %dma_start3A_111] : memref<10752x128xf32, #tpu.memory_space<vmem_shared>> -> memref<112x128xf32, #tpu.memory_space<vmem_shared>>
    tpu.enqueue_dma source(%dma_start3A_112 : memref<112x128xf32, #tpu.memory_space<vmem_shared>>) target(%dma_start3A_110 : memref<112x128xf32, #tpu.memory_space<hbm>>) target_semaphore(%arg22 : memref<!tpu.dma_semaphore, #tpu.memory_space<semaphore_mem>>)
    %add3A_113 = arith.constant 448 : i32
    %add3A_114 = arith.addi %mul3A_10, %add3A_113 : i32
    %add3A_115 = arith.constant 448 : i32
    %add3A_116 = arith.addi %mul3A_10, %add3A_115 : i32
    %dma_start3A_117 = arith.constant 0 : i32
    %dma_start3A_118 = tpu.memref_slice %arg5[%arg0, %add3A_116, %dma_start3A_117] : memref<2x10752x128xf32, #tpu.memory_space<hbm>> -> memref<1x112x128xf32, #tpu.memory_space<hbm>>
    %dma_start3A_119 = tpu.memref_squeeze %dma_start3A_118 : memref<1x112x128xf32, #tpu.memory_space<hbm>> -> memref<112x128xf32, #tpu.memory_space<hbm>>
    %dma_start3A_120 = arith.constant 0 : i32
    %dma_start3A_121 = tpu.memref_slice %arg15[%add3A_114, %dma_start3A_120] : memref<10752x128xf32, #tpu.memory_space<vmem_shared>> -> memref<112x128xf32, #tpu.memory_space<vmem_shared>>
    tpu.enqueue_dma source(%dma_start3A_121 : memref<112x128xf32, #tpu.memory_space<vmem_shared>>) target(%dma_start3A_119 : memref<112x128xf32, #tpu.memory_space<hbm>>) target_semaphore(%arg22 : memref<!tpu.dma_semaphore, #tpu.memory_space<semaphore_mem>>)
    %add3A_122 = arith.constant 560 : i32
    %add3A_123 = arith.addi %mul3A_10, %add3A_122 : i32
    %add3A_124 = arith.constant 560 : i32
    %add3A_125 = arith.addi %mul3A_10, %add3A_124 : i32
    %dma_start3A_126 = arith.constant 0 : i32
    %dma_start3A_127 = tpu.memref_slice %arg5[%arg0, %add3A_125, %dma_start3A_126] : memref<2x10752x128xf32, #tpu.memory_space<hbm>> -> memref<1x112x128xf32, #tpu.memory_space<hbm>>
    %dma_start3A_128 = tpu.memref_squeeze %dma_start3A_127 : memref<1x112x128xf32, #tpu.memory_space<hbm>> -> memref<112x128xf32, #tpu.memory_space<hbm>>
    %dma_start3A_129 = arith.constant 0 : i32
    %dma_start3A_130 = tpu.memref_slice %arg15[%add3A_123, %dma_start3A_129] : memref<10752x128xf32, #tpu.memory_space<vmem_shared>> -> memref<112x128xf32, #tpu.memory_space<vmem_shared>>
    tpu.enqueue_dma source(%dma_start3A_130 : memref<112x128xf32, #tpu.memory_space<vmem_shared>>) target(%dma_start3A_128 : memref<112x128xf32, #tpu.memory_space<hbm>>) target_semaphore(%arg22 : memref<!tpu.dma_semaphore, #tpu.memory_space<semaphore_mem>>)
    %dma_wait3A_131 = arith.constant 0 : i32
    %dma_wait3A_132 = tpu.memref_slice %arg5[%arg0, %add3A_80, %dma_wait3A_131] : memref<2x10752x128xf32, #tpu.memory_space<hbm>> -> memref<1x112x128xf32, #tpu.memory_space<hbm>>
    %dma_wait3A_133 = tpu.memref_squeeze %dma_wait3A_132 : memref<1x112x128xf32, #tpu.memory_space<hbm>> -> memref<112x128xf32, #tpu.memory_space<hbm>>
    %dma_wait3A_134 = arith.constant 0 : i32
    %dma_wait3A_135 = tpu.memref_slice %arg15[%add3A_78, %dma_wait3A_134] : memref<10752x128xf32, #tpu.memory_space<vmem_shared>> -> memref<112x128xf32, #tpu.memory_space<vmem_shared>>
    tpu.wait_dma2 semaphore(%arg22 : memref<!tpu.dma_semaphore, #tpu.memory_space<semaphore_mem>>) src(%dma_wait3A_135 : memref<112x128xf32, #tpu.memory_space<vmem_shared>>) dst(%dma_wait3A_133 : memref<112x128xf32, #tpu.memory_space<hbm>>)
    %dma_wait3A_136 = arith.constant 0 : i32
    %dma_wait3A_137 = tpu.memref_slice %arg5[%arg0, %add3A_89, %dma_wait3A_136] : memref<2x10752x128xf32, #tpu.memory_space<hbm>> -> memref<1x112x128xf32, #tpu.memory_space<hbm>>
    %dma_wait3A_138 = tpu.memref_squeeze %dma_wait3A_137 : memref<1x112x128xf32, #tpu.memory_space<hbm>> -> memref<112x128xf32, #tpu.memory_space<hbm>>
    %dma_wait3A_139 = arith.constant 0 : i32
    %dma_wait3A_140 = tpu.memref_slice %arg15[%add3A_87, %dma_wait3A_139] : memref<10752x128xf32, #tpu.memory_space<vmem_shared>> -> memref<112x128xf32, #tpu.memory_space<vmem_shared>>
    tpu.wait_dma2 semaphore(%arg22 : memref<!tpu.dma_semaphore, #tpu.memory_space<semaphore_mem>>) src(%dma_wait3A_140 : memref<112x128xf32, #tpu.memory_space<vmem_shared>>) dst(%dma_wait3A_138 : memref<112x128xf32, #tpu.memory_space<hbm>>)
    %dma_wait3A_141 = arith.constant 0 : i32
    %dma_wait3A_142 = tpu.memref_slice %arg5[%arg0, %add3A_98, %dma_wait3A_141] : memref<2x10752x128xf32, #tpu.memory_space<hbm>> -> memref<1x112x128xf32, #tpu.memory_space<hbm>>
    %dma_wait3A_143 = tpu.memref_squeeze %dma_wait3A_142 : memref<1x112x128xf32, #tpu.memory_space<hbm>> -> memref<112x128xf32, #tpu.memory_space<hbm>>
    %dma_wait3A_144 = arith.constant 0 : i32
    %dma_wait3A_145 = tpu.memref_slice %arg15[%add3A_96, %dma_wait3A_144] : memref<10752x128xf32, #tpu.memory_space<vmem_shared>> -> memref<112x128xf32, #tpu.memory_space<vmem_shared>>
    tpu.wait_dma2 semaphore(%arg22 : memref<!tpu.dma_semaphore, #tpu.memory_space<semaphore_mem>>) src(%dma_wait3A_145 : memref<112x128xf32, #tpu.memory_space<vmem_shared>>) dst(%dma_wait3A_143 : memref<112x128xf32, #tpu.memory_space<hbm>>)
    %dma_wait3A_146 = arith.constant 0 : i32
    %dma_wait3A_147 = tpu.memref_slice %arg5[%arg0, %add3A_107, %dma_wait3A_146] : memref<2x10752x128xf32, #tpu.memory_space<hbm>> -> memref<1x112x128xf32, #tpu.memory_space<hbm>>
    %dma_wait3A_148 = tpu.memref_squeeze %dma_wait3A_147 : memref<1x112x128xf32, #tpu.memory_space<hbm>> -> memref<112x128xf32, #tpu.memory_space<hbm>>
    %dma_wait3A_149 = arith.constant 0 : i32
    %dma_wait3A_150 = tpu.memref_slice %arg15[%add3A_105, %dma_wait3A_149] : memref<10752x128xf32, #tpu.memory_space<vmem_shared>> -> memref<112x128xf32, #tpu.memory_space<vmem_shared>>
    tpu.wait_dma2 semaphore(%arg22 : memref<!tpu.dma_semaphore, #tpu.memory_space<semaphore_mem>>) src(%dma_wait3A_150 : memref<112x128xf32, #tpu.memory_space<vmem_shared>>) dst(%dma_wait3A_148 : memref<112x128xf32, #tpu.memory_space<hbm>>)
    %dma_wait3A_151 = arith.constant 0 : i32
    %dma_wait3A_152 = tpu.memref_slice %arg5[%arg0, %add3A_116, %dma_wait3A_151] : memref<2x10752x128xf32, #tpu.memory_space<hbm>> -> memref<1x112x128xf32, #tpu.memory_space<hbm>>
    %dma_wait3A_153 = tpu.memref_squeeze %dma_wait3A_152 : memref<1x112x128xf32, #tpu.memory_space<hbm>> -> memref<112x128xf32, #tpu.memory_space<hbm>>
    %dma_wait3A_154 = arith.constant 0 : i32
    %dma_wait3A_155 = tpu.memref_slice %arg15[%add3A_114, %dma_wait3A_154] : memref<10752x128xf32, #tpu.memory_space<vmem_shared>> -> memref<112x128xf32, #tpu.memory_space<vmem_shared>>
    tpu.wait_dma2 semaphore(%arg22 : memref<!tpu.dma_semaphore, #tpu.memory_space<semaphore_mem>>) src(%dma_wait3A_155 : memref<112x128xf32, #tpu.memory_space<vmem_shared>>) dst(%dma_wait3A_153 : memref<112x128xf32, #tpu.memory_space<hbm>>)
    %dma_wait3A_156 = arith.constant 0 : i32
    %dma_wait3A_157 = tpu.memref_slice %arg5[%arg0, %add3A_125, %dma_wait3A_156] : memref<2x10752x128xf32, #tpu.memory_space<hbm>> -> memref<1x112x128xf32, #tpu.memory_space<hbm>>
    %dma_wait3A_158 = tpu.memref_squeeze %dma_wait3A_157 : memref<1x112x128xf32, #tpu.memory_space<hbm>> -> memref<112x128xf32, #tpu.memory_space<hbm>>
    %dma_wait3A_159 = arith.constant 0 : i32
    %dma_wait3A_160 = tpu.memref_slice %arg15[%add3A_123, %dma_wait3A_159] : memref<10752x128xf32, #tpu.memory_space<vmem_shared>> -> memref<112x128xf32, #tpu.memory_space<vmem_shared>>
    tpu.wait_dma2 semaphore(%arg22 : memref<!tpu.dma_semaphore, #tpu.memory_space<semaphore_mem>>) src(%dma_wait3A_160 : memref<112x128xf32, #tpu.memory_space<vmem_shared>>) dst(%dma_wait3A_158 : memref<112x128xf32, #tpu.memory_space<hbm>>)
    return
  }
}

module attributes {stable_mosaic.version = 14 : i64} {
  func.func @_tc_input_body(%arg0: i32, %arg1: memref<1xi32, #tpu.memory_space<smem>>, %arg2: memref<896x128xf32, #tpu.memory_space<vmem>>, %arg3: memref<896x128xf32, #tpu.memory_space<vmem>>, %arg4: memref<896x2xf32, #tpu.memory_space<vmem>>, %arg5: memref<2x896x128xf32, #tpu.memory_space<vmem>>, %arg6: memref<5x32xf32, #tpu.memory_space<vmem>>, %arg7: memref<2x32xf32, #tpu.memory_space<vmem>>, %arg8: memref<32xf32, #tpu.memory_space<vmem>>, %arg9: memref<128x128xf32, #tpu.memory_space<vmem>>, %arg10: memref<128x128xf32, #tpu.memory_space<vmem>>, %arg11: memref<32x128xf32, #tpu.memory_space<vmem>>, %arg12: memref<32x128xf32, #tpu.memory_space<vmem>>, %arg13: memref<128xf32, #tpu.memory_space<vmem>>, %arg14: memref<128x128xf32, #tpu.memory_space<vmem>>, %arg15: memref<896x128xf32, #tpu.memory_space<vmem>>, %arg16: memref<896x1xf32, #tpu.memory_space<vmem>>) attributes {dimension_semantics = [#tpu.dimension_semantics<arbitrary>], iteration_bounds = array<i64: 12>, scalar_prefetch = 0 : i64, scratch_operands = 0 : i64, tpu.core_type = #tpu.core_type<tc>, window_params = [{transform_indices = @transform_0, window_bounds = array<i64: 1>}, {transform_indices = @transform_1, window_bounds = array<i64: 896, 128>}, {transform_indices = @transform_2, window_bounds = array<i64: 896, 128>}, {transform_indices = @transform_3, window_bounds = array<i64: 896, 2>}, {transform_indices = @transform_4, window_bounds = array<i64: 2, 896, 128>}, {pipeline_mode = #tpu.pipeline_mode<synchronous>, transform_indices = @transform_5, window_bounds = array<i64: 5, 32>}, {pipeline_mode = #tpu.pipeline_mode<synchronous>, transform_indices = @transform_6, window_bounds = array<i64: 2, 32>}, {pipeline_mode = #tpu.pipeline_mode<synchronous>, transform_indices = @transform_7, window_bounds = array<i64: 32>}, {pipeline_mode = #tpu.pipeline_mode<synchronous>, transform_indices = @transform_8, window_bounds = array<i64: 128, 128>}, {pipeline_mode = #tpu.pipeline_mode<synchronous>, transform_indices = @transform_9, window_bounds = array<i64: 128, 128>}, {pipeline_mode = #tpu.pipeline_mode<synchronous>, transform_indices = @transform_10, window_bounds = array<i64: 32, 128>}, {pipeline_mode = #tpu.pipeline_mode<synchronous>, transform_indices = @transform_11, window_bounds = array<i64: 32, 128>}, {pipeline_mode = #tpu.pipeline_mode<synchronous>, transform_indices = @transform_12, window_bounds = array<i64: 128>}, {pipeline_mode = #tpu.pipeline_mode<synchronous>, transform_indices = @transform_13, window_bounds = array<i64: 128, 128>}, {transform_indices = @transform_14, window_bounds = array<i64: 896, 128>}, {transform_indices = @transform_15, window_bounds = array<i64: 896, 1>}]} {
    %get3A = arith.constant 0 : index
    %get3A_0 = memref.load %arg1[%get3A] : memref<1xi32, #tpu.memory_space<smem>>
    %get3A_1 = arith.constant 0 : index
    %get3A_2 = arith.constant 0 : index
    %get3A_3 = vector.load %arg4[%get3A_1, %get3A_2] : memref<896x2xf32, #tpu.memory_space<vmem>>, vector<896x2xf32>
    %get3A_4 = arith.constant 0 : index
    %get3A_5 = arith.constant 0 : index
    %get3A_6 = vector.load %arg7[%get3A_4, %get3A_5] : memref<2x32xf32, #tpu.memory_space<vmem>>, vector<2x32xf32>
    %dot_general3A = arith.constant dense<0.000000e+00> : vector<896x32xf32>
    %dot_general3A_7 = tpu.matmul %get3A_3, %get3A_6, %dot_general3A {dimension_numbers = #tpu.dot_dimension_numbers<[1], [0], [0], [1], [0, 0, 1, 1], [], []>, transpose_lhs_hint = false} : vector<896x2xf32>, vector<2x32xf32>, vector<896x32xf32> -> vector<896x32xf32>
    %get3A_8 = arith.constant 0 : index
    %get3A_9 = vector.load %arg8[%get3A_8] : memref<32xf32, #tpu.memory_space<vmem>>, vector<32xf32>
    %broadcast_in_dim3A = vector.shape_cast %get3A_9 : vector<32xf32> to vector<1x32xf32>
    %add3A = vector.broadcast %broadcast_in_dim3A : vector<1x32xf32> to vector<896x32xf32>
    %add3A_10 = arith.addf %dot_general3A_7, %add3A : vector<896x32xf32>
    %get3A_11 = arith.index_cast %get3A_0 : i32 to index
    %get3A_12 = arith.constant 0 : index
    %get3A_13 = vector.load %arg6[%get3A_11, %get3A_12] : memref<5x32xf32, #tpu.memory_space<vmem>>, vector<1x32xf32>
    %broadcast_in_dim3A_14 = vector.shape_cast %get3A_13 : vector<1x32xf32> to vector<1x32xf32>
    %broadcast_in_dim3A_15 = vector.broadcast %broadcast_in_dim3A_14 : vector<1x32xf32> to vector<896x32xf32>
    %get3A_16 = arith.constant 0 : index
    %get3A_17 = arith.constant 0 : index
    %get3A_18 = vector.load %arg2[%get3A_16, %get3A_17] : memref<896x128xf32, #tpu.memory_space<vmem>>, vector<896x128xf32>
    %get3A_19 = arith.constant 0 : index
    %get3A_20 = arith.constant 0 : index
    %get3A_21 = vector.load %arg9[%get3A_19, %get3A_20] : memref<128x128xf32, #tpu.memory_space<vmem>>, vector<128x128xf32>
    %dot_general3A_22 = arith.constant dense<0.000000e+00> : vector<896x128xf32>
    %dot_general3A_23 = tpu.matmul %get3A_18, %get3A_21, %dot_general3A_22 {dimension_numbers = #tpu.dot_dimension_numbers<[1], [0], [0], [1], [0, 0, 1, 1], [], []>, transpose_lhs_hint = false} : vector<896x128xf32>, vector<128x128xf32>, vector<896x128xf32> -> vector<896x128xf32>
    %get3A_24 = arith.constant 0 : index
    %get3A_25 = arith.constant 0 : index
    %get3A_26 = vector.load %arg3[%get3A_24, %get3A_25] : memref<896x128xf32, #tpu.memory_space<vmem>>, vector<896x128xf32>
    %get3A_27 = arith.constant 0 : index
    %get3A_28 = arith.constant 0 : index
    %get3A_29 = vector.load %arg10[%get3A_27, %get3A_28] : memref<128x128xf32, #tpu.memory_space<vmem>>, vector<128x128xf32>
    %dot_general3A_30 = arith.constant dense<0.000000e+00> : vector<896x128xf32>
    %dot_general3A_31 = tpu.matmul %get3A_26, %get3A_29, %dot_general3A_30 {dimension_numbers = #tpu.dot_dimension_numbers<[1], [0], [0], [1], [0, 0, 1, 1], [], []>, transpose_lhs_hint = false} : vector<896x128xf32>, vector<128x128xf32>, vector<896x128xf32> -> vector<896x128xf32>
    %add3A_32 = arith.addf %dot_general3A_23, %dot_general3A_31 : vector<896x128xf32>
    %get3A_33 = arith.constant 0 : index
    %get3A_34 = arith.constant 0 : index
    %get3A_35 = vector.load %arg11[%get3A_33, %get3A_34] : memref<32x128xf32, #tpu.memory_space<vmem>>, vector<32x128xf32>
    %dot_general3A_36 = arith.constant dense<0.000000e+00> : vector<896x128xf32>
    %dot_general3A_37 = tpu.matmul %add3A_10, %get3A_35, %dot_general3A_36 {dimension_numbers = #tpu.dot_dimension_numbers<[1], [0], [0], [1], [0, 0, 1, 1], [], []>, transpose_lhs_hint = false} : vector<896x32xf32>, vector<32x128xf32>, vector<896x128xf32> -> vector<896x128xf32>
    %add3A_38 = arith.addf %add3A_32, %dot_general3A_37 : vector<896x128xf32>
    %get3A_39 = arith.constant 0 : index
    %get3A_40 = arith.constant 0 : index
    %get3A_41 = vector.load %arg12[%get3A_39, %get3A_40] : memref<32x128xf32, #tpu.memory_space<vmem>>, vector<32x128xf32>
    %dot_general3A_42 = arith.constant dense<0.000000e+00> : vector<896x128xf32>
    %dot_general3A_43 = tpu.matmul %broadcast_in_dim3A_15, %get3A_41, %dot_general3A_42 {dimension_numbers = #tpu.dot_dimension_numbers<[1], [0], [0], [1], [0, 0, 1, 1], [], []>, transpose_lhs_hint = false} : vector<896x32xf32>, vector<32x128xf32>, vector<896x128xf32> -> vector<896x128xf32>
    %add3A_44 = arith.addf %add3A_38, %dot_general3A_43 : vector<896x128xf32>
    %get3A_45 = arith.constant 0 : index
    %get3A_46 = vector.load %arg13[%get3A_45] : memref<128xf32, #tpu.memory_space<vmem>>, vector<128xf32>
    %broadcast_in_dim3A_47 = vector.shape_cast %get3A_46 : vector<128xf32> to vector<1x128xf32>
    %add3A_48 = vector.broadcast %broadcast_in_dim3A_47 : vector<1x128xf32> to vector<896x128xf32>
    %add3A_49 = arith.addf %add3A_44, %add3A_48 : vector<896x128xf32>
    %mul3A = arith.constant 5.000000e-01 : f32
    %mul3A_50 = vector.broadcast %mul3A : f32 to vector<896x128xf32>
    %mul3A_51 = arith.mulf %mul3A_50, %add3A_49 : vector<896x128xf32>
    %mul3A_52 = arith.constant 0.707106769 : f32
    %mul3A_53 = vector.broadcast %mul3A_52 : f32 to vector<896x128xf32>
    %mul3A_54 = arith.mulf %add3A_49, %mul3A_53 : vector<896x128xf32>
    %erf3A = math.erf %mul3A_54 : vector<896x128xf32>
    %add3A_55 = arith.constant 1.000000e+00 : f32
    %add3A_56 = vector.broadcast %add3A_55 : f32 to vector<896x128xf32>
    %add3A_57 = arith.addf %add3A_56, %erf3A : vector<896x128xf32>
    %mul3A_58 = arith.mulf %mul3A_51, %add3A_57 : vector<896x128xf32>
    %get3A_59 = arith.constant 0 : index
    %get3A_60 = arith.constant 0 : index
    %get3A_61 = arith.constant 0 : index
    %get3A_62 = vector.load %arg5[%get3A_59, %get3A_60, %get3A_61] : memref<2x896x128xf32, #tpu.memory_space<vmem>>, vector<1x896x1xf32>
    %get3A_63 = vector.shape_cast %get3A_62 : vector<1x896x1xf32> to vector<896x1xf32>
    %get3A_64 = arith.constant 1 : index
    %get3A_65 = arith.constant 0 : index
    %get3A_66 = arith.constant 0 : index
    %get3A_67 = vector.load %arg5[%get3A_64, %get3A_65, %get3A_66] : memref<2x896x128xf32, #tpu.memory_space<vmem>>, vector<1x896x1xf32>
    %get3A_68 = vector.shape_cast %get3A_67 : vector<1x896x1xf32> to vector<896x1xf32>
    %add3A_69 = arith.addf %get3A_63, %get3A_68 : vector<896x1xf32>
    %add3A_70 = arith.constant 1.000000e+00 : f32
    %add3A_71 = vector.broadcast %add3A_70 : f32 to vector<896x1xf32>
    %add3A_72 = arith.addf %add3A_69, %add3A_71 : vector<896x1xf32>
    %rsqrt3A = math.rsqrt %add3A_72 : vector<896x1xf32>
    %swap3A = arith.constant 0 : index
    %swap3A_73 = arith.constant 0 : index
    %swap3A_74 = vector.load %arg16[%swap3A, %swap3A_73] : memref<896x1xf32, #tpu.memory_space<vmem>>, vector<896x1xf32>
    tpu.vector_store %arg16[%swap3A, %swap3A_73], %rsqrt3A {strides = array<i32>} : memref<896x1xf32, #tpu.memory_space<vmem>>, vector<896x1xf32>,
    %get3A_75 = arith.constant 0 : index
    %get3A_76 = arith.constant 0 : index
    %get3A_77 = vector.load %arg14[%get3A_75, %get3A_76] : memref<128x128xf32, #tpu.memory_space<vmem>>, vector<128x128xf32>
    %dot_general3A_78 = arith.constant dense<0.000000e+00> : vector<896x128xf32>
    %dot_general3A_79 = tpu.matmul %mul3A_58, %get3A_77, %dot_general3A_78 {dimension_numbers = #tpu.dot_dimension_numbers<[1], [0], [0], [1], [0, 0, 1, 1], [], []>, transpose_lhs_hint = false} : vector<896x128xf32>, vector<128x128xf32>, vector<896x128xf32> -> vector<896x128xf32>
    %mul3A_80 = vector.broadcast %rsqrt3A : vector<896x1xf32> to vector<896x128xf32>
    %mul3A_81 = arith.mulf %dot_general3A_79, %mul3A_80 : vector<896x128xf32>
    %swap3A_82 = arith.constant 0 : index
    %swap3A_83 = arith.constant 0 : index
    %swap3A_84 = vector.load %arg15[%swap3A_82, %swap3A_83] : memref<896x128xf32, #tpu.memory_space<vmem>>, vector<896x128xf32>
    tpu.vector_store %arg15[%swap3A_82, %swap3A_83], %mul3A_81 {strides = array<i32>} : memref<896x128xf32, #tpu.memory_space<vmem>>, vector<896x128xf32>,
    return
  }
  func.func @transform_0(%arg0: i32) -> i32 {
    %c0_i32 = arith.constant 0 : i32
    %c0_i32_0 = arith.constant 0 : i32
    return %c0_i32 : i32
  }
  func.func @transform_1(%arg0: i32) -> (i32, i32) {
    %c0_i32 = arith.constant 0 : i32
    %c0_i32_0 = arith.constant 0 : i32
    return %arg0, %c0_i32 : i32, i32
  }
  func.func @transform_2(%arg0: i32) -> (i32, i32) {
    %c0_i32 = arith.constant 0 : i32
    %c0_i32_0 = arith.constant 0 : i32
    return %arg0, %c0_i32 : i32, i32
  }
  func.func @transform_3(%arg0: i32) -> (i32, i32) {
    %c0_i32 = arith.constant 0 : i32
    %c0_i32_0 = arith.constant 0 : i32
    return %arg0, %c0_i32 : i32, i32
  }
  func.func @transform_4(%arg0: i32) -> (i32, i32, i32) {
    %c0_i32 = arith.constant 0 : i32
    %c0_i32_0 = arith.constant 0 : i32
    %c0_i32_1 = arith.constant 0 : i32
    return %c0_i32, %arg0, %c0_i32_0 : i32, i32, i32
  }
  func.func @transform_5(%arg0: i32) -> (i32, i32) {
    %c0_i32 = arith.constant 0 : i32
    %c0_i32_0 = arith.constant 0 : i32
    %c0_i32_1 = arith.constant 0 : i32
    return %c0_i32, %c0_i32_0 : i32, i32
  }
  func.func @transform_6(%arg0: i32) -> (i32, i32) {
    %c0_i32 = arith.constant 0 : i32
    %c0_i32_0 = arith.constant 0 : i32
    %c0_i32_1 = arith.constant 0 : i32
    return %c0_i32, %c0_i32_0 : i32, i32
  }
  func.func @transform_7(%arg0: i32) -> i32 {
    %c0_i32 = arith.constant 0 : i32
    %c0_i32_0 = arith.constant 0 : i32
    return %c0_i32 : i32
  }
  func.func @transform_8(%arg0: i32) -> (i32, i32) {
    %c0_i32 = arith.constant 0 : i32
    %c0_i32_0 = arith.constant 0 : i32
    %c0_i32_1 = arith.constant 0 : i32
    return %c0_i32, %c0_i32_0 : i32, i32
  }
  func.func @transform_9(%arg0: i32) -> (i32, i32) {
    %c0_i32 = arith.constant 0 : i32
    %c0_i32_0 = arith.constant 0 : i32
    %c0_i32_1 = arith.constant 0 : i32
    return %c0_i32, %c0_i32_0 : i32, i32
  }
  func.func @transform_10(%arg0: i32) -> (i32, i32) {
    %c0_i32 = arith.constant 0 : i32
    %c0_i32_0 = arith.constant 0 : i32
    %c0_i32_1 = arith.constant 0 : i32
    return %c0_i32, %c0_i32_0 : i32, i32
  }
  func.func @transform_11(%arg0: i32) -> (i32, i32) {
    %c0_i32 = arith.constant 0 : i32
    %c0_i32_0 = arith.constant 0 : i32
    %c0_i32_1 = arith.constant 0 : i32
    return %c0_i32, %c0_i32_0 : i32, i32
  }
  func.func @transform_12(%arg0: i32) -> i32 {
    %c0_i32 = arith.constant 0 : i32
    %c0_i32_0 = arith.constant 0 : i32
    return %c0_i32 : i32
  }
  func.func @transform_13(%arg0: i32) -> (i32, i32) {
    %c0_i32 = arith.constant 0 : i32
    %c0_i32_0 = arith.constant 0 : i32
    %c0_i32_1 = arith.constant 0 : i32
    return %c0_i32, %c0_i32_0 : i32, i32
  }
  func.func @transform_14(%arg0: i32) -> (i32, i32) {
    %c0_i32 = arith.constant 0 : i32
    %c0_i32_0 = arith.constant 0 : i32
    return %arg0, %c0_i32 : i32, i32
  }
  func.func @transform_15(%arg0: i32) -> (i32, i32) {
    %c0_i32 = arith.constant 0 : i32
    %c0_i32_0 = arith.constant 0 : i32
    return %arg0, %c0_i32 : i32, i32
  }
}

module attributes {stable_mosaic.version = 14 : i64} {
  func.func @_tc_mid_body(%arg0: i32, %arg1: memref<2x896x128xf32, #tpu.memory_space<vmem>>, %arg2: memref<896x128xf32, #tpu.memory_space<vmem>>, %arg3: memref<896x1xf32, #tpu.memory_space<vmem>>, %arg4: memref<128xf32, #tpu.memory_space<vmem>>, %arg5: memref<128x128xf32, #tpu.memory_space<vmem>>, %arg6: memref<896x128xf32, #tpu.memory_space<vmem>>) attributes {dimension_semantics = [#tpu.dimension_semantics<arbitrary>], iteration_bounds = array<i64: 12>, scalar_prefetch = 0 : i64, scratch_operands = 0 : i64, tpu.core_type = #tpu.core_type<tc>, window_params = [{transform_indices = @transform_0, window_bounds = array<i64: 2, 896, 128>}, {transform_indices = @transform_1, window_bounds = array<i64: 896, 128>}, {transform_indices = @transform_2, window_bounds = array<i64: 896, 1>}, {pipeline_mode = #tpu.pipeline_mode<synchronous>, transform_indices = @transform_3, window_bounds = array<i64: 128>}, {pipeline_mode = #tpu.pipeline_mode<synchronous>, transform_indices = @transform_4, window_bounds = array<i64: 128, 128>}, {transform_indices = @transform_5, window_bounds = array<i64: 896, 128>}]} {
    %get3A = arith.constant 0 : index
    %get3A_0 = arith.constant 0 : index
    %get3A_1 = vector.load %arg3[%get3A, %get3A_0] : memref<896x1xf32, #tpu.memory_space<vmem>>, vector<896x1xf32>
    %get3A_2 = arith.constant 0 : index
    %get3A_3 = arith.constant 0 : index
    %get3A_4 = arith.constant 0 : index
    %get3A_5 = vector.load %arg1[%get3A_2, %get3A_3, %get3A_4] : memref<2x896x128xf32, #tpu.memory_space<vmem>>, vector<1x896x128xf32>
    %get3A_6 = vector.shape_cast %get3A_5 : vector<1x896x128xf32> to vector<896x128xf32>
    %get3A_7 = arith.constant 1 : index
    %get3A_8 = arith.constant 0 : index
    %get3A_9 = arith.constant 0 : index
    %get3A_10 = vector.load %arg1[%get3A_7, %get3A_8, %get3A_9] : memref<2x896x128xf32, #tpu.memory_space<vmem>>, vector<1x896x128xf32>
    %get3A_11 = vector.shape_cast %get3A_10 : vector<1x896x128xf32> to vector<896x128xf32>
    %add3A = arith.addf %get3A_6, %get3A_11 : vector<896x128xf32>
    %get3A_12 = arith.constant 0 : index
    %get3A_13 = arith.constant 0 : index
    %get3A_14 = vector.load %arg2[%get3A_12, %get3A_13] : memref<896x128xf32, #tpu.memory_space<vmem>>, vector<896x128xf32>
    %add3A_15 = arith.addf %add3A, %get3A_14 : vector<896x128xf32>
    %mul3A = vector.broadcast %get3A_1 : vector<896x1xf32> to vector<896x128xf32>
    %mul3A_16 = arith.mulf %mul3A, %add3A_15 : vector<896x128xf32>
    %get3A_17 = arith.constant 0 : index
    %get3A_18 = vector.load %arg4[%get3A_17] : memref<128xf32, #tpu.memory_space<vmem>>, vector<128xf32>
    %broadcast_in_dim3A = vector.shape_cast %get3A_18 : vector<128xf32> to vector<1x128xf32>
    %add3A_19 = vector.broadcast %broadcast_in_dim3A : vector<1x128xf32> to vector<896x128xf32>
    %add3A_20 = arith.addf %mul3A_16, %add3A_19 : vector<896x128xf32>
    %mul3A_21 = arith.constant 5.000000e-01 : f32
    %mul3A_22 = vector.broadcast %mul3A_21 : f32 to vector<896x128xf32>
    %mul3A_23 = arith.mulf %mul3A_22, %add3A_20 : vector<896x128xf32>
    %mul3A_24 = arith.constant 0.707106769 : f32
    %mul3A_25 = vector.broadcast %mul3A_24 : f32 to vector<896x128xf32>
    %mul3A_26 = arith.mulf %add3A_20, %mul3A_25 : vector<896x128xf32>
    %erf3A = math.erf %mul3A_26 : vector<896x128xf32>
    %add3A_27 = arith.constant 1.000000e+00 : f32
    %add3A_28 = vector.broadcast %add3A_27 : f32 to vector<896x128xf32>
    %add3A_29 = arith.addf %add3A_28, %erf3A : vector<896x128xf32>
    %mul3A_30 = arith.mulf %mul3A_23, %add3A_29 : vector<896x128xf32>
    %get3A_31 = arith.constant 0 : index
    %get3A_32 = arith.constant 0 : index
    %get3A_33 = vector.load %arg5[%get3A_31, %get3A_32] : memref<128x128xf32, #tpu.memory_space<vmem>>, vector<128x128xf32>
    %dot_general3A = arith.constant dense<0.000000e+00> : vector<896x128xf32>
    %dot_general3A_34 = tpu.matmul %mul3A_30, %get3A_33, %dot_general3A {dimension_numbers = #tpu.dot_dimension_numbers<[1], [0], [0], [1], [0, 0, 1, 1], [], []>, transpose_lhs_hint = false} : vector<896x128xf32>, vector<128x128xf32>, vector<896x128xf32> -> vector<896x128xf32>
    %mul3A_35 = vector.broadcast %get3A_1 : vector<896x1xf32> to vector<896x128xf32>
    %mul3A_36 = arith.mulf %dot_general3A_34, %mul3A_35 : vector<896x128xf32>
    %swap3A = arith.constant 0 : index
    %swap3A_37 = arith.constant 0 : index
    %swap3A_38 = vector.load %arg6[%swap3A, %swap3A_37] : memref<896x128xf32, #tpu.memory_space<vmem>>, vector<896x128xf32>
    tpu.vector_store %arg6[%swap3A, %swap3A_37], %mul3A_36 {strides = array<i32>} : memref<896x128xf32, #tpu.memory_space<vmem>>, vector<896x128xf32>,
    return
  }
  func.func @transform_0(%arg0: i32) -> (i32, i32, i32) {
    %c0_i32 = arith.constant 0 : i32
    %c0_i32_0 = arith.constant 0 : i32
    %c0_i32_1 = arith.constant 0 : i32
    return %c0_i32, %arg0, %c0_i32_0 : i32, i32, i32
  }
  func.func @transform_1(%arg0: i32) -> (i32, i32) {
    %c0_i32 = arith.constant 0 : i32
    %c0_i32_0 = arith.constant 0 : i32
    return %arg0, %c0_i32 : i32, i32
  }
  func.func @transform_2(%arg0: i32) -> (i32, i32) {
    %c0_i32 = arith.constant 0 : i32
    %c0_i32_0 = arith.constant 0 : i32
    return %arg0, %c0_i32 : i32, i32
  }
  func.func @transform_3(%arg0: i32) -> i32 {
    %c0_i32 = arith.constant 0 : i32
    %c0_i32_0 = arith.constant 0 : i32
    return %c0_i32 : i32
  }
  func.func @transform_4(%arg0: i32) -> (i32, i32) {
    %c0_i32 = arith.constant 0 : i32
    %c0_i32_0 = arith.constant 0 : i32
    %c0_i32_1 = arith.constant 0 : i32
    return %c0_i32, %c0_i32_0 : i32, i32
  }
  func.func @transform_5(%arg0: i32) -> (i32, i32) {
    %c0_i32 = arith.constant 0 : i32
    %c0_i32_0 = arith.constant 0 : i32
    return %arg0, %c0_i32 : i32, i32
  }
}

module attributes {stable_mosaic.version = 14 : i64} {
  func.func @_tc_head_body(%arg0: i32, %arg1: memref<2x896x128xf32, #tpu.memory_space<vmem>>, %arg2: memref<896x128xf32, #tpu.memory_space<vmem>>, %arg3: memref<896x1xf32, #tpu.memory_space<vmem>>, %arg4: memref<128xf32, #tpu.memory_space<vmem>>, %arg5: memref<128x1000xf32, #tpu.memory_space<vmem>>, %arg6: memref<1000xf32, #tpu.memory_space<vmem>>, %arg7: memref<128x1xf32, #tpu.memory_space<vmem>>, %arg8: memref<1xf32, #tpu.memory_space<vmem>>, %arg9: memref<896x1000xf32, #tpu.memory_space<vmem>>, %arg10: memref<896x1xf32, #tpu.memory_space<vmem>>) attributes {dimension_semantics = [#tpu.dimension_semantics<arbitrary>], iteration_bounds = array<i64: 12>, scalar_prefetch = 0 : i64, scratch_operands = 0 : i64, tpu.core_type = #tpu.core_type<tc>, window_params = [{transform_indices = @transform_0, window_bounds = array<i64: 2, 896, 128>}, {transform_indices = @transform_1, window_bounds = array<i64: 896, 128>}, {transform_indices = @transform_2, window_bounds = array<i64: 896, 1>}, {pipeline_mode = #tpu.pipeline_mode<synchronous>, transform_indices = @transform_3, window_bounds = array<i64: 128>}, {pipeline_mode = #tpu.pipeline_mode<synchronous>, transform_indices = @transform_4, window_bounds = array<i64: 128, 1000>}, {pipeline_mode = #tpu.pipeline_mode<synchronous>, transform_indices = @transform_5, window_bounds = array<i64: 1000>}, {pipeline_mode = #tpu.pipeline_mode<synchronous>, transform_indices = @transform_6, window_bounds = array<i64: 128, 1>}, {pipeline_mode = #tpu.pipeline_mode<synchronous>, transform_indices = @transform_7, window_bounds = array<i64: 1>}, {transform_indices = @transform_8, window_bounds = array<i64: 896, 1000>}, {transform_indices = @transform_9, window_bounds = array<i64: 896, 1>}]} {
    %get3A = arith.constant 0 : index
    %get3A_0 = arith.constant 0 : index
    %get3A_1 = vector.load %arg3[%get3A, %get3A_0] : memref<896x1xf32, #tpu.memory_space<vmem>>, vector<896x1xf32>
    %get3A_2 = arith.constant 0 : index
    %get3A_3 = arith.constant 0 : index
    %get3A_4 = arith.constant 0 : index
    %get3A_5 = vector.load %arg1[%get3A_2, %get3A_3, %get3A_4] : memref<2x896x128xf32, #tpu.memory_space<vmem>>, vector<1x896x128xf32>
    %get3A_6 = vector.shape_cast %get3A_5 : vector<1x896x128xf32> to vector<896x128xf32>
    %get3A_7 = arith.constant 1 : index
    %get3A_8 = arith.constant 0 : index
    %get3A_9 = arith.constant 0 : index
    %get3A_10 = vector.load %arg1[%get3A_7, %get3A_8, %get3A_9] : memref<2x896x128xf32, #tpu.memory_space<vmem>>, vector<1x896x128xf32>
    %get3A_11 = vector.shape_cast %get3A_10 : vector<1x896x128xf32> to vector<896x128xf32>
    %add3A = arith.addf %get3A_6, %get3A_11 : vector<896x128xf32>
    %get3A_12 = arith.constant 0 : index
    %get3A_13 = arith.constant 0 : index
    %get3A_14 = vector.load %arg2[%get3A_12, %get3A_13] : memref<896x128xf32, #tpu.memory_space<vmem>>, vector<896x128xf32>
    %add3A_15 = arith.addf %add3A, %get3A_14 : vector<896x128xf32>
    %mul3A = vector.broadcast %get3A_1 : vector<896x1xf32> to vector<896x128xf32>
    %mul3A_16 = arith.mulf %mul3A, %add3A_15 : vector<896x128xf32>
    %get3A_17 = arith.constant 0 : index
    %get3A_18 = vector.load %arg4[%get3A_17] : memref<128xf32, #tpu.memory_space<vmem>>, vector<128xf32>
    %broadcast_in_dim3A = vector.shape_cast %get3A_18 : vector<128xf32> to vector<1x128xf32>
    %add3A_19 = vector.broadcast %broadcast_in_dim3A : vector<1x128xf32> to vector<896x128xf32>
    %add3A_20 = arith.addf %mul3A_16, %add3A_19 : vector<896x128xf32>
    %mul3A_21 = arith.constant 5.000000e-01 : f32
    %mul3A_22 = vector.broadcast %mul3A_21 : f32 to vector<896x128xf32>
    %mul3A_23 = arith.mulf %mul3A_22, %add3A_20 : vector<896x128xf32>
    %mul3A_24 = arith.constant 0.707106769 : f32
    %mul3A_25 = vector.broadcast %mul3A_24 : f32 to vector<896x128xf32>
    %mul3A_26 = arith.mulf %add3A_20, %mul3A_25 : vector<896x128xf32>
    %erf3A = math.erf %mul3A_26 : vector<896x128xf32>
    %add3A_27 = arith.constant 1.000000e+00 : f32
    %add3A_28 = vector.broadcast %add3A_27 : f32 to vector<896x128xf32>
    %add3A_29 = arith.addf %add3A_28, %erf3A : vector<896x128xf32>
    %mul3A_30 = arith.mulf %mul3A_23, %add3A_29 : vector<896x128xf32>
    %get3A_31 = arith.constant 0 : index
    %get3A_32 = arith.constant 0 : index
    %get3A_33 = vector.load %arg5[%get3A_31, %get3A_32] : memref<128x1000xf32, #tpu.memory_space<vmem>>, vector<128x1000xf32>
    %dot_general3A = arith.constant dense<0.000000e+00> : vector<896x1000xf32>
    %dot_general3A_34 = tpu.matmul %mul3A_30, %get3A_33, %dot_general3A {dimension_numbers = #tpu.dot_dimension_numbers<[1], [0], [0], [1], [0, 0, 1, 1], [], []>, transpose_lhs_hint = false} : vector<896x128xf32>, vector<128x1000xf32>, vector<896x1000xf32> -> vector<896x1000xf32>
    %get3A_35 = arith.constant 0 : index
    %get3A_36 = vector.load %arg6[%get3A_35] : memref<1000xf32, #tpu.memory_space<vmem>>, vector<1000xf32>
    %broadcast_in_dim3A_37 = vector.shape_cast %get3A_36 : vector<1000xf32> to vector<1x1000xf32>
    %add3A_38 = vector.broadcast %broadcast_in_dim3A_37 : vector<1x1000xf32> to vector<896x1000xf32>
    %add3A_39 = arith.addf %dot_general3A_34, %add3A_38 : vector<896x1000xf32>
    %swap3A = arith.constant 0 : index
    %swap3A_40 = arith.constant 0 : index
    %swap3A_41 = vector.load %arg9[%swap3A, %swap3A_40] : memref<896x1000xf32, #tpu.memory_space<vmem>>, vector<896x1000xf32>
    tpu.vector_store %arg9[%swap3A, %swap3A_40], %add3A_39 {strides = array<i32>} : memref<896x1000xf32, #tpu.memory_space<vmem>>, vector<896x1000xf32>,
    %get3A_42 = arith.constant 0 : index
    %get3A_43 = arith.constant 0 : index
    %get3A_44 = vector.load %arg7[%get3A_42, %get3A_43] : memref<128x1xf32, #tpu.memory_space<vmem>>, vector<128x1xf32>
    %dot_general3A_45 = arith.constant dense<0.000000e+00> : vector<896x1xf32>
    %dot_general3A_46 = tpu.matmul %mul3A_30, %get3A_44, %dot_general3A_45 {dimension_numbers = #tpu.dot_dimension_numbers<[1], [0], [0], [1], [0, 0, 1, 1], [], []>, transpose_lhs_hint = false} : vector<896x128xf32>, vector<128x1xf32>, vector<896x1xf32> -> vector<896x1xf32>
    %get3A_47 = arith.constant 0 : index
    %get3A_48 = vector.load %arg8[%get3A_47] : memref<1xf32, #tpu.memory_space<vmem>>, vector<1xf32>
    %broadcast_in_dim3A_49 = vector.shape_cast %get3A_48 : vector<1xf32> to vector<1x1xf32>
    %add3A_50 = vector.broadcast %broadcast_in_dim3A_49 : vector<1x1xf32> to vector<896x1xf32>
    %add3A_51 = arith.addf %dot_general3A_46, %add3A_50 : vector<896x1xf32>
    %logistic3A = arith.negf %add3A_51 : vector<896x1xf32>
    %logistic3A_52 = math.exp %logistic3A : vector<896x1xf32>
    %logistic3A_53 = arith.constant 1.000000e+00 : f32
    %logistic3A_54 = vector.broadcast %logistic3A_53 : f32 to vector<896x1xf32>
    %logistic3A_55 = arith.addf %logistic3A_54, %logistic3A_52 : vector<896x1xf32>
    %logistic3A_56 = arith.divf %logistic3A_54, %logistic3A_55 : vector<896x1xf32>
    %swap3A_57 = arith.constant 0 : index
    %swap3A_58 = arith.constant 0 : index
    %swap3A_59 = vector.load %arg10[%swap3A_57, %swap3A_58] : memref<896x1xf32, #tpu.memory_space<vmem>>, vector<896x1xf32>
    tpu.vector_store %arg10[%swap3A_57, %swap3A_58], %logistic3A_56 {strides = array<i32>} : memref<896x1xf32, #tpu.memory_space<vmem>>, vector<896x1xf32>,
    return
  }
  func.func @transform_0(%arg0: i32) -> (i32, i32, i32) {
    %c0_i32 = arith.constant 0 : i32
    %c0_i32_0 = arith.constant 0 : i32
    %c0_i32_1 = arith.constant 0 : i32
    return %c0_i32, %arg0, %c0_i32_0 : i32, i32, i32
  }
  func.func @transform_1(%arg0: i32) -> (i32, i32) {
    %c0_i32 = arith.constant 0 : i32
    %c0_i32_0 = arith.constant 0 : i32
    return %arg0, %c0_i32 : i32, i32
  }
  func.func @transform_2(%arg0: i32) -> (i32, i32) {
    %c0_i32 = arith.constant 0 : i32
    %c0_i32_0 = arith.constant 0 : i32
    return %arg0, %c0_i32 : i32, i32
  }
  func.func @transform_3(%arg0: i32) -> i32 {
    %c0_i32 = arith.constant 0 : i32
    %c0_i32_0 = arith.constant 0 : i32
    return %c0_i32 : i32
  }
  func.func @transform_4(%arg0: i32) -> (i32, i32) {
    %c0_i32 = arith.constant 0 : i32
    %c0_i32_0 = arith.constant 0 : i32
    %c0_i32_1 = arith.constant 0 : i32
    return %c0_i32, %c0_i32_0 : i32, i32
  }
  func.func @transform_5(%arg0: i32) -> i32 {
    %c0_i32 = arith.constant 0 : i32
    %c0_i32_0 = arith.constant 0 : i32
    return %c0_i32 : i32
  }
  func.func @transform_6(%arg0: i32) -> (i32, i32) {
    %c0_i32 = arith.constant 0 : i32
    %c0_i32_0 = arith.constant 0 : i32
    %c0_i32_1 = arith.constant 0 : i32
    return %c0_i32, %c0_i32_0 : i32, i32
  }
  func.func @transform_7(%arg0: i32) -> i32 {
    %c0_i32 = arith.constant 0 : i32
    %c0_i32_0 = arith.constant 0 : i32
    return %c0_i32 : i32
  }
  func.func @transform_8(%arg0: i32) -> (i32, i32) {
    %c0_i32 = arith.constant 0 : i32
    %c0_i32_0 = arith.constant 0 : i32
    return %arg0, %c0_i32 : i32, i32
  }
  func.func @transform_9(%arg0: i32) -> (i32, i32) {
    %c0_i32 = arith.constant 0 : i32
    %c0_i32_0 = arith.constant 0 : i32
    return %arg0, %c0_i32 : i32, i32
  }
}

</mosaic_0001>

<sc_bundles>
// kernel: kernel.12.cloned.1.call-start
scs
__scs_entry_jumppad:
0x0: {  	(pc) =	sbr.rel $0x88, $3  }
0x1: {  	(tag) =	ssettag $0x0;
	lr =	simm.s32 $0x1  }
0x2: {  	[smem:$0x3F8B] =	sst lr;
	_ =	strace $0xD0000000  }
0x3: {  	_ = 	snop  }
0x4: {  	_ = 	snop  }
0x5: {  	_ = 	snop  }
0x6: {  	_ = 	snop  }
0x7: {  	_ = 	snop  }
__scs_overlays_trampoline_lowered:
0x8: {  	[smem:$0x3F9A] =	sst s0  }
0x9: {  	[smem:$0x3F9B] =	sst s1  }
0xa: {  	[smem:$0x3F9C] =	sst s2  }
0xb: {  	[smem:$0x3F9D] =	sst s3  }
0xc: {  	[smem:$0x3F9E] =	sst s4  }
0xd: {  	[smem:$0x3F9F] =	sst s5  }
0xe: {  	[smem:$0x3FA0] =	sst s6  }
0xf: {  	[smem:$0x3FA1] =	sst s7  }
0x10: {  	[smem:$0x3FA2] =	sst s8  }
0x11: {  	[smem:$0x3FA3] =	sst s9;
	s0 =	simm.s32 @!p0 $0x0  }
0x12: {  	s1 =	sld [smem:$0x3F89];
	s0 =	simm.s32 @p0 $0x1  }
0x13: {  	[smem:$0x3FA4] =	sst s0;
	s0 =	simm.s32 @!p1 $0x0  }
0x14: {  	s2 =	sld [smem:$0x3F88];
	s0 =	simm.s32 @p1 $0x1  }
0x15: {  	[smem:$0x3FA5] =	sst s0;
	s0 =	simm.s32 @!p2 $0x0  }
0x16: {  	s3 =	sld [smem:$0x3FDB];
	s0 =	simm.s32 @p2 $0x1  }
0x17: {  	s4 =	simm.s32 $0x1BF5;
	[smem:$0x3FA7] =	sst s0  }
0x18: {  	s0 =	sld [smem:$0x3F8A];
	_ =	swait.ge [sflag:s4], $0x0  }
0x19: {  	s7 =	sld [smem:$0x3F8B]  }
0x1a: {  	s8 =	sadd.s32 $0xFFFFE003, lr  }
0x1b: {  	s9 =	sadd.s32 $0xFFFFFEF7, lr;
	s5 =	simm.s32 $0xFFFFFFFF;
	p2 =	slt.u32 s8, $0xFFFFF086  }
0x1c: {  	p1 =	slt.u32 s9, $0xF7A;
	s5 =	simm.s32 @!p2 $0x0  }
0x1d: {  	s5 =	simm.s32 @p1 $0x1;
	p0 =	seq.s32 s7, s2  }
0x1e: {  	s7 =	smul.u32 @!p0 $0xF7A, s2;
	p2 =	seq.s32 @!p0 s5, $0x0  }
0x1f: {  	s9 =	smul.u32 $0xF7A, s1;
	s8 =	simm.s32 @!p0 $0x1BF5;
	p2 =	por !p2, p0  }
0x20: {  	[sflag:s8] =	ssyncset.s32 @!p0 $0xFFFFF086;
	s6 =	sadd.s32 @!p0 s3, s7;
	s7 =	simm.s32 @!p0 $0x108  }
0x21: {  	s3 =	sadd.s32 s3, s9;
	s6 =	sadd.s32 @!p0 $0x88, s6;
	s7 =	simm.s32 @p2 $0x1082  }
0x22: {  	[simem:s7], [sflag:s8] =	dma.local @!p0 [hbm:s6], $0xF7A  }
0x23: {  	s9 =	sor.u32 $0xD0000000, s2;
	s6 =	simm.s32 $0x108;
	_ =	swait.ge @!p0 [sflag:s8], $0x0  }
0x24: {  	s3 =	sadd.s32 $0x88, s3;
	s6 =	simm.s32 @!p1 $0x1082;
	[sflag:s4] =	ssyncset.s32 $0xFFFFF086  }
0x25: {  	[simem:s6], [sflag:s4] =	dma.local [hbm:s3], $0xF7A  }
0x26: {  	[smem:$0x3F8B] =	sst s1;
	(tag) =	ssettag s2;
	_ =	strace s9  }
0x27: {  	s1 =	sld [smem:$0x3F9B]  }
0x28: {  	s2 =	sld [smem:$0x3F9C]  }
0x29: {  	s4 =	sld [smem:$0x3F9E]  }
0x2a: {  	p0 =	seq.s32 s5, $0x0;
	s5 =	sld [smem:$0x3F9F]  }
0x2b: {  	s6 =	sld [smem:$0x3FA0]  }
0x2c: {  	s7 =	sld [smem:$0x3FA1]  }
0x2d: {  	s3 =	simm.s32 $0x108;
	s8 =	sld [smem:$0x3FA2]  }
0x2e: {  	s3 =	simm.s32 @!p0 $0x1082;
	s9 =	sld [smem:$0x3FA3]  }
0x2f: {  	lr =	sadd.s32 s0, s3;
	s0 =	sld [smem:$0x3F9A]  }
0x30: {  	s3 =	sld [smem:$0x3F9D]  }
0x31: {  	[smem:$0x3FA6] =	sst s10  }
0x32: {  	s10 =	sld [smem:$0x3FA4];
	_ =	sdelay $0x3  }
0x33: {  	p0 =	seq.s32 s10, $0x1;
	s10 =	sld [smem:$0x3FA6];
	_ =	sdelay $0x3  }
0x34: {  	[smem:$0x3FA6] =	sst s10  }
0x35: {  	s10 =	sld [smem:$0x3FA5];
	_ =	sdelay $0x3  }
0x36: {  	p1 =	seq.s32 s10, $0x1;
	s10 =	sld [smem:$0x3FA6];
	_ =	sdelay $0x3  }
0x37: {  	[smem:$0x3FA6] =	sst s10  }
0x38: {  	s10 =	sld [smem:$0x3FA7]  }
0x39: {  	_ = 	snop;
	(pc) =	sbr.ind lr, $3  }
0x3a: {  	_ = 	snop  }
0x3b: {  	_ = 	snop  }
0x3c: {  	p2 =	seq.s32 s10, $0x1;
	s10 =	sld [smem:$0x3FA6]  }
0x3d: {  	_ =	shalt  }
0x3e: {  	_ =	shalt  }
0x3f: {  	_ =	shalt  }
0x40: {  	_ =	shalt  }
0x41: {  	_ =	shalt  }
0x42: {  	_ =	shalt  }
0x43: {  	_ =	shalt  }
0x44: {  	_ =	shalt  }
0x45: {  	_ =	shalt  }
0x46: {  	_ =	shalt  }
0x47: {  	_ =	shalt  }
0x48: {  	_ =	shalt  }
0x49: {  	_ =	shalt  }
0x4a: {  	_ =	shalt  }
0x4b: {  	_ =	shalt  }
0x4c: {  	_ =	shalt  }
0x4d: {  	_ =	shalt  }
0x4e: {  	_ =	shalt  }
0x4f: {  	_ =	shalt  }
0x50: {  	_ =	shalt  }
0x51: {  	_ =	shalt  }
0x52: {  	_ =	shalt  }
0x53: {  	_ =	shalt  }
0x54: {  	_ =	shalt  }
0x55: {  	_ =	shalt  }
0x56: {  	_ =	shalt  }
0x57: {  	_ =	shalt  }
0x58: {  	_ =	shalt  }
0x59: {  	_ =	shalt  }
0x5a: {  	_ =	shalt  }
0x5b: {  	_ =	shalt  }
0x5c: {  	_ =	shalt  }
0x5d: {  	_ =	shalt  }
0x5e: {  	_ =	shalt  }
0x5f: {  	_ =	shalt  }
0x60: {  	_ =	shalt  }
0x61: {  	_ =	shalt  }
0x62: {  	_ =	shalt  }
0x63: {  	_ =	shalt  }
0x64: {  	_ =	shalt  }
0x65: {  	_ =	shalt  }
0x66: {  	_ =	shalt  }
0x67: {  	_ =	shalt  }
0x68: {  	_ =	shalt  }
0x69: {  	_ =	shalt  }
0x6a: {  	_ =	shalt  }
0x6b: {  	_ =	shalt  }
0x6c: {  	_ =	shalt  }
0x6d: {  	_ =	shalt  }
0x6e: {  	_ =	shalt  }
0x6f: {  	_ =	shalt  }
0x70: {  	_ =	shalt  }
0x71: {  	_ =	shalt  }
0x72: {  	_ =	shalt  }
0x73: {  	_ =	shalt  }
0x74: {  	_ =	shalt  }
0x75: {  	_ =	shalt  }
0x76: {  	_ =	shalt  }
0x77: {  	_ =	shalt  }
0x78: {  	_ =	shalt  }
0x79: {  	_ =	shalt  }
0x7a: {  	_ =	shalt  }
0x7b: {  	_ =	shalt  }
0x7c: {  	_ =	shalt  }
0x7d: {  	_ =	shalt  }
0x7e: {  	_ =	shalt  }
0x7f: {  	_ =	shalt  }
0x80: {  	_ =	shalt  }
0x81: {  	_ =	shalt  }
0x82: {  	_ =	shalt  }
0x83: {  	_ =	shalt  }
0x84: {  	_ =	shalt  }
0x85: {  	_ =	shalt  }
0x86: {  	_ =	shalt  }
0x87: {  	_ =	shalt  }
.Lfunc_end0:
.L_simem_size_0:
called_computation.1_lowered:
.L_overlay_start_0:
0x88: {  	s2 =	sld [smem:$0x3FD9]  }
0x89: {  	s3 =	sld [smem:$0x3FFE];
	_ =	sdelay $0x1  }
0x8a: {  	s1 =	srdreg.scid  }
0x8b: {  	s0 =	sand.u32 $0x1, s1  }
0x8c: {  	s14 =	sshll.u32 s0, $0xA;
	s2 =	sadd.s32 s3, s2  }
0x8d: {  	s2 =	sadd.s32 s2, s14  }
0x8e: {  	[smem:$0x3FB2] =	sst s2  }
0x8f: {  	_ = 	snop  }
0x90: {  	s2 =	sld [smem:$0x3FD0];
	_ =	sdelay $0x2  }
0x91: {  	s4 =	simm.s32 $0xA;
	s5 =	simm.s32 $0x10;
	s15 =	sld [smem:$0x3FC6]  }
0x92: {  	[smem:s5], [sflag:s4] =	dma.local [hbm:s2], $0x1  }
0x93: {  	_ =	swait.eq [sflag:s4], $0x1  }
0x94: {  	[sflag:s4] =	ssyncset.done $0x0  }
0x95: {  	[sflag:s4] =	ssyncadd.s32 $0xFFFFFFFF  }
0x96: {  	s16 =	sld [smem:$0x10];
	(tm) =	ssettm $0x1  }
0x97: {  	s17 =	sld [smem:$0x3FFB];
	_ =	sdelay $0x3  }
0x98: {  	_ =	strace s17  }
0x99: {  	s4 =	sld [smem:$0x3FFC];
	_ =	sdelay $0x3  }
0x9a: {  	_ =	strace s4  }
0x9b: {  	s4 =	sld [smem:$0x3FFD];
	_ =	sdelay $0x3  }
0x9c: {  	_ =	strace s4  }
0x9d: {  	_ =	strace $0x8FFFFFFF  }
0x9e: {  	s18 =	sld [smem:$0x3FDB];
	_ =	sdelay $0x1  }
0x9f: {  	s19 =	simm.s32 $_scs_section_size  }
0xa0: {  	s6 =	simm.s32 $_size__tile_overlayer_lowered;
	s7 =	simm.s32 $_tile_overlayer_lowered  }
0xa1: {  	s22 =	simm.s32 $0x1BFF;
	s21 =	sshll.u32 s7, $0x1;
	s4 =	sadd.s32 s19, s18  }
0xa2: {  	s8 =	simm.s32 $0x0;
	s20 =	sshll.u32 s6, $0x1;
	s6 =	sadd.s32 s21, s4  }
0xa3: {  	[timem:s8], [sflag:s22] =	dma.local [hbm:s6], s20  }
0xa4: {  	_ =	swait.ge [sflag:s22], s20  }
0xa5: {  	s5 =	ssub.s32 $0x0, s20;
	[sflag:s22] =	ssyncset.done $0x0  }
0xa6: {  	[sflag:s22] =	ssyncadd.s32 s5;
	_ =	sdelay $0x1  }
0xa7: {  	s23 =	simm.s32 $0x1B8B  }
0xa8: {  	_ =	swait.ge [sflag:s23], $0x1  }
0xa9: {  	[sflag:s23] =	ssyncset.done $0x0  }
0xaa: {  	s25 =	simm.s32 $0x1B8E;
	s24 =	sld [smem:$0x3FFE];
	[sflag:s23] =	ssyncadd.s32 $0xFFFFFFFF  }
0xab: {  	s26 =	simm.s32 $execute0_lowered;
	[smem:$0x3FD2] =	sst s25  }
0xac: {  	s6 =	sshll.u32 s26, $0x1;
	_ =	strace $0x80000046;
	[dreg:$0x1] =	wrdreg $0xFFFFFFFF  }
0xad: {  	s28 =	simm.s32 $_size_execute0_lowered;
	s4 =	sadd.s32 s4, s6;
	[dreg:$0x0] =	wrdreg $0x0  }
0xae: {  	s6 =	sshll.u32 s28, $0x1;
	[dreg:$0x2] =	wrdreg s4  }
0xaf: {  	[dreg:$0x3] =	wrdreg s6  }
0xb0: {  	[dreg:$0x4] =	wrdreg $0xC0  }
0xb1: {  	_ =	task [dreg:s8], $0x5FFFF  }
0xb2: {  	[dreg:$0x1] =	wrdreg $0xFFFFFFFF  }
0xb3: {  	[dreg:$0x0] =	wrdreg $0x60  }
0xb4: {  	[dreg:$0x2] =	wrdreg s15  }
0xb5: {  	[dreg:$0x3] =	wrdreg s24  }
0xb6: {  	[dreg:$0x4] =	wrdreg s16  }
0xb7: {  	[dreg:$0x5] =	wrdreg $0x72000  }
0xb8: {  	[dreg:$0x6] =	wrdreg $0x9  }
0xb9: {  	_ =	task.clear_ibuf [dreg:s8], $0x7FFFF;
	_ =	strace $0x90000046  }
0xba: {  	s29 =	simm.s32 $0x9;
	_ =	strace $0x80000048  }
0xbb: {  	_ =	swait.ge [sflag:s29], $0x1  }
0xbc: {  	[sflag:s29] =	ssyncadd.s32 $0xFFFFFFFF  }
0xbd: {  	_ =	strace $0x90000048  }
0xbe: {  	_ =	sfence  }
0xbf: {  	s30 =	sld [smem:$0x0];
	_ =	sdelay $0x2  }
0xc0: {  	s31 =	sshll.u32 s1, $0xD;
	s1 =	sshrl.u32 s1, $0x2  }
0xc1: {  	s3 =	sand.u32 $0x4000, s31;
	s1 =	sadd.s32 s1, s30  }
0xc2: {  	s0 =	sor.u32 s3, s0;
	s1 =	sshll.u32 s1, $0x11  }
0xc3: {  	s0 =	sor.u32 s1, s0  }
0xc4: {  	s0 =	sadd.s32 $0x8F2B, s0  }
0xc5: {  	[sflag:s0] =	ssyncadd.remote.s32 $0x1  }
0xc6: {  	_ =	sfence.sel $0xFFFF  }
0xc7: {  	[dreg:$0x0] =	wrdreg $0xFFFFFFFF;
	(pc) =	sbr.abs _section_cstart, $3  }
0xc8: {  	[dreg:$0x1] =	wrdreg $0xFFFFFFFF  }
0xc9: {  	_ =	task.clear_ibuf [dreg:s8], $0x2FFFF;
	_ =	strace $0x9FFFFFFF  }
0xca: {  	(tm) =	ssettm $0x7FFFFFFF  }
0xcb: {  	_ =	shalt  }
tec
execute0_lowered:
.L_overlay_start_1:
0x0: {  	(tag) =	ssettag $0x1  }
0x1: {  	s0 =	rddreg [dreg:$0x1]  }
0x2: {  	s7 =	rddreg [dreg:$0x2];
	s1 =	srdreg.scid  }
0x3: {  	s21 =	stileid.u32;
	s8 =	sadd.s32 $0x4A00, s0;
	s9 =	sadd.s32 $0x4400, s0  }
0x4: {  	s10 =	sand.u32 $0x1, s1;
	s6 =	smul.u32 $0x15000, s21;
	s17 =	sshll.u32 s21, $0x1  }
0x5: {  	s11 =	sadd.s32 $0x12E00, s0;
	s13 =	smul.u32 $0x150000, s10;
	s14 =	sor.u32 s10, s17  }
0x6: {  	s12 =	sadd.s32 $0x3CE00, s0;
	s1 =	ssub.s32 $0x2, s10;
	s17 =	smul.u32 $0x3, s14  }
0x7: {  	s2 =	sshrl.u32 s1, $0x1;
	s3 =	sadd.s32 $0x7000, s6;
	s24 =	smul.u32 $0x2A, s14  }
0x8: {  	s4 =	sadd.s32 $0xA800, s6;
	s5 =	sadd.s32 $0xE000, s6;
	s29 =	smul.u32 $0x1500, s14  }
0x9: {  	s1 =	ssub.s32 s1, s2;
	s2 =	sadd.s32 $0x3800, s6;
	s15 =	sadd.s32 s6, s13  }
0xa: {  	s6 =	sadd.s32 $0x11800, s6;
	s19 =	sadd.s32 s13, s3;
	s20 =	sadd.s32 s13, s4  }
0xb: {  	s15 =	sshrl.u32 s15, $0x3;
	s16 =	sadd.s32 s13, s2;
	s17 =	sadd.s32 $0x1, s17  }
0xc: {  	s26 =	sadd.s32 s8, s24;
	s14 =	sadd.s32 s9, s24;
	s1 =	smax.u32 s1, $0x1  }
0xd: {  	s15 =	sadd.s32 s7, s15;
	s18 =	sshrl.u32 s16, $0x3;
	[dreg:$0xb] =	wrdreg s26  }
0xe: {  	s16 =	sshrl.u32 s20, $0x3;
	s25 =	smul.u32 $0xE, s17;
	[dreg:$0xc] =	wrdreg s14  }
0xf: {  	[dreg:$0x5] =	wrdreg s15;
	s15 =	sadd.s32 s7, s18;
	s18 =	sadd.s32 s13, s5  }
0x10: {  	s22 =	sadd.s32 s7, s16;
	[dreg:$0x6] =	wrdreg s15;
	s15 =	sshrl.u32 s19, $0x3  }
0x11: {  	[dreg:$0x8] =	wrdreg s22;
	s23 =	sshrl.u32 s18, $0x3;
	s18 =	sadd.s32 s8, s25  }
0x12: {  	s19 =	sadd.s32 $0x1C, s24;
	s15 =	sadd.s32 s7, s15;
	[dreg:$0xd] =	wrdreg s18  }
0x13: {  	s20 =	smul.u32 $0x700, s17;
	s8 =	sadd.s32 s8, s19;
	[dreg:$0x7] =	wrdreg s15  }
0x14: {  	s26 =	smul.u32 $0x4EC0, s21;
	s22 =	sadd.s32 s9, s19;
	[dreg:$0xf] =	wrdreg s8  }
0x15: {  	s13 =	sadd.s32 s13, s6;
	s19 =	simm.s32 $0x0;
	[dreg:$0x10] =	wrdreg s22  }
0x16: {  	s13 =	sshrl.u32 s13, $0x3;
	s15 =	sadd.s32 s7, s23;
	[smem:$0x7FF] =	sst s19  }
0x17: {  	s21 =	smul.u32 $0x54000, s21;
	s7 =	sadd.s32 s7, s13;
	[dreg:$0x9] =	wrdreg s15  }
0x18: {  	s16 =	sadd.s32 $0x9000, s0;
	s23 =	sadd.s32 s11, s29;
	[dreg:$0xa] =	wrdreg s7  }
0x19: {  	s24 =	smul.u32 $0x2760, s10;
	s13 =	sadd.s32 s12, s20;
	[dreg:$0x11] =	wrdreg s23  }
0x1a: {  	s10 =	simm.s32 $0x2;
	s15 =	sadd.s32 s9, s25;
	[dreg:$0x14] =	wrdreg s13  }
0x1b: {  	s22 =	sshrl.u32 s21, $0x2;
	s25 =	sadd.s32 s12, s29;
	[dreg:$0xe] =	wrdreg s15  }
0x1c: {  	s7 =	sadd.s32 $0xE00, s29;
	s29 =	sadd.s32 s11, s20;
	[dreg:$0x12] =	wrdreg s25  }
0x1d: {  	s8 =	simm.s32 $0x7100;
	s13 =	simm.s32 $0x5;
	[dreg:$0x13] =	wrdreg s29  }
0x1e: {  	s14 =	sadd.s32 s11, s7;
	s15 =	sadd.s32 s24, s26;
	s24 =	rddreg [dreg:$0x3]  }
0x1f: {  	s7 =	sadd.s32 s12, s7;
	s26 =	sadd.s32 $0x5000, s0;
	[dreg:$0x15] =	wrdreg s14  }
0x20: {  	s11 =	simm.s32 $0x3;
	s12 =	simm.s32 $0x4;
	[dreg:$0x16] =	wrdreg s7  }
0x21: {  	s9 =	sshrl.u32 s15, $0x3;
	s17 =	sadd.s32 $0xE0, s15;
	s7 =	sadd.s32 $0x70, s15  }
0x22: {  	s28 =	sadd.s32 s22, s24;
	s29 =	sadd.s32 s2, s24;
	s30 =	sadd.s32 s3, s24  }
0x23: {  	s31 =	sadd.s32 s4, s24;
	s22 =	sadd.s32 s5, s24;
	s0 =	sadd.s32 s6, s24  }
0x24: {  	s2 =	simm.s32 $0x80;
	s3 =	simm.s32 $0x1;
	s4 =	simm.s32 $0x8  }
0x25: {  	s5 =	simm.s32 $0x70;
	s6 =	simm.s32 $0x3880;
	s14 =	simm.s32 $0x6  }
0x26: {  	s15 =	simm.s32 $0x7;
	s20 =	sadd.s32 s9, s16;
	s18 =	sshrl.u32 s17, $0x3  }
0x27: {  	s7 =	sshrl.u32 s7, $0x3;
	_ =	strace $0x80000047;
	[dreg:$0x17] =	wrdreg s29  }
0x28: {  	[dreg:$0x18] =	wrdreg s1;
	s9 =	simm.s32 $0x7180;
	s23 =	sadd.s32 s18, s16  }
0x29: {  	v0 =	vimm.f32 $0.0e+00;
	v1 =	vimm.f32 $1.000000000e+00;
	s25 =	sadd.s32 s7, s16;
	s7 =	simm.s32 $0x7080;
	s16 =	simm.s32 $0x0  }
.LBB2_1:
0x2a: {  	s1 =	sand.u32 $0xFE00, s19  }
0x2b: {  	s18 =	sand.u32 $0x70, s19;
	s1 =	sshrl.u32 s1, $0x2  }
0x2c: {  	s17 =	simm.s32 $0x40;
	s1 =	sor.u32 s18, s1;
	s18 =	simm.s32 $0x0  }
.LBB2_2:
0x2d: {  	p0 =	sne.s32 s17, $0xDFC0  }
0x2e: {  	[tilespmem:s1+$0x80] =	vst v0;
	s18 =	sadd.s32 $0x10, s18;
	s1 =	smov.u32 s17;
	s17 =	sadd.s32 $0x40, s17  }
.Ltmp0:
0x2f: {  	(pc) =	sbr.rel @p0 .LBB2_2-.Ltmp0, $4  }
0x30: {  	_ = 	snop  }
0x31: {  	s1 =	sand.u32 $0xFE00, s1  }
0x32: {  	s21 =	sand.u32 $0x70, s18;
	s1 =	sshrl.u32 s1, $0x2  }
0x33: {  	s1 =	sor.u32 s21, s1  }
0x34: {  	[tilespmem:s1+$0x80] =	vst v0  }
0x35: {  	[spmem:s28] =	stream.linear.scatter [tilespmem:s2], [sflag:$0x1], $0x3800, $0x38;
	[tilespmem:$0x1C200] =	vst v63  }
0x36: {  	s17 =	rddreg [dreg:$0x17]  }
0x37: {  	[spmem:s17] =	stream.linear.scatter [tilespmem:s2], [sflag:$0x1], $0x3800, $0x38;
	[tilespmem:$0x1C200] =	vst v63  }
0x38: {  	_ = 	snop  }
0x39: {  	[spmem:s30] =	stream.linear.scatter [tilespmem:s2], [sflag:$0x1], $0x3800, $0x38;
	[tilespmem:$0x1C200] =	vst v63  }
0x3a: {  	_ = 	snop  }
0x3b: {  	[spmem:s31] =	stream.linear.scatter [tilespmem:s2], [sflag:$0x1], $0x3800, $0x38;
	[tilespmem:$0x1C200] =	vst v63  }
0x3c: {  	_ = 	snop  }
0x3d: {  	[spmem:s22] =	stream.linear.scatter [tilespmem:s2], [sflag:$0x1], $0x3800, $0x38;
	[tilespmem:$0x1C200] =	vst v63  }
0x3e: {  	_ = 	snop  }
0x3f: {  	[spmem:s0] =	stream.linear.scatter [tilespmem:s2], [sflag:$0x1], $0x3800, $0x38;
	[tilespmem:$0x1C200] =	vst v63  }
0x40: {  	_ =	swait.ge [sflag:s3], $0x3800  }
0x41: {  	[sflag:s3] =	ssyncset.done $0x0  }
0x42: {  	[sflag:s3] =	ssyncadd.s32 $0xFFFFC800  }
0x43: {  	_ =	swait.ge [sflag:s3], $0x3800  }
0x44: {  	[sflag:s3] =	ssyncset.done $0x0  }
0x45: {  	[sflag:s3] =	ssyncadd.s32 $0xFFFFC800  }
0x46: {  	_ =	swait.ge [sflag:s3], $0x3800  }
0x47: {  	[sflag:s3] =	ssyncset.done $0x0  }
0x48: {  	[sflag:s3] =	ssyncadd.s32 $0xFFFFC800  }
0x49: {  	_ =	swait.ge [sflag:s3], $0x3800  }
0x4a: {  	[sflag:s3] =	ssyncset.done $0x0  }
0x4b: {  	[sflag:s3] =	ssyncadd.s32 $0xFFFFC800  }
0x4c: {  	_ =	swait.ge [sflag:s3], $0x3800  }
0x4d: {  	[sflag:s3] =	ssyncset.done $0x0  }
0x4e: {  	[sflag:s3] =	ssyncadd.s32 $0xFFFFC800  }
0x4f: {  	_ =	swait.ge [sflag:s3], $0x3800  }
0x50: {  	[sflag:s3] =	ssyncset.done $0x0  }
0x51: {  	[sflag:s3] =	ssyncadd.s32 $0xFFFFC800  }
0x52: {  	[bflag:$0x0] =	sbarrier.arrive $0xFFFF  }
0x53: {  	s17 =	simm.s32 $0x0;
	s18 =	rddreg [dreg:$0xb]  }
0x54: {  	[tilespmem:s17], [sflag:$0x8] =	stream.linear.gather [hbm4b:s18+s17], $0x70, $0x38;
	[tilespmem:$0x1C200] =	vst v63  }
0x55: {  	_ =	swait.ge [sflag:s4], $0x70  }
0x56: {  	[sflag:s4] =	ssyncset.done $0x0  }
0x57: {  	[sflag:s4] =	ssyncadd.s32 $0xFFFFFF90  }
0x58: {  	s18 =	rddreg [dreg:$0x0]  }
0x59: {  	[tilespmem:s2], [sflag:$0x1] =	stream.indirect.gather [hbm4b:s18+s5], $0x80, s17, s5, $0xb8;
	[tilespmem:$0x1C200] =	vst v63  }
0x5a: {  	_ =	swait.ge [sflag:s3], $0x3800  }
0x5b: {  	[sflag:s3] =	ssyncset.done $0x0  }
0x5c: {  	s21 =	rddreg [dreg:$0x11];
	[sflag:s3] =	ssyncadd.s32 $0xFFFFC800  }
0x5d: {  	[hbm4b:s21+s17] =	stream.linear.scatter [tilespmem:s2], [sflag:$0x8], $0x3800, $0x38;
	[tilespmem:$0x1C200] =	vst v63  }
0x5e: {  	_ =	swait.ge [sflag:s4], $0x3800  }
0x5f: {  	[sflag:s4] =	ssyncset.done $0x0  }
0x60: {  	s29 =	smov.u32 s28;
	s28 =	rddreg [dreg:$0xc];
	[sflag:s4] =	ssyncadd.s32 $0xFFFFC800  }
0x61: {  	[tilespmem:s17], [sflag:$0x8] =	stream.linear.gather [hbm4b:s28+s17], $0x70, $0x38;
	[tilespmem:$0x1C200] =	vst v63  }
0x62: {  	_ =	swait.ge [sflag:s4], $0x70  }
0x63: {  	[sflag:s4] =	ssyncset.done $0x0  }
0x64: {  	[sflag:s4] =	ssyncadd.s32 $0xFFFFFF90  }
0x65: {  	[tilespmem:s6], [sflag:$0x1] =	stream.indirect.gather [hbm4b:s26+s5], $0x80, s17, s5, $0xb8;
	[tilespmem:$0x1C200] =	vst v63  }
0x66: {  	_ =	swait.ge [sflag:s3], $0x3800  }
0x67: {  	[sflag:s3] =	ssyncset.done $0x0  }
0x68: {  	s21 =	rddreg [dreg:$0x12];
	[sflag:s3] =	ssyncadd.s32 $0xFFFFC800  }
0x69: {  	[hbm4b:s21+s17] =	stream.linear.scatter [tilespmem:s6], [sflag:$0x8], $0x3800, $0x38;
	[tilespmem:$0x1C200] =	vst v63  }
0x6a: {  	_ =	swait.ge [sflag:s4], $0x3800  }
0x6b: {  	[sflag:s4] =	ssyncset.done $0x0  }
0x6c: {  	s28 =	rddreg [dreg:$0xd];
	[sflag:s4] =	ssyncadd.s32 $0xFFFFC800  }
0x6d: {  	[tilespmem:s17], [sflag:$0x8] =	stream.linear.gather [hbm4b:s28+s17], $0x70, $0x38;
	[tilespmem:$0x1C200] =	vst v63  }
0x6e: {  	_ =	swait.ge [sflag:s4], $0x70  }
0x6f: {  	[sflag:s4] =	ssyncset.done $0x0  }
0x70: {  	[sflag:s4] =	ssyncadd.s32 $0xFFFFFF90  }
0x71: {  	[tilespmem:s2], [sflag:$0x1] =	stream.indirect.gather [hbm4b:s18+s5], $0x80, s17, s5, $0xb8;
	[tilespmem:$0x1C200] =	vst v63  }
0x72: {  	_ =	swait.ge [sflag:s3], $0x3800  }
0x73: {  	[sflag:s3] =	ssyncset.done $0x0  }
0x74: {  	s21 =	rddreg [dreg:$0x13];
	[sflag:s3] =	ssyncadd.s32 $0xFFFFC800  }
0x75: {  	[hbm4b:s21+s17] =	stream.linear.scatter [tilespmem:s2], [sflag:$0x8], $0x3800, $0x38;
	[tilespmem:$0x1C200] =	vst v63  }
0x76: {  	_ =	swait.ge [sflag:s4], $0x3800  }
0x77: {  	[sflag:s4] =	ssyncset.done $0x0  }
0x78: {  	s28 =	rddreg [dreg:$0xe];
	[sflag:s4] =	ssyncadd.s32 $0xFFFFC800  }
0x79: {  	[tilespmem:s17], [sflag:$0x8] =	stream.linear.gather [hbm4b:s28+s17], $0x70, $0x38;
	[tilespmem:$0x1C200] =	vst v63  }
0x7a: {  	_ =	swait.ge [sflag:s4], $0x70  }
0x7b: {  	[sflag:s4] =	ssyncset.done $0x0  }
0x7c: {  	[sflag:s4] =	ssyncadd.s32 $0xFFFFFF90  }
0x7d: {  	[tilespmem:s6], [sflag:$0x1] =	stream.indirect.gather [hbm4b:s26+s5], $0x80, s17, s5, $0xb8;
	[tilespmem:$0x1C200] =	vst v63  }
0x7e: {  	_ =	swait.ge [sflag:s3], $0x3800  }
0x7f: {  	[sflag:s3] =	ssyncset.done $0x0  }
0x80: {  	s21 =	rddreg [dreg:$0x14];
	[sflag:s3] =	ssyncadd.s32 $0xFFFFC800  }
0x81: {  	[hbm4b:s21+s17] =	stream.linear.scatter [tilespmem:s6], [sflag:$0x8], $0x3800, $0x38;
	[tilespmem:$0x1C200] =	vst v63  }
0x82: {  	_ =	swait.ge [sflag:s4], $0x3800  }
0x83: {  	[sflag:s4] =	ssyncset.done $0x0  }
0x84: {  	s28 =	rddreg [dreg:$0xf];
	[sflag:s4] =	ssyncadd.s32 $0xFFFFC800  }
0x85: {  	[tilespmem:s17], [sflag:$0x8] =	stream.linear.gather [hbm4b:s28+s17], $0x70, $0x38;
	[tilespmem:$0x1C200] =	vst v63  }
0x86: {  	_ =	swait.ge [sflag:s4], $0x70  }
0x87: {  	[sflag:s4] =	ssyncset.done $0x0  }
0x88: {  	[sflag:s4] =	ssyncadd.s32 $0xFFFFFF90  }
0x89: {  	[tilespmem:s2], [sflag:$0x1] =	stream.indirect.gather [hbm4b:s18+s5], $0x80, s17, s5, $0xb8;
	[tilespmem:$0x1C200] =	vst v63  }
0x8a: {  	_ =	swait.ge [sflag:s3], $0x3800  }
0x8b: {  	[sflag:s3] =	ssyncset.done $0x0  }
0x8c: {  	s21 =	rddreg [dreg:$0x15];
	[sflag:s3] =	ssyncadd.s32 $0xFFFFC800  }
0x8d: {  	[hbm4b:s21+s17] =	stream.linear.scatter [tilespmem:s2], [sflag:$0x8], $0x3800, $0x38;
	[tilespmem:$0x1C200] =	vst v63  }
0x8e: {  	_ =	swait.ge [sflag:s4], $0x3800  }
0x8f: {  	[sflag:s4] =	ssyncset.done $0x0  }
0x90: {  	s28 =	rddreg [dreg:$0x10];
	[sflag:s4] =	ssyncadd.s32 $0xFFFFC800  }
0x91: {  	[tilespmem:s17], [sflag:$0x8] =	stream.linear.gather [hbm4b:s28+s17], $0x70, $0x38;
	[tilespmem:$0x1C200] =	vst v63  }
0x92: {  	_ =	swait.ge [sflag:s4], $0x70  }
0x93: {  	[sflag:s4] =	ssyncset.done $0x0  }
0x94: {  	[sflag:s4] =	ssyncadd.s32 $0xFFFFFF90  }
0x95: {  	[tilespmem:s6], [sflag:$0x1] =	stream.indirect.gather [hbm4b:s26+s5], $0x80, s17, s5, $0xb8;
	[tilespmem:$0x1C200] =	vst v63  }
0x96: {  	_ =	swait.ge [sflag:s3], $0x3800  }
0x97: {  	[sflag:s3] =	ssyncset.done $0x0  }
0x98: {  	s18 =	rddreg [dreg:$0x16];
	[sflag:s3] =	ssyncadd.s32 $0xFFFFC800  }
0x99: {  	[hbm4b:s18+s17] =	stream.linear.scatter [tilespmem:s6], [sflag:$0x8], $0x3800, $0x38;
	[tilespmem:$0x1C200] =	vst v63  }
0x9a: {  	s21 =	sand.u32 $0xFE00, s17;
	_ =	swait.ge [sflag:s4], $0x3800  }
0x9b: {  	s1 =	sshrl.u32 s21, $0x2;
	s28 =	sand.u32 $0x70, s17;
	[sflag:s4] =	ssyncset.done $0x0  }
0x9c: {  	s1 =	sor.u32 s28, s1;
	s18 =	simm.s32 $0x40;
	[sflag:s4] =	ssyncadd.s32 $0xFFFFC800  }
.LBB2_4:
0x9d: {  	p0 =	sne.s32 s18, $0xDFC0  }
0x9e: {  	[tilespmem:s1+$0x3880] =	vst v1;
	s17 =	sadd.s32 $0x10, s17;
	s1 =	smov.u32 s18;
	s18 =	sadd.s32 $0x40, s18  }
.Ltmp1:
0x9f: {  	(pc) =	sbr.rel @p0 .LBB2_4-.Ltmp1, $4  }
0xa0: {  	_ = 	snop  }
0xa1: {  	s1 =	sand.u32 $0xFE00, s1  }
0xa2: {  	s21 =	sand.u32 $0x70, s17;
	s1 =	sshrl.u32 s1, $0x2  }
0xa3: {  	s1 =	sor.u32 s21, s1  }
0xa4: {  	[tilespmem:s1+$0x3880] =	vst v1;
	s18 =	sadd.s32 $0x0, s20  }
0xa5: {  	[tilespmem:s7], [sflag:$0x2] =	stream.linear.gather [hbm4b:s18+s19], $0x70, $0x38;
	[tilespmem:$0x1C200] =	vst v63  }
0xa6: {  	s21 =	sadd.s32 $0x0, s25  }
0xa7: {  	[tilespmem:s8], [sflag:$0x3] =	stream.linear.gather [hbm4b:s21+s19], $0x70, $0x38;
	[tilespmem:$0x1C200] =	vst v63  }
0xa8: {  	s28 =	sadd.s32 $0x0, s23  }
0xa9: {  	[tilespmem:s9], [sflag:$0x4] =	stream.linear.gather [hbm4b:s28+s19], $0x70, $0x38;
	[tilespmem:$0x1C200] =	vst v63  }
0xaa: {  	_ =	swait.ge [sflag:s10], $0x70  }
0xab: {  	[sflag:s10] =	ssyncset.done $0x0  }
0xac: {  	[sflag:s10] =	ssyncadd.s32 $0xFFFFFF90  }
0xad: {  	[spmem:s24] =	stream.indirect.scatter.add.f32 [tilespmem:s6], [sflag:$0x5], $0x80, s7, s5, $0xb8;
	[tilespmem:$0x1C200] =	vst v63  }
0xae: {  	_ =	swait.ge [sflag:s11], $0x70  }
0xaf: {  	[sflag:s11] =	ssyncset.done $0x0  }
0xb0: {  	[sflag:s11] =	ssyncadd.s32 $0xFFFFFF90  }
0xb1: {  	[spmem:s24] =	stream.indirect.scatter.add.f32 [tilespmem:s6], [sflag:$0x6], $0x80, s8, s5, $0xb8;
	[tilespmem:$0x1C200] =	vst v63  }
0xb2: {  	_ =	swait.ge [sflag:s12], $0x70  }
0xb3: {  	[sflag:s12] =	ssyncset.done $0x0  }
0xb4: {  	[sflag:s12] =	ssyncadd.s32 $0xFFFFFF90  }
0xb5: {  	[spmem:s24] =	stream.indirect.scatter.add.f32 [tilespmem:s6], [sflag:$0x7], $0x80, s9, s5, $0xb8;
	[tilespmem:$0x1C200] =	vst v63  }
0xb6: {  	_ =	swait.ge [sflag:s13], $0x3800  }
0xb7: {  	[sflag:s13] =	ssyncset.done $0x0  }
0xb8: {  	[sflag:s13] =	ssyncadd.s32 $0xFFFFC800  }
0xb9: {  	_ =	swait.ge [sflag:s14], $0x3800  }
0xba: {  	[sflag:s14] =	ssyncset.done $0x0  }
0xbb: {  	[sflag:s14] =	ssyncadd.s32 $0xFFFFC800  }
0xbc: {  	_ =	swait.ge [sflag:s15], $0x3800  }
0xbd: {  	s17 =	simm.s32 $0x2A;
	s18 =	simm.s32 $0x54;
	[sflag:s15] =	ssyncset.done $0x0  }
.LBB2_6:
0xbe: {  	s1 =	sadd.s32 s17, s20  }
0xbf: {  	[sflag:s15] =	ssyncadd.s32 $0xFFFFC800;
	s21 =	smov.u32 s18;
	s28 =	sadd.s32 $0x2A, s18  }
0xc0: {  	[tilespmem:s7], [sflag:$0x2] =	stream.linear.gather [hbm4b:s1+s19], $0x70, $0x38;
	[tilespmem:$0x1C200] =	vst v63  }
0xc1: {  	p0 =	sne.s32 s18, $0x4C2;
	s1 =	sadd.s32 s17, s25  }
0xc2: {  	[tilespmem:s8], [sflag:$0x3] =	stream.linear.gather [hbm4b:s1+s19], $0x70, $0x38;
	[tilespmem:$0x1C200] =	vst v63  }
0xc3: {  	s1 =	sadd.s32 s17, s23;
	s17 =	smov.u32 s21  }
0xc4: {  	[tilespmem:s9], [sflag:$0x4] =	stream.linear.gather [hbm4b:s1+s19], $0x70, $0x38;
	[tilespmem:$0x1C200] =	vst v63  }
0xc5: {  	_ =	swait.ge [sflag:s10], $0x70  }
0xc6: {  	[sflag:s10] =	ssyncset.done $0x0  }
0xc7: {  	[sflag:s10] =	ssyncadd.s32 $0xFFFFFF90  }
0xc8: {  	[spmem:s24] =	stream.indirect.scatter.add.f32 [tilespmem:s6], [sflag:$0x5], $0x80, s7, s5, $0xb8;
	[tilespmem:$0x1C200] =	vst v63  }
0xc9: {  	_ =	swait.ge [sflag:s11], $0x70  }
0xca: {  	[sflag:s11] =	ssyncset.done $0x0  }
0xcb: {  	[sflag:s11] =	ssyncadd.s32 $0xFFFFFF90  }
0xcc: {  	[spmem:s24] =	stream.indirect.scatter.add.f32 [tilespmem:s6], [sflag:$0x6], $0x80, s8, s5, $0xb8;
	[tilespmem:$0x1C200] =	vst v63  }
0xcd: {  	_ =	swait.ge [sflag:s12], $0x70  }
0xce: {  	[sflag:s12] =	ssyncset.done $0x0  }
0xcf: {  	[sflag:s12] =	ssyncadd.s32 $0xFFFFFF90  }
0xd0: {  	[spmem:s24] =	stream.indirect.scatter.add.f32 [tilespmem:s6], [sflag:$0x7], $0x80, s9, s5, $0xb8;
	[tilespmem:$0x1C200] =	vst v63  }
0xd1: {  	_ =	swait.ge [sflag:s13], $0x3800  }
0xd2: {  	[sflag:s13] =	ssyncset.done $0x0  }
0xd3: {  	[sflag:s13] =	ssyncadd.s32 $0xFFFFC800  }
.Ltmp2:
0xd4: {  	_ =	swait.ge [sflag:s14], $0x3800;
	(pc) =	sbr.rel @p0 .LBB2_6-.Ltmp2, $4  }
0xd5: {  	[sflag:s14] =	ssyncset.done $0x0  }
0xd6: {  	[sflag:s14] =	ssyncadd.s32 $0xFFFFC800  }
0xd7: {  	_ =	swait.ge [sflag:s15], $0x3800  }
0xd8: {  	s18 =	smov.u32 s28;
	[sflag:s15] =	ssyncset.done $0x0  }
0xd9: {  	s1 =	sadd.s32 s17, s20;
	[sflag:s15] =	ssyncadd.s32 $0xFFFFC800  }
0xda: {  	[tilespmem:s7], [sflag:$0x2] =	stream.linear.gather [hbm4b:s1+s19], $0x70, $0x38;
	[tilespmem:$0x1C200] =	vst v63  }
0xdb: {  	s21 =	sadd.s32 s17, s25  }
0xdc: {  	[tilespmem:s8], [sflag:$0x3] =	stream.linear.gather [hbm4b:s21+s19], $0x70, $0x38;
	[tilespmem:$0x1C200] =	vst v63  }
0xdd: {  	s17 =	sadd.s32 s17, s23  }
0xde: {  	[tilespmem:s9], [sflag:$0x4] =	stream.linear.gather [hbm4b:s17+s19], $0x70, $0x38;
	[tilespmem:$0x1C200] =	vst v63  }
0xdf: {  	_ =	swait.ge [sflag:s10], $0x70  }
0xe0: {  	[sflag:s10] =	ssyncset.done $0x0  }
0xe1: {  	[sflag:s10] =	ssyncadd.s32 $0xFFFFFF90  }
0xe2: {  	[spmem:s24] =	stream.indirect.scatter.add.f32 [tilespmem:s6], [sflag:$0x5], $0x80, s7, s5, $0xb8;
	[tilespmem:$0x1C200] =	vst v63  }
0xe3: {  	_ =	swait.ge [sflag:s11], $0x70  }
0xe4: {  	[sflag:s11] =	ssyncset.done $0x0  }
0xe5: {  	[sflag:s11] =	ssyncadd.s32 $0xFFFFFF90  }
0xe6: {  	[spmem:s24] =	stream.indirect.scatter.add.f32 [tilespmem:s6], [sflag:$0x6], $0x80, s8, s5, $0xb8;
	[tilespmem:$0x1C200] =	vst v63  }
0xe7: {  	_ =	swait.ge [sflag:s12], $0x70  }
0xe8: {  	[sflag:s12] =	ssyncset.done $0x0  }
0xe9: {  	[sflag:s12] =	ssyncadd.s32 $0xFFFFFF90  }
0xea: {  	[spmem:s24] =	stream.indirect.scatter.add.f32 [tilespmem:s6], [sflag:$0x7], $0x80, s9, s5, $0xb8;
	[tilespmem:$0x1C200] =	vst v63  }
0xeb: {  	_ =	swait.ge [sflag:s13], $0x3800  }
0xec: {  	[sflag:s13] =	ssyncset.done $0x0  }
0xed: {  	[sflag:s13] =	ssyncadd.s32 $0xFFFFC800  }
0xee: {  	_ =	swait.ge [sflag:s14], $0x3800  }
0xef: {  	[sflag:s14] =	ssyncset.done $0x0  }
0xf0: {  	[sflag:s14] =	ssyncadd.s32 $0xFFFFC800  }
0xf1: {  	_ =	swait.ge [sflag:s15], $0x3800  }
0xf2: {  	[sflag:s15] =	ssyncset.done $0x0  }
0xf3: {  	s18 =	stileid.u32;
	[sflag:s15] =	ssyncadd.s32 $0xFFFFC800  }
0xf4: {  	s1 =	sshll.u32 s18, $0x6;
	[bflag:$0x0] =	sbarrier.arrive $0xFFFF  }
0xf5: {  	s1 =	sor.u32 $0x1C01, s1;
	s21 =	sshrl.u32 s29, $0x3;
	s18 =	rddreg [dreg:$0x5]  }
0xf6: {  	[hbm:s18], [sflag:s1] =	dma.local [spmem:s21], $0x700  }
0xf7: {  	s17 =	rddreg [dreg:$0x17]  }
0xf8: {  	s18 =	rddreg [dreg:$0x6];
	s17 =	sshrl.u32 s17, $0x3  }
0xf9: {  	[hbm:s18], [sflag:s1] =	dma.local [spmem:s17], $0x700  }
0xfa: {  	s28 =	smov.u32 s29;
	s29 =	sshrl.u32 s30, $0x3;
	s18 =	rddreg [dreg:$0x7]  }
0xfb: {  	[hbm:s18], [sflag:s1] =	dma.local [spmem:s29], $0x700  }
0xfc: {  	s21 =	sshrl.u32 s31, $0x3;
	s18 =	rddreg [dreg:$0x8]  }
0xfd: {  	[hbm:s18], [sflag:s1] =	dma.local [spmem:s21], $0x700  }
0xfe: {  	s29 =	sshrl.u32 s22, $0x3;
	s18 =	rddreg [dreg:$0x9]  }
0xff: {  	[hbm:s18], [sflag:s1] =	dma.local [spmem:s29], $0x700  }
0x100: {  	s21 =	sshrl.u32 s0, $0x3;
	s18 =	rddreg [dreg:$0xa]  }
0x101: {  	[hbm:s18], [sflag:s1] =	dma.local [spmem:s21], $0x700  }
0x102: {  	_ =	swait.ge [sflag:s3], $0x700  }
0x103: {  	[sflag:s3] =	ssyncset.done $0x0  }
0x104: {  	[sflag:s3] =	ssyncadd.s32 $0xFFFFF900  }
0x105: {  	_ =	swait.ge [sflag:s3], $0x700  }
0x106: {  	[sflag:s3] =	ssyncset.done $0x0  }
0x107: {  	[sflag:s3] =	ssyncadd.s32 $0xFFFFF900  }
0x108: {  	_ =	swait.ge [sflag:s3], $0x700  }
0x109: {  	[sflag:s3] =	ssyncset.done $0x0  }
0x10a: {  	[sflag:s3] =	ssyncadd.s32 $0xFFFFF900  }
0x10b: {  	_ =	swait.ge [sflag:s3], $0x700  }
0x10c: {  	[sflag:s3] =	ssyncset.done $0x0  }
0x10d: {  	[sflag:s3] =	ssyncadd.s32 $0xFFFFF900  }
0x10e: {  	_ =	swait.ge [sflag:s3], $0x700  }
0x10f: {  	[sflag:s3] =	ssyncset.done $0x0  }
0x110: {  	[sflag:s3] =	ssyncadd.s32 $0xFFFFF900  }
0x111: {  	_ =	swait.ge [sflag:s3], $0x700  }
0x112: {  	s16 =	sadd.s32 $0x1, s16;
	s29 =	rddreg [dreg:$0x18]  }
0x113: {  	p0 =	sne.s32 s16, s29  }
.Ltmp3:
0x114: {  	_ = 	snop;
	(pc) =	sbr.rel @p0 .LBB2_1-.Ltmp3, $3  }
0x115: {  	_ =	sdelay $0x1  }
0x116: {  	[sflag:s3] =	ssyncset.done $0x0  }
0x117: {  	[sflag:s3] =	ssyncadd.s32 $0xFFFFF900  }
0x118: {  	_ =	sfence.sel $0x180000  }
0x119: {  	[bflag:$0x0] =	sbarrier.arrive $0xFFFF  }
0x11a: {  	_ =	strace $0x90000047  }
0x11b: {  	s0 =	stileid.u32;
	[bflag:$0x2] =	sbarrier.arrive $0xFFFF  }
0x11c: {  	p0 =	sne.s32 s0, $0x0;
	s0 =	rddreg [dreg:$0x4]  }
0x11d: {  	s0 =	sadd.s32 @!p0 $0x100000, s0  }
0x11e: {  	[sflag:s0] =	ssyncadd.tile.s32 @!p0 $0x1;
	_ =	shalt  }
.Lfunc_end2:
_tile_overlayer_lowered:
.L_overlay_start_2:
0x11f: {  	(tag) =	ssettag $0x2  }
0x120: {  	s0 =	rddreg [dreg:$0x0];
	s2 =	stileid.u32  }
0x121: {  	s1 =	rddreg [dreg:$0x1];
	p0 =	sne.s32 s2, $0x0  }
0x122: {  	s3 =	rddreg [dreg:$0x2];
	[bflag:$0x3] =	sbarrier.arrive $0xFFFF;
	s2 =	simm.s32 @!p0 $0x1C08  }
0x123: {  	[timem:s3], [sflag:s2] =	dma.local @!p0 [hbm:s0], s1  }
0x124: {  	s0 =	simm.s32 @!p0 $0x8  }
0x125: {  	_ =	swait.ge @!p0 [sflag:s0], s1  }
0x126: {  	s1 =	ssub.s32 @!p0 $0x0, s1;
	[sflag:s0] =	ssyncset.done @!p0 $0x0  }
0x127: {  	[sflag:s0] =	ssyncadd.s32 @!p0 s1  }
0x128: {  	[bflag:$0x3] =	sbarrier.arrive $0xFFFF  }
0x129: {  	_ =	shalt  }

// kernel: kernel.15.cloned.1.call-start
scs
__scs_entry_jumppad:
0x0: {  	(pc) =	sbr.rel $0x88, $3  }
0x1: {  	(tag) =	ssettag $0x0;
	lr =	simm.s32 $0x1  }
0x2: {  	[smem:$0x3F8B] =	sst lr;
	_ =	strace $0xD0000000  }
0x3: {  	_ = 	snop  }
0x4: {  	_ = 	snop  }
0x5: {  	_ = 	snop  }
0x6: {  	_ = 	snop  }
0x7: {  	_ = 	snop  }
__scs_overlays_trampoline_lowered:
0x8: {  	[smem:$0x3F9A] =	sst s0  }
0x9: {  	[smem:$0x3F9B] =	sst s1  }
0xa: {  	[smem:$0x3F9C] =	sst s2  }
0xb: {  	[smem:$0x3F9D] =	sst s3  }
0xc: {  	[smem:$0x3F9E] =	sst s4  }
0xd: {  	[smem:$0x3F9F] =	sst s5  }
0xe: {  	[smem:$0x3FA0] =	sst s6  }
0xf: {  	[smem:$0x3FA1] =	sst s7  }
0x10: {  	[smem:$0x3FA2] =	sst s8  }
0x11: {  	[smem:$0x3FA3] =	sst s9;
	s0 =	simm.s32 @!p0 $0x0  }
0x12: {  	s1 =	sld [smem:$0x3F89];
	s0 =	simm.s32 @p0 $0x1  }
0x13: {  	[smem:$0x3FA4] =	sst s0;
	s0 =	simm.s32 @!p1 $0x0  }
0x14: {  	s2 =	sld [smem:$0x3F88];
	s0 =	simm.s32 @p1 $0x1  }
0x15: {  	[smem:$0x3FA5] =	sst s0;
	s0 =	simm.s32 @!p2 $0x0  }
0x16: {  	s3 =	sld [smem:$0x3FDB];
	s0 =	simm.s32 @p2 $0x1  }
0x17: {  	s4 =	simm.s32 $0x1BF5;
	[smem:$0x3FA7] =	sst s0  }
0x18: {  	s0 =	sld [smem:$0x3F8A];
	_ =	swait.ge [sflag:s4], $0x0  }
0x19: {  	s7 =	sld [smem:$0x3F8B]  }
0x1a: {  	s8 =	sadd.s32 $0xFFFFE003, lr  }
0x1b: {  	s9 =	sadd.s32 $0xFFFFFEF7, lr;
	s5 =	simm.s32 $0xFFFFFFFF;
	p2 =	slt.u32 s8, $0xFFFFF086  }
0x1c: {  	p1 =	slt.u32 s9, $0xF7A;
	s5 =	simm.s32 @!p2 $0x0  }
0x1d: {  	s5 =	simm.s32 @p1 $0x1;
	p0 =	seq.s32 s7, s2  }
0x1e: {  	s7 =	smul.u32 @!p0 $0xF7A, s2;
	p2 =	seq.s32 @!p0 s5, $0x0  }
0x1f: {  	s9 =	smul.u32 $0xF7A, s1;
	s8 =	simm.s32 @!p0 $0x1BF5;
	p2 =	por !p2, p0  }
0x20: {  	[sflag:s8] =	ssyncset.s32 @!p0 $0xFFFFF086;
	s6 =	sadd.s32 @!p0 s3, s7;
	s7 =	simm.s32 @!p0 $0x108  }
0x21: {  	s3 =	sadd.s32 s3, s9;
	s6 =	sadd.s32 @!p0 $0x88, s6;
	s7 =	simm.s32 @p2 $0x1082  }
0x22: {  	[simem:s7], [sflag:s8] =	dma.local @!p0 [hbm:s6], $0xF7A  }
0x23: {  	s9 =	sor.u32 $0xD0000000, s2;
	s6 =	simm.s32 $0x108;
	_ =	swait.ge @!p0 [sflag:s8], $0x0  }
0x24: {  	s3 =	sadd.s32 $0x88, s3;
	s6 =	simm.s32 @!p1 $0x1082;
	[sflag:s4] =	ssyncset.s32 $0xFFFFF086  }
0x25: {  	[simem:s6], [sflag:s4] =	dma.local [hbm:s3], $0xF7A  }
0x26: {  	[smem:$0x3F8B] =	sst s1;
	(tag) =	ssettag s2;
	_ =	strace s9  }
0x27: {  	s1 =	sld [smem:$0x3F9B]  }
0x28: {  	s2 =	sld [smem:$0x3F9C]  }
0x29: {  	s4 =	sld [smem:$0x3F9E]  }
0x2a: {  	p0 =	seq.s32 s5, $0x0;
	s5 =	sld [smem:$0x3F9F]  }
0x2b: {  	s6 =	sld [smem:$0x3FA0]  }
0x2c: {  	s7 =	sld [smem:$0x3FA1]  }
0x2d: {  	s3 =	simm.s32 $0x108;
	s8 =	sld [smem:$0x3FA2]  }
0x2e: {  	s3 =	simm.s32 @!p0 $0x1082;
	s9 =	sld [smem:$0x3FA3]  }
0x2f: {  	lr =	sadd.s32 s0, s3;
	s0 =	sld [smem:$0x3F9A]  }
0x30: {  	s3 =	sld [smem:$0x3F9D]  }
0x31: {  	[smem:$0x3FA6] =	sst s10  }
0x32: {  	s10 =	sld [smem:$0x3FA4];
	_ =	sdelay $0x3  }
0x33: {  	p0 =	seq.s32 s10, $0x1;
	s10 =	sld [smem:$0x3FA6];
	_ =	sdelay $0x3  }
0x34: {  	[smem:$0x3FA6] =	sst s10  }
0x35: {  	s10 =	sld [smem:$0x3FA5];
	_ =	sdelay $0x3  }
0x36: {  	p1 =	seq.s32 s10, $0x1;
	s10 =	sld [smem:$0x3FA6];
	_ =	sdelay $0x3  }
0x37: {  	[smem:$0x3FA6] =	sst s10  }
0x38: {  	s10 =	sld [smem:$0x3FA7]  }
0x39: {  	_ = 	snop;
	(pc) =	sbr.ind lr, $3  }
0x3a: {  	_ = 	snop  }
0x3b: {  	_ = 	snop  }
0x3c: {  	p2 =	seq.s32 s10, $0x1;
	s10 =	sld [smem:$0x3FA6]  }
0x3d: {  	_ =	shalt  }
0x3e: {  	_ =	shalt  }
0x3f: {  	_ =	shalt  }
0x40: {  	_ =	shalt  }
0x41: {  	_ =	shalt  }
0x42: {  	_ =	shalt  }
0x43: {  	_ =	shalt  }
0x44: {  	_ =	shalt  }
0x45: {  	_ =	shalt  }
0x46: {  	_ =	shalt  }
0x47: {  	_ =	shalt  }
0x48: {  	_ =	shalt  }
0x49: {  	_ =	shalt  }
0x4a: {  	_ =	shalt  }
0x4b: {  	_ =	shalt  }
0x4c: {  	_ =	shalt  }
0x4d: {  	_ =	shalt  }
0x4e: {  	_ =	shalt  }
0x4f: {  	_ =	shalt  }
0x50: {  	_ =	shalt  }
0x51: {  	_ =	shalt  }
0x52: {  	_ =	shalt  }
0x53: {  	_ =	shalt  }
0x54: {  	_ =	shalt  }
0x55: {  	_ =	shalt  }
0x56: {  	_ =	shalt  }
0x57: {  	_ =	shalt  }
0x58: {  	_ =	shalt  }
0x59: {  	_ =	shalt  }
0x5a: {  	_ =	shalt  }
0x5b: {  	_ =	shalt  }
0x5c: {  	_ =	shalt  }
0x5d: {  	_ =	shalt  }
0x5e: {  	_ =	shalt  }
0x5f: {  	_ =	shalt  }
0x60: {  	_ =	shalt  }
0x61: {  	_ =	shalt  }
0x62: {  	_ =	shalt  }
0x63: {  	_ =	shalt  }
0x64: {  	_ =	shalt  }
0x65: {  	_ =	shalt  }
0x66: {  	_ =	shalt  }
0x67: {  	_ =	shalt  }
0x68: {  	_ =	shalt  }
0x69: {  	_ =	shalt  }
0x6a: {  	_ =	shalt  }
0x6b: {  	_ =	shalt  }
0x6c: {  	_ =	shalt  }
0x6d: {  	_ =	shalt  }
0x6e: {  	_ =	shalt  }
0x6f: {  	_ =	shalt  }
0x70: {  	_ =	shalt  }
0x71: {  	_ =	shalt  }
0x72: {  	_ =	shalt  }
0x73: {  	_ =	shalt  }
0x74: {  	_ =	shalt  }
0x75: {  	_ =	shalt  }
0x76: {  	_ =	shalt  }
0x77: {  	_ =	shalt  }
0x78: {  	_ =	shalt  }
0x79: {  	_ =	shalt  }
0x7a: {  	_ =	shalt  }
0x7b: {  	_ =	shalt  }
0x7c: {  	_ =	shalt  }
0x7d: {  	_ =	shalt  }
0x7e: {  	_ =	shalt  }
0x7f: {  	_ =	shalt  }
0x80: {  	_ =	shalt  }
0x81: {  	_ =	shalt  }
0x82: {  	_ =	shalt  }
0x83: {  	_ =	shalt  }
0x84: {  	_ =	shalt  }
0x85: {  	_ =	shalt  }
0x86: {  	_ =	shalt  }
0x87: {  	_ =	shalt  }
.Lfunc_end0:
.L_simem_size_0:
called_computation.2_lowered:
.L_overlay_start_0:
0x88: {  	s2 =	sld [smem:$0x3FD9]  }
0x89: {  	s3 =	sld [smem:$0x3FFE];
	_ =	sdelay $0x1  }
0x8a: {  	s1 =	srdreg.scid  }
0x8b: {  	s0 =	sand.u32 $0x1, s1  }
0x8c: {  	s14 =	sshll.u32 s0, $0xA;
	s2 =	sadd.s32 s3, s2  }
0x8d: {  	s2 =	sadd.s32 s2, s14  }
0x8e: {  	[smem:$0x3FB2] =	sst s2  }
0x8f: {  	_ = 	snop  }
0x90: {  	s2 =	sld [smem:$0x3FD0];
	_ =	sdelay $0x2  }
0x91: {  	s15 =	simm.s32 $0xA;
	s4 =	simm.s32 $0x10  }
0x92: {  	[smem:s4], [sflag:s15] =	dma.local [hbm:s2], $0x1  }
0x93: {  	_ =	swait.eq [sflag:s15], $0x1  }
0x94: {  	[sflag:s15] =	ssyncset.done $0x0  }
0x95: {  	[sflag:s15] =	ssyncadd.s32 $0xFFFFFFFF  }
0x96: {  	s16 =	sld [smem:$0x10];
	(tm) =	ssettm $0x1  }
0x97: {  	s17 =	sld [smem:$0x3FFB];
	_ =	sdelay $0x3  }
0x98: {  	_ =	strace s17  }
0x99: {  	s3 =	sld [smem:$0x3FFC];
	_ =	sdelay $0x3  }
0x9a: {  	_ =	strace s3  }
0x9b: {  	s3 =	sld [smem:$0x3FFD];
	_ =	sdelay $0x3  }
0x9c: {  	_ =	strace s3  }
0x9d: {  	_ =	strace $0x8FFFFFFF  }
0x9e: {  	s18 =	sld [smem:$0x3FDB];
	_ =	sdelay $0x1  }
0x9f: {  	s19 =	simm.s32 $_scs_section_size  }
0xa0: {  	s5 =	simm.s32 $_size__tile_overlayer_lowered;
	s6 =	simm.s32 $_tile_overlayer_lowered  }
0xa1: {  	s22 =	simm.s32 $0x1BFF;
	s21 =	sshll.u32 s6, $0x1;
	s3 =	sadd.s32 s19, s18  }
0xa2: {  	s7 =	simm.s32 $0x0;
	s20 =	sshll.u32 s5, $0x1;
	s5 =	sadd.s32 s21, s3  }
0xa3: {  	[timem:s7], [sflag:s22] =	dma.local [hbm:s5], s20  }
0xa4: {  	_ =	swait.ge [sflag:s22], s20  }
0xa5: {  	s4 =	ssub.s32 $0x0, s20;
	[sflag:s22] =	ssyncset.done $0x0  }
0xa6: {  	[sflag:s22] =	ssyncadd.s32 s4;
	_ =	sdelay $0x1  }
0xa7: {  	s23 =	simm.s32 $0x1B8B  }
0xa8: {  	_ =	swait.ge [sflag:s23], $0x1  }
0xa9: {  	[sflag:s23] =	ssyncset.done $0x0  }
0xaa: {  	s25 =	simm.s32 $0x1B8E;
	s24 =	sld [smem:$0x3FFE];
	[sflag:s23] =	ssyncadd.s32 $0xFFFFFFFF  }
0xab: {  	s26 =	simm.s32 $execute0_lowered;
	[smem:$0x3FD2] =	sst s25  }
0xac: {  	s5 =	sshll.u32 s26, $0x1;
	_ =	strace $0x80000049;
	[dreg:$0x1] =	wrdreg $0xFFFFFFFF  }
0xad: {  	s28 =	simm.s32 $_size_execute0_lowered;
	s3 =	sadd.s32 s3, s5;
	[dreg:$0x0] =	wrdreg $0x0  }
0xae: {  	s5 =	sshll.u32 s28, $0x1;
	[dreg:$0x2] =	wrdreg s3  }
0xaf: {  	[dreg:$0x3] =	wrdreg s5  }
0xb0: {  	[dreg:$0x4] =	wrdreg $0xC0  }
0xb1: {  	_ =	task [dreg:s7], $0x5FFFF  }
0xb2: {  	[dreg:$0x1] =	wrdreg $0xFFFFFFFF  }
0xb3: {  	[dreg:$0x0] =	wrdreg $0x60  }
0xb4: {  	[dreg:$0x2] =	wrdreg s24  }
0xb5: {  	[dreg:$0x3] =	wrdreg s16  }
0xb6: {  	[dreg:$0x4] =	wrdreg $0xAB000  }
0xb7: {  	[dreg:$0x5] =	wrdreg $0x9  }
0xb8: {  	_ =	task.clear_ibuf [dreg:s7], $0x6FFFF;
	_ =	strace $0x90000049  }
0xb9: {  	s29 =	simm.s32 $0x9;
	_ =	strace $0x8000004B  }
0xba: {  	_ =	swait.ge [sflag:s29], $0x1  }
0xbb: {  	[sflag:s29] =	ssyncadd.s32 $0xFFFFFFFF  }
0xbc: {  	_ =	strace $0x9000004B  }
0xbd: {  	_ =	sfence  }
0xbe: {  	s30 =	sld [smem:$0x0];
	_ =	sdelay $0x2  }
0xbf: {  	s31 =	sshll.u32 s1, $0xD;
	s1 =	sshrl.u32 s1, $0x2  }
0xc0: {  	s3 =	sand.u32 $0x4000, s31;
	s1 =	sadd.s32 s1, s30  }
0xc1: {  	s0 =	sor.u32 s3, s0;
	s1 =	sshll.u32 s1, $0x11  }
0xc2: {  	s0 =	sor.u32 s1, s0  }
0xc3: {  	s0 =	sadd.s32 $0x8F2B, s0  }
0xc4: {  	[sflag:s0] =	ssyncadd.remote.s32 $0x1  }
0xc5: {  	_ =	sfence.sel $0xFFFF  }
0xc6: {  	[dreg:$0x0] =	wrdreg $0xFFFFFFFF;
	(pc) =	sbr.abs _section_cstart, $3  }
0xc7: {  	[dreg:$0x1] =	wrdreg $0xFFFFFFFF  }
0xc8: {  	_ =	task.clear_ibuf [dreg:s7], $0x2FFFF;
	_ =	strace $0x9FFFFFFF  }
0xc9: {  	(tm) =	ssettm $0x7FFFFFFF  }
tec
execute0_lowered:
.L_overlay_start_1:
0x0: {  	(tag) =	ssettag $0x1  }
0x1: {  	s0 =	rddreg [dreg:$0x0]  }
0x2: {  	s2 =	rddreg [dreg:$0x1]  }
0x3: {  	s1 =	rddreg [dreg:$0x2];
	s3 =	simm.s32 $0x0  }
0x4: {  	s4 =	srdreg.scid;
	s13 =	stileid.u32;
	s28 =	simm.s32 $0x200  }
0x5: {  	s29 =	simm.s32 $0x100;
	s30 =	simm.s32 $0x280;
	s31 =	simm.s32 $0x1  }
0x6: {  	[smem:$0x7FF] =	sst s3;
	s5 =	sand.u32 $0x1, s4;
	s6 =	smul.u32 $0x54000, s13  }
0x7: {  	s4 =	sadd.s32 $0x12E00, s0;
	s8 =	smul.u32 $0x15000, s13;
	s9 =	sadd.s32 $0x66E00, s0  }
0x8: {  	s0 =	sadd.s32 $0x9000, s0;
	s21 =	smul.u32 $0x4EC0, s13;
	s13 =	simm.s32 $0x2  }
0x9: {  	_ =	strace $0x8000004A;
	[dreg:$0x4] =	wrdreg s9;
	s10 =	smul.u32 $0x150000, s5  }
0xa: {  	s7 =	ssub.s32 $0x2, s5;
	[dreg:$0x5] =	wrdreg s0;
	s5 =	smul.u32 $0x2760, s5  }
0xb: {  	s9 =	simm.s32 $0xB;
	s23 =	sshrl.u32 s7, $0x1;
	s6 =	sshrl.u32 s6, $0x2  }
0xc: {  	s24 =	sadd.s32 $0x3800, s8;
	s26 =	sadd.s32 $0x7000, s8;
	s16 =	sadd.s32 $0xA800, s8  }
0xd: {  	s17 =	sadd.s32 $0xE000, s8;
	s12 =	sadd.s32 $0x11800, s8;
	s0 =	ssub.s32 s7, s23  }
0xe: {  	s6 =	sadd.s32 s6, s1;
	s25 =	sadd.s32 s24, s1;
	s15 =	sadd.s32 s26, s1  }
0xf: {  	s11 =	sadd.s32 s16, s1;
	s14 =	sadd.s32 s17, s1;
	[dreg:$0x6] =	wrdreg s6  }
0x10: {  	s18 =	sadd.s32 s12, s1;
	s8 =	sadd.s32 s8, s10;
	[dreg:$0x7] =	wrdreg s25  }
0x11: {  	s7 =	sadd.s32 s10, s24;
	s19 =	sadd.s32 s10, s16;
	[dreg:$0x8] =	wrdreg s15  }
0x12: {  	s20 =	sadd.s32 s10, s17;
	s22 =	sadd.s32 s10, s12;
	[dreg:$0x9] =	wrdreg s11  }
0x13: {  	s16 =	simm.s32 $0x3;
	s17 =	simm.s32 $0x6;
	[dreg:$0xa] =	wrdreg s14  }
0x14: {  	[dreg:$0xb] =	wrdreg s18;
	s8 =	sshrl.u32 s8, $0x3;
	s6 =	sadd.s32 s10, s26  }
0x15: {  	s7 =	sshrl.u32 s7, $0x3;
	s24 =	sshrl.u32 s22, $0x3;
	s0 =	smax.u32 s0, $0x1  }
0x16: {  	s25 =	sadd.s32 s5, s21;
	s14 =	simm.s32 $0x5;
	s15 =	simm.s32 $0x3B00  }
0x17: {  	s18 =	simm.s32 $0x7300;
	s10 =	simm.s32 $0xC;
	s8 =	sadd.s32 s2, s8  }
0x18: {  	s6 =	sshrl.u32 s6, $0x3;
	s7 =	sadd.s32 s2, s7;
	[dreg:$0x12] =	wrdreg s0  }
0x19: {  	s26 =	sadd.s32 $0xE0, s25;
	s0 =	sadd.s32 $0x70, s25;
	[dreg:$0xc] =	wrdreg s8  }
0x1a: {  	[dreg:$0xd] =	wrdreg s7;
	s6 =	sadd.s32 s2, s6;
	s7 =	sshrl.u32 s20, $0x3  }
0x1b: {  	s20 =	sshrl.u32 s25, $0x3;
	s21 =	sshrl.u32 s26, $0x3;
	s22 =	sshrl.u32 s0, $0x3  }
0x1c: {  	s25 =	simm.s32 $0x180;
	s26 =	simm.s32 $0x80;
	s0 =	simm.s32 $0x4  }
0x1d: {  	s8 =	simm.s32 $0xA;
	[dreg:$0xe] =	wrdreg s6;
	s6 =	sshrl.u32 s19, $0x3  }
0x1e: {  	s23 =	sadd.s32 s2, s7;
	s19 =	simm.s32 $0x8;
	s7 =	simm.s32 $0x9  }
0x1f: {  	s6 =	sadd.s32 s2, s6;
	[dreg:$0x10] =	wrdreg s23;
	s2 =	sadd.s32 s2, s24  }
0x20: {  	s23 =	simm.s32 $0x300;
	s24 =	simm.s32 $0x7;
	[dreg:$0xf] =	wrdreg s6  }
0x21: {  	v0 =	vimm.f32 $0.0e+00;
	[dreg:$0x11] =	wrdreg s2;
	s2 =	simm.s32 $0x70;
	s6 =	simm.s32 $0x0  }
.LBB2_1:
0x22: {  	s5 =	sand.u32 $0xFE00, s3  }
0x23: {  	[dreg:$0x13] =	wrdreg s6;
	s11 =	sand.u32 $0x70, s3;
	s12 =	sshrl.u32 s5, $0x2  }
0x24: {  	s6 =	simm.s32 $0x0;
	s5 =	simm.s32 $0x40;
	s12 =	sor.u32 s11, s12  }
.LBB2_2:
0x25: {  	p0 =	sne.s32 s5, $0xDFC0  }
0x26: {  	[tilespmem:s12+$0x300] =	vst v0;
	s6 =	sadd.s32 $0x10, s6;
	s12 =	smov.u32 s5;
	s5 =	sadd.s32 $0x40, s5  }
.Ltmp0:
0x27: {  	(pc) =	sbr.rel @p0 .LBB2_2-.Ltmp0, $4  }
0x28: {  	_ = 	snop  }
0x29: {  	s12 =	sand.u32 $0xFE00, s12  }
0x2a: {  	s11 =	sand.u32 $0x70, s6;
	s12 =	sshrl.u32 s12, $0x2  }
0x2b: {  	s12 =	sor.u32 s11, s12  }
0x2c: {  	[tilespmem:s12+$0x300] =	vst v0;
	s5 =	rddreg [dreg:$0x6]  }
0x2d: {  	[spmem:s5] =	stream.linear.scatter [tilespmem:s23], [sflag:$0x7], $0x3800, $0x38;
	[tilespmem:$0x1FB00] =	vst v63  }
0x2e: {  	s12 =	rddreg [dreg:$0x7]  }
0x2f: {  	[spmem:s12] =	stream.linear.scatter [tilespmem:s23], [sflag:$0x7], $0x3800, $0x38;
	[tilespmem:$0x1FB00] =	vst v63  }
0x30: {  	s6 =	rddreg [dreg:$0x8]  }
0x31: {  	[spmem:s6] =	stream.linear.scatter [tilespmem:s23], [sflag:$0x7], $0x3800, $0x38;
	[tilespmem:$0x1FB00] =	vst v63  }
0x32: {  	s11 =	rddreg [dreg:$0x9]  }
0x33: {  	[spmem:s11] =	stream.linear.scatter [tilespmem:s23], [sflag:$0x7], $0x3800, $0x38;
	[tilespmem:$0x1FB00] =	vst v63  }
0x34: {  	s12 =	rddreg [dreg:$0xa]  }
0x35: {  	[spmem:s12] =	stream.linear.scatter [tilespmem:s23], [sflag:$0x7], $0x3800, $0x38;
	[tilespmem:$0x1FB00] =	vst v63  }
0x36: {  	s6 =	rddreg [dreg:$0xb]  }
0x37: {  	[spmem:s6] =	stream.linear.scatter [tilespmem:s23], [sflag:$0x7], $0x3800, $0x38;
	[tilespmem:$0x1FB00] =	vst v63  }
0x38: {  	_ =	swait.ge [sflag:s24], $0x3800  }
0x39: {  	[sflag:s24] =	ssyncset.done $0x0  }
0x3a: {  	[sflag:s24] =	ssyncadd.s32 $0xFFFFC800  }
0x3b: {  	_ =	swait.ge [sflag:s24], $0x3800  }
0x3c: {  	[sflag:s24] =	ssyncset.done $0x0  }
0x3d: {  	[sflag:s24] =	ssyncadd.s32 $0xFFFFC800  }
0x3e: {  	_ =	swait.ge [sflag:s24], $0x3800  }
0x3f: {  	[sflag:s24] =	ssyncset.done $0x0  }
0x40: {  	[sflag:s24] =	ssyncadd.s32 $0xFFFFC800  }
0x41: {  	_ =	swait.ge [sflag:s24], $0x3800  }
0x42: {  	[sflag:s24] =	ssyncset.done $0x0  }
0x43: {  	[sflag:s24] =	ssyncadd.s32 $0xFFFFC800  }
0x44: {  	_ =	swait.ge [sflag:s24], $0x3800  }
0x45: {  	[sflag:s24] =	ssyncset.done $0x0  }
0x46: {  	[sflag:s24] =	ssyncadd.s32 $0xFFFFC800  }
0x47: {  	_ =	swait.ge [sflag:s24], $0x3800  }
0x48: {  	[sflag:s24] =	ssyncset.done $0x0  }
0x49: {  	[sflag:s24] =	ssyncadd.s32 $0xFFFFC800  }
0x4a: {  	[bflag:$0x0] =	sbarrier.arrive $0xFFFF  }
0x4b: {  	s6 =	rddreg [dreg:$0x4]  }
0x4c: {  	s11 =	sadd.s32 s6, s20  }
0x4d: {  	[tilespmem:s3], [sflag:$0x1] =	stream.linear.gather [hbm4b:s11+s3], $0x70, $0x38;
	[tilespmem:$0x1FB00] =	vst v63  }
0x4e: {  	s11 =	rddreg [dreg:$0x5]  }
0x4f: {  	s12 =	sadd.s32 s11, s20  }
0x50: {  	[tilespmem:s25], [sflag:$0x4] =	stream.linear.gather [hbm4b:s12+s3], $0x70, $0x38;
	[tilespmem:$0x1FB00] =	vst v63  }
0x51: {  	s12 =	sadd.s32 s6, s22  }
0x52: {  	[tilespmem:s26], [sflag:$0x2] =	stream.linear.gather [hbm4b:s12+s3], $0x70, $0x38;
	[tilespmem:$0x1FB00] =	vst v63  }
0x53: {  	s12 =	sadd.s32 s11, s22  }
0x54: {  	[tilespmem:s28], [sflag:$0x5] =	stream.linear.gather [hbm4b:s12+s3], $0x70, $0x38;
	[tilespmem:$0x1FB00] =	vst v63  }
0x55: {  	s12 =	sadd.s32 s6, s21  }
0x56: {  	[tilespmem:s29], [sflag:$0x3] =	stream.linear.gather [hbm4b:s12+s3], $0x70, $0x38;
	[tilespmem:$0x1FB00] =	vst v63  }
0x57: {  	s12 =	sadd.s32 s11, s21  }
0x58: {  	[tilespmem:s30], [sflag:$0x6] =	stream.linear.gather [hbm4b:s12+s3], $0x70, $0x38;
	[tilespmem:$0x1FB00] =	vst v63  }
0x59: {  	_ =	swait.ge [sflag:s31], $0x70  }
0x5a: {  	[sflag:s31] =	ssyncset.done $0x0  }
0x5b: {  	[sflag:s31] =	ssyncadd.s32 $0xFFFFFF90  }
0x5c: {  	_ =	swait.ge [sflag:s0], $0x70  }
0x5d: {  	[sflag:s0] =	ssyncset.done $0x0  }
0x5e: {  	[sflag:s0] =	ssyncadd.s32 $0xFFFFFF90  }
0x5f: {  	[tilespmem:s23], [sflag:$0x7] =	stream.indirect.gather [hbm4b:s4+s2], $0x80, s3, s2, $0xb8;
	[tilespmem:$0x1FB00] =	vst v63  }
0x60: {  	_ =	swait.ge [sflag:s13], $0x70  }
0x61: {  	[sflag:s13] =	ssyncset.done $0x0  }
0x62: {  	[sflag:s13] =	ssyncadd.s32 $0xFFFFFF90  }
0x63: {  	_ =	swait.ge [sflag:s14], $0x70  }
0x64: {  	[sflag:s14] =	ssyncset.done $0x0  }
0x65: {  	[sflag:s14] =	ssyncadd.s32 $0xFFFFFF90  }
0x66: {  	[tilespmem:s15], [sflag:$0x8] =	stream.indirect.gather [hbm4b:s4+s2], $0x80, s26, s2, $0xb8;
	[tilespmem:$0x1FB00] =	vst v63  }
0x67: {  	_ =	swait.ge [sflag:s16], $0x70  }
0x68: {  	[sflag:s16] =	ssyncset.done $0x0  }
0x69: {  	[sflag:s16] =	ssyncadd.s32 $0xFFFFFF90  }
0x6a: {  	_ =	swait.ge [sflag:s17], $0x70  }
0x6b: {  	[sflag:s17] =	ssyncset.done $0x0  }
0x6c: {  	[sflag:s17] =	ssyncadd.s32 $0xFFFFFF90  }
0x6d: {  	[tilespmem:s18], [sflag:$0x9] =	stream.indirect.gather [hbm4b:s4+s2], $0x80, s29, s2, $0xb8;
	[tilespmem:$0x1FB00] =	vst v63  }
0x6e: {  	_ =	swait.ge [sflag:s24], $0x3800  }
0x6f: {  	[sflag:s24] =	ssyncset.done $0x0  }
0x70: {  	[sflag:s24] =	ssyncadd.s32 $0xFFFFC800  }
0x71: {  	[spmem:s1] =	stream.indirect.scatter.add.f32 [tilespmem:s23], [sflag:$0xA], $0x80, s25, s2, $0xb8;
	[tilespmem:$0x1FB00] =	vst v63  }
0x72: {  	_ =	swait.ge [sflag:s19], $0x3800  }
0x73: {  	[sflag:s19] =	ssyncset.done $0x0  }
0x74: {  	[sflag:s19] =	ssyncadd.s32 $0xFFFFC800  }
0x75: {  	[spmem:s1] =	stream.indirect.scatter.add.f32 [tilespmem:s15], [sflag:$0xB], $0x80, s28, s2, $0xb8;
	[tilespmem:$0x1FB00] =	vst v63  }
0x76: {  	_ =	swait.ge [sflag:s7], $0x3800  }
0x77: {  	[sflag:s7] =	ssyncset.done $0x0  }
0x78: {  	[sflag:s7] =	ssyncadd.s32 $0xFFFFC800  }
0x79: {  	[spmem:s1] =	stream.indirect.scatter.add.f32 [tilespmem:s18], [sflag:$0xC], $0x80, s30, s2, $0xb8;
	[tilespmem:$0x1FB00] =	vst v63  }
0x7a: {  	_ =	swait.ge [sflag:s8], $0x3800  }
0x7b: {  	[sflag:s8] =	ssyncset.done $0x0  }
0x7c: {  	[sflag:s8] =	ssyncadd.s32 $0xFFFFC800  }
0x7d: {  	_ =	swait.ge [sflag:s9], $0x3800  }
0x7e: {  	[sflag:s9] =	ssyncset.done $0x0  }
0x7f: {  	[sflag:s9] =	ssyncadd.s32 $0xFFFFC800  }
0x80: {  	s5 =	simm.s32 $0x1C;
	_ =	swait.ge [sflag:s10], $0x3800  }
0x81: {  	s12 =	sadd.s32 $0x2A, s6;
	s6 =	smov.u32 s11;
	[sflag:s10] =	ssyncset.done $0x0  }
.LBB2_4:
0x82: {  	s11 =	sadd.s32 s12, s20;
	[sflag:s10] =	ssyncadd.s32 $0xFFFFC800;
	s6 =	sadd.s32 $0x2A, s6  }
0x83: {  	[tilespmem:s3], [sflag:$0x1] =	stream.linear.gather [hbm4b:s11+s3], $0x70, $0x38;
	[tilespmem:$0x1FB00] =	vst v63  }
0x84: {  	p0 =	sne.s32 s5, $0x1;
	s5 =	sadd.s32 $0xFFFFFFFF, s5;
	s11 =	sadd.s32 s6, s20  }
0x85: {  	[tilespmem:s25], [sflag:$0x4] =	stream.linear.gather [hbm4b:s11+s3], $0x70, $0x38;
	[tilespmem:$0x1FB00] =	vst v63  }
0x86: {  	s11 =	sadd.s32 s12, s22  }
0x87: {  	[tilespmem:s26], [sflag:$0x2] =	stream.linear.gather [hbm4b:s11+s3], $0x70, $0x38;
	[tilespmem:$0x1FB00] =	vst v63  }
0x88: {  	s11 =	sadd.s32 s6, s22  }
0x89: {  	[tilespmem:s28], [sflag:$0x5] =	stream.linear.gather [hbm4b:s11+s3], $0x70, $0x38;
	[tilespmem:$0x1FB00] =	vst v63  }
0x8a: {  	s11 =	sadd.s32 s12, s21  }
0x8b: {  	[tilespmem:s29], [sflag:$0x3] =	stream.linear.gather [hbm4b:s11+s3], $0x70, $0x38;
	[tilespmem:$0x1FB00] =	vst v63  }
0x8c: {  	s11 =	sadd.s32 s6, s21  }
0x8d: {  	[tilespmem:s30], [sflag:$0x6] =	stream.linear.gather [hbm4b:s11+s3], $0x70, $0x38;
	[tilespmem:$0x1FB00] =	vst v63  }
0x8e: {  	_ =	swait.ge [sflag:s31], $0x70  }
0x8f: {  	[sflag:s31] =	ssyncset.done $0x0  }
0x90: {  	[sflag:s31] =	ssyncadd.s32 $0xFFFFFF90  }
0x91: {  	_ =	swait.ge [sflag:s0], $0x70  }
0x92: {  	[sflag:s0] =	ssyncset.done $0x0  }
0x93: {  	[sflag:s0] =	ssyncadd.s32 $0xFFFFFF90  }
0x94: {  	[tilespmem:s23], [sflag:$0x7] =	stream.indirect.gather [hbm4b:s4+s2], $0x80, s3, s2, $0xb8;
	[tilespmem:$0x1FB00] =	vst v63  }
0x95: {  	_ =	swait.ge [sflag:s13], $0x70  }
0x96: {  	[sflag:s13] =	ssyncset.done $0x0  }
0x97: {  	[sflag:s13] =	ssyncadd.s32 $0xFFFFFF90  }
0x98: {  	_ =	swait.ge [sflag:s14], $0x70  }
0x99: {  	[sflag:s14] =	ssyncset.done $0x0  }
0x9a: {  	[sflag:s14] =	ssyncadd.s32 $0xFFFFFF90  }
0x9b: {  	[tilespmem:s15], [sflag:$0x8] =	stream.indirect.gather [hbm4b:s4+s2], $0x80, s26, s2, $0xb8;
	[tilespmem:$0x1FB00] =	vst v63  }
0x9c: {  	_ =	swait.ge [sflag:s16], $0x70  }
0x9d: {  	[sflag:s16] =	ssyncset.done $0x0  }
0x9e: {  	[sflag:s16] =	ssyncadd.s32 $0xFFFFFF90  }
0x9f: {  	_ =	swait.ge [sflag:s17], $0x70  }
0xa0: {  	[sflag:s17] =	ssyncset.done $0x0  }
0xa1: {  	[sflag:s17] =	ssyncadd.s32 $0xFFFFFF90  }
0xa2: {  	[tilespmem:s18], [sflag:$0x9] =	stream.indirect.gather [hbm4b:s4+s2], $0x80, s29, s2, $0xb8;
	[tilespmem:$0x1FB00] =	vst v63  }
0xa3: {  	_ =	swait.ge [sflag:s24], $0x3800  }
0xa4: {  	[sflag:s24] =	ssyncset.done $0x0  }
0xa5: {  	[sflag:s24] =	ssyncadd.s32 $0xFFFFC800  }
0xa6: {  	[spmem:s1] =	stream.indirect.scatter.add.f32 [tilespmem:s23], [sflag:$0xA], $0x80, s25, s2, $0xb8;
	[tilespmem:$0x1FB00] =	vst v63  }
0xa7: {  	_ =	swait.ge [sflag:s19], $0x3800  }
0xa8: {  	[sflag:s19] =	ssyncset.done $0x0  }
0xa9: {  	[sflag:s19] =	ssyncadd.s32 $0xFFFFC800  }
0xaa: {  	[spmem:s1] =	stream.indirect.scatter.add.f32 [tilespmem:s15], [sflag:$0xB], $0x80, s28, s2, $0xb8;
	[tilespmem:$0x1FB00] =	vst v63  }
0xab: {  	_ =	swait.ge [sflag:s7], $0x3800  }
0xac: {  	[sflag:s7] =	ssyncset.done $0x0  }
0xad: {  	[sflag:s7] =	ssyncadd.s32 $0xFFFFC800  }
0xae: {  	[spmem:s1] =	stream.indirect.scatter.add.f32 [tilespmem:s18], [sflag:$0xC], $0x80, s30, s2, $0xb8;
	[tilespmem:$0x1FB00] =	vst v63  }
0xaf: {  	_ =	swait.ge [sflag:s8], $0x3800  }
0xb0: {  	[sflag:s8] =	ssyncset.done $0x0  }
0xb1: {  	[sflag:s8] =	ssyncadd.s32 $0xFFFFC800  }
.Ltmp1:
0xb2: {  	_ =	swait.ge [sflag:s9], $0x3800;
	(pc) =	sbr.rel @p0 .LBB2_4-.Ltmp1, $4  }
0xb3: {  	[sflag:s9] =	ssyncset.done $0x0  }
0xb4: {  	[sflag:s9] =	ssyncadd.s32 $0xFFFFC800  }
0xb5: {  	_ =	swait.ge [sflag:s10], $0x3800  }
0xb6: {  	s12 =	sadd.s32 $0x2A, s12;
	[sflag:s10] =	ssyncset.done $0x0  }
0xb7: {  	s5 =	sadd.s32 s12, s20;
	[sflag:s10] =	ssyncadd.s32 $0xFFFFC800;
	s6 =	sadd.s32 $0x2A, s6  }
0xb8: {  	[tilespmem:s3], [sflag:$0x1] =	stream.linear.gather [hbm4b:s5+s3], $0x70, $0x38;
	[tilespmem:$0x1FB00] =	vst v63  }
0xb9: {  	s11 =	sadd.s32 s6, s20  }
0xba: {  	[tilespmem:s25], [sflag:$0x4] =	stream.linear.gather [hbm4b:s11+s3], $0x70, $0x38;
	[tilespmem:$0x1FB00] =	vst v63  }
0xbb: {  	s11 =	sadd.s32 s12, s22  }
0xbc: {  	[tilespmem:s26], [sflag:$0x2] =	stream.linear.gather [hbm4b:s11+s3], $0x70, $0x38;
	[tilespmem:$0x1FB00] =	vst v63  }
0xbd: {  	s11 =	sadd.s32 s6, s22  }
0xbe: {  	[tilespmem:s28], [sflag:$0x5] =	stream.linear.gather [hbm4b:s11+s3], $0x70, $0x38;
	[tilespmem:$0x1FB00] =	vst v63  }
0xbf: {  	s12 =	sadd.s32 s12, s21  }
0xc0: {  	[tilespmem:s29], [sflag:$0x3] =	stream.linear.gather [hbm4b:s12+s3], $0x70, $0x38;
	[tilespmem:$0x1FB00] =	vst v63  }
0xc1: {  	s6 =	sadd.s32 s6, s21  }
0xc2: {  	[tilespmem:s30], [sflag:$0x6] =	stream.linear.gather [hbm4b:s6+s3], $0x70, $0x38;
	[tilespmem:$0x1FB00] =	vst v63  }
0xc3: {  	_ =	swait.ge [sflag:s31], $0x70  }
0xc4: {  	[sflag:s31] =	ssyncset.done $0x0  }
0xc5: {  	[sflag:s31] =	ssyncadd.s32 $0xFFFFFF90  }
0xc6: {  	_ =	swait.ge [sflag:s0], $0x70  }
0xc7: {  	[sflag:s0] =	ssyncset.done $0x0  }
0xc8: {  	[sflag:s0] =	ssyncadd.s32 $0xFFFFFF90  }
0xc9: {  	[tilespmem:s23], [sflag:$0x7] =	stream.indirect.gather [hbm4b:s4+s2], $0x80, s3, s2, $0xb8;
	[tilespmem:$0x1FB00] =	vst v63  }
0xca: {  	_ =	swait.ge [sflag:s13], $0x70  }
0xcb: {  	[sflag:s13] =	ssyncset.done $0x0  }
0xcc: {  	[sflag:s13] =	ssyncadd.s32 $0xFFFFFF90  }
0xcd: {  	_ =	swait.ge [sflag:s14], $0x70  }
0xce: {  	[sflag:s14] =	ssyncset.done $0x0  }
0xcf: {  	[sflag:s14] =	ssyncadd.s32 $0xFFFFFF90  }
0xd0: {  	[tilespmem:s15], [sflag:$0x8] =	stream.indirect.gather [hbm4b:s4+s2], $0x80, s26, s2, $0xb8;
	[tilespmem:$0x1FB00] =	vst v63  }
0xd1: {  	_ =	swait.ge [sflag:s16], $0x70  }
0xd2: {  	[sflag:s16] =	ssyncset.done $0x0  }
0xd3: {  	[sflag:s16] =	ssyncadd.s32 $0xFFFFFF90  }
0xd4: {  	_ =	swait.ge [sflag:s17], $0x70  }
0xd5: {  	[sflag:s17] =	ssyncset.done $0x0  }
0xd6: {  	[sflag:s17] =	ssyncadd.s32 $0xFFFFFF90  }
0xd7: {  	[tilespmem:s18], [sflag:$0x9] =	stream.indirect.gather [hbm4b:s4+s2], $0x80, s29, s2, $0xb8;
	[tilespmem:$0x1FB00] =	vst v63  }
0xd8: {  	_ =	swait.ge [sflag:s24], $0x3800  }
0xd9: {  	[sflag:s24] =	ssyncset.done $0x0  }
0xda: {  	[sflag:s24] =	ssyncadd.s32 $0xFFFFC800  }
0xdb: {  	[spmem:s1] =	stream.indirect.scatter.add.f32 [tilespmem:s23], [sflag:$0xA], $0x80, s25, s2, $0xb8;
	[tilespmem:$0x1FB00] =	vst v63  }
0xdc: {  	_ =	swait.ge [sflag:s19], $0x3800  }
0xdd: {  	[sflag:s19] =	ssyncset.done $0x0  }
0xde: {  	[sflag:s19] =	ssyncadd.s32 $0xFFFFC800  }
0xdf: {  	[spmem:s1] =	stream.indirect.scatter.add.f32 [tilespmem:s15], [sflag:$0xB], $0x80, s28, s2, $0xb8;
	[tilespmem:$0x1FB00] =	vst v63  }
0xe0: {  	_ =	swait.ge [sflag:s7], $0x3800  }
0xe1: {  	[sflag:s7] =	ssyncset.done $0x0  }
0xe2: {  	[sflag:s7] =	ssyncadd.s32 $0xFFFFC800  }
0xe3: {  	[spmem:s1] =	stream.indirect.scatter.add.f32 [tilespmem:s18], [sflag:$0xC], $0x80, s30, s2, $0xb8;
	[tilespmem:$0x1FB00] =	vst v63  }
0xe4: {  	_ =	swait.ge [sflag:s8], $0x3800  }
0xe5: {  	[sflag:s8] =	ssyncset.done $0x0  }
0xe6: {  	[sflag:s8] =	ssyncadd.s32 $0xFFFFC800  }
0xe7: {  	_ =	swait.ge [sflag:s9], $0x3800  }
0xe8: {  	[sflag:s9] =	ssyncset.done $0x0  }
0xe9: {  	[sflag:s9] =	ssyncadd.s32 $0xFFFFC800  }
0xea: {  	_ =	swait.ge [sflag:s10], $0x3800  }
0xeb: {  	[sflag:s10] =	ssyncset.done $0x0  }
0xec: {  	[sflag:s10] =	ssyncadd.s32 $0xFFFFC800  }
0xed: {  	s11 =	stileid.u32;
	[bflag:$0x0] =	sbarrier.arrive $0xFFFF  }
0xee: {  	s5 =	sshll.u32 s11, $0x6;
	s12 =	rddreg [dreg:$0x6]  }
0xef: {  	s5 =	sor.u32 $0x1C07, s5;
	s11 =	rddreg [dreg:$0xc];
	s6 =	sshrl.u32 s12, $0x3  }
0xf0: {  	[hbm:s11], [sflag:s5] =	dma.local [spmem:s6], $0x700  }
0xf1: {  	s6 =	rddreg [dreg:$0x7]  }
0xf2: {  	s11 =	rddreg [dreg:$0xd];
	s6 =	sshrl.u32 s6, $0x3  }
0xf3: {  	[hbm:s11], [sflag:s5] =	dma.local [spmem:s6], $0x700  }
0xf4: {  	s6 =	rddreg [dreg:$0x8]  }
0xf5: {  	s11 =	rddreg [dreg:$0xe];
	s6 =	sshrl.u32 s6, $0x3  }
0xf6: {  	[hbm:s11], [sflag:s5] =	dma.local [spmem:s6], $0x700  }
0xf7: {  	s6 =	rddreg [dreg:$0x9]  }
0xf8: {  	s11 =	rddreg [dreg:$0xf];
	s6 =	sshrl.u32 s6, $0x3  }
0xf9: {  	[hbm:s11], [sflag:s5] =	dma.local [spmem:s6], $0x700  }
0xfa: {  	s6 =	rddreg [dreg:$0xa]  }
0xfb: {  	s11 =	rddreg [dreg:$0x10];
	s6 =	sshrl.u32 s6, $0x3  }
0xfc: {  	[hbm:s11], [sflag:s5] =	dma.local [spmem:s6], $0x700  }
0xfd: {  	s6 =	rddreg [dreg:$0xb]  }
0xfe: {  	s11 =	rddreg [dreg:$0x11];
	s6 =	sshrl.u32 s6, $0x3  }
0xff: {  	[hbm:s11], [sflag:s5] =	dma.local [spmem:s6], $0x700  }
0x100: {  	_ =	swait.ge [sflag:s24], $0x700  }
0x101: {  	[sflag:s24] =	ssyncset.done $0x0  }
0x102: {  	[sflag:s24] =	ssyncadd.s32 $0xFFFFF900  }
0x103: {  	_ =	swait.ge [sflag:s24], $0x700  }
0x104: {  	[sflag:s24] =	ssyncset.done $0x0  }
0x105: {  	[sflag:s24] =	ssyncadd.s32 $0xFFFFF900  }
0x106: {  	_ =	swait.ge [sflag:s24], $0x700  }
0x107: {  	[sflag:s24] =	ssyncset.done $0x0  }
0x108: {  	[sflag:s24] =	ssyncadd.s32 $0xFFFFF900  }
0x109: {  	_ =	swait.ge [sflag:s24], $0x700  }
0x10a: {  	[sflag:s24] =	ssyncset.done $0x0  }
0x10b: {  	[sflag:s24] =	ssyncadd.s32 $0xFFFFF900  }
0x10c: {  	_ =	swait.ge [sflag:s24], $0x700  }
0x10d: {  	[sflag:s24] =	ssyncset.done $0x0  }
0x10e: {  	[sflag:s24] =	ssyncadd.s32 $0xFFFFF900  }
0x10f: {  	_ =	swait.ge [sflag:s24], $0x700  }
0x110: {  	s11 =	rddreg [dreg:$0x13]  }
0x111: {  	s12 =	rddreg [dreg:$0x12];
	s6 =	sadd.s32 $0x1, s11  }
0x112: {  	p0 =	sne.s32 s6, s12  }
.Ltmp2:
0x113: {  	_ = 	snop;
	(pc) =	sbr.rel @p0 .LBB2_1-.Ltmp2, $3  }
0x114: {  	_ =	sdelay $0x1  }
0x115: {  	[sflag:s24] =	ssyncset.done $0x0  }
0x116: {  	[sflag:s24] =	ssyncadd.s32 $0xFFFFF900  }
0x117: {  	_ =	sfence.sel $0x180000  }
0x118: {  	[bflag:$0x0] =	sbarrier.arrive $0xFFFF  }
0x119: {  	_ =	strace $0x9000004A  }
0x11a: {  	s0 =	stileid.u32;
	[bflag:$0x2] =	sbarrier.arrive $0xFFFF  }
0x11b: {  	p0 =	sne.s32 s0, $0x0;
	s0 =	rddreg [dreg:$0x3]  }
0x11c: {  	s0 =	sadd.s32 @!p0 $0x100000, s0  }
0x11d: {  	[sflag:s0] =	ssyncadd.tile.s32 @!p0 $0x1;
	_ =	shalt  }
.Lfunc_end2:
_tile_overlayer_lowered:
.L_overlay_start_2:
0x11e: {  	(tag) =	ssettag $0x2  }
0x11f: {  	s0 =	rddreg [dreg:$0x0];
	s2 =	stileid.u32  }
0x120: {  	s1 =	rddreg [dreg:$0x1];
	p0 =	sne.s32 s2, $0x0  }
0x121: {  	s3 =	rddreg [dreg:$0x2];
	[bflag:$0x3] =	sbarrier.arrive $0xFFFF;
	s2 =	simm.s32 @!p0 $0x1C0D  }
0x122: {  	[timem:s3], [sflag:s2] =	dma.local @!p0 [hbm:s0], s1  }
0x123: {  	s0 =	simm.s32 @!p0 $0xD  }
0x124: {  	_ =	swait.ge @!p0 [sflag:s0], s1  }
0x125: {  	s1 =	ssub.s32 @!p0 $0x0, s1;
	[sflag:s0] =	ssyncset.done @!p0 $0x0  }
0x126: {  	[sflag:s0] =	ssyncadd.s32 @!p0 s1  }
0x127: {  	[bflag:$0x3] =	sbarrier.arrive $0xFFFF  }
0x128: {  	_ =	shalt  }

// kernel: kernel.18.cloned.1.call-start
scs
__scs_entry_jumppad:
0x0: {  	(pc) =	sbr.rel $0x88, $3  }
0x1: {  	(tag) =	ssettag $0x0;
	lr =	simm.s32 $0x1  }
0x2: {  	[smem:$0x3F8B] =	sst lr;
	_ =	strace $0xD0000000  }
0x3: {  	_ = 	snop  }
0x4: {  	_ = 	snop  }
0x5: {  	_ = 	snop  }
0x6: {  	_ = 	snop  }
0x7: {  	_ = 	snop  }
__scs_overlays_trampoline_lowered:
0x8: {  	[smem:$0x3F9A] =	sst s0  }
0x9: {  	[smem:$0x3F9B] =	sst s1  }
0xa: {  	[smem:$0x3F9C] =	sst s2  }
0xb: {  	[smem:$0x3F9D] =	sst s3  }
0xc: {  	[smem:$0x3F9E] =	sst s4  }
0xd: {  	[smem:$0x3F9F] =	sst s5  }
0xe: {  	[smem:$0x3FA0] =	sst s6  }
0xf: {  	[smem:$0x3FA1] =	sst s7  }
0x10: {  	[smem:$0x3FA2] =	sst s8  }
0x11: {  	[smem:$0x3FA3] =	sst s9;
	s0 =	simm.s32 @!p0 $0x0  }
0x12: {  	s1 =	sld [smem:$0x3F89];
	s0 =	simm.s32 @p0 $0x1  }
0x13: {  	[smem:$0x3FA4] =	sst s0;
	s0 =	simm.s32 @!p1 $0x0  }
0x14: {  	s2 =	sld [smem:$0x3F88];
	s0 =	simm.s32 @p1 $0x1  }
0x15: {  	[smem:$0x3FA5] =	sst s0;
	s0 =	simm.s32 @!p2 $0x0  }
0x16: {  	s3 =	sld [smem:$0x3FDB];
	s0 =	simm.s32 @p2 $0x1  }
0x17: {  	s4 =	simm.s32 $0x1BF5;
	[smem:$0x3FA7] =	sst s0  }
0x18: {  	s0 =	sld [smem:$0x3F8A];
	_ =	swait.ge [sflag:s4], $0x0  }
0x19: {  	s7 =	sld [smem:$0x3F8B]  }
0x1a: {  	s8 =	sadd.s32 $0xFFFFE003, lr  }
0x1b: {  	s9 =	sadd.s32 $0xFFFFFEF7, lr;
	s5 =	simm.s32 $0xFFFFFFFF;
	p2 =	slt.u32 s8, $0xFFFFF086  }
0x1c: {  	p1 =	slt.u32 s9, $0xF7A;
	s5 =	simm.s32 @!p2 $0x0  }
0x1d: {  	s5 =	simm.s32 @p1 $0x1;
	p0 =	seq.s32 s7, s2  }
0x1e: {  	s7 =	smul.u32 @!p0 $0xF7A, s2;
	p2 =	seq.s32 @!p0 s5, $0x0  }
0x1f: {  	s9 =	smul.u32 $0xF7A, s1;
	s8 =	simm.s32 @!p0 $0x1BF5;
	p2 =	por !p2, p0  }
0x20: {  	[sflag:s8] =	ssyncset.s32 @!p0 $0xFFFFF086;
	s6 =	sadd.s32 @!p0 s3, s7;
	s7 =	simm.s32 @!p0 $0x108  }
0x21: {  	s3 =	sadd.s32 s3, s9;
	s6 =	sadd.s32 @!p0 $0x88, s6;
	s7 =	simm.s32 @p2 $0x1082  }
0x22: {  	[simem:s7], [sflag:s8] =	dma.local @!p0 [hbm:s6], $0xF7A  }
0x23: {  	s9 =	sor.u32 $0xD0000000, s2;
	s6 =	simm.s32 $0x108;
	_ =	swait.ge @!p0 [sflag:s8], $0x0  }
0x24: {  	s3 =	sadd.s32 $0x88, s3;
	s6 =	simm.s32 @!p1 $0x1082;
	[sflag:s4] =	ssyncset.s32 $0xFFFFF086  }
0x25: {  	[simem:s6], [sflag:s4] =	dma.local [hbm:s3], $0xF7A  }
0x26: {  	[smem:$0x3F8B] =	sst s1;
	(tag) =	ssettag s2;
	_ =	strace s9  }
0x27: {  	s1 =	sld [smem:$0x3F9B]  }
0x28: {  	s2 =	sld [smem:$0x3F9C]  }
0x29: {  	s4 =	sld [smem:$0x3F9E]  }
0x2a: {  	p0 =	seq.s32 s5, $0x0;
	s5 =	sld [smem:$0x3F9F]  }
0x2b: {  	s6 =	sld [smem:$0x3FA0]  }
0x2c: {  	s7 =	sld [smem:$0x3FA1]  }
0x2d: {  	s3 =	simm.s32 $0x108;
	s8 =	sld [smem:$0x3FA2]  }
0x2e: {  	s3 =	simm.s32 @!p0 $0x1082;
	s9 =	sld [smem:$0x3FA3]  }
0x2f: {  	lr =	sadd.s32 s0, s3;
	s0 =	sld [smem:$0x3F9A]  }
0x30: {  	s3 =	sld [smem:$0x3F9D]  }
0x31: {  	[smem:$0x3FA6] =	sst s10  }
0x32: {  	s10 =	sld [smem:$0x3FA4];
	_ =	sdelay $0x3  }
0x33: {  	p0 =	seq.s32 s10, $0x1;
	s10 =	sld [smem:$0x3FA6];
	_ =	sdelay $0x3  }
0x34: {  	[smem:$0x3FA6] =	sst s10  }
0x35: {  	s10 =	sld [smem:$0x3FA5];
	_ =	sdelay $0x3  }
0x36: {  	p1 =	seq.s32 s10, $0x1;
	s10 =	sld [smem:$0x3FA6];
	_ =	sdelay $0x3  }
0x37: {  	[smem:$0x3FA6] =	sst s10  }
0x38: {  	s10 =	sld [smem:$0x3FA7]  }
0x39: {  	_ = 	snop;
	(pc) =	sbr.ind lr, $3  }
0x3a: {  	_ = 	snop  }
0x3b: {  	_ = 	snop  }
0x3c: {  	p2 =	seq.s32 s10, $0x1;
	s10 =	sld [smem:$0x3FA6]  }
0x3d: {  	_ =	shalt  }
0x3e: {  	_ =	shalt  }
0x3f: {  	_ =	shalt  }
0x40: {  	_ =	shalt  }
0x41: {  	_ =	shalt  }
0x42: {  	_ =	shalt  }
0x43: {  	_ =	shalt  }
0x44: {  	_ =	shalt  }
0x45: {  	_ =	shalt  }
0x46: {  	_ =	shalt  }
0x47: {  	_ =	shalt  }
0x48: {  	_ =	shalt  }
0x49: {  	_ =	shalt  }
0x4a: {  	_ =	shalt  }
0x4b: {  	_ =	shalt  }
0x4c: {  	_ =	shalt  }
0x4d: {  	_ =	shalt  }
0x4e: {  	_ =	shalt  }
0x4f: {  	_ =	shalt  }
0x50: {  	_ =	shalt  }
0x51: {  	_ =	shalt  }
0x52: {  	_ =	shalt  }
0x53: {  	_ =	shalt  }
0x54: {  	_ =	shalt  }
0x55: {  	_ =	shalt  }
0x56: {  	_ =	shalt  }
0x57: {  	_ =	shalt  }
0x58: {  	_ =	shalt  }
0x59: {  	_ =	shalt  }
0x5a: {  	_ =	shalt  }
0x5b: {  	_ =	shalt  }
0x5c: {  	_ =	shalt  }
0x5d: {  	_ =	shalt  }
0x5e: {  	_ =	shalt  }
0x5f: {  	_ =	shalt  }
0x60: {  	_ =	shalt  }
0x61: {  	_ =	shalt  }
0x62: {  	_ =	shalt  }
0x63: {  	_ =	shalt  }
0x64: {  	_ =	shalt  }
0x65: {  	_ =	shalt  }
0x66: {  	_ =	shalt  }
0x67: {  	_ =	shalt  }
0x68: {  	_ =	shalt  }
0x69: {  	_ =	shalt  }
0x6a: {  	_ =	shalt  }
0x6b: {  	_ =	shalt  }
0x6c: {  	_ =	shalt  }
0x6d: {  	_ =	shalt  }
0x6e: {  	_ =	shalt  }
0x6f: {  	_ =	shalt  }
0x70: {  	_ =	shalt  }
0x71: {  	_ =	shalt  }
0x72: {  	_ =	shalt  }
0x73: {  	_ =	shalt  }
0x74: {  	_ =	shalt  }
0x75: {  	_ =	shalt  }
0x76: {  	_ =	shalt  }
0x77: {  	_ =	shalt  }
0x78: {  	_ =	shalt  }
0x79: {  	_ =	shalt  }
0x7a: {  	_ =	shalt  }
0x7b: {  	_ =	shalt  }
0x7c: {  	_ =	shalt  }
0x7d: {  	_ =	shalt  }
0x7e: {  	_ =	shalt  }
0x7f: {  	_ =	shalt  }
0x80: {  	_ =	shalt  }
0x81: {  	_ =	shalt  }
0x82: {  	_ =	shalt  }
0x83: {  	_ =	shalt  }
0x84: {  	_ =	shalt  }
0x85: {  	_ =	shalt  }
0x86: {  	_ =	shalt  }
0x87: {  	_ =	shalt  }
.Lfunc_end0:
.L_simem_size_0:
called_computation.3_lowered:
.L_overlay_start_0:
0x88: {  	s2 =	sld [smem:$0x3FD9]  }
0x89: {  	s3 =	sld [smem:$0x3FFE];
	_ =	sdelay $0x1  }
0x8a: {  	s1 =	srdreg.scid  }
0x8b: {  	s0 =	sand.u32 $0x1, s1  }
0x8c: {  	s14 =	sshll.u32 s0, $0xA;
	s2 =	sadd.s32 s3, s2  }
0x8d: {  	s2 =	sadd.s32 s2, s14  }
0x8e: {  	[smem:$0x3FB2] =	sst s2  }
0x8f: {  	_ = 	snop  }
0x90: {  	s2 =	sld [smem:$0x3FD0];
	_ =	sdelay $0x2  }
0x91: {  	s15 =	simm.s32 $0xA;
	s4 =	simm.s32 $0x10  }
0x92: {  	[smem:s4], [sflag:s15] =	dma.local [hbm:s2], $0x1  }
0x93: {  	_ =	swait.eq [sflag:s15], $0x1  }
0x94: {  	[sflag:s15] =	ssyncset.done $0x0  }
0x95: {  	[sflag:s15] =	ssyncadd.s32 $0xFFFFFFFF  }
0x96: {  	s16 =	sld [smem:$0x10];
	(tm) =	ssettm $0x1  }
0x97: {  	s17 =	sld [smem:$0x3FFB];
	_ =	sdelay $0x3  }
0x98: {  	_ =	strace s17  }
0x99: {  	s3 =	sld [smem:$0x3FFC];
	_ =	sdelay $0x3  }
0x9a: {  	_ =	strace s3  }
0x9b: {  	s3 =	sld [smem:$0x3FFD];
	_ =	sdelay $0x3  }
0x9c: {  	_ =	strace s3  }
0x9d: {  	_ =	strace $0x8FFFFFFF  }
0x9e: {  	s18 =	sld [smem:$0x3FDB];
	_ =	sdelay $0x1  }
0x9f: {  	s19 =	simm.s32 $_scs_section_size  }
0xa0: {  	s5 =	simm.s32 $_size__tile_overlayer_lowered;
	s6 =	simm.s32 $_tile_overlayer_lowered  }
0xa1: {  	s22 =	simm.s32 $0x1BFF;
	s21 =	sshll.u32 s6, $0x1;
	s3 =	sadd.s32 s19, s18  }
0xa2: {  	s7 =	simm.s32 $0x0;
	s20 =	sshll.u32 s5, $0x1;
	s5 =	sadd.s32 s21, s3  }
0xa3: {  	[timem:s7], [sflag:s22] =	dma.local [hbm:s5], s20  }
0xa4: {  	_ =	swait.ge [sflag:s22], s20  }
0xa5: {  	s4 =	ssub.s32 $0x0, s20;
	[sflag:s22] =	ssyncset.done $0x0  }
0xa6: {  	[sflag:s22] =	ssyncadd.s32 s4;
	_ =	sdelay $0x1  }
0xa7: {  	s23 =	simm.s32 $0x1B8B  }
0xa8: {  	_ =	swait.ge [sflag:s23], $0x1  }
0xa9: {  	[sflag:s23] =	ssyncset.done $0x0  }
0xaa: {  	s25 =	simm.s32 $0x1B8E;
	s24 =	sld [smem:$0x3FFE];
	[sflag:s23] =	ssyncadd.s32 $0xFFFFFFFF  }
0xab: {  	s26 =	simm.s32 $execute0_lowered;
	[smem:$0x3FD2] =	sst s25  }
0xac: {  	s5 =	sshll.u32 s26, $0x1;
	_ =	strace $0x8000004C;
	[dreg:$0x1] =	wrdreg $0xFFFFFFFF  }
0xad: {  	s28 =	simm.s32 $_size_execute0_lowered;
	s3 =	sadd.s32 s3, s5;
	[dreg:$0x0] =	wrdreg $0x0  }
0xae: {  	s5 =	sshll.u32 s28, $0x1;
	[dreg:$0x2] =	wrdreg s3  }
0xaf: {  	[dreg:$0x3] =	wrdreg s5  }
0xb0: {  	[dreg:$0x4] =	wrdreg $0xC0  }
0xb1: {  	_ =	task [dreg:s7], $0x5FFFF  }
0xb2: {  	[dreg:$0x1] =	wrdreg $0xFFFFFFFF  }
0xb3: {  	[dreg:$0x0] =	wrdreg $0x60  }
0xb4: {  	[dreg:$0x2] =	wrdreg s24  }
0xb5: {  	[dreg:$0x3] =	wrdreg s16  }
0xb6: {  	[dreg:$0x4] =	wrdreg $0xAB000  }
0xb7: {  	[dreg:$0x5] =	wrdreg $0x9  }
0xb8: {  	_ =	task.clear_ibuf [dreg:s7], $0x6FFFF;
	_ =	strace $0x9000004C  }
0xb9: {  	s29 =	simm.s32 $0x9;
	_ =	strace $0x8000004E  }
0xba: {  	_ =	swait.ge [sflag:s29], $0x1  }
0xbb: {  	[sflag:s29] =	ssyncadd.s32 $0xFFFFFFFF  }
0xbc: {  	_ =	strace $0x9000004E  }
0xbd: {  	_ =	sfence  }
0xbe: {  	s30 =	sld [smem:$0x0];
	_ =	sdelay $0x2  }
0xbf: {  	s31 =	sshll.u32 s1, $0xD;
	s1 =	sshrl.u32 s1, $0x2  }
0xc0: {  	s3 =	sand.u32 $0x4000, s31;
	s1 =	sadd.s32 s1, s30  }
0xc1: {  	s0 =	sor.u32 s3, s0;
	s1 =	sshll.u32 s1, $0x11  }
0xc2: {  	s0 =	sor.u32 s1, s0  }
0xc3: {  	s0 =	sadd.s32 $0x8F2B, s0  }
0xc4: {  	[sflag:s0] =	ssyncadd.remote.s32 $0x1  }
0xc5: {  	_ =	sfence.sel $0xFFFF  }
0xc6: {  	[dreg:$0x0] =	wrdreg $0xFFFFFFFF;
	(pc) =	sbr.abs _section_cstart, $3  }
0xc7: {  	[dreg:$0x1] =	wrdreg $0xFFFFFFFF  }
0xc8: {  	_ =	task.clear_ibuf [dreg:s7], $0x2FFFF;
	_ =	strace $0x9FFFFFFF  }
0xc9: {  	(tm) =	ssettm $0x7FFFFFFF  }
tec
execute0_lowered:
.L_overlay_start_1:
0x0: {  	(tag) =	ssettag $0x1  }
0x1: {  	s0 =	rddreg [dreg:$0x0]  }
0x2: {  	s2 =	rddreg [dreg:$0x1]  }
0x3: {  	s1 =	rddreg [dreg:$0x2];
	s3 =	simm.s32 $0x0  }
0x4: {  	s4 =	srdreg.scid;
	s13 =	stileid.u32;
	s28 =	simm.s32 $0x200  }
0x5: {  	s29 =	simm.s32 $0x100;
	s30 =	simm.s32 $0x280;
	s31 =	simm.s32 $0x1  }
0x6: {  	[smem:$0x7FF] =	sst s3;
	s5 =	sand.u32 $0x1, s4;
	s6 =	smul.u32 $0x54000, s13  }
0x7: {  	s4 =	sadd.s32 $0x12E00, s0;
	s8 =	smul.u32 $0x15000, s13;
	s9 =	sadd.s32 $0x66E00, s0  }
0x8: {  	s0 =	sadd.s32 $0x9000, s0;
	s21 =	smul.u32 $0x4EC0, s13;
	s13 =	simm.s32 $0x2  }
0x9: {  	_ =	strace $0x8000004D;
	[dreg:$0x4] =	wrdreg s9;
	s10 =	smul.u32 $0x150000, s5  }
0xa: {  	s7 =	ssub.s32 $0x2, s5;
	[dreg:$0x5] =	wrdreg s0;
	s5 =	smul.u32 $0x2760, s5  }
0xb: {  	s9 =	simm.s32 $0xB;
	s23 =	sshrl.u32 s7, $0x1;
	s6 =	sshrl.u32 s6, $0x2  }
0xc: {  	s24 =	sadd.s32 $0x3800, s8;
	s26 =	sadd.s32 $0x7000, s8;
	s16 =	sadd.s32 $0xA800, s8  }
0xd: {  	s17 =	sadd.s32 $0xE000, s8;
	s12 =	sadd.s32 $0x11800, s8;
	s0 =	ssub.s32 s7, s23  }
0xe: {  	s6 =	sadd.s32 s6, s1;
	s25 =	sadd.s32 s24, s1;
	s15 =	sadd.s32 s26, s1  }
0xf: {  	s11 =	sadd.s32 s16, s1;
	s14 =	sadd.s32 s17, s1;
	[dreg:$0x6] =	wrdreg s6  }
0x10: {  	s18 =	sadd.s32 s12, s1;
	s8 =	sadd.s32 s8, s10;
	[dreg:$0x7] =	wrdreg s25  }
0x11: {  	s7 =	sadd.s32 s10, s24;
	s19 =	sadd.s32 s10, s16;
	[dreg:$0x8] =	wrdreg s15  }
0x12: {  	s20 =	sadd.s32 s10, s17;
	s22 =	sadd.s32 s10, s12;
	[dreg:$0x9] =	wrdreg s11  }
0x13: {  	s16 =	simm.s32 $0x3;
	s17 =	simm.s32 $0x6;
	[dreg:$0xa] =	wrdreg s14  }
0x14: {  	[dreg:$0xb] =	wrdreg s18;
	s8 =	sshrl.u32 s8, $0x3;
	s6 =	sadd.s32 s10, s26  }
0x15: {  	s7 =	sshrl.u32 s7, $0x3;
	s24 =	sshrl.u32 s22, $0x3;
	s0 =	smax.u32 s0, $0x1  }
0x16: {  	s25 =	sadd.s32 s5, s21;
	s14 =	simm.s32 $0x5;
	s15 =	simm.s32 $0x3B00  }
0x17: {  	s18 =	simm.s32 $0x7300;
	s10 =	simm.s32 $0xC;
	s8 =	sadd.s32 s2, s8  }
0x18: {  	s6 =	sshrl.u32 s6, $0x3;
	s7 =	sadd.s32 s2, s7;
	[dreg:$0x12] =	wrdreg s0  }
0x19: {  	s26 =	sadd.s32 $0xE0, s25;
	s0 =	sadd.s32 $0x70, s25;
	[dreg:$0xc] =	wrdreg s8  }
0x1a: {  	[dreg:$0xd] =	wrdreg s7;
	s6 =	sadd.s32 s2, s6;
	s7 =	sshrl.u32 s20, $0x3  }
0x1b: {  	s20 =	sshrl.u32 s25, $0x3;
	s21 =	sshrl.u32 s26, $0x3;
	s22 =	sshrl.u32 s0, $0x3  }
0x1c: {  	s25 =	simm.s32 $0x180;
	s26 =	simm.s32 $0x80;
	s0 =	simm.s32 $0x4  }
0x1d: {  	s8 =	simm.s32 $0xA;
	[dreg:$0xe] =	wrdreg s6;
	s6 =	sshrl.u32 s19, $0x3  }
0x1e: {  	s23 =	sadd.s32 s2, s7;
	s19 =	simm.s32 $0x8;
	s7 =	simm.s32 $0x9  }
0x1f: {  	s6 =	sadd.s32 s2, s6;
	[dreg:$0x10] =	wrdreg s23;
	s2 =	sadd.s32 s2, s24  }
0x20: {  	s23 =	simm.s32 $0x300;
	s24 =	simm.s32 $0x7;
	[dreg:$0xf] =	wrdreg s6  }
0x21: {  	v0 =	vimm.f32 $0.0e+00;
	[dreg:$0x11] =	wrdreg s2;
	s2 =	simm.s32 $0x70;
	s6 =	simm.s32 $0x0  }
.LBB2_1:
0x22: {  	s5 =	sand.u32 $0xFE00, s3  }
0x23: {  	[dreg:$0x13] =	wrdreg s6;
	s11 =	sand.u32 $0x70, s3;
	s12 =	sshrl.u32 s5, $0x2  }
0x24: {  	s6 =	simm.s32 $0x0;
	s5 =	simm.s32 $0x40;
	s12 =	sor.u32 s11, s12  }
.LBB2_2:
0x25: {  	p0 =	sne.s32 s5, $0xDFC0  }
0x26: {  	[tilespmem:s12+$0x300] =	vst v0;
	s6 =	sadd.s32 $0x10, s6;
	s12 =	smov.u32 s5;
	s5 =	sadd.s32 $0x40, s5  }
.Ltmp0:
0x27: {  	(pc) =	sbr.rel @p0 .LBB2_2-.Ltmp0, $4  }
0x28: {  	_ = 	snop  }
0x29: {  	s12 =	sand.u32 $0xFE00, s12  }
0x2a: {  	s11 =	sand.u32 $0x70, s6;
	s12 =	sshrl.u32 s12, $0x2  }
0x2b: {  	s12 =	sor.u32 s11, s12  }
0x2c: {  	[tilespmem:s12+$0x300] =	vst v0;
	s5 =	rddreg [dreg:$0x6]  }
0x2d: {  	[spmem:s5] =	stream.linear.scatter [tilespmem:s23], [sflag:$0x7], $0x3800, $0x38;
	[tilespmem:$0x1FB00] =	vst v63  }
0x2e: {  	s12 =	rddreg [dreg:$0x7]  }
0x2f: {  	[spmem:s12] =	stream.linear.scatter [tilespmem:s23], [sflag:$0x7], $0x3800, $0x38;
	[tilespmem:$0x1FB00] =	vst v63  }
0x30: {  	s6 =	rddreg [dreg:$0x8]  }
0x31: {  	[spmem:s6] =	stream.linear.scatter [tilespmem:s23], [sflag:$0x7], $0x3800, $0x38;
	[tilespmem:$0x1FB00] =	vst v63  }
0x32: {  	s11 =	rddreg [dreg:$0x9]  }
0x33: {  	[spmem:s11] =	stream.linear.scatter [tilespmem:s23], [sflag:$0x7], $0x3800, $0x38;
	[tilespmem:$0x1FB00] =	vst v63  }
0x34: {  	s12 =	rddreg [dreg:$0xa]  }
0x35: {  	[spmem:s12] =	stream.linear.scatter [tilespmem:s23], [sflag:$0x7], $0x3800, $0x38;
	[tilespmem:$0x1FB00] =	vst v63  }
0x36: {  	s6 =	rddreg [dreg:$0xb]  }
0x37: {  	[spmem:s6] =	stream.linear.scatter [tilespmem:s23], [sflag:$0x7], $0x3800, $0x38;
	[tilespmem:$0x1FB00] =	vst v63  }
0x38: {  	_ =	swait.ge [sflag:s24], $0x3800  }
0x39: {  	[sflag:s24] =	ssyncset.done $0x0  }
0x3a: {  	[sflag:s24] =	ssyncadd.s32 $0xFFFFC800  }
0x3b: {  	_ =	swait.ge [sflag:s24], $0x3800  }
0x3c: {  	[sflag:s24] =	ssyncset.done $0x0  }
0x3d: {  	[sflag:s24] =	ssyncadd.s32 $0xFFFFC800  }
0x3e: {  	_ =	swait.ge [sflag:s24], $0x3800  }
0x3f: {  	[sflag:s24] =	ssyncset.done $0x0  }
0x40: {  	[sflag:s24] =	ssyncadd.s32 $0xFFFFC800  }
0x41: {  	_ =	swait.ge [sflag:s24], $0x3800  }
0x42: {  	[sflag:s24] =	ssyncset.done $0x0  }
0x43: {  	[sflag:s24] =	ssyncadd.s32 $0xFFFFC800  }
0x44: {  	_ =	swait.ge [sflag:s24], $0x3800  }
0x45: {  	[sflag:s24] =	ssyncset.done $0x0  }
0x46: {  	[sflag:s24] =	ssyncadd.s32 $0xFFFFC800  }
0x47: {  	_ =	swait.ge [sflag:s24], $0x3800  }
0x48: {  	[sflag:s24] =	ssyncset.done $0x0  }
0x49: {  	[sflag:s24] =	ssyncadd.s32 $0xFFFFC800  }
0x4a: {  	[bflag:$0x0] =	sbarrier.arrive $0xFFFF  }
0x4b: {  	s6 =	rddreg [dreg:$0x4]  }
0x4c: {  	s11 =	sadd.s32 s6, s20  }
0x4d: {  	[tilespmem:s3], [sflag:$0x1] =	stream.linear.gather [hbm4b:s11+s3], $0x70, $0x38;
	[tilespmem:$0x1FB00] =	vst v63  }
0x4e: {  	s11 =	rddreg [dreg:$0x5]  }
0x4f: {  	s12 =	sadd.s32 s11, s20  }
0x50: {  	[tilespmem:s25], [sflag:$0x4] =	stream.linear.gather [hbm4b:s12+s3], $0x70, $0x38;
	[tilespmem:$0x1FB00] =	vst v63  }
0x51: {  	s12 =	sadd.s32 s6, s22  }
0x52: {  	[tilespmem:s26], [sflag:$0x2] =	stream.linear.gather [hbm4b:s12+s3], $0x70, $0x38;
	[tilespmem:$0x1FB00] =	vst v63  }
0x53: {  	s12 =	sadd.s32 s11, s22  }
0x54: {  	[tilespmem:s28], [sflag:$0x5] =	stream.linear.gather [hbm4b:s12+s3], $0x70, $0x38;
	[tilespmem:$0x1FB00] =	vst v63  }
0x55: {  	s12 =	sadd.s32 s6, s21  }
0x56: {  	[tilespmem:s29], [sflag:$0x3] =	stream.linear.gather [hbm4b:s12+s3], $0x70, $0x38;
	[tilespmem:$0x1FB00] =	vst v63  }
0x57: {  	s12 =	sadd.s32 s11, s21  }
0x58: {  	[tilespmem:s30], [sflag:$0x6] =	stream.linear.gather [hbm4b:s12+s3], $0x70, $0x38;
	[tilespmem:$0x1FB00] =	vst v63  }
0x59: {  	_ =	swait.ge [sflag:s31], $0x70  }
0x5a: {  	[sflag:s31] =	ssyncset.done $0x0  }
0x5b: {  	[sflag:s31] =	ssyncadd.s32 $0xFFFFFF90  }
0x5c: {  	_ =	swait.ge [sflag:s0], $0x70  }
0x5d: {  	[sflag:s0] =	ssyncset.done $0x0  }
0x5e: {  	[sflag:s0] =	ssyncadd.s32 $0xFFFFFF90  }
0x5f: {  	[tilespmem:s23], [sflag:$0x7] =	stream.indirect.gather [hbm4b:s4+s2], $0x80, s3, s2, $0xb8;
	[tilespmem:$0x1FB00] =	vst v63  }
0x60: {  	_ =	swait.ge [sflag:s13], $0x70  }
0x61: {  	[sflag:s13] =	ssyncset.done $0x0  }
0x62: {  	[sflag:s13] =	ssyncadd.s32 $0xFFFFFF90  }
0x63: {  	_ =	swait.ge [sflag:s14], $0x70  }
0x64: {  	[sflag:s14] =	ssyncset.done $0x0  }
0x65: {  	[sflag:s14] =	ssyncadd.s32 $0xFFFFFF90  }
0x66: {  	[tilespmem:s15], [sflag:$0x8] =	stream.indirect.gather [hbm4b:s4+s2], $0x80, s26, s2, $0xb8;
	[tilespmem:$0x1FB00] =	vst v63  }
0x67: {  	_ =	swait.ge [sflag:s16], $0x70  }
0x68: {  	[sflag:s16] =	ssyncset.done $0x0  }
0x69: {  	[sflag:s16] =	ssyncadd.s32 $0xFFFFFF90  }
0x6a: {  	_ =	swait.ge [sflag:s17], $0x70  }
0x6b: {  	[sflag:s17] =	ssyncset.done $0x0  }
0x6c: {  	[sflag:s17] =	ssyncadd.s32 $0xFFFFFF90  }
0x6d: {  	[tilespmem:s18], [sflag:$0x9] =	stream.indirect.gather [hbm4b:s4+s2], $0x80, s29, s2, $0xb8;
	[tilespmem:$0x1FB00] =	vst v63  }
0x6e: {  	_ =	swait.ge [sflag:s24], $0x3800  }
0x6f: {  	[sflag:s24] =	ssyncset.done $0x0  }
0x70: {  	[sflag:s24] =	ssyncadd.s32 $0xFFFFC800  }
0x71: {  	[spmem:s1] =	stream.indirect.scatter.add.f32 [tilespmem:s23], [sflag:$0xA], $0x80, s25, s2, $0xb8;
	[tilespmem:$0x1FB00] =	vst v63  }
0x72: {  	_ =	swait.ge [sflag:s19], $0x3800  }
0x73: {  	[sflag:s19] =	ssyncset.done $0x0  }
0x74: {  	[sflag:s19] =	ssyncadd.s32 $0xFFFFC800  }
0x75: {  	[spmem:s1] =	stream.indirect.scatter.add.f32 [tilespmem:s15], [sflag:$0xB], $0x80, s28, s2, $0xb8;
	[tilespmem:$0x1FB00] =	vst v63  }
0x76: {  	_ =	swait.ge [sflag:s7], $0x3800  }
0x77: {  	[sflag:s7] =	ssyncset.done $0x0  }
0x78: {  	[sflag:s7] =	ssyncadd.s32 $0xFFFFC800  }
0x79: {  	[spmem:s1] =	stream.indirect.scatter.add.f32 [tilespmem:s18], [sflag:$0xC], $0x80, s30, s2, $0xb8;
	[tilespmem:$0x1FB00] =	vst v63  }
0x7a: {  	_ =	swait.ge [sflag:s8], $0x3800  }
0x7b: {  	[sflag:s8] =	ssyncset.done $0x0  }
0x7c: {  	[sflag:s8] =	ssyncadd.s32 $0xFFFFC800  }
0x7d: {  	_ =	swait.ge [sflag:s9], $0x3800  }
0x7e: {  	[sflag:s9] =	ssyncset.done $0x0  }
0x7f: {  	[sflag:s9] =	ssyncadd.s32 $0xFFFFC800  }
0x80: {  	s5 =	simm.s32 $0x1C;
	_ =	swait.ge [sflag:s10], $0x3800  }
0x81: {  	s12 =	sadd.s32 $0x2A, s6;
	s6 =	smov.u32 s11;
	[sflag:s10] =	ssyncset.done $0x0  }
.LBB2_4:
0x82: {  	s11 =	sadd.s32 s12, s20;
	[sflag:s10] =	ssyncadd.s32 $0xFFFFC800;
	s6 =	sadd.s32 $0x2A, s6  }
0x83: {  	[tilespmem:s3], [sflag:$0x1] =	stream.linear.gather [hbm4b:s11+s3], $0x70, $0x38;
	[tilespmem:$0x1FB00] =	vst v63  }
0x84: {  	p0 =	sne.s32 s5, $0x1;
	s5 =	sadd.s32 $0xFFFFFFFF, s5;
	s11 =	sadd.s32 s6, s20  }
0x85: {  	[tilespmem:s25], [sflag:$0x4] =	stream.linear.gather [hbm4b:s11+s3], $0x70, $0x38;
	[tilespmem:$0x1FB00] =	vst v63  }
0x86: {  	s11 =	sadd.s32 s12, s22  }
0x87: {  	[tilespmem:s26], [sflag:$0x2] =	stream.linear.gather [hbm4b:s11+s3], $0x70, $0x38;
	[tilespmem:$0x1FB00] =	vst v63  }
0x88: {  	s11 =	sadd.s32 s6, s22  }
0x89: {  	[tilespmem:s28], [sflag:$0x5] =	stream.linear.gather [hbm4b:s11+s3], $0x70, $0x38;
	[tilespmem:$0x1FB00] =	vst v63  }
0x8a: {  	s11 =	sadd.s32 s12, s21  }
0x8b: {  	[tilespmem:s29], [sflag:$0x3] =	stream.linear.gather [hbm4b:s11+s3], $0x70, $0x38;
	[tilespmem:$0x1FB00] =	vst v63  }
0x8c: {  	s11 =	sadd.s32 s6, s21  }
0x8d: {  	[tilespmem:s30], [sflag:$0x6] =	stream.linear.gather [hbm4b:s11+s3], $0x70, $0x38;
	[tilespmem:$0x1FB00] =	vst v63  }
0x8e: {  	_ =	swait.ge [sflag:s31], $0x70  }
0x8f: {  	[sflag:s31] =	ssyncset.done $0x0  }
0x90: {  	[sflag:s31] =	ssyncadd.s32 $0xFFFFFF90  }
0x91: {  	_ =	swait.ge [sflag:s0], $0x70  }
0x92: {  	[sflag:s0] =	ssyncset.done $0x0  }
0x93: {  	[sflag:s0] =	ssyncadd.s32 $0xFFFFFF90  }
0x94: {  	[tilespmem:s23], [sflag:$0x7] =	stream.indirect.gather [hbm4b:s4+s2], $0x80, s3, s2, $0xb8;
	[tilespmem:$0x1FB00] =	vst v63  }
0x95: {  	_ =	swait.ge [sflag:s13], $0x70  }
0x96: {  	[sflag:s13] =	ssyncset.done $0x0  }
0x97: {  	[sflag:s13] =	ssyncadd.s32 $0xFFFFFF90  }
0x98: {  	_ =	swait.ge [sflag:s14], $0x70  }
0x99: {  	[sflag:s14] =	ssyncset.done $0x0  }
0x9a: {  	[sflag:s14] =	ssyncadd.s32 $0xFFFFFF90  }
0x9b: {  	[tilespmem:s15], [sflag:$0x8] =	stream.indirect.gather [hbm4b:s4+s2], $0x80, s26, s2, $0xb8;
	[tilespmem:$0x1FB00] =	vst v63  }
0x9c: {  	_ =	swait.ge [sflag:s16], $0x70  }
0x9d: {  	[sflag:s16] =	ssyncset.done $0x0  }
0x9e: {  	[sflag:s16] =	ssyncadd.s32 $0xFFFFFF90  }
0x9f: {  	_ =	swait.ge [sflag:s17], $0x70  }
0xa0: {  	[sflag:s17] =	ssyncset.done $0x0  }
0xa1: {  	[sflag:s17] =	ssyncadd.s32 $0xFFFFFF90  }
0xa2: {  	[tilespmem:s18], [sflag:$0x9] =	stream.indirect.gather [hbm4b:s4+s2], $0x80, s29, s2, $0xb8;
	[tilespmem:$0x1FB00] =	vst v63  }
0xa3: {  	_ =	swait.ge [sflag:s24], $0x3800  }
0xa4: {  	[sflag:s24] =	ssyncset.done $0x0  }
0xa5: {  	[sflag:s24] =	ssyncadd.s32 $0xFFFFC800  }
0xa6: {  	[spmem:s1] =	stream.indirect.scatter.add.f32 [tilespmem:s23], [sflag:$0xA], $0x80, s25, s2, $0xb8;
	[tilespmem:$0x1FB00] =	vst v63  }
0xa7: {  	_ =	swait.ge [sflag:s19], $0x3800  }
0xa8: {  	[sflag:s19] =	ssyncset.done $0x0  }
0xa9: {  	[sflag:s19] =	ssyncadd.s32 $0xFFFFC800  }
0xaa: {  	[spmem:s1] =	stream.indirect.scatter.add.f32 [tilespmem:s15], [sflag:$0xB], $0x80, s28, s2, $0xb8;
	[tilespmem:$0x1FB00] =	vst v63  }
0xab: {  	_ =	swait.ge [sflag:s7], $0x3800  }
0xac: {  	[sflag:s7] =	ssyncset.done $0x0  }
0xad: {  	[sflag:s7] =	ssyncadd.s32 $0xFFFFC800  }
0xae: {  	[spmem:s1] =	stream.indirect.scatter.add.f32 [tilespmem:s18], [sflag:$0xC], $0x80, s30, s2, $0xb8;
	[tilespmem:$0x1FB00] =	vst v63  }
0xaf: {  	_ =	swait.ge [sflag:s8], $0x3800  }
0xb0: {  	[sflag:s8] =	ssyncset.done $0x0  }
0xb1: {  	[sflag:s8] =	ssyncadd.s32 $0xFFFFC800  }
.Ltmp1:
0xb2: {  	_ =	swait.ge [sflag:s9], $0x3800;
	(pc) =	sbr.rel @p0 .LBB2_4-.Ltmp1, $4  }
0xb3: {  	[sflag:s9] =	ssyncset.done $0x0  }
0xb4: {  	[sflag:s9] =	ssyncadd.s32 $0xFFFFC800  }
0xb5: {  	_ =	swait.ge [sflag:s10], $0x3800  }
0xb6: {  	s12 =	sadd.s32 $0x2A, s12;
	[sflag:s10] =	ssyncset.done $0x0  }
0xb7: {  	s5 =	sadd.s32 s12, s20;
	[sflag:s10] =	ssyncadd.s32 $0xFFFFC800;
	s6 =	sadd.s32 $0x2A, s6  }
0xb8: {  	[tilespmem:s3], [sflag:$0x1] =	stream.linear.gather [hbm4b:s5+s3], $0x70, $0x38;
	[tilespmem:$0x1FB00] =	vst v63  }
0xb9: {  	s11 =	sadd.s32 s6, s20  }
0xba: {  	[tilespmem:s25], [sflag:$0x4] =	stream.linear.gather [hbm4b:s11+s3], $0x70, $0x38;
	[tilespmem:$0x1FB00] =	vst v63  }
0xbb: {  	s11 =	sadd.s32 s12, s22  }
0xbc: {  	[tilespmem:s26], [sflag:$0x2] =	stream.linear.gather [hbm4b:s11+s3], $0x70, $0x38;
	[tilespmem:$0x1FB00] =	vst v63  }
0xbd: {  	s11 =	sadd.s32 s6, s22  }
0xbe: {  	[tilespmem:s28], [sflag:$0x5] =	stream.linear.gather [hbm4b:s11+s3], $0x70, $0x38;
	[tilespmem:$0x1FB00] =	vst v63  }
0xbf: {  	s12 =	sadd.s32 s12, s21  }
0xc0: {  	[tilespmem:s29], [sflag:$0x3] =	stream.linear.gather [hbm4b:s12+s3], $0x70, $0x38;
	[tilespmem:$0x1FB00] =	vst v63  }
0xc1: {  	s6 =	sadd.s32 s6, s21  }
0xc2: {  	[tilespmem:s30], [sflag:$0x6] =	stream.linear.gather [hbm4b:s6+s3], $0x70, $0x38;
	[tilespmem:$0x1FB00] =	vst v63  }
0xc3: {  	_ =	swait.ge [sflag:s31], $0x70  }
0xc4: {  	[sflag:s31] =	ssyncset.done $0x0  }
0xc5: {  	[sflag:s31] =	ssyncadd.s32 $0xFFFFFF90  }
0xc6: {  	_ =	swait.ge [sflag:s0], $0x70  }
0xc7: {  	[sflag:s0] =	ssyncset.done $0x0  }
0xc8: {  	[sflag:s0] =	ssyncadd.s32 $0xFFFFFF90  }
0xc9: {  	[tilespmem:s23], [sflag:$0x7] =	stream.indirect.gather [hbm4b:s4+s2], $0x80, s3, s2, $0xb8;
	[tilespmem:$0x1FB00] =	vst v63  }
0xca: {  	_ =	swait.ge [sflag:s13], $0x70  }
0xcb: {  	[sflag:s13] =	ssyncset.done $0x0  }
0xcc: {  	[sflag:s13] =	ssyncadd.s32 $0xFFFFFF90  }
0xcd: {  	_ =	swait.ge [sflag:s14], $0x70  }
0xce: {  	[sflag:s14] =	ssyncset.done $0x0  }
0xcf: {  	[sflag:s14] =	ssyncadd.s32 $0xFFFFFF90  }
0xd0: {  	[tilespmem:s15], [sflag:$0x8] =	stream.indirect.gather [hbm4b:s4+s2], $0x80, s26, s2, $0xb8;
	[tilespmem:$0x1FB00] =	vst v63  }
0xd1: {  	_ =	swait.ge [sflag:s16], $0x70  }
0xd2: {  	[sflag:s16] =	ssyncset.done $0x0  }
0xd3: {  	[sflag:s16] =	ssyncadd.s32 $0xFFFFFF90  }
0xd4: {  	_ =	swait.ge [sflag:s17], $0x70  }
0xd5: {  	[sflag:s17] =	ssyncset.done $0x0  }
0xd6: {  	[sflag:s17] =	ssyncadd.s32 $0xFFFFFF90  }
0xd7: {  	[tilespmem:s18], [sflag:$0x9] =	stream.indirect.gather [hbm4b:s4+s2], $0x80, s29, s2, $0xb8;
	[tilespmem:$0x1FB00] =	vst v63  }
0xd8: {  	_ =	swait.ge [sflag:s24], $0x3800  }
0xd9: {  	[sflag:s24] =	ssyncset.done $0x0  }
0xda: {  	[sflag:s24] =	ssyncadd.s32 $0xFFFFC800  }
0xdb: {  	[spmem:s1] =	stream.indirect.scatter.add.f32 [tilespmem:s23], [sflag:$0xA], $0x80, s25, s2, $0xb8;
	[tilespmem:$0x1FB00] =	vst v63  }
0xdc: {  	_ =	swait.ge [sflag:s19], $0x3800  }
0xdd: {  	[sflag:s19] =	ssyncset.done $0x0  }
0xde: {  	[sflag:s19] =	ssyncadd.s32 $0xFFFFC800  }
0xdf: {  	[spmem:s1] =	stream.indirect.scatter.add.f32 [tilespmem:s15], [sflag:$0xB], $0x80, s28, s2, $0xb8;
	[tilespmem:$0x1FB00] =	vst v63  }
0xe0: {  	_ =	swait.ge [sflag:s7], $0x3800  }
0xe1: {  	[sflag:s7] =	ssyncset.done $0x0  }
0xe2: {  	[sflag:s7] =	ssyncadd.s32 $0xFFFFC800  }
0xe3: {  	[spmem:s1] =	stream.indirect.scatter.add.f32 [tilespmem:s18], [sflag:$0xC], $0x80, s30, s2, $0xb8;
	[tilespmem:$0x1FB00] =	vst v63  }
0xe4: {  	_ =	swait.ge [sflag:s8], $0x3800  }
0xe5: {  	[sflag:s8] =	ssyncset.done $0x0  }
0xe6: {  	[sflag:s8] =	ssyncadd.s32 $0xFFFFC800  }
0xe7: {  	_ =	swait.ge [sflag:s9], $0x3800  }
0xe8: {  	[sflag:s9] =	ssyncset.done $0x0  }
0xe9: {  	[sflag:s9] =	ssyncadd.s32 $0xFFFFC800  }
0xea: {  	_ =	swait.ge [sflag:s10], $0x3800  }
0xeb: {  	[sflag:s10] =	ssyncset.done $0x0  }
0xec: {  	[sflag:s10] =	ssyncadd.s32 $0xFFFFC800  }
0xed: {  	s11 =	stileid.u32;
	[bflag:$0x0] =	sbarrier.arrive $0xFFFF  }
0xee: {  	s5 =	sshll.u32 s11, $0x6;
	s12 =	rddreg [dreg:$0x6]  }
0xef: {  	s5 =	sor.u32 $0x1C07, s5;
	s11 =	rddreg [dreg:$0xc];
	s6 =	sshrl.u32 s12, $0x3  }
0xf0: {  	[hbm:s11], [sflag:s5] =	dma.local [spmem:s6], $0x700  }
0xf1: {  	s6 =	rddreg [dreg:$0x7]  }
0xf2: {  	s11 =	rddreg [dreg:$0xd];
	s6 =	sshrl.u32 s6, $0x3  }
0xf3: {  	[hbm:s11], [sflag:s5] =	dma.local [spmem:s6], $0x700  }
0xf4: {  	s6 =	rddreg [dreg:$0x8]  }
0xf5: {  	s11 =	rddreg [dreg:$0xe];
	s6 =	sshrl.u32 s6, $0x3  }
0xf6: {  	[hbm:s11], [sflag:s5] =	dma.local [spmem:s6], $0x700  }
0xf7: {  	s6 =	rddreg [dreg:$0x9]  }
0xf8: {  	s11 =	rddreg [dreg:$0xf];
	s6 =	sshrl.u32 s6, $0x3  }
0xf9: {  	[hbm:s11], [sflag:s5] =	dma.local [spmem:s6], $0x700  }
0xfa: {  	s6 =	rddreg [dreg:$0xa]  }
0xfb: {  	s11 =	rddreg [dreg:$0x10];
	s6 =	sshrl.u32 s6, $0x3  }
0xfc: {  	[hbm:s11], [sflag:s5] =	dma.local [spmem:s6], $0x700  }
0xfd: {  	s6 =	rddreg [dreg:$0xb]  }
0xfe: {  	s11 =	rddreg [dreg:$0x11];
	s6 =	sshrl.u32 s6, $0x3  }
0xff: {  	[hbm:s11], [sflag:s5] =	dma.local [spmem:s6], $0x700  }
0x100: {  	_ =	swait.ge [sflag:s24], $0x700  }
0x101: {  	[sflag:s24] =	ssyncset.done $0x0  }
0x102: {  	[sflag:s24] =	ssyncadd.s32 $0xFFFFF900  }
0x103: {  	_ =	swait.ge [sflag:s24], $0x700  }
0x104: {  	[sflag:s24] =	ssyncset.done $0x0  }
0x105: {  	[sflag:s24] =	ssyncadd.s32 $0xFFFFF900  }
0x106: {  	_ =	swait.ge [sflag:s24], $0x700  }
0x107: {  	[sflag:s24] =	ssyncset.done $0x0  }
0x108: {  	[sflag:s24] =	ssyncadd.s32 $0xFFFFF900  }
0x109: {  	_ =	swait.ge [sflag:s24], $0x700  }
0x10a: {  	[sflag:s24] =	ssyncset.done $0x0  }
0x10b: {  	[sflag:s24] =	ssyncadd.s32 $0xFFFFF900  }
0x10c: {  	_ =	swait.ge [sflag:s24], $0x700  }
0x10d: {  	[sflag:s24] =	ssyncset.done $0x0  }
0x10e: {  	[sflag:s24] =	ssyncadd.s32 $0xFFFFF900  }
0x10f: {  	_ =	swait.ge [sflag:s24], $0x700  }
0x110: {  	s11 =	rddreg [dreg:$0x13]  }
0x111: {  	s12 =	rddreg [dreg:$0x12];
	s6 =	sadd.s32 $0x1, s11  }
0x112: {  	p0 =	sne.s32 s6, s12  }
.Ltmp2:
0x113: {  	_ = 	snop;
	(pc) =	sbr.rel @p0 .LBB2_1-.Ltmp2, $3  }
0x114: {  	_ =	sdelay $0x1  }
0x115: {  	[sflag:s24] =	ssyncset.done $0x0  }
0x116: {  	[sflag:s24] =	ssyncadd.s32 $0xFFFFF900  }
0x117: {  	_ =	sfence.sel $0x180000  }
0x118: {  	[bflag:$0x0] =	sbarrier.arrive $0xFFFF  }
0x119: {  	_ =	strace $0x9000004D  }
0x11a: {  	s0 =	stileid.u32;
	[bflag:$0x2] =	sbarrier.arrive $0xFFFF  }
0x11b: {  	p0 =	sne.s32 s0, $0x0;
	s0 =	rddreg [dreg:$0x3]  }
0x11c: {  	s0 =	sadd.s32 @!p0 $0x100000, s0  }
0x11d: {  	[sflag:s0] =	ssyncadd.tile.s32 @!p0 $0x1;
	_ =	shalt  }
.Lfunc_end2:
_tile_overlayer_lowered:
.L_overlay_start_2:
0x11e: {  	(tag) =	ssettag $0x2  }
0x11f: {  	s0 =	rddreg [dreg:$0x0];
	s2 =	stileid.u32  }
0x120: {  	s1 =	rddreg [dreg:$0x1];
	p0 =	sne.s32 s2, $0x0  }
0x121: {  	s3 =	rddreg [dreg:$0x2];
	[bflag:$0x3] =	sbarrier.arrive $0xFFFF;
	s2 =	simm.s32 @!p0 $0x1C0D  }
0x122: {  	[timem:s3], [sflag:s2] =	dma.local @!p0 [hbm:s0], s1  }
0x123: {  	s0 =	simm.s32 @!p0 $0xD  }
0x124: {  	_ =	swait.ge @!p0 [sflag:s0], s1  }
0x125: {  	s1 =	ssub.s32 @!p0 $0x0, s1;
	[sflag:s0] =	ssyncset.done @!p0 $0x0  }
0x126: {  	[sflag:s0] =	ssyncadd.s32 @!p0 s1  }
0x127: {  	[bflag:$0x3] =	sbarrier.arrive $0xFFFF  }
0x128: {  	_ =	shalt  }

// kernel: kernel.21.cloned.1.call-start
scs
__scs_entry_jumppad:
0x0: {  	(pc) =	sbr.rel $0x88, $3  }
0x1: {  	(tag) =	ssettag $0x0;
	lr =	simm.s32 $0x1  }
0x2: {  	[smem:$0x3F8B] =	sst lr;
	_ =	strace $0xD0000000  }
0x3: {  	_ = 	snop  }
0x4: {  	_ = 	snop  }
0x5: {  	_ = 	snop  }
0x6: {  	_ = 	snop  }
0x7: {  	_ = 	snop  }
__scs_overlays_trampoline_lowered:
0x8: {  	[smem:$0x3F9A] =	sst s0  }
0x9: {  	[smem:$0x3F9B] =	sst s1  }
0xa: {  	[smem:$0x3F9C] =	sst s2  }
0xb: {  	[smem:$0x3F9D] =	sst s3  }
0xc: {  	[smem:$0x3F9E] =	sst s4  }
0xd: {  	[smem:$0x3F9F] =	sst s5  }
0xe: {  	[smem:$0x3FA0] =	sst s6  }
0xf: {  	[smem:$0x3FA1] =	sst s7  }
0x10: {  	[smem:$0x3FA2] =	sst s8  }
0x11: {  	[smem:$0x3FA3] =	sst s9;
	s0 =	simm.s32 @!p0 $0x0  }
0x12: {  	s1 =	sld [smem:$0x3F89];
	s0 =	simm.s32 @p0 $0x1  }
0x13: {  	[smem:$0x3FA4] =	sst s0;
	s0 =	simm.s32 @!p1 $0x0  }
0x14: {  	s2 =	sld [smem:$0x3F88];
	s0 =	simm.s32 @p1 $0x1  }
0x15: {  	[smem:$0x3FA5] =	sst s0;
	s0 =	simm.s32 @!p2 $0x0  }
0x16: {  	s3 =	sld [smem:$0x3FDB];
	s0 =	simm.s32 @p2 $0x1  }
0x17: {  	s4 =	simm.s32 $0x1BF5;
	[smem:$0x3FA7] =	sst s0  }
0x18: {  	s0 =	sld [smem:$0x3F8A];
	_ =	swait.ge [sflag:s4], $0x0  }
0x19: {  	s7 =	sld [smem:$0x3F8B]  }
0x1a: {  	s8 =	sadd.s32 $0xFFFFE003, lr  }
0x1b: {  	s9 =	sadd.s32 $0xFFFFFEF7, lr;
	s5 =	simm.s32 $0xFFFFFFFF;
	p2 =	slt.u32 s8, $0xFFFFF086  }
0x1c: {  	p1 =	slt.u32 s9, $0xF7A;
	s5 =	simm.s32 @!p2 $0x0  }
0x1d: {  	s5 =	simm.s32 @p1 $0x1;
	p0 =	seq.s32 s7, s2  }
0x1e: {  	s7 =	smul.u32 @!p0 $0xF7A, s2;
	p2 =	seq.s32 @!p0 s5, $0x0  }
0x1f: {  	s9 =	smul.u32 $0xF7A, s1;
	s8 =	simm.s32 @!p0 $0x1BF5;
	p2 =	por !p2, p0  }
0x20: {  	[sflag:s8] =	ssyncset.s32 @!p0 $0xFFFFF086;
	s6 =	sadd.s32 @!p0 s3, s7;
	s7 =	simm.s32 @!p0 $0x108  }
0x21: {  	s3 =	sadd.s32 s3, s9;
	s6 =	sadd.s32 @!p0 $0x88, s6;
	s7 =	simm.s32 @p2 $0x1082  }
0x22: {  	[simem:s7], [sflag:s8] =	dma.local @!p0 [hbm:s6], $0xF7A  }
0x23: {  	s9 =	sor.u32 $0xD0000000, s2;
	s6 =	simm.s32 $0x108;
	_ =	swait.ge @!p0 [sflag:s8], $0x0  }
0x24: {  	s3 =	sadd.s32 $0x88, s3;
	s6 =	simm.s32 @!p1 $0x1082;
	[sflag:s4] =	ssyncset.s32 $0xFFFFF086  }
0x25: {  	[simem:s6], [sflag:s4] =	dma.local [hbm:s3], $0xF7A  }
0x26: {  	[smem:$0x3F8B] =	sst s1;
	(tag) =	ssettag s2;
	_ =	strace s9  }
0x27: {  	s1 =	sld [smem:$0x3F9B]  }
0x28: {  	s2 =	sld [smem:$0x3F9C]  }
0x29: {  	s4 =	sld [smem:$0x3F9E]  }
0x2a: {  	p0 =	seq.s32 s5, $0x0;
	s5 =	sld [smem:$0x3F9F]  }
0x2b: {  	s6 =	sld [smem:$0x3FA0]  }
0x2c: {  	s7 =	sld [smem:$0x3FA1]  }
0x2d: {  	s3 =	simm.s32 $0x108;
	s8 =	sld [smem:$0x3FA2]  }
0x2e: {  	s3 =	simm.s32 @!p0 $0x1082;
	s9 =	sld [smem:$0x3FA3]  }
0x2f: {  	lr =	sadd.s32 s0, s3;
	s0 =	sld [smem:$0x3F9A]  }
0x30: {  	s3 =	sld [smem:$0x3F9D]  }
0x31: {  	[smem:$0x3FA6] =	sst s10  }
0x32: {  	s10 =	sld [smem:$0x3FA4];
	_ =	sdelay $0x3  }
0x33: {  	p0 =	seq.s32 s10, $0x1;
	s10 =	sld [smem:$0x3FA6];
	_ =	sdelay $0x3  }
0x34: {  	[smem:$0x3FA6] =	sst s10  }
0x35: {  	s10 =	sld [smem:$0x3FA5];
	_ =	sdelay $0x3  }
0x36: {  	p1 =	seq.s32 s10, $0x1;
	s10 =	sld [smem:$0x3FA6];
	_ =	sdelay $0x3  }
0x37: {  	[smem:$0x3FA6] =	sst s10  }
0x38: {  	s10 =	sld [smem:$0x3FA7]  }
0x39: {  	_ = 	snop;
	(pc) =	sbr.ind lr, $3  }
0x3a: {  	_ = 	snop  }
0x3b: {  	_ = 	snop  }
0x3c: {  	p2 =	seq.s32 s10, $0x1;
	s10 =	sld [smem:$0x3FA6]  }
0x3d: {  	_ =	shalt  }
0x3e: {  	_ =	shalt  }
0x3f: {  	_ =	shalt  }
0x40: {  	_ =	shalt  }
0x41: {  	_ =	shalt  }
0x42: {  	_ =	shalt  }
0x43: {  	_ =	shalt  }
0x44: {  	_ =	shalt  }
0x45: {  	_ =	shalt  }
0x46: {  	_ =	shalt  }
0x47: {  	_ =	shalt  }
0x48: {  	_ =	shalt  }
0x49: {  	_ =	shalt  }
0x4a: {  	_ =	shalt  }
0x4b: {  	_ =	shalt  }
0x4c: {  	_ =	shalt  }
0x4d: {  	_ =	shalt  }
0x4e: {  	_ =	shalt  }
0x4f: {  	_ =	shalt  }
0x50: {  	_ =	shalt  }
0x51: {  	_ =	shalt  }
0x52: {  	_ =	shalt  }
0x53: {  	_ =	shalt  }
0x54: {  	_ =	shalt  }
0x55: {  	_ =	shalt  }
0x56: {  	_ =	shalt  }
0x57: {  	_ =	shalt  }
0x58: {  	_ =	shalt  }
0x59: {  	_ =	shalt  }
0x5a: {  	_ =	shalt  }
0x5b: {  	_ =	shalt  }
0x5c: {  	_ =	shalt  }
0x5d: {  	_ =	shalt  }
0x5e: {  	_ =	shalt  }
0x5f: {  	_ =	shalt  }
0x60: {  	_ =	shalt  }
0x61: {  	_ =	shalt  }
0x62: {  	_ =	shalt  }
0x63: {  	_ =	shalt  }
0x64: {  	_ =	shalt  }
0x65: {  	_ =	shalt  }
0x66: {  	_ =	shalt  }
0x67: {  	_ =	shalt  }
0x68: {  	_ =	shalt  }
0x69: {  	_ =	shalt  }
0x6a: {  	_ =	shalt  }
0x6b: {  	_ =	shalt  }
0x6c: {  	_ =	shalt  }
0x6d: {  	_ =	shalt  }
0x6e: {  	_ =	shalt  }
0x6f: {  	_ =	shalt  }
0x70: {  	_ =	shalt  }
0x71: {  	_ =	shalt  }
0x72: {  	_ =	shalt  }
0x73: {  	_ =	shalt  }
0x74: {  	_ =	shalt  }
0x75: {  	_ =	shalt  }
0x76: {  	_ =	shalt  }
0x77: {  	_ =	shalt  }
0x78: {  	_ =	shalt  }
0x79: {  	_ =	shalt  }
0x7a: {  	_ =	shalt  }
0x7b: {  	_ =	shalt  }
0x7c: {  	_ =	shalt  }
0x7d: {  	_ =	shalt  }
0x7e: {  	_ =	shalt  }
0x7f: {  	_ =	shalt  }
0x80: {  	_ =	shalt  }
0x81: {  	_ =	shalt  }
0x82: {  	_ =	shalt  }
0x83: {  	_ =	shalt  }
0x84: {  	_ =	shalt  }
0x85: {  	_ =	shalt  }
0x86: {  	_ =	shalt  }
0x87: {  	_ =	shalt  }
.Lfunc_end0:
.L_simem_size_0:
called_computation.4_lowered:
.L_overlay_start_0:
0x88: {  	s2 =	sld [smem:$0x3FD9]  }
0x89: {  	s3 =	sld [smem:$0x3FFE];
	_ =	sdelay $0x1  }
0x8a: {  	s1 =	srdreg.scid  }
0x8b: {  	s0 =	sand.u32 $0x1, s1  }
0x8c: {  	s14 =	sshll.u32 s0, $0xA;
	s2 =	sadd.s32 s3, s2  }
0x8d: {  	s2 =	sadd.s32 s2, s14  }
0x8e: {  	[smem:$0x3FB2] =	sst s2  }
0x8f: {  	_ = 	snop  }
0x90: {  	s2 =	sld [smem:$0x3FD0];
	_ =	sdelay $0x2  }
0x91: {  	s15 =	simm.s32 $0xA;
	s4 =	simm.s32 $0x10  }
0x92: {  	[smem:s4], [sflag:s15] =	dma.local [hbm:s2], $0x1  }
0x93: {  	_ =	swait.eq [sflag:s15], $0x1  }
0x94: {  	[sflag:s15] =	ssyncset.done $0x0  }
0x95: {  	[sflag:s15] =	ssyncadd.s32 $0xFFFFFFFF  }
0x96: {  	s16 =	sld [smem:$0x10];
	(tm) =	ssettm $0x1  }
0x97: {  	s17 =	sld [smem:$0x3FFB];
	_ =	sdelay $0x3  }
0x98: {  	_ =	strace s17  }
0x99: {  	s3 =	sld [smem:$0x3FFC];
	_ =	sdelay $0x3  }
0x9a: {  	_ =	strace s3  }
0x9b: {  	s3 =	sld [smem:$0x3FFD];
	_ =	sdelay $0x3  }
0x9c: {  	_ =	strace s3  }
0x9d: {  	_ =	strace $0x8FFFFFFF  }
0x9e: {  	s18 =	sld [smem:$0x3FDB];
	_ =	sdelay $0x1  }
0x9f: {  	s19 =	simm.s32 $_scs_section_size  }
0xa0: {  	s5 =	simm.s32 $_size__tile_overlayer_lowered;
	s6 =	simm.s32 $_tile_overlayer_lowered  }
0xa1: {  	s22 =	simm.s32 $0x1BFF;
	s21 =	sshll.u32 s6, $0x1;
	s3 =	sadd.s32 s19, s18  }
0xa2: {  	s7 =	simm.s32 $0x0;
	s20 =	sshll.u32 s5, $0x1;
	s5 =	sadd.s32 s21, s3  }
0xa3: {  	[timem:s7], [sflag:s22] =	dma.local [hbm:s5], s20  }
0xa4: {  	_ =	swait.ge [sflag:s22], s20  }
0xa5: {  	s4 =	ssub.s32 $0x0, s20;
	[sflag:s22] =	ssyncset.done $0x0  }
0xa6: {  	[sflag:s22] =	ssyncadd.s32 s4;
	_ =	sdelay $0x1  }
0xa7: {  	s23 =	simm.s32 $0x1B8B  }
0xa8: {  	_ =	swait.ge [sflag:s23], $0x1  }
0xa9: {  	[sflag:s23] =	ssyncset.done $0x0  }
0xaa: {  	s25 =	simm.s32 $0x1B8E;
	s24 =	sld [smem:$0x3FFE];
	[sflag:s23] =	ssyncadd.s32 $0xFFFFFFFF  }
0xab: {  	s26 =	simm.s32 $execute0_lowered;
	[smem:$0x3FD2] =	sst s25  }
0xac: {  	s5 =	sshll.u32 s26, $0x1;
	_ =	strace $0x8000004F;
	[dreg:$0x1] =	wrdreg $0xFFFFFFFF  }
0xad: {  	s28 =	simm.s32 $_size_execute0_lowered;
	s3 =	sadd.s32 s3, s5;
	[dreg:$0x0] =	wrdreg $0x0  }
0xae: {  	s5 =	sshll.u32 s28, $0x1;
	[dreg:$0x2] =	wrdreg s3  }
0xaf: {  	[dreg:$0x3] =	wrdreg s5  }
0xb0: {  	[dreg:$0x4] =	wrdreg $0xC0  }
0xb1: {  	_ =	task [dreg:s7], $0x5FFFF  }
0xb2: {  	[dreg:$0x1] =	wrdreg $0xFFFFFFFF  }
0xb3: {  	[dreg:$0x0] =	wrdreg $0x60  }
0xb4: {  	[dreg:$0x2] =	wrdreg s24  }
0xb5: {  	[dreg:$0x3] =	wrdreg s16  }
0xb6: {  	[dreg:$0x4] =	wrdreg $0xAB000  }
0xb7: {  	[dreg:$0x5] =	wrdreg $0x9  }
0xb8: {  	_ =	task.clear_ibuf [dreg:s7], $0x6FFFF;
	_ =	strace $0x9000004F  }
0xb9: {  	s29 =	simm.s32 $0x9;
	_ =	strace $0x80000051  }
0xba: {  	_ =	swait.ge [sflag:s29], $0x1  }
0xbb: {  	[sflag:s29] =	ssyncadd.s32 $0xFFFFFFFF  }
0xbc: {  	_ =	strace $0x90000051  }
0xbd: {  	_ =	sfence  }
0xbe: {  	s30 =	sld [smem:$0x0];
	_ =	sdelay $0x2  }
0xbf: {  	s31 =	sshll.u32 s1, $0xD;
	s1 =	sshrl.u32 s1, $0x2  }
0xc0: {  	s3 =	sand.u32 $0x4000, s31;
	s1 =	sadd.s32 s1, s30  }
0xc1: {  	s0 =	sor.u32 s3, s0;
	s1 =	sshll.u32 s1, $0x11  }
0xc2: {  	s0 =	sor.u32 s1, s0  }
0xc3: {  	s0 =	sadd.s32 $0x8F2B, s0  }
0xc4: {  	[sflag:s0] =	ssyncadd.remote.s32 $0x1  }
0xc5: {  	_ =	sfence.sel $0xFFFF  }
0xc6: {  	[dreg:$0x0] =	wrdreg $0xFFFFFFFF;
	(pc) =	sbr.abs _section_cstart, $3  }
0xc7: {  	[dreg:$0x1] =	wrdreg $0xFFFFFFFF  }
0xc8: {  	_ =	task.clear_ibuf [dreg:s7], $0x2FFFF;
	_ =	strace $0x9FFFFFFF  }
0xc9: {  	(tm) =	ssettm $0x7FFFFFFF  }
tec
execute0_lowered:
.L_overlay_start_1:
0x0: {  	(tag) =	ssettag $0x1  }
0x1: {  	s0 =	rddreg [dreg:$0x0]  }
0x2: {  	s2 =	rddreg [dreg:$0x1]  }
0x3: {  	s1 =	rddreg [dreg:$0x2];
	s3 =	simm.s32 $0x0  }
0x4: {  	s4 =	srdreg.scid;
	s13 =	stileid.u32;
	s28 =	simm.s32 $0x200  }
0x5: {  	s29 =	simm.s32 $0x100;
	s30 =	simm.s32 $0x280;
	s31 =	simm.s32 $0x1  }
0x6: {  	[smem:$0x7FF] =	sst s3;
	s5 =	sand.u32 $0x1, s4;
	s6 =	smul.u32 $0x54000, s13  }
0x7: {  	s4 =	sadd.s32 $0x12E00, s0;
	s8 =	smul.u32 $0x15000, s13;
	s9 =	sadd.s32 $0x66E00, s0  }
0x8: {  	s0 =	sadd.s32 $0x9000, s0;
	s21 =	smul.u32 $0x4EC0, s13;
	s13 =	simm.s32 $0x2  }
0x9: {  	_ =	strace $0x80000050;
	[dreg:$0x4] =	wrdreg s9;
	s10 =	smul.u32 $0x150000, s5  }
0xa: {  	s7 =	ssub.s32 $0x2, s5;
	[dreg:$0x5] =	wrdreg s0;
	s5 =	smul.u32 $0x2760, s5  }
0xb: {  	s9 =	simm.s32 $0xB;
	s23 =	sshrl.u32 s7, $0x1;
	s6 =	sshrl.u32 s6, $0x2  }
0xc: {  	s24 =	sadd.s32 $0x3800, s8;
	s26 =	sadd.s32 $0x7000, s8;
	s16 =	sadd.s32 $0xA800, s8  }
0xd: {  	s17 =	sadd.s32 $0xE000, s8;
	s12 =	sadd.s32 $0x11800, s8;
	s0 =	ssub.s32 s7, s23  }
0xe: {  	s6 =	sadd.s32 s6, s1;
	s25 =	sadd.s32 s24, s1;
	s15 =	sadd.s32 s26, s1  }
0xf: {  	s11 =	sadd.s32 s16, s1;
	s14 =	sadd.s32 s17, s1;
	[dreg:$0x6] =	wrdreg s6  }
0x10: {  	s18 =	sadd.s32 s12, s1;
	s8 =	sadd.s32 s8, s10;
	[dreg:$0x7] =	wrdreg s25  }
0x11: {  	s7 =	sadd.s32 s10, s24;
	s19 =	sadd.s32 s10, s16;
	[dreg:$0x8] =	wrdreg s15  }
0x12: {  	s20 =	sadd.s32 s10, s17;
	s22 =	sadd.s32 s10, s12;
	[dreg:$0x9] =	wrdreg s11  }
0x13: {  	s16 =	simm.s32 $0x3;
	s17 =	simm.s32 $0x6;
	[dreg:$0xa] =	wrdreg s14  }
0x14: {  	[dreg:$0xb] =	wrdreg s18;
	s8 =	sshrl.u32 s8, $0x3;
	s6 =	sadd.s32 s10, s26  }
0x15: {  	s7 =	sshrl.u32 s7, $0x3;
	s24 =	sshrl.u32 s22, $0x3;
	s0 =	smax.u32 s0, $0x1  }
0x16: {  	s25 =	sadd.s32 s5, s21;
	s14 =	simm.s32 $0x5;
	s15 =	simm.s32 $0x3B00  }
0x17: {  	s18 =	simm.s32 $0x7300;
	s10 =	simm.s32 $0xC;
	s8 =	sadd.s32 s2, s8  }
0x18: {  	s6 =	sshrl.u32 s6, $0x3;
	s7 =	sadd.s32 s2, s7;
	[dreg:$0x12] =	wrdreg s0  }
0x19: {  	s26 =	sadd.s32 $0xE0, s25;
	s0 =	sadd.s32 $0x70, s25;
	[dreg:$0xc] =	wrdreg s8  }
0x1a: {  	[dreg:$0xd] =	wrdreg s7;
	s6 =	sadd.s32 s2, s6;
	s7 =	sshrl.u32 s20, $0x3  }
0x1b: {  	s20 =	sshrl.u32 s25, $0x3;
	s21 =	sshrl.u32 s26, $0x3;
	s22 =	sshrl.u32 s0, $0x3  }
0x1c: {  	s25 =	simm.s32 $0x180;
	s26 =	simm.s32 $0x80;
	s0 =	simm.s32 $0x4  }
0x1d: {  	s8 =	simm.s32 $0xA;
	[dreg:$0xe] =	wrdreg s6;
	s6 =	sshrl.u32 s19, $0x3  }
0x1e: {  	s23 =	sadd.s32 s2, s7;
	s19 =	simm.s32 $0x8;
	s7 =	simm.s32 $0x9  }
0x1f: {  	s6 =	sadd.s32 s2, s6;
	[dreg:$0x10] =	wrdreg s23;
	s2 =	sadd.s32 s2, s24  }
0x20: {  	s23 =	simm.s32 $0x300;
	s24 =	simm.s32 $0x7;
	[dreg:$0xf] =	wrdreg s6  }
0x21: {  	v0 =	vimm.f32 $0.0e+00;
	[dreg:$0x11] =	wrdreg s2;
	s2 =	simm.s32 $0x70;
	s6 =	simm.s32 $0x0  }
.LBB2_1:
0x22: {  	s5 =	sand.u32 $0xFE00, s3  }
0x23: {  	[dreg:$0x13] =	wrdreg s6;
	s11 =	sand.u32 $0x70, s3;
	s12 =	sshrl.u32 s5, $0x2  }
0x24: {  	s6 =	simm.s32 $0x0;
	s5 =	simm.s32 $0x40;
	s12 =	sor.u32 s11, s12  }
.LBB2_2:
0x25: {  	p0 =	sne.s32 s5, $0xDFC0  }
0x26: {  	[tilespmem:s12+$0x300] =	vst v0;
	s6 =	sadd.s32 $0x10, s6;
	s12 =	smov.u32 s5;
	s5 =	sadd.s32 $0x40, s5  }
.Ltmp0:
0x27: {  	(pc) =	sbr.rel @p0 .LBB2_2-.Ltmp0, $4  }
0x28: {  	_ = 	snop  }
0x29: {  	s12 =	sand.u32 $0xFE00, s12  }
0x2a: {  	s11 =	sand.u32 $0x70, s6;
	s12 =	sshrl.u32 s12, $0x2  }
0x2b: {  	s12 =	sor.u32 s11, s12  }
0x2c: {  	[tilespmem:s12+$0x300] =	vst v0;
	s5 =	rddreg [dreg:$0x6]  }
0x2d: {  	[spmem:s5] =	stream.linear.scatter [tilespmem:s23], [sflag:$0x7], $0x3800, $0x38;
	[tilespmem:$0x1FB00] =	vst v63  }
0x2e: {  	s12 =	rddreg [dreg:$0x7]  }
0x2f: {  	[spmem:s12] =	stream.linear.scatter [tilespmem:s23], [sflag:$0x7], $0x3800, $0x38;
	[tilespmem:$0x1FB00] =	vst v63  }
0x30: {  	s6 =	rddreg [dreg:$0x8]  }
0x31: {  	[spmem:s6] =	stream.linear.scatter [tilespmem:s23], [sflag:$0x7], $0x3800, $0x38;
	[tilespmem:$0x1FB00] =	vst v63  }
0x32: {  	s11 =	rddreg [dreg:$0x9]  }
0x33: {  	[spmem:s11] =	stream.linear.scatter [tilespmem:s23], [sflag:$0x7], $0x3800, $0x38;
	[tilespmem:$0x1FB00] =	vst v63  }
0x34: {  	s12 =	rddreg [dreg:$0xa]  }
0x35: {  	[spmem:s12] =	stream.linear.scatter [tilespmem:s23], [sflag:$0x7], $0x3800, $0x38;
	[tilespmem:$0x1FB00] =	vst v63  }
0x36: {  	s6 =	rddreg [dreg:$0xb]  }
0x37: {  	[spmem:s6] =	stream.linear.scatter [tilespmem:s23], [sflag:$0x7], $0x3800, $0x38;
	[tilespmem:$0x1FB00] =	vst v63  }
0x38: {  	_ =	swait.ge [sflag:s24], $0x3800  }
0x39: {  	[sflag:s24] =	ssyncset.done $0x0  }
0x3a: {  	[sflag:s24] =	ssyncadd.s32 $0xFFFFC800  }
0x3b: {  	_ =	swait.ge [sflag:s24], $0x3800  }
0x3c: {  	[sflag:s24] =	ssyncset.done $0x0  }
0x3d: {  	[sflag:s24] =	ssyncadd.s32 $0xFFFFC800  }
0x3e: {  	_ =	swait.ge [sflag:s24], $0x3800  }
0x3f: {  	[sflag:s24] =	ssyncset.done $0x0  }
0x40: {  	[sflag:s24] =	ssyncadd.s32 $0xFFFFC800  }
0x41: {  	_ =	swait.ge [sflag:s24], $0x3800  }
0x42: {  	[sflag:s24] =	ssyncset.done $0x0  }
0x43: {  	[sflag:s24] =	ssyncadd.s32 $0xFFFFC800  }
0x44: {  	_ =	swait.ge [sflag:s24], $0x3800  }
0x45: {  	[sflag:s24] =	ssyncset.done $0x0  }
0x46: {  	[sflag:s24] =	ssyncadd.s32 $0xFFFFC800  }
0x47: {  	_ =	swait.ge [sflag:s24], $0x3800  }
0x48: {  	[sflag:s24] =	ssyncset.done $0x0  }
0x49: {  	[sflag:s24] =	ssyncadd.s32 $0xFFFFC800  }
0x4a: {  	[bflag:$0x0] =	sbarrier.arrive $0xFFFF  }
0x4b: {  	s6 =	rddreg [dreg:$0x4]  }
0x4c: {  	s11 =	sadd.s32 s6, s20  }
0x4d: {  	[tilespmem:s3], [sflag:$0x1] =	stream.linear.gather [hbm4b:s11+s3], $0x70, $0x38;
	[tilespmem:$0x1FB00] =	vst v63  }
0x4e: {  	s11 =	rddreg [dreg:$0x5]  }
0x4f: {  	s12 =	sadd.s32 s11, s20  }
0x50: {  	[tilespmem:s25], [sflag:$0x4] =	stream.linear.gather [hbm4b:s12+s3], $0x70, $0x38;
	[tilespmem:$0x1FB00] =	vst v63  }
0x51: {  	s12 =	sadd.s32 s6, s22  }
0x52: {  	[tilespmem:s26], [sflag:$0x2] =	stream.linear.gather [hbm4b:s12+s3], $0x70, $0x38;
	[tilespmem:$0x1FB00] =	vst v63  }
0x53: {  	s12 =	sadd.s32 s11, s22  }
0x54: {  	[tilespmem:s28], [sflag:$0x5] =	stream.linear.gather [hbm4b:s12+s3], $0x70, $0x38;
	[tilespmem:$0x1FB00] =	vst v63  }
0x55: {  	s12 =	sadd.s32 s6, s21  }
0x56: {  	[tilespmem:s29], [sflag:$0x3] =	stream.linear.gather [hbm4b:s12+s3], $0x70, $0x38;
	[tilespmem:$0x1FB00] =	vst v63  }
0x57: {  	s12 =	sadd.s32 s11, s21  }
0x58: {  	[tilespmem:s30], [sflag:$0x6] =	stream.linear.gather [hbm4b:s12+s3], $0x70, $0x38;
	[tilespmem:$0x1FB00] =	vst v63  }
0x59: {  	_ =	swait.ge [sflag:s31], $0x70  }
0x5a: {  	[sflag:s31] =	ssyncset.done $0x0  }
0x5b: {  	[sflag:s31] =	ssyncadd.s32 $0xFFFFFF90  }
0x5c: {  	_ =	swait.ge [sflag:s0], $0x70  }
0x5d: {  	[sflag:s0] =	ssyncset.done $0x0  }
0x5e: {  	[sflag:s0] =	ssyncadd.s32 $0xFFFFFF90  }
0x5f: {  	[tilespmem:s23], [sflag:$0x7] =	stream.indirect.gather [hbm4b:s4+s2], $0x80, s3, s2, $0xb8;
	[tilespmem:$0x1FB00] =	vst v63  }
0x60: {  	_ =	swait.ge [sflag:s13], $0x70  }
0x61: {  	[sflag:s13] =	ssyncset.done $0x0  }
0x62: {  	[sflag:s13] =	ssyncadd.s32 $0xFFFFFF90  }
0x63: {  	_ =	swait.ge [sflag:s14], $0x70  }
0x64: {  	[sflag:s14] =	ssyncset.done $0x0  }
0x65: {  	[sflag:s14] =	ssyncadd.s32 $0xFFFFFF90  }
0x66: {  	[tilespmem:s15], [sflag:$0x8] =	stream.indirect.gather [hbm4b:s4+s2], $0x80, s26, s2, $0xb8;
	[tilespmem:$0x1FB00] =	vst v63  }
0x67: {  	_ =	swait.ge [sflag:s16], $0x70  }
0x68: {  	[sflag:s16] =	ssyncset.done $0x0  }
0x69: {  	[sflag:s16] =	ssyncadd.s32 $0xFFFFFF90  }
0x6a: {  	_ =	swait.ge [sflag:s17], $0x70  }
0x6b: {  	[sflag:s17] =	ssyncset.done $0x0  }
0x6c: {  	[sflag:s17] =	ssyncadd.s32 $0xFFFFFF90  }
0x6d: {  	[tilespmem:s18], [sflag:$0x9] =	stream.indirect.gather [hbm4b:s4+s2], $0x80, s29, s2, $0xb8;
	[tilespmem:$0x1FB00] =	vst v63  }
0x6e: {  	_ =	swait.ge [sflag:s24], $0x3800  }
0x6f: {  	[sflag:s24] =	ssyncset.done $0x0  }
0x70: {  	[sflag:s24] =	ssyncadd.s32 $0xFFFFC800  }
0x71: {  	[spmem:s1] =	stream.indirect.scatter.add.f32 [tilespmem:s23], [sflag:$0xA], $0x80, s25, s2, $0xb8;
	[tilespmem:$0x1FB00] =	vst v63  }
0x72: {  	_ =	swait.ge [sflag:s19], $0x3800  }
0x73: {  	[sflag:s19] =	ssyncset.done $0x0  }
0x74: {  	[sflag:s19] =	ssyncadd.s32 $0xFFFFC800  }
0x75: {  	[spmem:s1] =	stream.indirect.scatter.add.f32 [tilespmem:s15], [sflag:$0xB], $0x80, s28, s2, $0xb8;
	[tilespmem:$0x1FB00] =	vst v63  }
0x76: {  	_ =	swait.ge [sflag:s7], $0x3800  }
0x77: {  	[sflag:s7] =	ssyncset.done $0x0  }
0x78: {  	[sflag:s7] =	ssyncadd.s32 $0xFFFFC800  }
0x79: {  	[spmem:s1] =	stream.indirect.scatter.add.f32 [tilespmem:s18], [sflag:$0xC], $0x80, s30, s2, $0xb8;
	[tilespmem:$0x1FB00] =	vst v63  }
0x7a: {  	_ =	swait.ge [sflag:s8], $0x3800  }
0x7b: {  	[sflag:s8] =	ssyncset.done $0x0  }
0x7c: {  	[sflag:s8] =	ssyncadd.s32 $0xFFFFC800  }
0x7d: {  	_ =	swait.ge [sflag:s9], $0x3800  }
0x7e: {  	[sflag:s9] =	ssyncset.done $0x0  }
0x7f: {  	[sflag:s9] =	ssyncadd.s32 $0xFFFFC800  }
0x80: {  	s5 =	simm.s32 $0x1C;
	_ =	swait.ge [sflag:s10], $0x3800  }
0x81: {  	s12 =	sadd.s32 $0x2A, s6;
	s6 =	smov.u32 s11;
	[sflag:s10] =	ssyncset.done $0x0  }
.LBB2_4:
0x82: {  	s11 =	sadd.s32 s12, s20;
	[sflag:s10] =	ssyncadd.s32 $0xFFFFC800;
	s6 =	sadd.s32 $0x2A, s6  }
0x83: {  	[tilespmem:s3], [sflag:$0x1] =	stream.linear.gather [hbm4b:s11+s3], $0x70, $0x38;
	[tilespmem:$0x1FB00] =	vst v63  }
0x84: {  	p0 =	sne.s32 s5, $0x1;
	s5 =	sadd.s32 $0xFFFFFFFF, s5;
	s11 =	sadd.s32 s6, s20  }
0x85: {  	[tilespmem:s25], [sflag:$0x4] =	stream.linear.gather [hbm4b:s11+s3], $0x70, $0x38;
	[tilespmem:$0x1FB00] =	vst v63  }
0x86: {  	s11 =	sadd.s32 s12, s22  }
0x87: {  	[tilespmem:s26], [sflag:$0x2] =	stream.linear.gather [hbm4b:s11+s3], $0x70, $0x38;
	[tilespmem:$0x1FB00] =	vst v63  }
0x88: {  	s11 =	sadd.s32 s6, s22  }
0x89: {  	[tilespmem:s28], [sflag:$0x5] =	stream.linear.gather [hbm4b:s11+s3], $0x70, $0x38;
	[tilespmem:$0x1FB00] =	vst v63  }
0x8a: {  	s11 =	sadd.s32 s12, s21  }
0x8b: {  	[tilespmem:s29], [sflag:$0x3] =	stream.linear.gather [hbm4b:s11+s3], $0x70, $0x38;
	[tilespmem:$0x1FB00] =	vst v63  }
0x8c: {  	s11 =	sadd.s32 s6, s21  }
0x8d: {  	[tilespmem:s30], [sflag:$0x6] =	stream.linear.gather [hbm4b:s11+s3], $0x70, $0x38;
	[tilespmem:$0x1FB00] =	vst v63  }
0x8e: {  	_ =	swait.ge [sflag:s31], $0x70  }
0x8f: {  	[sflag:s31] =	ssyncset.done $0x0  }
0x90: {  	[sflag:s31] =	ssyncadd.s32 $0xFFFFFF90  }
0x91: {  	_ =	swait.ge [sflag:s0], $0x70  }
0x92: {  	[sflag:s0] =	ssyncset.done $0x0  }
0x93: {  	[sflag:s0] =	ssyncadd.s32 $0xFFFFFF90  }
0x94: {  	[tilespmem:s23], [sflag:$0x7] =	stream.indirect.gather [hbm4b:s4+s2], $0x80, s3, s2, $0xb8;
	[tilespmem:$0x1FB00] =	vst v63  }
0x95: {  	_ =	swait.ge [sflag:s13], $0x70  }
0x96: {  	[sflag:s13] =	ssyncset.done $0x0  }
0x97: {  	[sflag:s13] =	ssyncadd.s32 $0xFFFFFF90  }
0x98: {  	_ =	swait.ge [sflag:s14], $0x70  }
0x99: {  	[sflag:s14] =	ssyncset.done $0x0  }
0x9a: {  	[sflag:s14] =	ssyncadd.s32 $0xFFFFFF90  }
0x9b: {  	[tilespmem:s15], [sflag:$0x8] =	stream.indirect.gather [hbm4b:s4+s2], $0x80, s26, s2, $0xb8;
	[tilespmem:$0x1FB00] =	vst v63  }
0x9c: {  	_ =	swait.ge [sflag:s16], $0x70  }
0x9d: {  	[sflag:s16] =	ssyncset.done $0x0  }
0x9e: {  	[sflag:s16] =	ssyncadd.s32 $0xFFFFFF90  }
0x9f: {  	_ =	swait.ge [sflag:s17], $0x70  }
0xa0: {  	[sflag:s17] =	ssyncset.done $0x0  }
0xa1: {  	[sflag:s17] =	ssyncadd.s32 $0xFFFFFF90  }
0xa2: {  	[tilespmem:s18], [sflag:$0x9] =	stream.indirect.gather [hbm4b:s4+s2], $0x80, s29, s2, $0xb8;
	[tilespmem:$0x1FB00] =	vst v63  }
0xa3: {  	_ =	swait.ge [sflag:s24], $0x3800  }
0xa4: {  	[sflag:s24] =	ssyncset.done $0x0  }
0xa5: {  	[sflag:s24] =	ssyncadd.s32 $0xFFFFC800  }
0xa6: {  	[spmem:s1] =	stream.indirect.scatter.add.f32 [tilespmem:s23], [sflag:$0xA], $0x80, s25, s2, $0xb8;
	[tilespmem:$0x1FB00] =	vst v63  }
0xa7: {  	_ =	swait.ge [sflag:s19], $0x3800  }
0xa8: {  	[sflag:s19] =	ssyncset.done $0x0  }
0xa9: {  	[sflag:s19] =	ssyncadd.s32 $0xFFFFC800  }
0xaa: {  	[spmem:s1] =	stream.indirect.scatter.add.f32 [tilespmem:s15], [sflag:$0xB], $0x80, s28, s2, $0xb8;
	[tilespmem:$0x1FB00] =	vst v63  }
0xab: {  	_ =	swait.ge [sflag:s7], $0x3800  }
0xac: {  	[sflag:s7] =	ssyncset.done $0x0  }
0xad: {  	[sflag:s7] =	ssyncadd.s32 $0xFFFFC800  }
0xae: {  	[spmem:s1] =	stream.indirect.scatter.add.f32 [tilespmem:s18], [sflag:$0xC], $0x80, s30, s2, $0xb8;
	[tilespmem:$0x1FB00] =	vst v63  }
0xaf: {  	_ =	swait.ge [sflag:s8], $0x3800  }
0xb0: {  	[sflag:s8] =	ssyncset.done $0x0  }
0xb1: {  	[sflag:s8] =	ssyncadd.s32 $0xFFFFC800  }
.Ltmp1:
0xb2: {  	_ =	swait.ge [sflag:s9], $0x3800;
	(pc) =	sbr.rel @p0 .LBB2_4-.Ltmp1, $4  }
0xb3: {  	[sflag:s9] =	ssyncset.done $0x0  }
0xb4: {  	[sflag:s9] =	ssyncadd.s32 $0xFFFFC800  }
0xb5: {  	_ =	swait.ge [sflag:s10], $0x3800  }
0xb6: {  	s12 =	sadd.s32 $0x2A, s12;
	[sflag:s10] =	ssyncset.done $0x0  }
0xb7: {  	s5 =	sadd.s32 s12, s20;
	[sflag:s10] =	ssyncadd.s32 $0xFFFFC800;
	s6 =	sadd.s32 $0x2A, s6  }
0xb8: {  	[tilespmem:s3], [sflag:$0x1] =	stream.linear.gather [hbm4b:s5+s3], $0x70, $0x38;
	[tilespmem:$0x1FB00] =	vst v63  }
0xb9: {  	s11 =	sadd.s32 s6, s20  }
0xba: {  	[tilespmem:s25], [sflag:$0x4] =	stream.linear.gather [hbm4b:s11+s3], $0x70, $0x38;
	[tilespmem:$0x1FB00] =	vst v63  }
0xbb: {  	s11 =	sadd.s32 s12, s22  }
0xbc: {  	[tilespmem:s26], [sflag:$0x2] =	stream.linear.gather [hbm4b:s11+s3], $0x70, $0x38;
	[tilespmem:$0x1FB00] =	vst v63  }
0xbd: {  	s11 =	sadd.s32 s6, s22  }
0xbe: {  	[tilespmem:s28], [sflag:$0x5] =	stream.linear.gather [hbm4b:s11+s3], $0x70, $0x38;
	[tilespmem:$0x1FB00] =	vst v63  }
0xbf: {  	s12 =	sadd.s32 s12, s21  }
0xc0: {  	[tilespmem:s29], [sflag:$0x3] =	stream.linear.gather [hbm4b:s12+s3], $0x70, $0x38;
	[tilespmem:$0x1FB00] =	vst v63  }
0xc1: {  	s6 =	sadd.s32 s6, s21  }
0xc2: {  	[tilespmem:s30], [sflag:$0x6] =	stream.linear.gather [hbm4b:s6+s3], $0x70, $0x38;
	[tilespmem:$0x1FB00] =	vst v63  }
0xc3: {  	_ =	swait.ge [sflag:s31], $0x70  }
0xc4: {  	[sflag:s31] =	ssyncset.done $0x0  }
0xc5: {  	[sflag:s31] =	ssyncadd.s32 $0xFFFFFF90  }
0xc6: {  	_ =	swait.ge [sflag:s0], $0x70  }
0xc7: {  	[sflag:s0] =	ssyncset.done $0x0  }
0xc8: {  	[sflag:s0] =	ssyncadd.s32 $0xFFFFFF90  }
0xc9: {  	[tilespmem:s23], [sflag:$0x7] =	stream.indirect.gather [hbm4b:s4+s2], $0x80, s3, s2, $0xb8;
	[tilespmem:$0x1FB00] =	vst v63  }
0xca: {  	_ =	swait.ge [sflag:s13], $0x70  }
0xcb: {  	[sflag:s13] =	ssyncset.done $0x0  }
0xcc: {  	[sflag:s13] =	ssyncadd.s32 $0xFFFFFF90  }
0xcd: {  	_ =	swait.ge [sflag:s14], $0x70  }
0xce: {  	[sflag:s14] =	ssyncset.done $0x0  }
0xcf: {  	[sflag:s14] =	ssyncadd.s32 $0xFFFFFF90  }
0xd0: {  	[tilespmem:s15], [sflag:$0x8] =	stream.indirect.gather [hbm4b:s4+s2], $0x80, s26, s2, $0xb8;
	[tilespmem:$0x1FB00] =	vst v63  }
0xd1: {  	_ =	swait.ge [sflag:s16], $0x70  }
0xd2: {  	[sflag:s16] =	ssyncset.done $0x0  }
0xd3: {  	[sflag:s16] =	ssyncadd.s32 $0xFFFFFF90  }
0xd4: {  	_ =	swait.ge [sflag:s17], $0x70  }
0xd5: {  	[sflag:s17] =	ssyncset.done $0x0  }
0xd6: {  	[sflag:s17] =	ssyncadd.s32 $0xFFFFFF90  }
0xd7: {  	[tilespmem:s18], [sflag:$0x9] =	stream.indirect.gather [hbm4b:s4+s2], $0x80, s29, s2, $0xb8;
	[tilespmem:$0x1FB00] =	vst v63  }
0xd8: {  	_ =	swait.ge [sflag:s24], $0x3800  }
0xd9: {  	[sflag:s24] =	ssyncset.done $0x0  }
0xda: {  	[sflag:s24] =	ssyncadd.s32 $0xFFFFC800  }
0xdb: {  	[spmem:s1] =	stream.indirect.scatter.add.f32 [tilespmem:s23], [sflag:$0xA], $0x80, s25, s2, $0xb8;
	[tilespmem:$0x1FB00] =	vst v63  }
0xdc: {  	_ =	swait.ge [sflag:s19], $0x3800  }
0xdd: {  	[sflag:s19] =	ssyncset.done $0x0  }
0xde: {  	[sflag:s19] =	ssyncadd.s32 $0xFFFFC800  }
0xdf: {  	[spmem:s1] =	stream.indirect.scatter.add.f32 [tilespmem:s15], [sflag:$0xB], $0x80, s28, s2, $0xb8;
	[tilespmem:$0x1FB00] =	vst v63  }
0xe0: {  	_ =	swait.ge [sflag:s7], $0x3800  }
0xe1: {  	[sflag:s7] =	ssyncset.done $0x0  }
0xe2: {  	[sflag:s7] =	ssyncadd.s32 $0xFFFFC800  }
0xe3: {  	[spmem:s1] =	stream.indirect.scatter.add.f32 [tilespmem:s18], [sflag:$0xC], $0x80, s30, s2, $0xb8;
	[tilespmem:$0x1FB00] =	vst v63  }
0xe4: {  	_ =	swait.ge [sflag:s8], $0x3800  }
0xe5: {  	[sflag:s8] =	ssyncset.done $0x0  }
0xe6: {  	[sflag:s8] =	ssyncadd.s32 $0xFFFFC800  }
0xe7: {  	_ =	swait.ge [sflag:s9], $0x3800  }
0xe8: {  	[sflag:s9] =	ssyncset.done $0x0  }
0xe9: {  	[sflag:s9] =	ssyncadd.s32 $0xFFFFC800  }
0xea: {  	_ =	swait.ge [sflag:s10], $0x3800  }
0xeb: {  	[sflag:s10] =	ssyncset.done $0x0  }
0xec: {  	[sflag:s10] =	ssyncadd.s32 $0xFFFFC800  }
0xed: {  	s11 =	stileid.u32;
	[bflag:$0x0] =	sbarrier.arrive $0xFFFF  }
0xee: {  	s5 =	sshll.u32 s11, $0x6;
	s12 =	rddreg [dreg:$0x6]  }
0xef: {  	s5 =	sor.u32 $0x1C07, s5;
	s11 =	rddreg [dreg:$0xc];
	s6 =	sshrl.u32 s12, $0x3  }
0xf0: {  	[hbm:s11], [sflag:s5] =	dma.local [spmem:s6], $0x700  }
0xf1: {  	s6 =	rddreg [dreg:$0x7]  }
0xf2: {  	s11 =	rddreg [dreg:$0xd];
	s6 =	sshrl.u32 s6, $0x3  }
0xf3: {  	[hbm:s11], [sflag:s5] =	dma.local [spmem:s6], $0x700  }
0xf4: {  	s6 =	rddreg [dreg:$0x8]  }
0xf5: {  	s11 =	rddreg [dreg:$0xe];
	s6 =	sshrl.u32 s6, $0x3  }
0xf6: {  	[hbm:s11], [sflag:s5] =	dma.local [spmem:s6], $0x700  }
0xf7: {  	s6 =	rddreg [dreg:$0x9]  }
0xf8: {  	s11 =	rddreg [dreg:$0xf];
	s6 =	sshrl.u32 s6, $0x3  }
0xf9: {  	[hbm:s11], [sflag:s5] =	dma.local [spmem:s6], $0x700  }
0xfa: {  	s6 =	rddreg [dreg:$0xa]  }
0xfb: {  	s11 =	rddreg [dreg:$0x10];
	s6 =	sshrl.u32 s6, $0x3  }
0xfc: {  	[hbm:s11], [sflag:s5] =	dma.local [spmem:s6], $0x700  }
0xfd: {  	s6 =	rddreg [dreg:$0xb]  }
0xfe: {  	s11 =	rddreg [dreg:$0x11];
	s6 =	sshrl.u32 s6, $0x3  }
0xff: {  	[hbm:s11], [sflag:s5] =	dma.local [spmem:s6], $0x700  }
0x100: {  	_ =	swait.ge [sflag:s24], $0x700  }
0x101: {  	[sflag:s24] =	ssyncset.done $0x0  }
0x102: {  	[sflag:s24] =	ssyncadd.s32 $0xFFFFF900  }
0x103: {  	_ =	swait.ge [sflag:s24], $0x700  }
0x104: {  	[sflag:s24] =	ssyncset.done $0x0  }
0x105: {  	[sflag:s24] =	ssyncadd.s32 $0xFFFFF900  }
0x106: {  	_ =	swait.ge [sflag:s24], $0x700  }
0x107: {  	[sflag:s24] =	ssyncset.done $0x0  }
0x108: {  	[sflag:s24] =	ssyncadd.s32 $0xFFFFF900  }
0x109: {  	_ =	swait.ge [sflag:s24], $0x700  }
0x10a: {  	[sflag:s24] =	ssyncset.done $0x0  }
0x10b: {  	[sflag:s24] =	ssyncadd.s32 $0xFFFFF900  }
0x10c: {  	_ =	swait.ge [sflag:s24], $0x700  }
0x10d: {  	[sflag:s24] =	ssyncset.done $0x0  }
0x10e: {  	[sflag:s24] =	ssyncadd.s32 $0xFFFFF900  }
0x10f: {  	_ =	swait.ge [sflag:s24], $0x700  }
0x110: {  	s11 =	rddreg [dreg:$0x13]  }
0x111: {  	s12 =	rddreg [dreg:$0x12];
	s6 =	sadd.s32 $0x1, s11  }
0x112: {  	p0 =	sne.s32 s6, s12  }
.Ltmp2:
0x113: {  	_ = 	snop;
	(pc) =	sbr.rel @p0 .LBB2_1-.Ltmp2, $3  }
0x114: {  	_ =	sdelay $0x1  }
0x115: {  	[sflag:s24] =	ssyncset.done $0x0  }
0x116: {  	[sflag:s24] =	ssyncadd.s32 $0xFFFFF900  }
0x117: {  	_ =	sfence.sel $0x180000  }
0x118: {  	[bflag:$0x0] =	sbarrier.arrive $0xFFFF  }
0x119: {  	_ =	strace $0x90000050  }
0x11a: {  	s0 =	stileid.u32;
	[bflag:$0x2] =	sbarrier.arrive $0xFFFF  }
0x11b: {  	p0 =	sne.s32 s0, $0x0;
	s0 =	rddreg [dreg:$0x3]  }
0x11c: {  	s0 =	sadd.s32 @!p0 $0x100000, s0  }
0x11d: {  	[sflag:s0] =	ssyncadd.tile.s32 @!p0 $0x1;
	_ =	shalt  }
.Lfunc_end2:
_tile_overlayer_lowered:
.L_overlay_start_2:
0x11e: {  	(tag) =	ssettag $0x2  }
0x11f: {  	s0 =	rddreg [dreg:$0x0];
	s2 =	stileid.u32  }
0x120: {  	s1 =	rddreg [dreg:$0x1];
	p0 =	sne.s32 s2, $0x0  }
0x121: {  	s3 =	rddreg [dreg:$0x2];
	[bflag:$0x3] =	sbarrier.arrive $0xFFFF;
	s2 =	simm.s32 @!p0 $0x1C0D  }
0x122: {  	[timem:s3], [sflag:s2] =	dma.local @!p0 [hbm:s0], s1  }
0x123: {  	s0 =	simm.s32 @!p0 $0xD  }
0x124: {  	_ =	swait.ge @!p0 [sflag:s0], s1  }
0x125: {  	s1 =	ssub.s32 @!p0 $0x0, s1;
	[sflag:s0] =	ssyncset.done @!p0 $0x0  }
0x126: {  	[sflag:s0] =	ssyncadd.s32 @!p0 s1  }
0x127: {  	[bflag:$0x3] =	sbarrier.arrive $0xFFFF  }
0x128: {  	_ =	shalt  }

// kernel: kernel.24.cloned.1.call-start
scs
__scs_entry_jumppad:
0x0: {  	(pc) =	sbr.rel $0x88, $3  }
0x1: {  	(tag) =	ssettag $0x0;
	lr =	simm.s32 $0x1  }
0x2: {  	[smem:$0x3F8B] =	sst lr;
	_ =	strace $0xD0000000  }
0x3: {  	_ = 	snop  }
0x4: {  	_ = 	snop  }
0x5: {  	_ = 	snop  }
0x6: {  	_ = 	snop  }
0x7: {  	_ = 	snop  }
__scs_overlays_trampoline_lowered:
0x8: {  	[smem:$0x3F9A] =	sst s0  }
0x9: {  	[smem:$0x3F9B] =	sst s1  }
0xa: {  	[smem:$0x3F9C] =	sst s2  }
0xb: {  	[smem:$0x3F9D] =	sst s3  }
0xc: {  	[smem:$0x3F9E] =	sst s4  }
0xd: {  	[smem:$0x3F9F] =	sst s5  }
0xe: {  	[smem:$0x3FA0] =	sst s6  }
0xf: {  	[smem:$0x3FA1] =	sst s7  }
0x10: {  	[smem:$0x3FA2] =	sst s8  }
0x11: {  	[smem:$0x3FA3] =	sst s9;
	s0 =	simm.s32 @!p0 $0x0  }
0x12: {  	s1 =	sld [smem:$0x3F89];
	s0 =	simm.s32 @p0 $0x1  }
0x13: {  	[smem:$0x3FA4] =	sst s0;
	s0 =	simm.s32 @!p1 $0x0  }
0x14: {  	s2 =	sld [smem:$0x3F88];
	s0 =	simm.s32 @p1 $0x1  }
0x15: {  	[smem:$0x3FA5] =	sst s0;
	s0 =	simm.s32 @!p2 $0x0  }
0x16: {  	s3 =	sld [smem:$0x3FDB];
	s0 =	simm.s32 @p2 $0x1  }
0x17: {  	s4 =	simm.s32 $0x1BF5;
	[smem:$0x3FA7] =	sst s0  }
0x18: {  	s0 =	sld [smem:$0x3F8A];
	_ =	swait.ge [sflag:s4], $0x0  }
0x19: {  	s7 =	sld [smem:$0x3F8B]  }
0x1a: {  	s8 =	sadd.s32 $0xFFFFE003, lr  }
0x1b: {  	s9 =	sadd.s32 $0xFFFFFEF7, lr;
	s5 =	simm.s32 $0xFFFFFFFF;
	p2 =	slt.u32 s8, $0xFFFFF086  }
0x1c: {  	p1 =	slt.u32 s9, $0xF7A;
	s5 =	simm.s32 @!p2 $0x0  }
0x1d: {  	s5 =	simm.s32 @p1 $0x1;
	p0 =	seq.s32 s7, s2  }
0x1e: {  	s7 =	smul.u32 @!p0 $0xF7A, s2;
	p2 =	seq.s32 @!p0 s5, $0x0  }
0x1f: {  	s9 =	smul.u32 $0xF7A, s1;
	s8 =	simm.s32 @!p0 $0x1BF5;
	p2 =	por !p2, p0  }
0x20: {  	[sflag:s8] =	ssyncset.s32 @!p0 $0xFFFFF086;
	s6 =	sadd.s32 @!p0 s3, s7;
	s7 =	simm.s32 @!p0 $0x108  }
0x21: {  	s3 =	sadd.s32 s3, s9;
	s6 =	sadd.s32 @!p0 $0x88, s6;
	s7 =	simm.s32 @p2 $0x1082  }
0x22: {  	[simem:s7], [sflag:s8] =	dma.local @!p0 [hbm:s6], $0xF7A  }
0x23: {  	s9 =	sor.u32 $0xD0000000, s2;
	s6 =	simm.s32 $0x108;
	_ =	swait.ge @!p0 [sflag:s8], $0x0  }
0x24: {  	s3 =	sadd.s32 $0x88, s3;
	s6 =	simm.s32 @!p1 $0x1082;
	[sflag:s4] =	ssyncset.s32 $0xFFFFF086  }
0x25: {  	[simem:s6], [sflag:s4] =	dma.local [hbm:s3], $0xF7A  }
0x26: {  	[smem:$0x3F8B] =	sst s1;
	(tag) =	ssettag s2;
	_ =	strace s9  }
0x27: {  	s1 =	sld [smem:$0x3F9B]  }
0x28: {  	s2 =	sld [smem:$0x3F9C]  }
0x29: {  	s4 =	sld [smem:$0x3F9E]  }
0x2a: {  	p0 =	seq.s32 s5, $0x0;
	s5 =	sld [smem:$0x3F9F]  }
0x2b: {  	s6 =	sld [smem:$0x3FA0]  }
0x2c: {  	s7 =	sld [smem:$0x3FA1]  }
0x2d: {  	s3 =	simm.s32 $0x108;
	s8 =	sld [smem:$0x3FA2]  }
0x2e: {  	s3 =	simm.s32 @!p0 $0x1082;
	s9 =	sld [smem:$0x3FA3]  }
0x2f: {  	lr =	sadd.s32 s0, s3;
	s0 =	sld [smem:$0x3F9A]  }
0x30: {  	s3 =	sld [smem:$0x3F9D]  }
0x31: {  	[smem:$0x3FA6] =	sst s10  }
0x32: {  	s10 =	sld [smem:$0x3FA4];
	_ =	sdelay $0x3  }
0x33: {  	p0 =	seq.s32 s10, $0x1;
	s10 =	sld [smem:$0x3FA6];
	_ =	sdelay $0x3  }
0x34: {  	[smem:$0x3FA6] =	sst s10  }
0x35: {  	s10 =	sld [smem:$0x3FA5];
	_ =	sdelay $0x3  }
0x36: {  	p1 =	seq.s32 s10, $0x1;
	s10 =	sld [smem:$0x3FA6];
	_ =	sdelay $0x3  }
0x37: {  	[smem:$0x3FA6] =	sst s10  }
0x38: {  	s10 =	sld [smem:$0x3FA7]  }
0x39: {  	_ = 	snop;
	(pc) =	sbr.ind lr, $3  }
0x3a: {  	_ = 	snop  }
0x3b: {  	_ = 	snop  }
0x3c: {  	p2 =	seq.s32 s10, $0x1;
	s10 =	sld [smem:$0x3FA6]  }
0x3d: {  	_ =	shalt  }
0x3e: {  	_ =	shalt  }
0x3f: {  	_ =	shalt  }
0x40: {  	_ =	shalt  }
0x41: {  	_ =	shalt  }
0x42: {  	_ =	shalt  }
0x43: {  	_ =	shalt  }
0x44: {  	_ =	shalt  }
0x45: {  	_ =	shalt  }
0x46: {  	_ =	shalt  }
0x47: {  	_ =	shalt  }
0x48: {  	_ =	shalt  }
0x49: {  	_ =	shalt  }
0x4a: {  	_ =	shalt  }
0x4b: {  	_ =	shalt  }
0x4c: {  	_ =	shalt  }
0x4d: {  	_ =	shalt  }
0x4e: {  	_ =	shalt  }
0x4f: {  	_ =	shalt  }
0x50: {  	_ =	shalt  }
0x51: {  	_ =	shalt  }
0x52: {  	_ =	shalt  }
0x53: {  	_ =	shalt  }
0x54: {  	_ =	shalt  }
0x55: {  	_ =	shalt  }
0x56: {  	_ =	shalt  }
0x57: {  	_ =	shalt  }
0x58: {  	_ =	shalt  }
0x59: {  	_ =	shalt  }
0x5a: {  	_ =	shalt  }
0x5b: {  	_ =	shalt  }
0x5c: {  	_ =	shalt  }
0x5d: {  	_ =	shalt  }
0x5e: {  	_ =	shalt  }
0x5f: {  	_ =	shalt  }
0x60: {  	_ =	shalt  }
0x61: {  	_ =	shalt  }
0x62: {  	_ =	shalt  }
0x63: {  	_ =	shalt  }
0x64: {  	_ =	shalt  }
0x65: {  	_ =	shalt  }
0x66: {  	_ =	shalt  }
0x67: {  	_ =	shalt  }
0x68: {  	_ =	shalt  }
0x69: {  	_ =	shalt  }
0x6a: {  	_ =	shalt  }
0x6b: {  	_ =	shalt  }
0x6c: {  	_ =	shalt  }
0x6d: {  	_ =	shalt  }
0x6e: {  	_ =	shalt  }
0x6f: {  	_ =	shalt  }
0x70: {  	_ =	shalt  }
0x71: {  	_ =	shalt  }
0x72: {  	_ =	shalt  }
0x73: {  	_ =	shalt  }
0x74: {  	_ =	shalt  }
0x75: {  	_ =	shalt  }
0x76: {  	_ =	shalt  }
0x77: {  	_ =	shalt  }
0x78: {  	_ =	shalt  }
0x79: {  	_ =	shalt  }
0x7a: {  	_ =	shalt  }
0x7b: {  	_ =	shalt  }
0x7c: {  	_ =	shalt  }
0x7d: {  	_ =	shalt  }
0x7e: {  	_ =	shalt  }
0x7f: {  	_ =	shalt  }
0x80: {  	_ =	shalt  }
0x81: {  	_ =	shalt  }
0x82: {  	_ =	shalt  }
0x83: {  	_ =	shalt  }
0x84: {  	_ =	shalt  }
0x85: {  	_ =	shalt  }
0x86: {  	_ =	shalt  }
0x87: {  	_ =	shalt  }
.Lfunc_end0:
.L_simem_size_0:
called_computation.5_lowered:
.L_overlay_start_0:
0x88: {  	s2 =	sld [smem:$0x3FD9]  }
0x89: {  	s3 =	sld [smem:$0x3FFE];
	_ =	sdelay $0x1  }
0x8a: {  	s1 =	srdreg.scid  }
0x8b: {  	s0 =	sand.u32 $0x1, s1  }
0x8c: {  	s14 =	sshll.u32 s0, $0xA;
	s2 =	sadd.s32 s3, s2  }
0x8d: {  	s2 =	sadd.s32 s2, s14  }
0x8e: {  	[smem:$0x3FB2] =	sst s2  }
0x8f: {  	_ = 	snop  }
0x90: {  	s2 =	sld [smem:$0x3FD0];
	_ =	sdelay $0x2  }
0x91: {  	s15 =	simm.s32 $0xA;
	s4 =	simm.s32 $0x10  }
0x92: {  	[smem:s4], [sflag:s15] =	dma.local [hbm:s2], $0x1  }
0x93: {  	_ =	swait.eq [sflag:s15], $0x1  }
0x94: {  	[sflag:s15] =	ssyncset.done $0x0  }
0x95: {  	[sflag:s15] =	ssyncadd.s32 $0xFFFFFFFF  }
0x96: {  	s16 =	sld [smem:$0x10];
	(tm) =	ssettm $0x1  }
0x97: {  	s17 =	sld [smem:$0x3FFB];
	_ =	sdelay $0x3  }
0x98: {  	_ =	strace s17  }
0x99: {  	s3 =	sld [smem:$0x3FFC];
	_ =	sdelay $0x3  }
0x9a: {  	_ =	strace s3  }
0x9b: {  	s3 =	sld [smem:$0x3FFD];
	_ =	sdelay $0x3  }
0x9c: {  	_ =	strace s3  }
0x9d: {  	_ =	strace $0x8FFFFFFF  }
0x9e: {  	s18 =	sld [smem:$0x3FDB];
	_ =	sdelay $0x1  }
0x9f: {  	s19 =	simm.s32 $_scs_section_size  }
0xa0: {  	s5 =	simm.s32 $_size__tile_overlayer_lowered;
	s6 =	simm.s32 $_tile_overlayer_lowered  }
0xa1: {  	s22 =	simm.s32 $0x1BFF;
	s21 =	sshll.u32 s6, $0x1;
	s3 =	sadd.s32 s19, s18  }
0xa2: {  	s7 =	simm.s32 $0x0;
	s20 =	sshll.u32 s5, $0x1;
	s5 =	sadd.s32 s21, s3  }
0xa3: {  	[timem:s7], [sflag:s22] =	dma.local [hbm:s5], s20  }
0xa4: {  	_ =	swait.ge [sflag:s22], s20  }
0xa5: {  	s4 =	ssub.s32 $0x0, s20;
	[sflag:s22] =	ssyncset.done $0x0  }
0xa6: {  	[sflag:s22] =	ssyncadd.s32 s4;
	_ =	sdelay $0x1  }
0xa7: {  	s23 =	simm.s32 $0x1B8B  }
0xa8: {  	_ =	swait.ge [sflag:s23], $0x1  }
0xa9: {  	[sflag:s23] =	ssyncset.done $0x0  }
0xaa: {  	s25 =	simm.s32 $0x1B8E;
	s24 =	sld [smem:$0x3FFE];
	[sflag:s23] =	ssyncadd.s32 $0xFFFFFFFF  }
0xab: {  	s26 =	simm.s32 $execute0_lowered;
	[smem:$0x3FD2] =	sst s25  }
0xac: {  	s5 =	sshll.u32 s26, $0x1;
	_ =	strace $0x80000052;
	[dreg:$0x1] =	wrdreg $0xFFFFFFFF  }
0xad: {  	s28 =	simm.s32 $_size_execute0_lowered;
	s3 =	sadd.s32 s3, s5;
	[dreg:$0x0] =	wrdreg $0x0  }
0xae: {  	s5 =	sshll.u32 s28, $0x1;
	[dreg:$0x2] =	wrdreg s3  }
0xaf: {  	[dreg:$0x3] =	wrdreg s5  }
0xb0: {  	[dreg:$0x4] =	wrdreg $0xC0  }
0xb1: {  	_ =	task [dreg:s7], $0x5FFFF  }
0xb2: {  	[dreg:$0x1] =	wrdreg $0xFFFFFFFF  }
0xb3: {  	[dreg:$0x0] =	wrdreg $0x60  }
0xb4: {  	[dreg:$0x2] =	wrdreg s24  }
0xb5: {  	[dreg:$0x3] =	wrdreg s16  }
0xb6: {  	[dreg:$0x4] =	wrdreg $0xAB000  }
0xb7: {  	[dreg:$0x5] =	wrdreg $0x9  }
0xb8: {  	_ =	task.clear_ibuf [dreg:s7], $0x6FFFF;
	_ =	strace $0x90000052  }
0xb9: {  	s29 =	simm.s32 $0x9;
	_ =	strace $0x80000054  }
0xba: {  	_ =	swait.ge [sflag:s29], $0x1  }
0xbb: {  	[sflag:s29] =	ssyncadd.s32 $0xFFFFFFFF  }
0xbc: {  	_ =	strace $0x90000054  }
0xbd: {  	_ =	sfence  }
0xbe: {  	s30 =	sld [smem:$0x0];
	_ =	sdelay $0x2  }
0xbf: {  	s31 =	sshll.u32 s1, $0xD;
	s1 =	sshrl.u32 s1, $0x2  }
0xc0: {  	s3 =	sand.u32 $0x4000, s31;
	s1 =	sadd.s32 s1, s30  }
0xc1: {  	s0 =	sor.u32 s3, s0;
	s1 =	sshll.u32 s1, $0x11  }
0xc2: {  	s0 =	sor.u32 s1, s0  }
0xc3: {  	s0 =	sadd.s32 $0x8F2B, s0  }
0xc4: {  	[sflag:s0] =	ssyncadd.remote.s32 $0x1  }
0xc5: {  	_ =	sfence.sel $0xFFFF  }
0xc6: {  	[dreg:$0x0] =	wrdreg $0xFFFFFFFF;
	(pc) =	sbr.abs _section_cstart, $3  }
0xc7: {  	[dreg:$0x1] =	wrdreg $0xFFFFFFFF  }
0xc8: {  	_ =	task.clear_ibuf [dreg:s7], $0x2FFFF;
	_ =	strace $0x9FFFFFFF  }
0xc9: {  	(tm) =	ssettm $0x7FFFFFFF  }
tec
execute0_lowered:
.L_overlay_start_1:
0x0: {  	(tag) =	ssettag $0x1  }
0x1: {  	s0 =	rddreg [dreg:$0x0]  }
0x2: {  	s2 =	rddreg [dreg:$0x1]  }
0x3: {  	s1 =	rddreg [dreg:$0x2];
	s3 =	simm.s32 $0x0  }
0x4: {  	s4 =	srdreg.scid;
	s13 =	stileid.u32;
	s28 =	simm.s32 $0x200  }
0x5: {  	s29 =	simm.s32 $0x100;
	s30 =	simm.s32 $0x280;
	s31 =	simm.s32 $0x1  }
0x6: {  	[smem:$0x7FF] =	sst s3;
	s5 =	sand.u32 $0x1, s4;
	s6 =	smul.u32 $0x54000, s13  }
0x7: {  	s4 =	sadd.s32 $0x12E00, s0;
	s8 =	smul.u32 $0x15000, s13;
	s9 =	sadd.s32 $0x66E00, s0  }
0x8: {  	s0 =	sadd.s32 $0x9000, s0;
	s21 =	smul.u32 $0x4EC0, s13;
	s13 =	simm.s32 $0x2  }
0x9: {  	_ =	strace $0x80000053;
	[dreg:$0x4] =	wrdreg s9;
	s10 =	smul.u32 $0x150000, s5  }
0xa: {  	s7 =	ssub.s32 $0x2, s5;
	[dreg:$0x5] =	wrdreg s0;
	s5 =	smul.u32 $0x2760, s5  }
0xb: {  	s9 =	simm.s32 $0xB;
	s23 =	sshrl.u32 s7, $0x1;
	s6 =	sshrl.u32 s6, $0x2  }
0xc: {  	s24 =	sadd.s32 $0x3800, s8;
	s26 =	sadd.s32 $0x7000, s8;
	s16 =	sadd.s32 $0xA800, s8  }
0xd: {  	s17 =	sadd.s32 $0xE000, s8;
	s12 =	sadd.s32 $0x11800, s8;
	s0 =	ssub.s32 s7, s23  }
0xe: {  	s6 =	sadd.s32 s6, s1;
	s25 =	sadd.s32 s24, s1;
	s15 =	sadd.s32 s26, s1  }
0xf: {  	s11 =	sadd.s32 s16, s1;
	s14 =	sadd.s32 s17, s1;
	[dreg:$0x6] =	wrdreg s6  }
0x10: {  	s18 =	sadd.s32 s12, s1;
	s8 =	sadd.s32 s8, s10;
	[dreg:$0x7] =	wrdreg s25  }
0x11: {  	s7 =	sadd.s32 s10, s24;
	s19 =	sadd.s32 s10, s16;
	[dreg:$0x8] =	wrdreg s15  }
0x12: {  	s20 =	sadd.s32 s10, s17;
	s22 =	sadd.s32 s10, s12;
	[dreg:$0x9] =	wrdreg s11  }
0x13: {  	s16 =	simm.s32 $0x3;
	s17 =	simm.s32 $0x6;
	[dreg:$0xa] =	wrdreg s14  }
0x14: {  	[dreg:$0xb] =	wrdreg s18;
	s8 =	sshrl.u32 s8, $0x3;
	s6 =	sadd.s32 s10, s26  }
0x15: {  	s7 =	sshrl.u32 s7, $0x3;
	s24 =	sshrl.u32 s22, $0x3;
	s0 =	smax.u32 s0, $0x1  }
0x16: {  	s25 =	sadd.s32 s5, s21;
	s14 =	simm.s32 $0x5;
	s15 =	simm.s32 $0x3B00  }
0x17: {  	s18 =	simm.s32 $0x7300;
	s10 =	simm.s32 $0xC;
	s8 =	sadd.s32 s2, s8  }
0x18: {  	s6 =	sshrl.u32 s6, $0x3;
	s7 =	sadd.s32 s2, s7;
	[dreg:$0x12] =	wrdreg s0  }
0x19: {  	s26 =	sadd.s32 $0xE0, s25;
	s0 =	sadd.s32 $0x70, s25;
	[dreg:$0xc] =	wrdreg s8  }
0x1a: {  	[dreg:$0xd] =	wrdreg s7;
	s6 =	sadd.s32 s2, s6;
	s7 =	sshrl.u32 s20, $0x3  }
0x1b: {  	s20 =	sshrl.u32 s25, $0x3;
	s21 =	sshrl.u32 s26, $0x3;
	s22 =	sshrl.u32 s0, $0x3  }
0x1c: {  	s25 =	simm.s32 $0x180;
	s26 =	simm.s32 $0x80;
	s0 =	simm.s32 $0x4  }
0x1d: {  	s8 =	simm.s32 $0xA;
	[dreg:$0xe] =	wrdreg s6;
	s6 =	sshrl.u32 s19, $0x3  }
0x1e: {  	s23 =	sadd.s32 s2, s7;
	s19 =	simm.s32 $0x8;
	s7 =	simm.s32 $0x9  }
0x1f: {  	s6 =	sadd.s32 s2, s6;
	[dreg:$0x10] =	wrdreg s23;
	s2 =	sadd.s32 s2, s24  }
0x20: {  	s23 =	simm.s32 $0x300;
	s24 =	simm.s32 $0x7;
	[dreg:$0xf] =	wrdreg s6  }
0x21: {  	v0 =	vimm.f32 $0.0e+00;
	[dreg:$0x11] =	wrdreg s2;
	s2 =	simm.s32 $0x70;
	s6 =	simm.s32 $0x0  }
.LBB2_1:
0x22: {  	s5 =	sand.u32 $0xFE00, s3  }
0x23: {  	[dreg:$0x13] =	wrdreg s6;
	s11 =	sand.u32 $0x70, s3;
	s12 =	sshrl.u32 s5, $0x2  }
0x24: {  	s6 =	simm.s32 $0x0;
	s5 =	simm.s32 $0x40;
	s12 =	sor.u32 s11, s12  }
.LBB2_2:
0x25: {  	p0 =	sne.s32 s5, $0xDFC0  }
0x26: {  	[tilespmem:s12+$0x300] =	vst v0;
	s6 =	sadd.s32 $0x10, s6;
	s12 =	smov.u32 s5;
	s5 =	sadd.s32 $0x40, s5  }
.Ltmp0:
0x27: {  	(pc) =	sbr.rel @p0 .LBB2_2-.Ltmp0, $4  }
0x28: {  	_ = 	snop  }
0x29: {  	s12 =	sand.u32 $0xFE00, s12  }
0x2a: {  	s11 =	sand.u32 $0x70, s6;
	s12 =	sshrl.u32 s12, $0x2  }
0x2b: {  	s12 =	sor.u32 s11, s12  }
0x2c: {  	[tilespmem:s12+$0x300] =	vst v0;
	s5 =	rddreg [dreg:$0x6]  }
0x2d: {  	[spmem:s5] =	stream.linear.scatter [tilespmem:s23], [sflag:$0x7], $0x3800, $0x38;
	[tilespmem:$0x1FB00] =	vst v63  }
0x2e: {  	s12 =	rddreg [dreg:$0x7]  }
0x2f: {  	[spmem:s12] =	stream.linear.scatter [tilespmem:s23], [sflag:$0x7], $0x3800, $0x38;
	[tilespmem:$0x1FB00] =	vst v63  }
0x30: {  	s6 =	rddreg [dreg:$0x8]  }
0x31: {  	[spmem:s6] =	stream.linear.scatter [tilespmem:s23], [sflag:$0x7], $0x3800, $0x38;
	[tilespmem:$0x1FB00] =	vst v63  }
0x32: {  	s11 =	rddreg [dreg:$0x9]  }
0x33: {  	[spmem:s11] =	stream.linear.scatter [tilespmem:s23], [sflag:$0x7], $0x3800, $0x38;
	[tilespmem:$0x1FB00] =	vst v63  }
0x34: {  	s12 =	rddreg [dreg:$0xa]  }
0x35: {  	[spmem:s12] =	stream.linear.scatter [tilespmem:s23], [sflag:$0x7], $0x3800, $0x38;
	[tilespmem:$0x1FB00] =	vst v63  }
0x36: {  	s6 =	rddreg [dreg:$0xb]  }
0x37: {  	[spmem:s6] =	stream.linear.scatter [tilespmem:s23], [sflag:$0x7], $0x3800, $0x38;
	[tilespmem:$0x1FB00] =	vst v63  }
0x38: {  	_ =	swait.ge [sflag:s24], $0x3800  }
0x39: {  	[sflag:s24] =	ssyncset.done $0x0  }
0x3a: {  	[sflag:s24] =	ssyncadd.s32 $0xFFFFC800  }
0x3b: {  	_ =	swait.ge [sflag:s24], $0x3800  }
0x3c: {  	[sflag:s24] =	ssyncset.done $0x0  }
0x3d: {  	[sflag:s24] =	ssyncadd.s32 $0xFFFFC800  }
0x3e: {  	_ =	swait.ge [sflag:s24], $0x3800  }
0x3f: {  	[sflag:s24] =	ssyncset.done $0x0  }
0x40: {  	[sflag:s24] =	ssyncadd.s32 $0xFFFFC800  }
0x41: {  	_ =	swait.ge [sflag:s24], $0x3800  }
0x42: {  	[sflag:s24] =	ssyncset.done $0x0  }
0x43: {  	[sflag:s24] =	ssyncadd.s32 $0xFFFFC800  }
0x44: {  	_ =	swait.ge [sflag:s24], $0x3800  }
0x45: {  	[sflag:s24] =	ssyncset.done $0x0  }
0x46: {  	[sflag:s24] =	ssyncadd.s32 $0xFFFFC800  }
0x47: {  	_ =	swait.ge [sflag:s24], $0x3800  }
0x48: {  	[sflag:s24] =	ssyncset.done $0x0  }
0x49: {  	[sflag:s24] =	ssyncadd.s32 $0xFFFFC800  }
0x4a: {  	[bflag:$0x0] =	sbarrier.arrive $0xFFFF  }
0x4b: {  	s6 =	rddreg [dreg:$0x4]  }
0x4c: {  	s11 =	sadd.s32 s6, s20  }
0x4d: {  	[tilespmem:s3], [sflag:$0x1] =	stream.linear.gather [hbm4b:s11+s3], $0x70, $0x38;
	[tilespmem:$0x1FB00] =	vst v63  }
0x4e: {  	s11 =	rddreg [dreg:$0x5]  }
0x4f: {  	s12 =	sadd.s32 s11, s20  }
0x50: {  	[tilespmem:s25], [sflag:$0x4] =	stream.linear.gather [hbm4b:s12+s3], $0x70, $0x38;
	[tilespmem:$0x1FB00] =	vst v63  }
0x51: {  	s12 =	sadd.s32 s6, s22  }
0x52: {  	[tilespmem:s26], [sflag:$0x2] =	stream.linear.gather [hbm4b:s12+s3], $0x70, $0x38;
	[tilespmem:$0x1FB00] =	vst v63  }
0x53: {  	s12 =	sadd.s32 s11, s22  }
0x54: {  	[tilespmem:s28], [sflag:$0x5] =	stream.linear.gather [hbm4b:s12+s3], $0x70, $0x38;
	[tilespmem:$0x1FB00] =	vst v63  }
0x55: {  	s12 =	sadd.s32 s6, s21  }
0x56: {  	[tilespmem:s29], [sflag:$0x3] =	stream.linear.gather [hbm4b:s12+s3], $0x70, $0x38;
	[tilespmem:$0x1FB00] =	vst v63  }
0x57: {  	s12 =	sadd.s32 s11, s21  }
0x58: {  	[tilespmem:s30], [sflag:$0x6] =	stream.linear.gather [hbm4b:s12+s3], $0x70, $0x38;
	[tilespmem:$0x1FB00] =	vst v63  }
0x59: {  	_ =	swait.ge [sflag:s31], $0x70  }
0x5a: {  	[sflag:s31] =	ssyncset.done $0x0  }
0x5b: {  	[sflag:s31] =	ssyncadd.s32 $0xFFFFFF90  }
0x5c: {  	_ =	swait.ge [sflag:s0], $0x70  }
0x5d: {  	[sflag:s0] =	ssyncset.done $0x0  }
0x5e: {  	[sflag:s0] =	ssyncadd.s32 $0xFFFFFF90  }
0x5f: {  	[tilespmem:s23], [sflag:$0x7] =	stream.indirect.gather [hbm4b:s4+s2], $0x80, s3, s2, $0xb8;
	[tilespmem:$0x1FB00] =	vst v63  }
0x60: {  	_ =	swait.ge [sflag:s13], $0x70  }
0x61: {  	[sflag:s13] =	ssyncset.done $0x0  }
0x62: {  	[sflag:s13] =	ssyncadd.s32 $0xFFFFFF90  }
0x63: {  	_ =	swait.ge [sflag:s14], $0x70  }
0x64: {  	[sflag:s14] =	ssyncset.done $0x0  }
0x65: {  	[sflag:s14] =	ssyncadd.s32 $0xFFFFFF90  }
0x66: {  	[tilespmem:s15], [sflag:$0x8] =	stream.indirect.gather [hbm4b:s4+s2], $0x80, s26, s2, $0xb8;
	[tilespmem:$0x1FB00] =	vst v63  }
0x67: {  	_ =	swait.ge [sflag:s16], $0x70  }
0x68: {  	[sflag:s16] =	ssyncset.done $0x0  }
0x69: {  	[sflag:s16] =	ssyncadd.s32 $0xFFFFFF90  }
0x6a: {  	_ =	swait.ge [sflag:s17], $0x70  }
0x6b: {  	[sflag:s17] =	ssyncset.done $0x0  }
0x6c: {  	[sflag:s17] =	ssyncadd.s32 $0xFFFFFF90  }
0x6d: {  	[tilespmem:s18], [sflag:$0x9] =	stream.indirect.gather [hbm4b:s4+s2], $0x80, s29, s2, $0xb8;
	[tilespmem:$0x1FB00] =	vst v63  }
0x6e: {  	_ =	swait.ge [sflag:s24], $0x3800  }
0x6f: {  	[sflag:s24] =	ssyncset.done $0x0  }
0x70: {  	[sflag:s24] =	ssyncadd.s32 $0xFFFFC800  }
0x71: {  	[spmem:s1] =	stream.indirect.scatter.add.f32 [tilespmem:s23], [sflag:$0xA], $0x80, s25, s2, $0xb8;
	[tilespmem:$0x1FB00] =	vst v63  }
0x72: {  	_ =	swait.ge [sflag:s19], $0x3800  }
0x73: {  	[sflag:s19] =	ssyncset.done $0x0  }
0x74: {  	[sflag:s19] =	ssyncadd.s32 $0xFFFFC800  }
0x75: {  	[spmem:s1] =	stream.indirect.scatter.add.f32 [tilespmem:s15], [sflag:$0xB], $0x80, s28, s2, $0xb8;
	[tilespmem:$0x1FB00] =	vst v63  }
0x76: {  	_ =	swait.ge [sflag:s7], $0x3800  }
0x77: {  	[sflag:s7] =	ssyncset.done $0x0  }
0x78: {  	[sflag:s7] =	ssyncadd.s32 $0xFFFFC800  }
0x79: {  	[spmem:s1] =	stream.indirect.scatter.add.f32 [tilespmem:s18], [sflag:$0xC], $0x80, s30, s2, $0xb8;
	[tilespmem:$0x1FB00] =	vst v63  }
0x7a: {  	_ =	swait.ge [sflag:s8], $0x3800  }
0x7b: {  	[sflag:s8] =	ssyncset.done $0x0  }
0x7c: {  	[sflag:s8] =	ssyncadd.s32 $0xFFFFC800  }
0x7d: {  	_ =	swait.ge [sflag:s9], $0x3800  }
0x7e: {  	[sflag:s9] =	ssyncset.done $0x0  }
0x7f: {  	[sflag:s9] =	ssyncadd.s32 $0xFFFFC800  }
0x80: {  	s5 =	simm.s32 $0x1C;
	_ =	swait.ge [sflag:s10], $0x3800  }
0x81: {  	s12 =	sadd.s32 $0x2A, s6;
	s6 =	smov.u32 s11;
	[sflag:s10] =	ssyncset.done $0x0  }
.LBB2_4:
0x82: {  	s11 =	sadd.s32 s12, s20;
	[sflag:s10] =	ssyncadd.s32 $0xFFFFC800;
	s6 =	sadd.s32 $0x2A, s6  }
0x83: {  	[tilespmem:s3], [sflag:$0x1] =	stream.linear.gather [hbm4b:s11+s3], $0x70, $0x38;
	[tilespmem:$0x1FB00] =	vst v63  }
0x84: {  	p0 =	sne.s32 s5, $0x1;
	s5 =	sadd.s32 $0xFFFFFFFF, s5;
	s11 =	sadd.s32 s6, s20  }
0x85: {  	[tilespmem:s25], [sflag:$0x4] =	stream.linear.gather [hbm4b:s11+s3], $0x70, $0x38;
	[tilespmem:$0x1FB00] =	vst v63  }
0x86: {  	s11 =	sadd.s32 s12, s22  }
0x87: {  	[tilespmem:s26], [sflag:$0x2] =	stream.linear.gather [hbm4b:s11+s3], $0x70, $0x38;
	[tilespmem:$0x1FB00] =	vst v63  }
0x88: {  	s11 =	sadd.s32 s6, s22  }
0x89: {  	[tilespmem:s28], [sflag:$0x5] =	stream.linear.gather [hbm4b:s11+s3], $0x70, $0x38;
	[tilespmem:$0x1FB00] =	vst v63  }
0x8a: {  	s11 =	sadd.s32 s12, s21  }
0x8b: {  	[tilespmem:s29], [sflag:$0x3] =	stream.linear.gather [hbm4b:s11+s3], $0x70, $0x38;
	[tilespmem:$0x1FB00] =	vst v63  }
0x8c: {  	s11 =	sadd.s32 s6, s21  }
0x8d: {  	[tilespmem:s30], [sflag:$0x6] =	stream.linear.gather [hbm4b:s11+s3], $0x70, $0x38;
	[tilespmem:$0x1FB00] =	vst v63  }
0x8e: {  	_ =	swait.ge [sflag:s31], $0x70  }
0x8f: {  	[sflag:s31] =	ssyncset.done $0x0  }
0x90: {  	[sflag:s31] =	ssyncadd.s32 $0xFFFFFF90  }
0x91: {  	_ =	swait.ge [sflag:s0], $0x70  }
0x92: {  	[sflag:s0] =	ssyncset.done $0x0  }
0x93: {  	[sflag:s0] =	ssyncadd.s32 $0xFFFFFF90  }
0x94: {  	[tilespmem:s23], [sflag:$0x7] =	stream.indirect.gather [hbm4b:s4+s2], $0x80, s3, s2, $0xb8;
	[tilespmem:$0x1FB00] =	vst v63  }
0x95: {  	_ =	swait.ge [sflag:s13], $0x70  }
0x96: {  	[sflag:s13] =	ssyncset.done $0x0  }
0x97: {  	[sflag:s13] =	ssyncadd.s32 $0xFFFFFF90  }
0x98: {  	_ =	swait.ge [sflag:s14], $0x70  }
0x99: {  	[sflag:s14] =	ssyncset.done $0x0  }
0x9a: {  	[sflag:s14] =	ssyncadd.s32 $0xFFFFFF90  }
0x9b: {  	[tilespmem:s15], [sflag:$0x8] =	stream.indirect.gather [hbm4b:s4+s2], $0x80, s26, s2, $0xb8;
	[tilespmem:$0x1FB00] =	vst v63  }
0x9c: {  	_ =	swait.ge [sflag:s16], $0x70  }
0x9d: {  	[sflag:s16] =	ssyncset.done $0x0  }
0x9e: {  	[sflag:s16] =	ssyncadd.s32 $0xFFFFFF90  }
0x9f: {  	_ =	swait.ge [sflag:s17], $0x70  }
0xa0: {  	[sflag:s17] =	ssyncset.done $0x0  }
0xa1: {  	[sflag:s17] =	ssyncadd.s32 $0xFFFFFF90  }
0xa2: {  	[tilespmem:s18], [sflag:$0x9] =	stream.indirect.gather [hbm4b:s4+s2], $0x80, s29, s2, $0xb8;
	[tilespmem:$0x1FB00] =	vst v63  }
0xa3: {  	_ =	swait.ge [sflag:s24], $0x3800  }
0xa4: {  	[sflag:s24] =	ssyncset.done $0x0  }
0xa5: {  	[sflag:s24] =	ssyncadd.s32 $0xFFFFC800  }
0xa6: {  	[spmem:s1] =	stream.indirect.scatter.add.f32 [tilespmem:s23], [sflag:$0xA], $0x80, s25, s2, $0xb8;
	[tilespmem:$0x1FB00] =	vst v63  }
0xa7: {  	_ =	swait.ge [sflag:s19], $0x3800  }
0xa8: {  	[sflag:s19] =	ssyncset.done $0x0  }
0xa9: {  	[sflag:s19] =	ssyncadd.s32 $0xFFFFC800  }
0xaa: {  	[spmem:s1] =	stream.indirect.scatter.add.f32 [tilespmem:s15], [sflag:$0xB], $0x80, s28, s2, $0xb8;
	[tilespmem:$0x1FB00] =	vst v63  }
0xab: {  	_ =	swait.ge [sflag:s7], $0x3800  }
0xac: {  	[sflag:s7] =	ssyncset.done $0x0  }
0xad: {  	[sflag:s7] =	ssyncadd.s32 $0xFFFFC800  }
0xae: {  	[spmem:s1] =	stream.indirect.scatter.add.f32 [tilespmem:s18], [sflag:$0xC], $0x80, s30, s2, $0xb8;
	[tilespmem:$0x1FB00] =	vst v63  }
0xaf: {  	_ =	swait.ge [sflag:s8], $0x3800  }
0xb0: {  	[sflag:s8] =	ssyncset.done $0x0  }
0xb1: {  	[sflag:s8] =	ssyncadd.s32 $0xFFFFC800  }
.Ltmp1:
0xb2: {  	_ =	swait.ge [sflag:s9], $0x3800;
	(pc) =	sbr.rel @p0 .LBB2_4-.Ltmp1, $4  }
0xb3: {  	[sflag:s9] =	ssyncset.done $0x0  }
0xb4: {  	[sflag:s9] =	ssyncadd.s32 $0xFFFFC800  }
0xb5: {  	_ =	swait.ge [sflag:s10], $0x3800  }
0xb6: {  	s12 =	sadd.s32 $0x2A, s12;
	[sflag:s10] =	ssyncset.done $0x0  }
0xb7: {  	s5 =	sadd.s32 s12, s20;
	[sflag:s10] =	ssyncadd.s32 $0xFFFFC800;
	s6 =	sadd.s32 $0x2A, s6  }
0xb8: {  	[tilespmem:s3], [sflag:$0x1] =	stream.linear.gather [hbm4b:s5+s3], $0x70, $0x38;
	[tilespmem:$0x1FB00] =	vst v63  }
0xb9: {  	s11 =	sadd.s32 s6, s20  }
0xba: {  	[tilespmem:s25], [sflag:$0x4] =	stream.linear.gather [hbm4b:s11+s3], $0x70, $0x38;
	[tilespmem:$0x1FB00] =	vst v63  }
0xbb: {  	s11 =	sadd.s32 s12, s22  }
0xbc: {  	[tilespmem:s26], [sflag:$0x2] =	stream.linear.gather [hbm4b:s11+s3], $0x70, $0x38;
	[tilespmem:$0x1FB00] =	vst v63  }
0xbd: {  	s11 =	sadd.s32 s6, s22  }
0xbe: {  	[tilespmem:s28], [sflag:$0x5] =	stream.linear.gather [hbm4b:s11+s3], $0x70, $0x38;
	[tilespmem:$0x1FB00] =	vst v63  }
0xbf: {  	s12 =	sadd.s32 s12, s21  }
0xc0: {  	[tilespmem:s29], [sflag:$0x3] =	stream.linear.gather [hbm4b:s12+s3], $0x70, $0x38;
	[tilespmem:$0x1FB00] =	vst v63  }
0xc1: {  	s6 =	sadd.s32 s6, s21  }
0xc2: {  	[tilespmem:s30], [sflag:$0x6] =	stream.linear.gather [hbm4b:s6+s3], $0x70, $0x38;
	[tilespmem:$0x1FB00] =	vst v63  }
0xc3: {  	_ =	swait.ge [sflag:s31], $0x70  }
0xc4: {  	[sflag:s31] =	ssyncset.done $0x0  }
0xc5: {  	[sflag:s31] =	ssyncadd.s32 $0xFFFFFF90  }
0xc6: {  	_ =	swait.ge [sflag:s0], $0x70  }
0xc7: {  	[sflag:s0] =	ssyncset.done $0x0  }
0xc8: {  	[sflag:s0] =	ssyncadd.s32 $0xFFFFFF90  }
0xc9: {  	[tilespmem:s23], [sflag:$0x7] =	stream.indirect.gather [hbm4b:s4+s2], $0x80, s3, s2, $0xb8;
	[tilespmem:$0x1FB00] =	vst v63  }
0xca: {  	_ =	swait.ge [sflag:s13], $0x70  }
0xcb: {  	[sflag:s13] =	ssyncset.done $0x0  }
0xcc: {  	[sflag:s13] =	ssyncadd.s32 $0xFFFFFF90  }
0xcd: {  	_ =	swait.ge [sflag:s14], $0x70  }
0xce: {  	[sflag:s14] =	ssyncset.done $0x0  }
0xcf: {  	[sflag:s14] =	ssyncadd.s32 $0xFFFFFF90  }
0xd0: {  	[tilespmem:s15], [sflag:$0x8] =	stream.indirect.gather [hbm4b:s4+s2], $0x80, s26, s2, $0xb8;
	[tilespmem:$0x1FB00] =	vst v63  }
0xd1: {  	_ =	swait.ge [sflag:s16], $0x70  }
0xd2: {  	[sflag:s16] =	ssyncset.done $0x0  }
0xd3: {  	[sflag:s16] =	ssyncadd.s32 $0xFFFFFF90  }
0xd4: {  	_ =	swait.ge [sflag:s17], $0x70  }
0xd5: {  	[sflag:s17] =	ssyncset.done $0x0  }
0xd6: {  	[sflag:s17] =	ssyncadd.s32 $0xFFFFFF90  }
0xd7: {  	[tilespmem:s18], [sflag:$0x9] =	stream.indirect.gather [hbm4b:s4+s2], $0x80, s29, s2, $0xb8;
	[tilespmem:$0x1FB00] =	vst v63  }
0xd8: {  	_ =	swait.ge [sflag:s24], $0x3800  }
0xd9: {  	[sflag:s24] =	ssyncset.done $0x0  }
0xda: {  	[sflag:s24] =	ssyncadd.s32 $0xFFFFC800  }
0xdb: {  	[spmem:s1] =	stream.indirect.scatter.add.f32 [tilespmem:s23], [sflag:$0xA], $0x80, s25, s2, $0xb8;
	[tilespmem:$0x1FB00] =	vst v63  }
0xdc: {  	_ =	swait.ge [sflag:s19], $0x3800  }
0xdd: {  	[sflag:s19] =	ssyncset.done $0x0  }
0xde: {  	[sflag:s19] =	ssyncadd.s32 $0xFFFFC800  }
0xdf: {  	[spmem:s1] =	stream.indirect.scatter.add.f32 [tilespmem:s15], [sflag:$0xB], $0x80, s28, s2, $0xb8;
	[tilespmem:$0x1FB00] =	vst v63  }
0xe0: {  	_ =	swait.ge [sflag:s7], $0x3800  }
0xe1: {  	[sflag:s7] =	ssyncset.done $0x0  }
0xe2: {  	[sflag:s7] =	ssyncadd.s32 $0xFFFFC800  }
0xe3: {  	[spmem:s1] =	stream.indirect.scatter.add.f32 [tilespmem:s18], [sflag:$0xC], $0x80, s30, s2, $0xb8;
	[tilespmem:$0x1FB00] =	vst v63  }
0xe4: {  	_ =	swait.ge [sflag:s8], $0x3800  }
0xe5: {  	[sflag:s8] =	ssyncset.done $0x0  }
0xe6: {  	[sflag:s8] =	ssyncadd.s32 $0xFFFFC800  }
0xe7: {  	_ =	swait.ge [sflag:s9], $0x3800  }
0xe8: {  	[sflag:s9] =	ssyncset.done $0x0  }
0xe9: {  	[sflag:s9] =	ssyncadd.s32 $0xFFFFC800  }
0xea: {  	_ =	swait.ge [sflag:s10], $0x3800  }
0xeb: {  	[sflag:s10] =	ssyncset.done $0x0  }
0xec: {  	[sflag:s10] =	ssyncadd.s32 $0xFFFFC800  }
0xed: {  	s11 =	stileid.u32;
	[bflag:$0x0] =	sbarrier.arrive $0xFFFF  }
0xee: {  	s5 =	sshll.u32 s11, $0x6;
	s12 =	rddreg [dreg:$0x6]  }
0xef: {  	s5 =	sor.u32 $0x1C07, s5;
	s11 =	rddreg [dreg:$0xc];
	s6 =	sshrl.u32 s12, $0x3  }
0xf0: {  	[hbm:s11], [sflag:s5] =	dma.local [spmem:s6], $0x700  }
0xf1: {  	s6 =	rddreg [dreg:$0x7]  }
0xf2: {  	s11 =	rddreg [dreg:$0xd];
	s6 =	sshrl.u32 s6, $0x3  }
0xf3: {  	[hbm:s11], [sflag:s5] =	dma.local [spmem:s6], $0x700  }
0xf4: {  	s6 =	rddreg [dreg:$0x8]  }
0xf5: {  	s11 =	rddreg [dreg:$0xe];
	s6 =	sshrl.u32 s6, $0x3  }
0xf6: {  	[hbm:s11], [sflag:s5] =	dma.local [spmem:s6], $0x700  }
0xf7: {  	s6 =	rddreg [dreg:$0x9]  }
0xf8: {  	s11 =	rddreg [dreg:$0xf];
	s6 =	sshrl.u32 s6, $0x3  }
0xf9: {  	[hbm:s11], [sflag:s5] =	dma.local [spmem:s6], $0x700  }
0xfa: {  	s6 =	rddreg [dreg:$0xa]  }
0xfb: {  	s11 =	rddreg [dreg:$0x10];
	s6 =	sshrl.u32 s6, $0x3  }
0xfc: {  	[hbm:s11], [sflag:s5] =	dma.local [spmem:s6], $0x700  }
0xfd: {  	s6 =	rddreg [dreg:$0xb]  }
0xfe: {  	s11 =	rddreg [dreg:$0x11];
	s6 =	sshrl.u32 s6, $0x3  }
0xff: {  	[hbm:s11], [sflag:s5] =	dma.local [spmem:s6], $0x700  }
0x100: {  	_ =	swait.ge [sflag:s24], $0x700  }
0x101: {  	[sflag:s24] =	ssyncset.done $0x0  }
0x102: {  	[sflag:s24] =	ssyncadd.s32 $0xFFFFF900  }
0x103: {  	_ =	swait.ge [sflag:s24], $0x700  }
0x104: {  	[sflag:s24] =	ssyncset.done $0x0  }
0x105: {  	[sflag:s24] =	ssyncadd.s32 $0xFFFFF900  }
0x106: {  	_ =	swait.ge [sflag:s24], $0x700  }
0x107: {  	[sflag:s24] =	ssyncset.done $0x0  }
0x108: {  	[sflag:s24] =	ssyncadd.s32 $0xFFFFF900  }
0x109: {  	_ =	swait.ge [sflag:s24], $0x700  }
0x10a: {  	[sflag:s24] =	ssyncset.done $0x0  }
0x10b: {  	[sflag:s24] =	ssyncadd.s32 $0xFFFFF900  }
0x10c: {  	_ =	swait.ge [sflag:s24], $0x700  }
0x10d: {  	[sflag:s24] =	ssyncset.done $0x0  }
0x10e: {  	[sflag:s24] =	ssyncadd.s32 $0xFFFFF900  }
0x10f: {  	_ =	swait.ge [sflag:s24], $0x700  }
0x110: {  	s11 =	rddreg [dreg:$0x13]  }
0x111: {  	s12 =	rddreg [dreg:$0x12];
	s6 =	sadd.s32 $0x1, s11  }
0x112: {  	p0 =	sne.s32 s6, s12  }
.Ltmp2:
0x113: {  	_ = 	snop;
	(pc) =	sbr.rel @p0 .LBB2_1-.Ltmp2, $3  }
0x114: {  	_ =	sdelay $0x1  }
0x115: {  	[sflag:s24] =	ssyncset.done $0x0  }
0x116: {  	[sflag:s24] =	ssyncadd.s32 $0xFFFFF900  }
0x117: {  	_ =	sfence.sel $0x180000  }
0x118: {  	[bflag:$0x0] =	sbarrier.arrive $0xFFFF  }
0x119: {  	_ =	strace $0x90000053  }
0x11a: {  	s0 =	stileid.u32;
	[bflag:$0x2] =	sbarrier.arrive $0xFFFF  }
0x11b: {  	p0 =	sne.s32 s0, $0x0;
	s0 =	rddreg [dreg:$0x3]  }
0x11c: {  	s0 =	sadd.s32 @!p0 $0x100000, s0  }
0x11d: {  	[sflag:s0] =	ssyncadd.tile.s32 @!p0 $0x1;
	_ =	shalt  }
.Lfunc_end2:
_tile_overlayer_lowered:
.L_overlay_start_2:
0x11e: {  	(tag) =	ssettag $0x2  }
0x11f: {  	s0 =	rddreg [dreg:$0x0];
	s2 =	stileid.u32  }
0x120: {  	s1 =	rddreg [dreg:$0x1];
	p0 =	sne.s32 s2, $0x0  }
0x121: {  	s3 =	rddreg [dreg:$0x2];
	[bflag:$0x3] =	sbarrier.arrive $0xFFFF;
	s2 =	simm.s32 @!p0 $0x1C0D  }
0x122: {  	[timem:s3], [sflag:s2] =	dma.local @!p0 [hbm:s0], s1  }
0x123: {  	s0 =	simm.s32 @!p0 $0xD  }
0x124: {  	_ =	swait.ge @!p0 [sflag:s0], s1  }
0x125: {  	s1 =	ssub.s32 @!p0 $0x0, s1;
	[sflag:s0] =	ssyncset.done @!p0 $0x0  }
0x126: {  	[sflag:s0] =	ssyncadd.s32 @!p0 s1  }
0x127: {  	[bflag:$0x3] =	sbarrier.arrive $0xFFFF  }
0x128: {  	_ =	shalt  }

// kernel: sparse-core-data-format-call.cloned.1.call-start
scs
called_computation_lowered:
.L_overlay_start_0:
0x0: {  	s2 =	sld [smem:$0x3FD9]  }
0x1: {  	s3 =	sld [smem:$0x3FFE];
	_ =	sdelay $0x1  }
0x2: {  	s1 =	srdreg.scid  }
0x3: {  	s0 =	sand.u32 $0x1, s1  }
0x4: {  	s15 =	sshll.u32 s0, $0xA;
	s2 =	sadd.s32 s3, s2  }
0x5: {  	s2 =	sadd.s32 s2, s15  }
0x6: {  	[smem:$0x3FB2] =	sst s2  }
0x7: {  	_ = 	snop  }
0x8: {  	s2 =	sld [smem:$0x3FD0];
	_ =	sdelay $0x2  }
0x9: {  	s16 =	simm.s32 $0xA;
	s4 =	simm.s32 $0x10  }
0xa: {  	[smem:s4], [sflag:s16] =	dma.local [hbm:s2], $0x1  }
0xb: {  	_ =	swait.eq [sflag:s16], $0x1  }
0xc: {  	[sflag:s16] =	ssyncset.done $0x0  }
0xd: {  	[sflag:s16] =	ssyncadd.s32 $0xFFFFFFFF  }
0xe: {  	s17 =	sld [smem:$0x10];
	(tm) =	ssettm $0x1  }
0xf: {  	s18 =	sld [smem:$0x3FFB];
	_ =	sdelay $0x3  }
0x10: {  	_ =	strace s18  }
0x11: {  	s3 =	sld [smem:$0x3FFC];
	_ =	sdelay $0x3  }
0x12: {  	_ =	strace s3  }
0x13: {  	s3 =	sld [smem:$0x3FFD];
	_ =	sdelay $0x3  }
0x14: {  	_ =	strace s3  }
0x15: {  	_ =	strace $0x8FFFFFFF  }
0x16: {  	s19 =	sld [smem:$0x3FDB];
	_ =	sdelay $0x1  }
0x17: {  	s20 =	simm.s32 $_scs_section_size  }
0x18: {  	s5 =	simm.s32 $_size__tile_overlayer_lowered;
	s6 =	simm.s32 $_tile_overlayer_lowered  }
0x19: {  	s23 =	simm.s32 $0x1BFF;
	s22 =	sshll.u32 s6, $0x1;
	s3 =	sadd.s32 s20, s19  }
0x1a: {  	s7 =	simm.s32 $0x0;
	s21 =	sshll.u32 s5, $0x1;
	s5 =	sadd.s32 s22, s3  }
0x1b: {  	[timem:s7], [sflag:s23] =	dma.local [hbm:s5], s21  }
0x1c: {  	_ =	swait.ge [sflag:s23], s21  }
0x1d: {  	s4 =	ssub.s32 $0x0, s21;
	[sflag:s23] =	ssyncset.done $0x0  }
0x1e: {  	[sflag:s23] =	ssyncadd.s32 s4;
	_ =	sdelay $0x1  }
0x1f: {  	s24 =	simm.s32 $0x1B8B  }
0x20: {  	_ =	swait.ge [sflag:s24], $0x1  }
0x21: {  	[sflag:s24] =	ssyncset.done $0x0  }
0x22: {  	s26 =	simm.s32 $0x1B8E;
	s25 =	sld [smem:$0x3FFE];
	[sflag:s24] =	ssyncadd.s32 $0xFFFFFFFF  }
0x23: {  	s27 =	simm.s32 $execute0_lowered;
	[smem:$0x3FD2] =	sst s26  }
0x24: {  	s5 =	sshll.u32 s27, $0x1;
	_ =	strace $0x80000055;
	[dreg:$0x1] =	wrdreg $0xFFFFFFFF  }
0x25: {  	s28 =	simm.s32 $_size_execute0_lowered;
	s3 =	sadd.s32 s3, s5;
	[dreg:$0x0] =	wrdreg $0x0  }
0x26: {  	s5 =	sshll.u32 s28, $0x1;
	[dreg:$0x2] =	wrdreg s3  }
0x27: {  	[dreg:$0x3] =	wrdreg s5  }
0x28: {  	[dreg:$0x4] =	wrdreg $0xC0  }
0x29: {  	_ =	task [dreg:s7], $0x5FFFF  }
0x2a: {  	[dreg:$0x1] =	wrdreg $0xFFFFFFFF  }
0x2b: {  	[dreg:$0x0] =	wrdreg $0x60  }
0x2c: {  	[dreg:$0x2] =	wrdreg s25  }
0x2d: {  	[dreg:$0x3] =	wrdreg s17  }
0x2e: {  	[dreg:$0x4] =	wrdreg $0x9  }
0x2f: {  	_ =	task.clear_ibuf [dreg:s7], $0x5FFFF;
	_ =	strace $0x90000055  }
0x30: {  	s29 =	simm.s32 $0x9;
	_ =	strace $0x80000057  }
0x31: {  	_ =	swait.ge [sflag:s29], $0x1  }
0x32: {  	[sflag:s29] =	ssyncadd.s32 $0xFFFFFFFF  }
0x33: {  	_ =	strace $0x90000057  }
0x34: {  	_ =	sfence  }
0x35: {  	s30 =	sld [smem:$0x0];
	_ =	sdelay $0x2  }
0x36: {  	s31 =	sshll.u32 s1, $0xD;
	s1 =	sshrl.u32 s1, $0x2  }
0x37: {  	s3 =	sand.u32 $0x4000, s31;
	s1 =	sadd.s32 s1, s30  }
0x38: {  	s0 =	sor.u32 s3, s0;
	s1 =	sshll.u32 s1, $0x11  }
0x39: {  	s0 =	sor.u32 s1, s0  }
0x3a: {  	s0 =	sadd.s32 $0x8F2B, s0  }
0x3b: {  	[sflag:s0] =	ssyncadd.remote.s32 $0x1  }
0x3c: {  	_ =	sfence.sel $0xFFFF  }
0x3d: {  	[dreg:$0x0] =	wrdreg $0xFFFFFFFF;
	(pc) =	sbr.abs _section_cstart, $3  }
0x3e: {  	[dreg:$0x1] =	wrdreg $0xFFFFFFFF  }
0x3f: {  	_ =	task.clear_ibuf [dreg:s7], $0x2FFFF;
	_ =	strace $0x9FFFFFFF  }
0x40: {  	(tm) =	ssettm $0x7FFFFFFF  }
0x41: {  	_ =	shalt  }
tec
execute0_lowered:
.L_overlay_start_1:
0x0: {  	(tag) =	ssettag $0x1  }
0x1: {  	s0 =	rddreg [dreg:$0x0];
	s1 =	srdreg.scid  }
0x2: {  	s2 =	stileid.u32;
	_ =	strace $0x80000056;
	s29 =	simm.s32 $0x1  }
0x3: {  	s31 =	simm.s32 $0x2;
	s15 =	simm.s32 $0x0;
	s1 =	sshll.u32 s1, $0x4  }
0x4: {  	s7 =	simm.s32 $0x0;
	s0 =	sadd.s32 $0x154400, s0;
	s1 =	sand.u32 $0x10, s1  }
0x5: {  	s6 =	simm.s32 $0x0;
	[dreg:$0x3] =	wrdreg s0;
	s1 =	sor.u32 s2, s1  }
0x6: {  	s2 =	sshll.u32 s2, $0x7;
	s28 =	sshll.u32 s1, $0x5;
	s1 =	sshll.u32 s1, $0x8  }
.Ltmp0:
0x7: {  	s12 =	sand.u32 $0x180, s2;
	[dreg:$0x7] =	wrdreg s1;
	(pc) =	sbr.rel .LBB1_1-.Ltmp0, $4  }
0x8: {  	s0 =	sand.u32 $0x380, s28;
	s30 =	ssub.s32 $0x2700, s12;
	[dreg:$0x4] =	wrdreg s12  }
0x9: {  	s13 =	simm.s32 $0x0;
	[dreg:$0x5] =	wrdreg s0;
	s0 =	sshrl.u32 s30, $0x9  }
0xa: {  	[sflag:s29] =	ssyncpa.u1 $0x0;
	[dreg:$0x6] =	wrdreg s0;
	s5 =	sadd.s32 $0x2, s0  }
0xb: {  	s14 =	simm.s32 $0x0;
	[sflag:s31] =	ssyncpa.u1 $0x0;
	[dreg:$0x8] =	wrdreg s5  }
.LBB1_12:
0xc: {  	s6 =	rddreg [dreg:$0x9]  }
0xd: {  	s0 =	sshrl.u32 s6, $0x3  }
0xe: {  	s1 =	sshll.u32 s13, $0x3;
	s0 =	smul.u32 $0x13C00, s0  }
0xf: {  	s2 =	sand.u32 $0x7F, s13;
	s4 =	rddreg [dreg:$0xb];
	s1 =	sand.u32 $0xFFFFFC00, s1  }
0x10: {  	p0 =	sgt.s32 s13, $0x2700;
	s30 =	rddreg [dreg:$0x1];
	s0 =	sadd.s32 s1, s0  }
0x11: {  	s1 =	sor.u32 s2, s0;
	s0 =	smulhi.u32 $0xCF6474A9, s0;
	s2 =	smov.u32 s13  }
0x12: {  	s31 =	simm.s32 $0x13C00;
	s3 =	smulhi.u32 $0xCF6474A9, s1;
	s2 =	simm.s32 @!p0 $0x2700  }
0x13: {  	p0 =	sgt.s32 s6, $0x368;
	s0 =	sshrl.u32 s0, $0xD;
	s2 =	sadd.s32 s4, s2  }
0x14: {  	s3 =	sshrl.u32 s3, $0xD;
	s29 =	smulhi.u32 $0x418938, s0;
	s5 =	sadd.s32 $0xFFFFD900, s2  }
0x15: {  	s3 =	smul.u32 $0x2780, s3;
	p1 =	sgt.s32 s5, $0x7F;
	s5 =	smov.u32 s6  }
0x16: {  	s2 =	ssub.s32 $0x2780, s2;
	s5 =	simm.s32 @!p0 $0x368;
	s4 =	smul.u32 $0x3E8, s29  }
0x17: {  	s7 =	rddreg [dreg:$0xa];
	s2 =	simm.s32 @p1 $0x0;
	s5 =	ssub.s32 $0x3E8, s5  }
0x18: {  	s1 =	ssub.s32 s1, s3;
	s0 =	ssub.s32 s0, s4;
	s2 =	smul.u32 s5, s2  }
0x19: {  	s3 =	sshrl.u32 s1, $0x3;
	s1 =	sand.u32 $0x7, s1;
	s0 =	smul.u32 $0x4F0, s0  }
0x1a: {  	s5 =	rddreg [dreg:$0x8];
	s3 =	sadd.s32 s30, s3;
	s1 =	sshll.u32 s1, $0x12  }
0x1b: {  	s2 =	sand.u32 $0x3FFFFFF8, s2;
	s1 =	sor.u32 $0x400, s1;
	s0 =	sadd.s32 s0, s3  }
0x1c: {  	[hbm4b:s0+s1] =	stream.strided.scatter [tilespmem:s17], [sflag:$0x2], s2, s31, s1, $0x20;
	[tilespmem:$0x10100] =	vst v63  }
.LBB1_13:
0x1d: {  	p0 =	slt.u32 s14, $0x2  }
0x1e: {  	p1 =	sgt.s32 @!p0 s7, $0x2700  }
0x1f: {  	s0 =	smov.u32 s7;
	s1 =	sshra.s32 @!p0 s7, $0x1F;
	p1 =	por !p1, p0  }
0x20: {  	s1 =	sand.u32 @!p0 s1, s7;
	s0 =	simm.s32 @p1 $0x2700  }
0x21: {  	s0 =	ssub.s32 @!p0 s0, s1  }
0x22: {  	p1 =	sgt.s32 @!p0 s15, $0x368;
	s1 =	sadd.s32 @!p0 $0xFFFFD900, s0  }
0x23: {  	p1 =	por !p1, p0;
	p2 =	sgt.s32 @!p0 s1, $0x7F  }
0x24: {  	s15 =	simm.s32 @p1 $0x368;
	s0 =	ssub.s32 @!p0 $0x2780, s0;
	p1 =	por !p2, p0  }
0x25: {  	s1 =	ssub.s32 @!p0 $0x3E8, s15;
	s0 =	simm.s32 @!p1 $0x0  }
0x26: {  	s0 =	smul.u32 @!p0 s1, s0;
	_ =	sdelay $0x1  }
0x27: {  	s1 =	simm.s32 @!p0 $0x2;
	s0 =	sand.u32 @!p0 $0x3FFFFFFF, s0  }
0x28: {  	s2 =	sadd.s32 $0x200, s12;
	_ =	swait.ge @!p0 [sflag:s1], s0  }
0x29: {  	p1 =	sgt.s32 s2, $0x270F;
	s3 =	rddreg [dreg:$0x4]  }
0x2a: {  	s2 =	smov.u32 @p1 s3;
	p1 =	sne.s32 s14, s5  }
.Ltmp1:
0x2b: {  	_ = 	snop;
	(pc) =	sbr.rel @!p1 .LBB1_14-.Ltmp1, $4  }
0x2c: {  	s31 =	sadd.s32 $0x1, s14  }
0x2d: {  	s7 =	smov.u32 s13;
	s13 =	smov.u32 s12;
	s15 =	smov.u32 s6  }
0x2e: {  	s0 =	ssub.s32 @!p0 $0x0, s0;
	[sflag:s1] =	ssyncset.done @!p0 $0x0;
	s6 =	rddreg [dreg:$0x5]  }
0x2f: {  	[sflag:s1] =	ssyncadd.s32 @!p0 s0;
	s14 =	smov.u32 s31;
	s12 =	smov.u32 s2  }
.LBB1_1:
0x30: {  	s0 =	rddreg [dreg:$0x6]  }
0x31: {  	p0 =	sgt.u32 s14, s0  }
0x32: {  	s0 =	sshll.u32 @!p0 s12, $0xA  }
0x33: {  	s1 =	rddreg [dreg:$0x7];
	s0 =	sand.u32 @!p0 $0xFFFFE000, s0  }
0x34: {  	s2 =	smov.u32 s12;
	p1 =	sgt.s32 @!p0 s12, $0x2690;
	s0 =	sor.u32 @!p0 s1, s0  }
0x35: {  	s3 =	sshra.s32 @!p0 s12, $0x1F;
	p1 =	por !p1, p0;
	s0 =	sshrl.u32 @!p0 s0, $0xA  }
0x36: {  	s3 =	sand.u32 @!p0 s3, s12;
	s2 =	simm.s32 @p1 $0x2690;
	s1 =	smulhi.u32 @!p0 $0x1A36E3, s0  }
0x37: {  	s2 =	ssub.s32 @!p0 s2, s3  }
0x38: {  	s4 =	sxor.u32 @!p0 $0xFFFFFFFF, s14;
	s2 =	sadd.s32 @!p0 $0xFFFFD970, s2;
	s1 =	sshrl.u32 @!p0 s1, $0x2  }
0x39: {  	s3 =	sshll.u32 @!p0 s4, $0xE;
	p1 =	sgt.s32 @!p0 s2, $0x7F;
	s1 =	smul.u32 @!p0 $0x2710, s1  }
0x3a: {  	s4 =	rddreg [dreg:$0x3];
	s3 =	sand.u32 @!p0 $0x4000, s3;
	p1 =	por !p1, p0  }
0x3b: {  	s0 =	ssub.s32 @!p0 s0, s1;
	s1 =	sshll.u32 @!p0 s2, $0x7;
	s2 =	sshll.u32 @!p0 s12, $0x4  }
0x3c: {  	s1 =	ssub.s32 @!p0 $0x4000, s1;
	s2 =	sand.u32 @!p0 $0x70, s2;
	s0 =	sshll.u32 @!p0 s0, $0x7  }
0x3d: {  	s1 =	sand.u32 @!p0 $0x3FFFFF80, s1;
	s2 =	sadd.s32 @!p0 s4, s2;
	s4 =	simm.s32 @!p0 $0x2000  }
0x3e: {  	s1 =	simm.s32 @!p1 $0x0;
	s0 =	sadd.s32 @!p0 s0, s2;
	s2 =	simm.s32 @!p0 $0x400  }
0x3f: {  	[tilespmem:s3], [sflag:$0x1] =	stream.strided.gather @!p0 [hbm4b:s0+s2], s1, s4, s2, $0x38;
	[tilespmem:$0x10100] =	vst v63  }
0x40: {  	p0 =	seq.s32 s14, $0x0  }
0x41: {  	p1 =	sge.u32 @!p0 s14, s5  }
0x42: {  	p0 =	por p0, p1  }
.Ltmp2:
0x43: {  	_ = 	snop;
	(pc) =	sbr.rel @p0 .LBB1_13-.Ltmp2, $1  }
0x44: {  	_ =	sdelay $0x3  }
0x45: {  	s0 =	ssub.s32 $0x0, s13  }
0x46: {  	s1 =	sshra.s32 s13, $0x1F;
	p0 =	sgt.s32 s13, $0x2690;
	s2 =	smov.u32 s13  }
0x47: {  	s0 =	sand.u32 s0, s1;
	s2 =	simm.s32 @!p0 $0x2690  }
0x48: {  	[dreg:$0xb] =	wrdreg s0;
	s0 =	sadd.s32 s0, s2  }
0x49: {  	s2 =	sadd.s32 $0x80, s13;
	s0 =	sadd.s32 $0xFFFFD970, s0  }
0x4a: {  	p1 =	slt.s32 s2, $0x2710;
	s31 =	sshll.u32 s0, $0x7  }
0x4b: {  	s2 =	simm.s32 @!p1 $0x2710;
	s1 =	ssub.s32 $0x4000, s31  }
0x4c: {  	p0 =	sgt.s32 s0, $0x7F;
	s19 =	ssub.s32 s2, s13;
	s1 =	sand.u32 $0x3FFFFF80, s1  }
0x4d: {  	s1 =	simm.s32 @p0 $0x0;
	p0 =	slt.s32 s19, $0x1  }
.Ltmp3:
0x4e: {  	[dreg:$0xa] =	wrdreg s7;
	(pc) =	sbr.rel @p0 .LBB1_12-.Ltmp3, $4  }
0x4f: {  	[dreg:$0x9] =	wrdreg s6;
	s4 =	simm.s32 $0x1;
	s0 =	sand.u32 $0x1, s14  }
0x50: {  	s3 =	smul.u32 $0x4080, s0;
	_ =	swait.ge [sflag:s4], s1  }
0x51: {  	s1 =	ssub.s32 $0x0, s1;
	[sflag:s4] =	ssyncset.done $0x0  }
0x52: {  	s17 =	sor.u32 $0x8000, s3;
	[sflag:s4] =	ssyncadd.s32 s1  }
0x53: {  	s2 =	rddreg [dreg:$0x9]  }
0x54: {  	p0 =	slt.s32 s2, $0x368;
	s1 =	smov.u32 s2  }
.Ltmp4:
0x55: {  	s1 =	simm.s32 @!p0 $0x368;
	(pc) =	sbr.rel .LBB1_4-.Ltmp4, $4  }
0x56: {  	s22 =	sshll.u32 s0, $0xE;
	s1 =	ssub.s32 s1, s2  }
0x57: {  	s24 =	simm.s32 $0x0;
	s25 =	simm.s32 $0x400;
	s2 =	sadd.s32 $0x8F, s1  }
0x58: {  	s20 =	sand.u32 $0xFFFFFFF0, s2;
	s21 =	sand.u32 $0xFFFFFF00, s2;
	s2 =	sshll.u32 s2, $0x3  }
0x59: {  	p0 =	slt.s32 s1, $0x71;
	s23 =	sand.u32 $0xFFFFF800, s2;
	p1 =	sge.s32 s21, s20  }
.LBB1_11:
0x5a: {  	s24 =	sadd.s32 $0x1, s24  }
0x5b: {  	p2 =	sne.s32 s24, s19  }
.Ltmp5:
0x5c: {  	_ = 	snop;
	(pc) =	sbr.rel @!p2 .LBB1_12-.Ltmp5, $2  }
0x5d: {  	_ =	sdelay $0x2  }
0x5e: {  	s25 =	sadd.s32 $0x80, s25  }
.LBB1_4:
.Ltmp6:
0x5f: {  	(pc) =	sbr.rel @p0 .LBB1_8-.Ltmp6, $2  }
0x60: {  	_ =	sdelay $0x2  }
0x61: {  	s26 =	sshll.u32 s24, $0x7;
	s27 =	sand.u32 $0x7F, s24  }
0x62: {  	s1 =	sshll.u32 s24, $0x3  }
0x63: {  	s5 =	sand.u32 $0x380, s26;
	s3 =	sshrl.u32 s1, $0x7;
	s2 =	sadd.s32 $0x800, s1  }
0x64: {  	s6 =	sadd.s32 $0x1000, s1;
	s9 =	sadd.s32 s5, s22;
	s18 =	sadd.s32 $0x1800, s1  }
0x65: {  	s10 =	sadd.s32 $0x2800, s1;
	s0 =	sand.u32 $0x78, s3;
	s2 =	sshrl.u32 s2, $0x7  }
0x66: {  	s16 =	sshrl.u32 s6, $0x7;
	s6 =	sshrl.u32 s18, $0x7;
	s11 =	sshrl.u32 s10, $0x7  }
0x67: {  	s18 =	sadd.s32 $0x3000, s1;
	s1 =	sadd.s32 $0x3800, s1;
	s10 =	sadd.s32 $0x10, s3  }
0x68: {  	v0 =	vmov s9;
	s9 =	sand.u32 $0x3C00, s25;
	s4 =	smul.u32 $0x204, s0;
	s2 =	sand.u32 $0x78, s2  }
0x69: {  	s5 =	sand.u32 $0x78, s16;
	s7 =	sand.u32 $0x78, s6;
	s2 =	smul.u32 $0x204, s2  }
0x6a: {  	s0 =	sxor.u32 $0x40, s0;
	s6 =	sshrl.u32 s18, $0x7;
	s5 =	smul.u32 $0x204, s5  }
0x6b: {  	s18 =	sadd.s32 $0x30, s3;
	s0 =	smul.u32 $0x204, s0;
	s4 =	sshrl.u32 s4, $0x2  }
0x6c: {  	s4 =	sadd.s32 s4, s17;
	s2 =	sshrl.u32 s2, $0x2;
	s8 =	sshrl.u32 s5, $0x2  }
0x6d: {  	s0 =	sshrl.u32 s0, $0x2;
	s5 =	sand.u32 $0x78, s10;
	s2 =	sadd.s32 s2, s17  }
0x6e: {  	s28 =	sadd.s32 s27, s4;
	s4 =	sadd.s32 s8, s17;
	s5 =	smul.u32 $0x204, s5  }
0x6f: {  	s16 =	sadd.s32 s0, s17;
	s29 =	sadd.s32 s27, s2;
	s2 =	smul.u32 $0x204, s7  }
0x70: {  	s30 =	sadd.s32 s27, s4;
	s4 =	sand.u32 $0x78, s11;
	s31 =	sadd.s32 s27, s16  }
0x71: {  	s7 =	sshrl.u32 s1, $0x7;
	s11 =	sadd.s32 $0x20, s3;
	s4 =	smul.u32 $0x204, s4  }
0x72: {  	s8 =	sand.u32 $0x78, s7;
	s5 =	sshrl.u32 s5, $0x2;
	s2 =	sshrl.u32 s2, $0x2  }
0x73: {  	s16 =	sadd.s32 s5, s17;
	s5 =	sand.u32 $0x78, s18;
	s2 =	sadd.s32 s2, s17  }
0x74: {  	s4 =	sshrl.u32 s4, $0x2;
	s5 =	smul.u32 $0x204, s5;
	s0 =	sadd.s32 s27, s2  }
0x75: {  	s2 =	sand.u32 $0x78, s6;
	s4 =	sadd.s32 s4, s17;
	s6 =	sand.u32 $0x78, s11  }
0x76: {  	s7 =	sadd.s32 $0x50, s3;
	s1 =	sadd.s32 s27, s4;
	s6 =	smul.u32 $0x204, s6  }
0x77: {  	v1 =	vld.idx.msk [tilespmem:v0+s9+$0x0 ss:$0x1], $0xffff;
	s4 =	smul.u32 $0x204, s8;
	s8 =	sadd.s32 $0x60, s3;
	s3 =	sadd.s32 $0x70, s3  }
0x78: {  	s3 =	sand.u32 $0x78, s3;
	s6 =	sshrl.u32 s6, $0x2  }
0x79: {  	s5 =	sshrl.u32 s5, $0x2;
	s18 =	smul.u32 $0x204, s3;
	s6 =	sadd.s32 s6, s17  }
0x7a: {  	s11 =	sadd.s32 s5, s17;
	s3 =	sadd.s32 s27, s6  }
0x7b: {  	s6 =	sadd.s32 s27, s11;
	s11 =	sshrl.u32 s18, $0x2;
	s18 =	sadd.s32 $0xFFFFFC00, s25  }
0x7c: {  	[tilespmem:s28+$0x0 ss:$0x81] =	vst.msk $0xffff, v1;
	v1 =	vld.idx.msk [tilespmem:v0+s9+$0x20 ss:$0x1], $0xffff;
	s5 =	sadd.s32 s27, s16;
	s16 =	sadd.s32 s11, s17;
	s11 =	sand.u32 $0x3C00, s18  }
0x7d: {  	v2 =	vld.idx.msk [tilespmem:v0+s11+$0x70 ss:$0x1], $0xffff  }
0x7e: {  	v3 =	vld.idx.msk [tilespmem:v0+s11+$0x0 ss:$0x1], $0xffff  }
0x7f: {  	s4 =	sshrl.u32 s4, $0x2;
	v4 =	vld.idx.msk [tilespmem:v0+s11+$0x10 ss:$0x1], $0xffff  }
0x80: {  	s4 =	sadd.s32 s4, s17;
	v5 =	vld.idx.msk [tilespmem:v0+s11+$0x20 ss:$0x1], $0xffff  }
0x81: {  	s7 =	sand.u32 $0x78, s7;
	s10 =	sadd.s32 s27, s4;
	v6 =	vld.idx.msk [tilespmem:v0+s11+$0x30 ss:$0x1], $0xffff  }
0x82: {  	s7 =	smul.u32 $0x204, s7;
	v7 =	vld.idx.msk [tilespmem:v0+s11+$0x40 ss:$0x1], $0xffff;
	[tilespmem:s10+$0x0 ss:$0x81] =	vst.msk $0xffff, v2  }
0x83: {  	s2 =	smul.u32 $0x204, s2;
	s8 =	sand.u32 $0x78, s8;
	v8 =	vld.idx.msk [tilespmem:v0+s11+$0x50 ss:$0x1], $0xffff;
	[tilespmem:s28+$0x0 ss:$0x81] =	vst.msk $0xffff, v3  }
0x84: {  	p2 =	sgt.s32 s21, $0x100;
	s8 =	smul.u32 $0x204, s8;
	v9 =	vld.idx.msk [tilespmem:v0+s11+$0x60 ss:$0x1], $0xffff;
	[tilespmem:s29+$0x0 ss:$0x81] =	vst.msk $0xffff, v4  }
.Ltmp7:
0x85: {  	s2 =	sshrl.u32 s2, $0x2;
	v4 =	vld.idx.msk [tilespmem:v0+s9+$0x10 ss:$0x1], $0xffff;
	[tilespmem:s30+$0x0 ss:$0x81] =	vst.msk $0xffff, v5;
	(pc) =	sbr.rel @!p2 .LBB1_7-.Ltmp7, $4  }
0x86: {  	s7 =	sshrl.u32 s7, $0x2;
	s2 =	sadd.s32 s2, s17;
	[tilespmem:s0+$0x0 ss:$0x81] =	vst.msk $0xffff, v6;
	v2 =	vld.idx.msk [tilespmem:v0+s9+$0x30 ss:$0x1], $0xffff  }
0x87: {  	s2 =	sadd.s32 s27, s2;
	s8 =	sshrl.u32 s8, $0x2;
	s4 =	sadd.s32 s7, s17;
	[tilespmem:s31+$0x0 ss:$0x81] =	vst.msk $0xffff, v7;
	v3 =	vld.idx.msk [tilespmem:v0+s9+$0x40 ss:$0x1], $0xffff  }
0x88: {  	s7 =	sadd.s32 s8, s17;
	s8 =	sadd.s32 s27, s4;
	s18 =	simm.s32 $0x100;
	[tilespmem:s1+$0x0 ss:$0x81] =	vst.msk $0xffff, v8;
	v5 =	vld.idx.msk [tilespmem:v0+s9+$0x50 ss:$0x1], $0xffff  }
0x89: {  	s7 =	sadd.s32 s27, s7;
	s4 =	sadd.s32 s27, s16;
	s11 =	sadd.s32 $0x800, s25;
	[tilespmem:s2+$0x0 ss:$0x81] =	vst.msk $0xffff, v9;
	v6 =	vld.idx.msk [tilespmem:v0+s9+$0x60 ss:$0x1], $0xffff  }
.LBB1_6:
0x8a: {  	s16 =	sadd.s32 $0xFFFFFC00, s11;
	s18 =	sadd.s32 $0x100, s18;
	[tilespmem:s5+$0x0 ss:$0x81] =	vst.msk $0xffff, v4;
	v4 =	vld.idx.msk [tilespmem:v0+s9+$0x70 ss:$0x1], $0xffff;
	s9 =	sand.u32 $0x3C00, s11  }
0x8b: {  	s16 =	sand.u32 $0x3C00, s16;
	v7 =	vld.idx.msk [tilespmem:v0+s9+$0x0 ss:$0x1], $0xffff;
	p2 =	slt.s32 s18, s21;
	[tilespmem:s3+$0x0 ss:$0x81] =	vst.msk $0xffff, v1  }
0x8c: {  	v1 =	vld.idx.msk [tilespmem:v0+s16+$0x70 ss:$0x1], $0xffff;
	[tilespmem:s6+$0x0 ss:$0x81] =	vst.msk $0xffff, v2  }
0x8d: {  	v2 =	vld.idx.msk [tilespmem:v0+s16+$0x0 ss:$0x1], $0xffff;
	[tilespmem:s31+$0x0 ss:$0x81] =	vst.msk $0xffff, v3  }
0x8e: {  	v3 =	vld.idx.msk [tilespmem:v0+s16+$0x10 ss:$0x1], $0xffff;
	[tilespmem:s8+$0x0 ss:$0x81] =	vst.msk $0xffff, v5  }
0x8f: {  	v5 =	vld.idx.msk [tilespmem:v0+s16+$0x20 ss:$0x1], $0xffff;
	[tilespmem:s7+$0x0 ss:$0x81] =	vst.msk $0xffff, v6  }
0x90: {  	v6 =	vld.idx.msk [tilespmem:v0+s16+$0x30 ss:$0x1], $0xffff;
	[tilespmem:s4+$0x0 ss:$0x81] =	vst.msk $0xffff, v4  }
0x91: {  	v8 =	vld.idx.msk [tilespmem:v0+s16+$0x40 ss:$0x1], $0xffff;
	[tilespmem:s28+$0x0 ss:$0x81] =	vst.msk $0xffff, v7  }
0x92: {  	v7 =	vld.idx.msk [tilespmem:v0+s16+$0x50 ss:$0x1], $0xffff;
	[tilespmem:s10+$0x0 ss:$0x81] =	vst.msk $0xffff, v1  }
0x93: {  	[tilespmem:s28+$0x0 ss:$0x81] =	vst.msk $0xffff, v2;
	v9 =	vld.idx.msk [tilespmem:v0+s16+$0x60 ss:$0x1], $0xffff  }
0x94: {  	[tilespmem:s29+$0x0 ss:$0x81] =	vst.msk $0xffff, v3;
	v4 =	vld.idx.msk [tilespmem:v0+s9+$0x10 ss:$0x1], $0xffff  }
.Ltmp8:
0x95: {  	[tilespmem:s30+$0x0 ss:$0x81] =	vst.msk $0xffff, v5;
	v1 =	vld.idx.msk [tilespmem:v0+s9+$0x20 ss:$0x1], $0xffff;
	(pc) =	sbr.rel @p2 .LBB1_6-.Ltmp8, $4  }
0x96: {  	[tilespmem:s0+$0x0 ss:$0x81] =	vst.msk $0xffff, v6;
	v2 =	vld.idx.msk [tilespmem:v0+s9+$0x30 ss:$0x1], $0xffff  }
0x97: {  	[tilespmem:s31+$0x0 ss:$0x81] =	vst.msk $0xffff, v8;
	v3 =	vld.idx.msk [tilespmem:v0+s9+$0x40 ss:$0x1], $0xffff  }
0x98: {  	[tilespmem:s1+$0x0 ss:$0x81] =	vst.msk $0xffff, v7;
	v5 =	vld.idx.msk [tilespmem:v0+s9+$0x50 ss:$0x1], $0xffff  }
0x99: {  	s11 =	sadd.s32 $0x800, s11;
	[tilespmem:s2+$0x0 ss:$0x81] =	vst.msk $0xffff, v9;
	v6 =	vld.idx.msk [tilespmem:v0+s9+$0x60 ss:$0x1], $0xffff  }
.LBB1_7:
0x9a: {  	_ =	sdelay $0x2  }
0x9b: {  	[tilespmem:s5+$0x0 ss:$0x81] =	vst.msk $0xffff, v4  }
0x9c: {  	v0 =	vld.idx.msk [tilespmem:v0+s9+$0x70 ss:$0x1], $0xffff;
	[tilespmem:s3+$0x0 ss:$0x81] =	vst.msk $0xffff, v1  }
0x9d: {  	[tilespmem:s6+$0x0 ss:$0x81] =	vst.msk $0xffff, v2  }
0x9e: {  	[tilespmem:s31+$0x0 ss:$0x81] =	vst.msk $0xffff, v3  }
0x9f: {  	[tilespmem:s8+$0x0 ss:$0x81] =	vst.msk $0xffff, v5  }
0xa0: {  	[tilespmem:s7+$0x0 ss:$0x81] =	vst.msk $0xffff, v6  }
0xa1: {  	[tilespmem:s4+$0x0 ss:$0x81] =	vst.msk $0xffff, v0  }
.LBB1_8:
.Ltmp9:
0xa2: {  	(pc) =	sbr.rel @p1 .LBB1_11-.Ltmp9, $1  }
0xa3: {  	_ =	sdelay $0x3  }
0xa4: {  	s1 =	sand.u32 $0x380, s26;
	s0 =	sshrl.u32 s24, $0x4;
	s2 =	sadd.s32 s27, s17  }
0xa5: {  	s3 =	smov.u32 s23;
	s4 =	smov.u32 s21;
	s1 =	sadd.s32 s1, s22  }
.LBB1_10:
0xa6: {  	s5 =	sand.u32 $0x3C00, s3  }
0xa7: {  	s5 =	sadd.s32 s26, s5  }
0xa8: {  	s5 =	sand.u32 $0x3C00, s5  }
0xa9: {  	s6 =	sand.u32 $0x70, s4;
	s30 =	sadd.s32 s4, s0;
	s5 =	sadd.s32 s5, s1  }
0xaa: {  	s4 =	sadd.s32 $0x10, s4;
	s31 =	sand.u32 $0x78, s30;
	s5 =	sadd.s32 s6, s5  }
0xab: {  	p2 =	slt.s32 s4, s20;
	v0 =	vld [tilespmem:s5+$0x0];
	s5 =	smul.u32 $0x204, s31  }
.Ltmp10:
0xac: {  	_ = 	snop;
	(pc) =	sbr.rel @p2 .LBB1_10-.Ltmp10, $4  }
0xad: {  	_ = 	snop  }
0xae: {  	s5 =	sshrl.u32 s5, $0x2  }
0xaf: {  	s5 =	sadd.s32 s5, s2  }
0xb0: {  	s3 =	sadd.s32 $0x80, s3;
	[tilespmem:s5+$0x0 ss:$0x81] =	vst.msk $0xffff, v0  }
.Ltmp11:
0xb1: {  	_ = 	snop;
	(pc) =	sbr.rel .LBB1_11-.Ltmp11, $1  }
0xb2: {  	_ =	sdelay $0x3  }
.LBB1_14:
0xb3: {  	_ =	sfence.sel $0x180000  }
0xb4: {  	s0 =	simm.s32 $0x1;
	[bflag:$0x0] =	sbarrier.arrive $0xFFFF  }
0xb5: {  	s30 =	simm.s32 $0x2;
	[sflag:s0] =	ssyncpa.u1 $0x1  }
0xb6: {  	[sflag:s30] =	ssyncpa.u1 $0x1  }
0xb7: {  	_ =	strace $0x90000056  }
0xb8: {  	s31 =	stileid.u32;
	[bflag:$0x2] =	sbarrier.arrive $0xFFFF  }
0xb9: {  	p0 =	sne.s32 s31, $0x0;
	s0 =	rddreg [dreg:$0x2]  }
0xba: {  	s0 =	sadd.s32 @!p0 $0x100000, s0  }
0xbb: {  	[sflag:s0] =	ssyncadd.tile.s32 @!p0 $0x1;
	_ =	shalt  }
.Lfunc_end1:
_tile_overlayer_lowered:
.L_overlay_start_2:
0xbc: {  	(tag) =	ssettag $0x2  }
0xbd: {  	s0 =	rddreg [dreg:$0x0];
	s2 =	stileid.u32  }
0xbe: {  	s1 =	rddreg [dreg:$0x1];
	p0 =	sne.s32 s2, $0x0  }
0xbf: {  	s3 =	rddreg [dreg:$0x2];
	[bflag:$0x3] =	sbarrier.arrive $0xFFFF;
	s2 =	simm.s32 @!p0 $0x1C01  }
0xc0: {  	[timem:s3], [sflag:s2] =	dma.local @!p0 [hbm:s0], s1  }
0xc1: {  	s0 =	simm.s32 @!p0 $0x1  }
0xc2: {  	_ =	swait.ge @!p0 [sflag:s0], s1  }
0xc3: {  	s1 =	ssub.s32 @!p0 $0x0, s1;
	[sflag:s0] =	ssyncset.done @!p0 $0x0  }
0xc4: {  	[sflag:s0] =	ssyncadd.s32 @!p0 s1  }
0xc5: {  	[bflag:$0x3] =	sbarrier.arrive $0xFFFF  }
0xc6: {  	_ =	shalt  }

</sc_bundles>
